<compile_context>
chip_gen: v7x
topology: tpu7x:2x2x1
jax: 0.10.2.dev20260603
libtpu: 0.0.44.dev20260713+nightly
codegen_flags: <defaults>
</compile_context>

<pallas_src>
import numpy as np
import jax
import jax.numpy as jnp
from jax import lax
from jax.experimental import pallas as pl
from jax.experimental.pallas import tpu as pltpu
from jax.experimental.pallas import tpu_sc as plsc

N = 1048576
K = 52428
NT = 16
EPT = N // NT
VCH = 8192
NCH = EPT // VCH
L = 16

MIN32 = np.int32(-(2 ** 31))


def _fwd_key(v):
    b = lax.bitcast_convert_type(v, jnp.int32)
    m = b >> 31
    return lax.bitcast_convert_type(b ^ (m | MIN32), jnp.uint32)


def _inv_val(key):
    ki = lax.bitcast_convert_type(key, jnp.int32)
    s = ki >> 31
    b = ki ^ ((s & MIN32) | ~s)
    return lax.bitcast_convert_type(b, jnp.float32)


def _tail_body(x_hbm, out_hbm, keybuf, hcnt, red_cnt, stg, outv, sball,
               dsem, shr_cnt, shr_sum):
    sid = lax.axis_index("s")
    lane = lax.iota(jnp.int32, 16)
    ones = jnp.ones((L,), jnp.int32)
    zi = jnp.zeros((L,), jnp.int32)
    zf = jnp.zeros((L,), jnp.float32)

    def zero_hist():
        def zh(j):
            hcnt[pl.ds(j * L, L)] = zi
        plsc.parallel_loop(0, 256, unroll=8)(zh)

    def publish_and_decide(r, kprime):
        def lrj(j, _):
            def lr(l, acc):
                return acc + hcnt[pl.ds(l * 256 + j * L, L)]
            ac = lax.fori_loop(0, 16, lr, zi)
            red_cnt[pl.ds(j * L, L)] = ac
            return 0
        lax.fori_loop(0, 16, lrj, 0)
        pds = [
            pltpu.async_copy(
                red_cnt.at[pl.ds(j * L, L)],
                shr_cnt.at[pl.ds(r * 4096 + j * 256 + sid * L, L)],
                dsem.at[j])
            for j in range(16)
        ]
        for d in pds:
            d.wait()
        plsc.subcore_barrier()
        pltpu.sync_copy(shr_cnt.at[pl.ds(r * 4096 + sid * 256, 256)],
                        red_cnt)

        def rb(t, acc):
            return acc + red_cnt[pl.ds(t * L, L)]
        stg[...] = lax.fori_loop(0, 16, rb, zi)
        pltpu.sync_copy(stg, shr_cnt.at[pl.ds(16384 + r * 256 + sid * L, L)])
        plsc.subcore_barrier()
        pltpu.sync_copy(shr_cnt.at[pl.ds(16384 + r * 256, 256)], red_cnt)

        def dj(j, st):
            carry, bacc, cntb = st
            cvec = red_cnt[pl.ds(j * L, L)]
            cum = plsc.cumsum(cvec) + carry
            m = cum < kprime
            bacc = bacc + jnp.sum(jnp.where(m, ones, zi))
            cntb = cntb + jnp.sum(jnp.where(m, cvec, zi))
            carry = carry + jnp.sum(cvec)
            return carry, bacc, cntb
        _, bacc, cntb = lax.fori_loop(
            0, 16, dj, (jnp.int32(0), jnp.int32(0), jnp.int32(0)))
        return bacc, kprime - cntb

    zero_hist()
    base = sid * EPT
    descs = [
        pltpu.async_copy(x_hbm.at[pl.ds(base + c * VCH, VCH)],
                         keybuf.at[pl.ds(c * VCH, VCH)], dsem.at[c])
        for c in range(NCH)
    ]
    for c in range(NCH):
        descs[c].wait()

        def r0(i, c=c):
            v = keybuf[pl.ds(c * VCH + i * L, L)]
            key = _fwd_key(v)
            byte = (key >> jnp.uint32(24)).astype(jnp.int32)
            plsc.addupdate_scatter(hcnt, [lane * 256 + byte], ones)
        plsc.parallel_loop(0, VCH // L, unroll=8)(r0)

    kprime = jnp.int32(K)
    b0, kprime = publish_and_decide(0, kprime)
    prefix = b0.astype(jnp.uint32)
    n = jnp.int32(EPT)
    sumb = zf

    for r in (1, 2, 3):
        zero_hist()
        shift_prefix = jnp.uint32(32 - 8 * r)
        byte_shift = jnp.uint32(24 - 8 * r)
        thr = prefix << shift_prefix
        nch = (n + L - 1) >> 4

        def rbody(i, st, shift_prefix=shift_prefix, byte_shift=byte_shift,
                  prefix=prefix, thr=thr, n=n):
            wp, sb = st
            kf = keybuf[pl.ds(i * L, L)]
            key = _fwd_key(kf)
            valid = (i * L + lane) < n
            act = valid & ((key >> shift_prefix) == prefix)
            below = valid & (key < thr)
            byte = ((key >> byte_shift)
                    & jnp.uint32(0xFF)).astype(jnp.int32)
            plsc.addupdate_scatter(hcnt, [lane * 256 + byte], ones,
                                   mask=act)
            sb = sb + jnp.where(below, kf, zf)
            plsc.store_compressed(keybuf.at[pl.ds(wp, L)], kf, mask=act)
            wp = wp + plsc.all_reduce_population_count(act)[0]
            return wp, sb

        n_new, sumb = plsc.parallel_loop(
            0, nch, carry=(jnp.int32(0), sumb), unroll=4)(rbody)
        br, kprime = publish_and_decide(r, kprime)
        prefix = prefix * jnp.uint32(256) + br.astype(jnp.uint32)
        n = n_new

    nch = (n + L - 1) >> 4

    def fbody(i, sb, prefix=prefix, n=n):
        kf = keybuf[pl.ds(i * L, L)]
        key = _fwd_key(kf)
        below = ((i * L + lane) < n) & (key < prefix)
        return sb + jnp.where(below, kf, zf)

    sumb = lax.fori_loop(0, nch, fbody, sumb)

    outv[...] = sumb
    pltpu.sync_copy(outv, shr_sum.at[pl.ds(sid * L, L)])
    plsc.subcore_barrier()

    @pl.when(sid == 0)
    def _():
        pltpu.sync_copy(shr_sum, sball)

        def sred(t, acc):
            return acc + sball[pl.ds(t * L, L)]
        sacc = lax.fori_loop(0, 16, sred, zf)
        tval = _inv_val(jnp.full((L,), prefix, jnp.uint32))
        total_below = jnp.sum(sacc)
        res = (total_below
               + kprime.astype(jnp.float32) * tval) / jnp.float32(K)
        outv[...] = res
        pltpu.sync_copy(outv, out_hbm)


def _build():
    mesh = plsc.VectorSubcoreMesh(
        core_axis_name="c", subcore_axis_name="s", num_cores=1,
        num_subcores=NT)
    return pl.kernel(
        _tail_body,
        out_type=jax.ShapeDtypeStruct((L,), jnp.float32),
        mesh=mesh,
        scratch_types=[
            pltpu.VMEM((EPT,), jnp.float32),
            pltpu.VMEM((16 * 256,), jnp.int32),
            pltpu.VMEM((256,), jnp.int32),
            pltpu.VMEM((L,), jnp.int32),
            pltpu.VMEM((L,), jnp.float32),
            pltpu.VMEM((16 * L,), jnp.float32),
            pltpu.SemaphoreType.DMA((16,)),
            pltpu.VMEM_SHARED((4 * 4096 + 4 * 256,), jnp.int32),
            pltpu.VMEM_SHARED((16 * L,), jnp.float32),
        ],
        compiler_params=pltpu.CompilerParams(needs_layout_passes=False),
    )


_tail_kernel = None


def kernel(portfolio_value):
    global _tail_kernel
    if _tail_kernel is None:
        _tail_kernel = jax.jit(_build())
    return _tail_kernel(portfolio_value)[0]

# --- scband reference (transcript-rebuilt; emitter-appended) ---
"""Pipeline reference for scband-tail-value-31069793419798 (READ-ONLY COPY).

The authoritative reference and input builder live on the scoring server;
editing this copy changes nothing except your own understanding.
"""

import jax, jax.numpy as jnp
import numpy as np

ALPHA = 0.05

def setup_inputs(seed: int = 0) -> dict:
    key = jax.random.key(seed)
    portfolio_value = jax.random.normal(key, (1048576,), dtype=jnp.float32)
    return {"portfolio_value": portfolio_value}

def reference(portfolio_value):
    # k = int(alpha * N)
    k = int(ALPHA * portfolio_value.shape[0])
    # torch.topk(k, largest=False).values == -top_k(-x, k).values
    neg_vals, _ = jax.lax.top_k(-portfolio_value, k)
    tail_values = -neg_vals
    return tail_values.mean()

if __name__ == "__main__":
    import jax
    _d = setup_inputs()
    print(jax.jit(kernel)(*tuple(_d.values())))

</pallas_src>

<mosaic_0001>
#map = affine_map<(d0, d1) -> (0)>
module attributes {stable_mosaic.version = 14 : i64} {
  func.func @_tail_body(%arg0: i32, %arg1: i32, %arg2: memref<1048576xf32, #tpu.memory_space<hbm>>, %arg3: memref<16xf32, #tpu.memory_space<hbm>>, %arg4: memref<65536xf32, #tpu.memory_space<vmem>>, %arg5: memref<4096xi32, #tpu.memory_space<vmem>>, %arg6: memref<256xi32, #tpu.memory_space<vmem>>, %arg7: memref<16xi32, #tpu.memory_space<vmem>>, %arg8: memref<16xf32, #tpu.memory_space<vmem>>, %arg9: memref<256xf32, #tpu.memory_space<vmem>>, %arg10: memref<16x!tpu.dma_semaphore, #tpu.memory_space<semaphore_mem>>, %arg11: memref<17408xi32, #tpu.memory_space<vmem_shared>>, %arg12: memref<256xf32, #tpu.memory_space<vmem_shared>>) attributes {dimension_semantics = [#tpu.dimension_semantics<core_parallel>, #tpu.dimension_semantics<subcore_parallel>], iteration_bounds = array<i64: 1, 16>, scalar_prefetch = 0 : i64, scratch_operands = 9 : i64, tpu.core_type = #tpu.core_type<sc_vector_subcore>, window_params = [{transform_indices = #map}, {transform_indices = #map}]} {
    %iota3A = tpu.iota {dimensions = array<i32: 0>} : vector<16xi32>
    %broadcast_in_dim3A = arith.constant 1 : i32
    %broadcast_in_dim3A_0 = vector.broadcast %broadcast_in_dim3A : i32 to vector<16xi32>
    %broadcast_in_dim3A_1 = arith.constant 0 : i32
    %broadcast_in_dim3A_2 = vector.broadcast %broadcast_in_dim3A_1 : i32 to vector<16xi32>
    %broadcast_in_dim3A_3 = arith.constant 0.000000e+00 : f32
    %broadcast_in_dim3A_4 = vector.broadcast %broadcast_in_dim3A_3 : f32 to vector<16xf32>
    %parallel_loop3A = arith.constant 0 : i32
    %parallel_loop3A_5 = arith.constant 256 : i32
    %parallel_loop3A_6 = arith.constant 1 : i32
    scf.for %parallel_loop3A_1818 = %parallel_loop3A to %parallel_loop3A_5 step %parallel_loop3A_6  : i32 {
      %parallel_loop3A_1819 = arith.constant 16 : i32
      %parallel_loop3A_1820 = arith.muli %parallel_loop3A_1818, %parallel_loop3A_1819 : i32
      %parallel_loop3A_1821 = arith.index_cast %parallel_loop3A_1820 : i32 to index
      %parallel_loop3A_1822 = tpu.vector_load %arg5[%parallel_loop3A_1821] {strides = array<i32>} : memref<4096xi32, #tpu.memory_space<vmem>>, vector<16xi32>,
      tpu.vector_store %arg5[%parallel_loop3A_1821], %broadcast_in_dim3A_2 {strides = array<i32>} : memref<4096xi32, #tpu.memory_space<vmem>>, vector<16xi32>,
    } {sc.loop_unroll_factor = 8 : i64, sc.parallel_access}
    %mul3A = arith.constant 65536 : i32
    %mul3A_7 = arith.muli %arg1, %mul3A : i32
    %add3A = arith.constant 0 : i32
    %add3A_8 = arith.addi %mul3A_7, %add3A : i32
    %dma_start3A = arith.constant 0 : i32
    %dma_start3A_9 = arith.constant 0 : i32
    %dma_start3A_10 = tpu.memref_slice %arg4[%dma_start3A_9] : memref<65536xf32, #tpu.memory_space<vmem>> -> memref<8192xf32, #tpu.memory_space<vmem>>
    %dma_start3A_11 = tpu.memref_slice %arg2[%add3A_8] : memref<1048576xf32, #tpu.memory_space<hbm>> -> memref<8192xf32, #tpu.memory_space<hbm>>
    %dma_start3A_12 = tpu.memref_slice %arg10[%dma_start3A] : memref<16x!tpu.dma_semaphore, #tpu.memory_space<semaphore_mem>> -> memref<1x!tpu.dma_semaphore, #tpu.memory_space<semaphore_mem>>
    %dma_start3A_13 = tpu.memref_squeeze %dma_start3A_12 : memref<1x!tpu.dma_semaphore, #tpu.memory_space<semaphore_mem>> -> memref<!tpu.dma_semaphore, #tpu.memory_space<semaphore_mem>>
    %dma_start3A_14 = arith.constant 0 : i32
    %dma_start3A_15 = tpu.memref_slice %arg4[%dma_start3A_14] : memref<65536xf32, #tpu.memory_space<vmem>> -> memref<8192xf32, #tpu.memory_space<vmem>>
    %dma_start3A_16 = tpu.memref_slice %arg2[%add3A_8] : memref<1048576xf32, #tpu.memory_space<hbm>> -> memref<8192xf32, #tpu.memory_space<hbm>>
    tpu.enqueue_dma source(%dma_start3A_16 : memref<8192xf32, #tpu.memory_space<hbm>>) target(%dma_start3A_15 : memref<8192xf32, #tpu.memory_space<vmem>>) target_semaphore(%dma_start3A_13 : memref<!tpu.dma_semaphore, #tpu.memory_space<semaphore_mem>>)
    %add3A_17 = arith.constant 8192 : i32
    %add3A_18 = arith.addi %mul3A_7, %add3A_17 : i32
    %dma_start3A_19 = arith.constant 1 : i32
    %dma_start3A_20 = arith.constant 8192 : i32
    %dma_start3A_21 = tpu.memref_slice %arg4[%dma_start3A_20] : memref<65536xf32, #tpu.memory_space<vmem>> -> memref<8192xf32, #tpu.memory_space<vmem>>
    %dma_start3A_22 = tpu.memref_slice %arg2[%add3A_18] : memref<1048576xf32, #tpu.memory_space<hbm>> -> memref<8192xf32, #tpu.memory_space<hbm>>
    %dma_start3A_23 = tpu.memref_slice %arg10[%dma_start3A_19] : memref<16x!tpu.dma_semaphore, #tpu.memory_space<semaphore_mem>> -> memref<1x!tpu.dma_semaphore, #tpu.memory_space<semaphore_mem>>
    %dma_start3A_24 = tpu.memref_squeeze %dma_start3A_23 : memref<1x!tpu.dma_semaphore, #tpu.memory_space<semaphore_mem>> -> memref<!tpu.dma_semaphore, #tpu.memory_space<semaphore_mem>>
    %dma_start3A_25 = arith.constant 8192 : i32
    %dma_start3A_26 = tpu.memref_slice %arg4[%dma_start3A_25] : memref<65536xf32, #tpu.memory_space<vmem>> -> memref<8192xf32, #tpu.memory_space<vmem>>
    %dma_start3A_27 = tpu.memref_slice %arg2[%add3A_18] : memref<1048576xf32, #tpu.memory_space<hbm>> -> memref<8192xf32, #tpu.memory_space<hbm>>
    tpu.enqueue_dma source(%dma_start3A_27 : memref<8192xf32, #tpu.memory_space<hbm>>) target(%dma_start3A_26 : memref<8192xf32, #tpu.memory_space<vmem>>) target_semaphore(%dma_start3A_24 : memref<!tpu.dma_semaphore, #tpu.memory_space<semaphore_mem>>)
    %add3A_28 = arith.constant 16384 : i32
    %add3A_29 = arith.addi %mul3A_7, %add3A_28 : i32
    %dma_start3A_30 = arith.constant 2 : i32
    %dma_start3A_31 = arith.constant 16384 : i32
    %dma_start3A_32 = tpu.memref_slice %arg4[%dma_start3A_31] : memref<65536xf32, #tpu.memory_space<vmem>> -> memref<8192xf32, #tpu.memory_space<vmem>>
    %dma_start3A_33 = tpu.memref_slice %arg2[%add3A_29] : memref<1048576xf32, #tpu.memory_space<hbm>> -> memref<8192xf32, #tpu.memory_space<hbm>>
    %dma_start3A_34 = tpu.memref_slice %arg10[%dma_start3A_30] : memref<16x!tpu.dma_semaphore, #tpu.memory_space<semaphore_mem>> -> memref<1x!tpu.dma_semaphore, #tpu.memory_space<semaphore_mem>>
    %dma_start3A_35 = tpu.memref_squeeze %dma_start3A_34 : memref<1x!tpu.dma_semaphore, #tpu.memory_space<semaphore_mem>> -> memref<!tpu.dma_semaphore, #tpu.memory_space<semaphore_mem>>
    %dma_start3A_36 = arith.constant 16384 : i32
    %dma_start3A_37 = tpu.memref_slice %arg4[%dma_start3A_36] : memref<65536xf32, #tpu.memory_space<vmem>> -> memref<8192xf32, #tpu.memory_space<vmem>>
    %dma_start3A_38 = tpu.memref_slice %arg2[%add3A_29] : memref<1048576xf32, #tpu.memory_space<hbm>> -> memref<8192xf32, #tpu.memory_space<hbm>>
    tpu.enqueue_dma source(%dma_start3A_38 : memref<8192xf32, #tpu.memory_space<hbm>>) target(%dma_start3A_37 : memref<8192xf32, #tpu.memory_space<vmem>>) target_semaphore(%dma_start3A_35 : memref<!tpu.dma_semaphore, #tpu.memory_space<semaphore_mem>>)
    %add3A_39 = arith.constant 24576 : i32
    %add3A_40 = arith.addi %mul3A_7, %add3A_39 : i32
    %dma_start3A_41 = arith.constant 3 : i32
    %dma_start3A_42 = arith.constant 24576 : i32
    %dma_start3A_43 = tpu.memref_slice %arg4[%dma_start3A_42] : memref<65536xf32, #tpu.memory_space<vmem>> -> memref<8192xf32, #tpu.memory_space<vmem>>
    %dma_start3A_44 = tpu.memref_slice %arg2[%add3A_40] : memref<1048576xf32, #tpu.memory_space<hbm>> -> memref<8192xf32, #tpu.memory_space<hbm>>
    %dma_start3A_45 = tpu.memref_slice %arg10[%dma_start3A_41] : memref<16x!tpu.dma_semaphore, #tpu.memory_space<semaphore_mem>> -> memref<1x!tpu.dma_semaphore, #tpu.memory_space<semaphore_mem>>
    %dma_start3A_46 = tpu.memref_squeeze %dma_start3A_45 : memref<1x!tpu.dma_semaphore, #tpu.memory_space<semaphore_mem>> -> memref<!tpu.dma_semaphore, #tpu.memory_space<semaphore_mem>>
    %dma_start3A_47 = arith.constant 24576 : i32
    %dma_start3A_48 = tpu.memref_slice %arg4[%dma_start3A_47] : memref<65536xf32, #tpu.memory_space<vmem>> -> memref<8192xf32, #tpu.memory_space<vmem>>
    %dma_start3A_49 = tpu.memref_slice %arg2[%add3A_40] : memref<1048576xf32, #tpu.memory_space<hbm>> -> memref<8192xf32, #tpu.memory_space<hbm>>
    tpu.enqueue_dma source(%dma_start3A_49 : memref<8192xf32, #tpu.memory_space<hbm>>) target(%dma_start3A_48 : memref<8192xf32, #tpu.memory_space<vmem>>) target_semaphore(%dma_start3A_46 : memref<!tpu.dma_semaphore, #tpu.memory_space<semaphore_mem>>)
    %add3A_50 = arith.constant 32768 : i32
    %add3A_51 = arith.addi %mul3A_7, %add3A_50 : i32
    %dma_start3A_52 = arith.constant 4 : i32
    %dma_start3A_53 = arith.constant 32768 : i32
    %dma_start3A_54 = tpu.memref_slice %arg4[%dma_start3A_53] : memref<65536xf32, #tpu.memory_space<vmem>> -> memref<8192xf32, #tpu.memory_space<vmem>>
    %dma_start3A_55 = tpu.memref_slice %arg2[%add3A_51] : memref<1048576xf32, #tpu.memory_space<hbm>> -> memref<8192xf32, #tpu.memory_space<hbm>>
    %dma_start3A_56 = tpu.memref_slice %arg10[%dma_start3A_52] : memref<16x!tpu.dma_semaphore, #tpu.memory_space<semaphore_mem>> -> memref<1x!tpu.dma_semaphore, #tpu.memory_space<semaphore_mem>>
    %dma_start3A_57 = tpu.memref_squeeze %dma_start3A_56 : memref<1x!tpu.dma_semaphore, #tpu.memory_space<semaphore_mem>> -> memref<!tpu.dma_semaphore, #tpu.memory_space<semaphore_mem>>
    %dma_start3A_58 = arith.constant 32768 : i32
    %dma_start3A_59 = tpu.memref_slice %arg4[%dma_start3A_58] : memref<65536xf32, #tpu.memory_space<vmem>> -> memref<8192xf32, #tpu.memory_space<vmem>>
    %dma_start3A_60 = tpu.memref_slice %arg2[%add3A_51] : memref<1048576xf32, #tpu.memory_space<hbm>> -> memref<8192xf32, #tpu.memory_space<hbm>>
    tpu.enqueue_dma source(%dma_start3A_60 : memref<8192xf32, #tpu.memory_space<hbm>>) target(%dma_start3A_59 : memref<8192xf32, #tpu.memory_space<vmem>>) target_semaphore(%dma_start3A_57 : memref<!tpu.dma_semaphore, #tpu.memory_space<semaphore_mem>>)
    %add3A_61 = arith.constant 40960 : i32
    %add3A_62 = arith.addi %mul3A_7, %add3A_61 : i32
    %dma_start3A_63 = arith.constant 5 : i32
    %dma_start3A_64 = arith.constant 40960 : i32
    %dma_start3A_65 = tpu.memref_slice %arg4[%dma_start3A_64] : memref<65536xf32, #tpu.memory_space<vmem>> -> memref<8192xf32, #tpu.memory_space<vmem>>
    %dma_start3A_66 = tpu.memref_slice %arg2[%add3A_62] : memref<1048576xf32, #tpu.memory_space<hbm>> -> memref<8192xf32, #tpu.memory_space<hbm>>
    %dma_start3A_67 = tpu.memref_slice %arg10[%dma_start3A_63] : memref<16x!tpu.dma_semaphore, #tpu.memory_space<semaphore_mem>> -> memref<1x!tpu.dma_semaphore, #tpu.memory_space<semaphore_mem>>
    %dma_start3A_68 = tpu.memref_squeeze %dma_start3A_67 : memref<1x!tpu.dma_semaphore, #tpu.memory_space<semaphore_mem>> -> memref<!tpu.dma_semaphore, #tpu.memory_space<semaphore_mem>>
    %dma_start3A_69 = arith.constant 40960 : i32
    %dma_start3A_70 = tpu.memref_slice %arg4[%dma_start3A_69] : memref<65536xf32, #tpu.memory_space<vmem>> -> memref<8192xf32, #tpu.memory_space<vmem>>
    %dma_start3A_71 = tpu.memref_slice %arg2[%add3A_62] : memref<1048576xf32, #tpu.memory_space<hbm>> -> memref<8192xf32, #tpu.memory_space<hbm>>
    tpu.enqueue_dma source(%dma_start3A_71 : memref<8192xf32, #tpu.memory_space<hbm>>) target(%dma_start3A_70 : memref<8192xf32, #tpu.memory_space<vmem>>) target_semaphore(%dma_start3A_68 : memref<!tpu.dma_semaphore, #tpu.memory_space<semaphore_mem>>)
    %add3A_72 = arith.constant 49152 : i32
    %add3A_73 = arith.addi %mul3A_7, %add3A_72 : i32
    %dma_start3A_74 = arith.constant 6 : i32
    %dma_start3A_75 = arith.constant 49152 : i32
    %dma_start3A_76 = tpu.memref_slice %arg4[%dma_start3A_75] : memref<65536xf32, #tpu.memory_space<vmem>> -> memref<8192xf32, #tpu.memory_space<vmem>>
    %dma_start3A_77 = tpu.memref_slice %arg2[%add3A_73] : memref<1048576xf32, #tpu.memory_space<hbm>> -> memref<8192xf32, #tpu.memory_space<hbm>>
    %dma_start3A_78 = tpu.memref_slice %arg10[%dma_start3A_74] : memref<16x!tpu.dma_semaphore, #tpu.memory_space<semaphore_mem>> -> memref<1x!tpu.dma_semaphore, #tpu.memory_space<semaphore_mem>>
    %dma_start3A_79 = tpu.memref_squeeze %dma_start3A_78 : memref<1x!tpu.dma_semaphore, #tpu.memory_space<semaphore_mem>> -> memref<!tpu.dma_semaphore, #tpu.memory_space<semaphore_mem>>
    %dma_start3A_80 = arith.constant 49152 : i32
    %dma_start3A_81 = tpu.memref_slice %arg4[%dma_start3A_80] : memref<65536xf32, #tpu.memory_space<vmem>> -> memref<8192xf32, #tpu.memory_space<vmem>>
    %dma_start3A_82 = tpu.memref_slice %arg2[%add3A_73] : memref<1048576xf32, #tpu.memory_space<hbm>> -> memref<8192xf32, #tpu.memory_space<hbm>>
    tpu.enqueue_dma source(%dma_start3A_82 : memref<8192xf32, #tpu.memory_space<hbm>>) target(%dma_start3A_81 : memref<8192xf32, #tpu.memory_space<vmem>>) target_semaphore(%dma_start3A_79 : memref<!tpu.dma_semaphore, #tpu.memory_space<semaphore_mem>>)
    %add3A_83 = arith.constant 57344 : i32
    %add3A_84 = arith.addi %mul3A_7, %add3A_83 : i32
    %dma_start3A_85 = arith.constant 7 : i32
    %dma_start3A_86 = arith.constant 57344 : i32
    %dma_start3A_87 = tpu.memref_slice %arg4[%dma_start3A_86] : memref<65536xf32, #tpu.memory_space<vmem>> -> memref<8192xf32, #tpu.memory_space<vmem>>
    %dma_start3A_88 = tpu.memref_slice %arg2[%add3A_84] : memref<1048576xf32, #tpu.memory_space<hbm>> -> memref<8192xf32, #tpu.memory_space<hbm>>
    %dma_start3A_89 = tpu.memref_slice %arg10[%dma_start3A_85] : memref<16x!tpu.dma_semaphore, #tpu.memory_space<semaphore_mem>> -> memref<1x!tpu.dma_semaphore, #tpu.memory_space<semaphore_mem>>
    %dma_start3A_90 = tpu.memref_squeeze %dma_start3A_89 : memref<1x!tpu.dma_semaphore, #tpu.memory_space<semaphore_mem>> -> memref<!tpu.dma_semaphore, #tpu.memory_space<semaphore_mem>>
    %dma_start3A_91 = arith.constant 57344 : i32
    %dma_start3A_92 = tpu.memref_slice %arg4[%dma_start3A_91] : memref<65536xf32, #tpu.memory_space<vmem>> -> memref<8192xf32, #tpu.memory_space<vmem>>
    %dma_start3A_93 = tpu.memref_slice %arg2[%add3A_84] : memref<1048576xf32, #tpu.memory_space<hbm>> -> memref<8192xf32, #tpu.memory_space<hbm>>
    tpu.enqueue_dma source(%dma_start3A_93 : memref<8192xf32, #tpu.memory_space<hbm>>) target(%dma_start3A_92 : memref<8192xf32, #tpu.memory_space<vmem>>) target_semaphore(%dma_start3A_90 : memref<!tpu.dma_semaphore, #tpu.memory_space<semaphore_mem>>)
    %dma_wait3A = arith.constant 0 : i32
    %dma_wait3A_94 = arith.constant 0 : i32
    %dma_wait3A_95 = tpu.memref_slice %arg4[%dma_wait3A_94] : memref<65536xf32, #tpu.memory_space<vmem>> -> memref<8192xf32, #tpu.memory_space<vmem>>
    %dma_wait3A_96 = tpu.memref_slice %arg2[%add3A_8] : memref<1048576xf32, #tpu.memory_space<hbm>> -> memref<8192xf32, #tpu.memory_space<hbm>>
    %dma_wait3A_97 = tpu.memref_slice %arg10[%dma_wait3A] : memref<16x!tpu.dma_semaphore, #tpu.memory_space<semaphore_mem>> -> memref<1x!tpu.dma_semaphore, #tpu.memory_space<semaphore_mem>>
    %dma_wait3A_98 = tpu.memref_squeeze %dma_wait3A_97 : memref<1x!tpu.dma_semaphore, #tpu.memory_space<semaphore_mem>> -> memref<!tpu.dma_semaphore, #tpu.memory_space<semaphore_mem>>
    %dma_wait3A_99 = arith.constant 0 : i32
    %dma_wait3A_100 = tpu.memref_slice %arg4[%dma_wait3A_99] : memref<65536xf32, #tpu.memory_space<vmem>> -> memref<8192xf32, #tpu.memory_space<vmem>>
    %dma_wait3A_101 = tpu.memref_slice %arg2[%add3A_8] : memref<1048576xf32, #tpu.memory_space<hbm>> -> memref<8192xf32, #tpu.memory_space<hbm>>
    tpu.wait_dma2 semaphore(%dma_wait3A_98 : memref<!tpu.dma_semaphore, #tpu.memory_space<semaphore_mem>>) src(%dma_wait3A_101 : memref<8192xf32, #tpu.memory_space<hbm>>) dst(%dma_wait3A_100 : memref<8192xf32, #tpu.memory_space<vmem>>)
    %parallel_loop3A_102 = arith.constant 0 : i32
    %parallel_loop3A_103 = arith.constant 512 : i32
    %parallel_loop3A_104 = arith.constant 1 : i32
    scf.for %parallel_loop3A_1818 = %parallel_loop3A_102 to %parallel_loop3A_103 step %parallel_loop3A_104  : i32 {
      %parallel_loop3A_1819 = arith.constant 16 : i32
      %parallel_loop3A_1820 = arith.muli %parallel_loop3A_1818, %parallel_loop3A_1819 : i32
      %parallel_loop3A_1821 = arith.constant 0 : i32
      %parallel_loop3A_1822 = arith.addi %parallel_loop3A_1821, %parallel_loop3A_1820 : i32
      %parallel_loop3A_1823 = arith.index_cast %parallel_loop3A_1822 : i32 to index
      %parallel_loop3A_1824 = tpu.vector_load %arg4[%parallel_loop3A_1823] {strides = array<i32>} : memref<65536xf32, #tpu.memory_space<vmem>>, vector<16xf32>,
      %parallel_loop3A_1825 = tpu.bitcast %parallel_loop3A_1824 : vector<16xf32> -> vector<16xi32>
      %parallel_loop3A_1826 = arith.constant 31 : i32
      %parallel_loop3A_1827 = vector.broadcast %parallel_loop3A_1826 : i32 to vector<16xi32>
      %parallel_loop3A_1828 = arith.shrsi %parallel_loop3A_1825, %parallel_loop3A_1827 : vector<16xi32>
      %parallel_loop3A_1829 = arith.constant -2147483648 : i32
      %parallel_loop3A_1830 = vector.broadcast %parallel_loop3A_1829 : i32 to vector<16xi32>
      %parallel_loop3A_1831 = arith.ori %parallel_loop3A_1828, %parallel_loop3A_1830 : vector<16xi32>
      %parallel_loop3A_1832 = arith.xori %parallel_loop3A_1825, %parallel_loop3A_1831 : vector<16xi32>
      %parallel_loop3A_1833 = tpu.bitcast %parallel_loop3A_1832 : vector<16xi32> -> vector<16xi32>
      %parallel_loop3A_1834 = arith.constant 24 : i32
      %parallel_loop3A_1835 = vector.broadcast %parallel_loop3A_1834 : i32 to vector<16xi32>
      %parallel_loop3A_1836 = arith.shrui %parallel_loop3A_1833, %parallel_loop3A_1835 : vector<16xi32>
      %parallel_loop3A_1837 = arith.constant 256 : i32
      %parallel_loop3A_1838 = vector.broadcast %parallel_loop3A_1837 : i32 to vector<16xi32>
      %parallel_loop3A_1839 = arith.muli %iota3A, %parallel_loop3A_1838 : vector<16xi32>
      %parallel_loop3A_1840 = arith.addi %parallel_loop3A_1839, %parallel_loop3A_1836 : vector<16xi32>
      tpu.vector_store_idx %arg5[%parallel_loop3A_1840], %broadcast_in_dim3A_0 {add = true} : memref<4096xi32, #tpu.memory_space<vmem>>[vector<16xi32>], vector<16xi32>,
    } {sc.loop_unroll_factor = 8 : i64, sc.parallel_access}
    %dma_wait3A_105 = arith.constant 1 : i32
    %dma_wait3A_106 = arith.constant 8192 : i32
    %dma_wait3A_107 = tpu.memref_slice %arg4[%dma_wait3A_106] : memref<65536xf32, #tpu.memory_space<vmem>> -> memref<8192xf32, #tpu.memory_space<vmem>>
    %dma_wait3A_108 = tpu.memref_slice %arg2[%add3A_18] : memref<1048576xf32, #tpu.memory_space<hbm>> -> memref<8192xf32, #tpu.memory_space<hbm>>
    %dma_wait3A_109 = tpu.memref_slice %arg10[%dma_wait3A_105] : memref<16x!tpu.dma_semaphore, #tpu.memory_space<semaphore_mem>> -> memref<1x!tpu.dma_semaphore, #tpu.memory_space<semaphore_mem>>
    %dma_wait3A_110 = tpu.memref_squeeze %dma_wait3A_109 : memref<1x!tpu.dma_semaphore, #tpu.memory_space<semaphore_mem>> -> memref<!tpu.dma_semaphore, #tpu.memory_space<semaphore_mem>>
    %dma_wait3A_111 = arith.constant 8192 : i32
    %dma_wait3A_112 = tpu.memref_slice %arg4[%dma_wait3A_111] : memref<65536xf32, #tpu.memory_space<vmem>> -> memref<8192xf32, #tpu.memory_space<vmem>>
    %dma_wait3A_113 = tpu.memref_slice %arg2[%add3A_18] : memref<1048576xf32, #tpu.memory_space<hbm>> -> memref<8192xf32, #tpu.memory_space<hbm>>
    tpu.wait_dma2 semaphore(%dma_wait3A_110 : memref<!tpu.dma_semaphore, #tpu.memory_space<semaphore_mem>>) src(%dma_wait3A_113 : memref<8192xf32, #tpu.memory_space<hbm>>) dst(%dma_wait3A_112 : memref<8192xf32, #tpu.memory_space<vmem>>)
    %parallel_loop3A_114 = arith.constant 0 : i32
    %parallel_loop3A_115 = arith.constant 512 : i32
    %parallel_loop3A_116 = arith.constant 1 : i32
    scf.for %parallel_loop3A_1818 = %parallel_loop3A_114 to %parallel_loop3A_115 step %parallel_loop3A_116  : i32 {
      %parallel_loop3A_1819 = arith.constant 16 : i32
      %parallel_loop3A_1820 = arith.muli %parallel_loop3A_1818, %parallel_loop3A_1819 : i32
      %parallel_loop3A_1821 = arith.constant 8192 : i32
      %parallel_loop3A_1822 = arith.addi %parallel_loop3A_1821, %parallel_loop3A_1820 : i32
      %parallel_loop3A_1823 = arith.index_cast %parallel_loop3A_1822 : i32 to index
      %parallel_loop3A_1824 = tpu.vector_load %arg4[%parallel_loop3A_1823] {strides = array<i32>} : memref<65536xf32, #tpu.memory_space<vmem>>, vector<16xf32>,
      %parallel_loop3A_1825 = tpu.bitcast %parallel_loop3A_1824 : vector<16xf32> -> vector<16xi32>
      %parallel_loop3A_1826 = arith.constant 31 : i32
      %parallel_loop3A_1827 = vector.broadcast %parallel_loop3A_1826 : i32 to vector<16xi32>
      %parallel_loop3A_1828 = arith.shrsi %parallel_loop3A_1825, %parallel_loop3A_1827 : vector<16xi32>
      %parallel_loop3A_1829 = arith.constant -2147483648 : i32
      %parallel_loop3A_1830 = vector.broadcast %parallel_loop3A_1829 : i32 to vector<16xi32>
      %parallel_loop3A_1831 = arith.ori %parallel_loop3A_1828, %parallel_loop3A_1830 : vector<16xi32>
      %parallel_loop3A_1832 = arith.xori %parallel_loop3A_1825, %parallel_loop3A_1831 : vector<16xi32>
      %parallel_loop3A_1833 = tpu.bitcast %parallel_loop3A_1832 : vector<16xi32> -> vector<16xi32>
      %parallel_loop3A_1834 = arith.constant 24 : i32
      %parallel_loop3A_1835 = vector.broadcast %parallel_loop3A_1834 : i32 to vector<16xi32>
      %parallel_loop3A_1836 = arith.shrui %parallel_loop3A_1833, %parallel_loop3A_1835 : vector<16xi32>
      %parallel_loop3A_1837 = arith.constant 256 : i32
      %parallel_loop3A_1838 = vector.broadcast %parallel_loop3A_1837 : i32 to vector<16xi32>
      %parallel_loop3A_1839 = arith.muli %iota3A, %parallel_loop3A_1838 : vector<16xi32>
      %parallel_loop3A_1840 = arith.addi %parallel_loop3A_1839, %parallel_loop3A_1836 : vector<16xi32>
      tpu.vector_store_idx %arg5[%parallel_loop3A_1840], %broadcast_in_dim3A_0 {add = true} : memref<4096xi32, #tpu.memory_space<vmem>>[vector<16xi32>], vector<16xi32>,
    } {sc.loop_unroll_factor = 8 : i64, sc.parallel_access}
    %dma_wait3A_117 = arith.constant 2 : i32
    %dma_wait3A_118 = arith.constant 16384 : i32
    %dma_wait3A_119 = tpu.memref_slice %arg4[%dma_wait3A_118] : memref<65536xf32, #tpu.memory_space<vmem>> -> memref<8192xf32, #tpu.memory_space<vmem>>
    %dma_wait3A_120 = tpu.memref_slice %arg2[%add3A_29] : memref<1048576xf32, #tpu.memory_space<hbm>> -> memref<8192xf32, #tpu.memory_space<hbm>>
    %dma_wait3A_121 = tpu.memref_slice %arg10[%dma_wait3A_117] : memref<16x!tpu.dma_semaphore, #tpu.memory_space<semaphore_mem>> -> memref<1x!tpu.dma_semaphore, #tpu.memory_space<semaphore_mem>>
    %dma_wait3A_122 = tpu.memref_squeeze %dma_wait3A_121 : memref<1x!tpu.dma_semaphore, #tpu.memory_space<semaphore_mem>> -> memref<!tpu.dma_semaphore, #tpu.memory_space<semaphore_mem>>
    %dma_wait3A_123 = arith.constant 16384 : i32
    %dma_wait3A_124 = tpu.memref_slice %arg4[%dma_wait3A_123] : memref<65536xf32, #tpu.memory_space<vmem>> -> memref<8192xf32, #tpu.memory_space<vmem>>
    %dma_wait3A_125 = tpu.memref_slice %arg2[%add3A_29] : memref<1048576xf32, #tpu.memory_space<hbm>> -> memref<8192xf32, #tpu.memory_space<hbm>>
    tpu.wait_dma2 semaphore(%dma_wait3A_122 : memref<!tpu.dma_semaphore, #tpu.memory_space<semaphore_mem>>) src(%dma_wait3A_125 : memref<8192xf32, #tpu.memory_space<hbm>>) dst(%dma_wait3A_124 : memref<8192xf32, #tpu.memory_space<vmem>>)
    %parallel_loop3A_126 = arith.constant 0 : i32
    %parallel_loop3A_127 = arith.constant 512 : i32
    %parallel_loop3A_128 = arith.constant 1 : i32
    scf.for %parallel_loop3A_1818 = %parallel_loop3A_126 to %parallel_loop3A_127 step %parallel_loop3A_128  : i32 {
      %parallel_loop3A_1819 = arith.constant 16 : i32
      %parallel_loop3A_1820 = arith.muli %parallel_loop3A_1818, %parallel_loop3A_1819 : i32
      %parallel_loop3A_1821 = arith.constant 16384 : i32
      %parallel_loop3A_1822 = arith.addi %parallel_loop3A_1821, %parallel_loop3A_1820 : i32
      %parallel_loop3A_1823 = arith.index_cast %parallel_loop3A_1822 : i32 to index
      %parallel_loop3A_1824 = tpu.vector_load %arg4[%parallel_loop3A_1823] {strides = array<i32>} : memref<65536xf32, #tpu.memory_space<vmem>>, vector<16xf32>,
      %parallel_loop3A_1825 = tpu.bitcast %parallel_loop3A_1824 : vector<16xf32> -> vector<16xi32>
      %parallel_loop3A_1826 = arith.constant 31 : i32
      %parallel_loop3A_1827 = vector.broadcast %parallel_loop3A_1826 : i32 to vector<16xi32>
      %parallel_loop3A_1828 = arith.shrsi %parallel_loop3A_1825, %parallel_loop3A_1827 : vector<16xi32>
      %parallel_loop3A_1829 = arith.constant -2147483648 : i32
      %parallel_loop3A_1830 = vector.broadcast %parallel_loop3A_1829 : i32 to vector<16xi32>
      %parallel_loop3A_1831 = arith.ori %parallel_loop3A_1828, %parallel_loop3A_1830 : vector<16xi32>
      %parallel_loop3A_1832 = arith.xori %parallel_loop3A_1825, %parallel_loop3A_1831 : vector<16xi32>
      %parallel_loop3A_1833 = tpu.bitcast %parallel_loop3A_1832 : vector<16xi32> -> vector<16xi32>
      %parallel_loop3A_1834 = arith.constant 24 : i32
      %parallel_loop3A_1835 = vector.broadcast %parallel_loop3A_1834 : i32 to vector<16xi32>
      %parallel_loop3A_1836 = arith.shrui %parallel_loop3A_1833, %parallel_loop3A_1835 : vector<16xi32>
      %parallel_loop3A_1837 = arith.constant 256 : i32
      %parallel_loop3A_1838 = vector.broadcast %parallel_loop3A_1837 : i32 to vector<16xi32>
      %parallel_loop3A_1839 = arith.muli %iota3A, %parallel_loop3A_1838 : vector<16xi32>
      %parallel_loop3A_1840 = arith.addi %parallel_loop3A_1839, %parallel_loop3A_1836 : vector<16xi32>
      tpu.vector_store_idx %arg5[%parallel_loop3A_1840], %broadcast_in_dim3A_0 {add = true} : memref<4096xi32, #tpu.memory_space<vmem>>[vector<16xi32>], vector<16xi32>,
    } {sc.loop_unroll_factor = 8 : i64, sc.parallel_access}
    %dma_wait3A_129 = arith.constant 3 : i32
    %dma_wait3A_130 = arith.constant 24576 : i32
    %dma_wait3A_131 = tpu.memref_slice %arg4[%dma_wait3A_130] : memref<65536xf32, #tpu.memory_space<vmem>> -> memref<8192xf32, #tpu.memory_space<vmem>>
    %dma_wait3A_132 = tpu.memref_slice %arg2[%add3A_40] : memref<1048576xf32, #tpu.memory_space<hbm>> -> memref<8192xf32, #tpu.memory_space<hbm>>
    %dma_wait3A_133 = tpu.memref_slice %arg10[%dma_wait3A_129] : memref<16x!tpu.dma_semaphore, #tpu.memory_space<semaphore_mem>> -> memref<1x!tpu.dma_semaphore, #tpu.memory_space<semaphore_mem>>
    %dma_wait3A_134 = tpu.memref_squeeze %dma_wait3A_133 : memref<1x!tpu.dma_semaphore, #tpu.memory_space<semaphore_mem>> -> memref<!tpu.dma_semaphore, #tpu.memory_space<semaphore_mem>>
    %dma_wait3A_135 = arith.constant 24576 : i32
    %dma_wait3A_136 = tpu.memref_slice %arg4[%dma_wait3A_135] : memref<65536xf32, #tpu.memory_space<vmem>> -> memref<8192xf32, #tpu.memory_space<vmem>>
    %dma_wait3A_137 = tpu.memref_slice %arg2[%add3A_40] : memref<1048576xf32, #tpu.memory_space<hbm>> -> memref<8192xf32, #tpu.memory_space<hbm>>
    tpu.wait_dma2 semaphore(%dma_wait3A_134 : memref<!tpu.dma_semaphore, #tpu.memory_space<semaphore_mem>>) src(%dma_wait3A_137 : memref<8192xf32, #tpu.memory_space<hbm>>) dst(%dma_wait3A_136 : memref<8192xf32, #tpu.memory_space<vmem>>)
    %parallel_loop3A_138 = arith.constant 0 : i32
    %parallel_loop3A_139 = arith.constant 512 : i32
    %parallel_loop3A_140 = arith.constant 1 : i32
    scf.for %parallel_loop3A_1818 = %parallel_loop3A_138 to %parallel_loop3A_139 step %parallel_loop3A_140  : i32 {
      %parallel_loop3A_1819 = arith.constant 16 : i32
      %parallel_loop3A_1820 = arith.muli %parallel_loop3A_1818, %parallel_loop3A_1819 : i32
      %parallel_loop3A_1821 = arith.constant 24576 : i32
      %parallel_loop3A_1822 = arith.addi %parallel_loop3A_1821, %parallel_loop3A_1820 : i32
      %parallel_loop3A_1823 = arith.index_cast %parallel_loop3A_1822 : i32 to index
      %parallel_loop3A_1824 = tpu.vector_load %arg4[%parallel_loop3A_1823] {strides = array<i32>} : memref<65536xf32, #tpu.memory_space<vmem>>, vector<16xf32>,
      %parallel_loop3A_1825 = tpu.bitcast %parallel_loop3A_1824 : vector<16xf32> -> vector<16xi32>
      %parallel_loop3A_1826 = arith.constant 31 : i32
      %parallel_loop3A_1827 = vector.broadcast %parallel_loop3A_1826 : i32 to vector<16xi32>
      %parallel_loop3A_1828 = arith.shrsi %parallel_loop3A_1825, %parallel_loop3A_1827 : vector<16xi32>
      %parallel_loop3A_1829 = arith.constant -2147483648 : i32
      %parallel_loop3A_1830 = vector.broadcast %parallel_loop3A_1829 : i32 to vector<16xi32>
      %parallel_loop3A_1831 = arith.ori %parallel_loop3A_1828, %parallel_loop3A_1830 : vector<16xi32>
      %parallel_loop3A_1832 = arith.xori %parallel_loop3A_1825, %parallel_loop3A_1831 : vector<16xi32>
      %parallel_loop3A_1833 = tpu.bitcast %parallel_loop3A_1832 : vector<16xi32> -> vector<16xi32>
      %parallel_loop3A_1834 = arith.constant 24 : i32
      %parallel_loop3A_1835 = vector.broadcast %parallel_loop3A_1834 : i32 to vector<16xi32>
      %parallel_loop3A_1836 = arith.shrui %parallel_loop3A_1833, %parallel_loop3A_1835 : vector<16xi32>
      %parallel_loop3A_1837 = arith.constant 256 : i32
      %parallel_loop3A_1838 = vector.broadcast %parallel_loop3A_1837 : i32 to vector<16xi32>
      %parallel_loop3A_1839 = arith.muli %iota3A, %parallel_loop3A_1838 : vector<16xi32>
      %parallel_loop3A_1840 = arith.addi %parallel_loop3A_1839, %parallel_loop3A_1836 : vector<16xi32>
      tpu.vector_store_idx %arg5[%parallel_loop3A_1840], %broadcast_in_dim3A_0 {add = true} : memref<4096xi32, #tpu.memory_space<vmem>>[vector<16xi32>], vector<16xi32>,
    } {sc.loop_unroll_factor = 8 : i64, sc.parallel_access}
    %dma_wait3A_141 = arith.constant 4 : i32
    %dma_wait3A_142 = arith.constant 32768 : i32
    %dma_wait3A_143 = tpu.memref_slice %arg4[%dma_wait3A_142] : memref<65536xf32, #tpu.memory_space<vmem>> -> memref<8192xf32, #tpu.memory_space<vmem>>
    %dma_wait3A_144 = tpu.memref_slice %arg2[%add3A_51] : memref<1048576xf32, #tpu.memory_space<hbm>> -> memref<8192xf32, #tpu.memory_space<hbm>>
    %dma_wait3A_145 = tpu.memref_slice %arg10[%dma_wait3A_141] : memref<16x!tpu.dma_semaphore, #tpu.memory_space<semaphore_mem>> -> memref<1x!tpu.dma_semaphore, #tpu.memory_space<semaphore_mem>>
    %dma_wait3A_146 = tpu.memref_squeeze %dma_wait3A_145 : memref<1x!tpu.dma_semaphore, #tpu.memory_space<semaphore_mem>> -> memref<!tpu.dma_semaphore, #tpu.memory_space<semaphore_mem>>
    %dma_wait3A_147 = arith.constant 32768 : i32
    %dma_wait3A_148 = tpu.memref_slice %arg4[%dma_wait3A_147] : memref<65536xf32, #tpu.memory_space<vmem>> -> memref<8192xf32, #tpu.memory_space<vmem>>
    %dma_wait3A_149 = tpu.memref_slice %arg2[%add3A_51] : memref<1048576xf32, #tpu.memory_space<hbm>> -> memref<8192xf32, #tpu.memory_space<hbm>>
    tpu.wait_dma2 semaphore(%dma_wait3A_146 : memref<!tpu.dma_semaphore, #tpu.memory_space<semaphore_mem>>) src(%dma_wait3A_149 : memref<8192xf32, #tpu.memory_space<hbm>>) dst(%dma_wait3A_148 : memref<8192xf32, #tpu.memory_space<vmem>>)
    %parallel_loop3A_150 = arith.constant 0 : i32
    %parallel_loop3A_151 = arith.constant 512 : i32
    %parallel_loop3A_152 = arith.constant 1 : i32
    scf.for %parallel_loop3A_1818 = %parallel_loop3A_150 to %parallel_loop3A_151 step %parallel_loop3A_152  : i32 {
      %parallel_loop3A_1819 = arith.constant 16 : i32
      %parallel_loop3A_1820 = arith.muli %parallel_loop3A_1818, %parallel_loop3A_1819 : i32
      %parallel_loop3A_1821 = arith.constant 32768 : i32
      %parallel_loop3A_1822 = arith.addi %parallel_loop3A_1821, %parallel_loop3A_1820 : i32
      %parallel_loop3A_1823 = arith.index_cast %parallel_loop3A_1822 : i32 to index
      %parallel_loop3A_1824 = tpu.vector_load %arg4[%parallel_loop3A_1823] {strides = array<i32>} : memref<65536xf32, #tpu.memory_space<vmem>>, vector<16xf32>,
      %parallel_loop3A_1825 = tpu.bitcast %parallel_loop3A_1824 : vector<16xf32> -> vector<16xi32>
      %parallel_loop3A_1826 = arith.constant 31 : i32
      %parallel_loop3A_1827 = vector.broadcast %parallel_loop3A_1826 : i32 to vector<16xi32>
      %parallel_loop3A_1828 = arith.shrsi %parallel_loop3A_1825, %parallel_loop3A_1827 : vector<16xi32>
      %parallel_loop3A_1829 = arith.constant -2147483648 : i32
      %parallel_loop3A_1830 = vector.broadcast %parallel_loop3A_1829 : i32 to vector<16xi32>
      %parallel_loop3A_1831 = arith.ori %parallel_loop3A_1828, %parallel_loop3A_1830 : vector<16xi32>
      %parallel_loop3A_1832 = arith.xori %parallel_loop3A_1825, %parallel_loop3A_1831 : vector<16xi32>
      %parallel_loop3A_1833 = tpu.bitcast %parallel_loop3A_1832 : vector<16xi32> -> vector<16xi32>
      %parallel_loop3A_1834 = arith.constant 24 : i32
      %parallel_loop3A_1835 = vector.broadcast %parallel_loop3A_1834 : i32 to vector<16xi32>
      %parallel_loop3A_1836 = arith.shrui %parallel_loop3A_1833, %parallel_loop3A_1835 : vector<16xi32>
      %parallel_loop3A_1837 = arith.constant 256 : i32
      %parallel_loop3A_1838 = vector.broadcast %parallel_loop3A_1837 : i32 to vector<16xi32>
      %parallel_loop3A_1839 = arith.muli %iota3A, %parallel_loop3A_1838 : vector<16xi32>
      %parallel_loop3A_1840 = arith.addi %parallel_loop3A_1839, %parallel_loop3A_1836 : vector<16xi32>
      tpu.vector_store_idx %arg5[%parallel_loop3A_1840], %broadcast_in_dim3A_0 {add = true} : memref<4096xi32, #tpu.memory_space<vmem>>[vector<16xi32>], vector<16xi32>,
    } {sc.loop_unroll_factor = 8 : i64, sc.parallel_access}
    %dma_wait3A_153 = arith.constant 5 : i32
    %dma_wait3A_154 = arith.constant 40960 : i32
    %dma_wait3A_155 = tpu.memref_slice %arg4[%dma_wait3A_154] : memref<65536xf32, #tpu.memory_space<vmem>> -> memref<8192xf32, #tpu.memory_space<vmem>>
    %dma_wait3A_156 = tpu.memref_slice %arg2[%add3A_62] : memref<1048576xf32, #tpu.memory_space<hbm>> -> memref<8192xf32, #tpu.memory_space<hbm>>
    %dma_wait3A_157 = tpu.memref_slice %arg10[%dma_wait3A_153] : memref<16x!tpu.dma_semaphore, #tpu.memory_space<semaphore_mem>> -> memref<1x!tpu.dma_semaphore, #tpu.memory_space<semaphore_mem>>
    %dma_wait3A_158 = tpu.memref_squeeze %dma_wait3A_157 : memref<1x!tpu.dma_semaphore, #tpu.memory_space<semaphore_mem>> -> memref<!tpu.dma_semaphore, #tpu.memory_space<semaphore_mem>>
    %dma_wait3A_159 = arith.constant 40960 : i32
    %dma_wait3A_160 = tpu.memref_slice %arg4[%dma_wait3A_159] : memref<65536xf32, #tpu.memory_space<vmem>> -> memref<8192xf32, #tpu.memory_space<vmem>>
    %dma_wait3A_161 = tpu.memref_slice %arg2[%add3A_62] : memref<1048576xf32, #tpu.memory_space<hbm>> -> memref<8192xf32, #tpu.memory_space<hbm>>
    tpu.wait_dma2 semaphore(%dma_wait3A_158 : memref<!tpu.dma_semaphore, #tpu.memory_space<semaphore_mem>>) src(%dma_wait3A_161 : memref<8192xf32, #tpu.memory_space<hbm>>) dst(%dma_wait3A_160 : memref<8192xf32, #tpu.memory_space<vmem>>)
    %parallel_loop3A_162 = arith.constant 0 : i32
    %parallel_loop3A_163 = arith.constant 512 : i32
    %parallel_loop3A_164 = arith.constant 1 : i32
    scf.for %parallel_loop3A_1818 = %parallel_loop3A_162 to %parallel_loop3A_163 step %parallel_loop3A_164  : i32 {
      %parallel_loop3A_1819 = arith.constant 16 : i32
      %parallel_loop3A_1820 = arith.muli %parallel_loop3A_1818, %parallel_loop3A_1819 : i32
      %parallel_loop3A_1821 = arith.constant 40960 : i32
      %parallel_loop3A_1822 = arith.addi %parallel_loop3A_1821, %parallel_loop3A_1820 : i32
      %parallel_loop3A_1823 = arith.index_cast %parallel_loop3A_1822 : i32 to index
      %parallel_loop3A_1824 = tpu.vector_load %arg4[%parallel_loop3A_1823] {strides = array<i32>} : memref<65536xf32, #tpu.memory_space<vmem>>, vector<16xf32>,
      %parallel_loop3A_1825 = tpu.bitcast %parallel_loop3A_1824 : vector<16xf32> -> vector<16xi32>
      %parallel_loop3A_1826 = arith.constant 31 : i32
      %parallel_loop3A_1827 = vector.broadcast %parallel_loop3A_1826 : i32 to vector<16xi32>
      %parallel_loop3A_1828 = arith.shrsi %parallel_loop3A_1825, %parallel_loop3A_1827 : vector<16xi32>
      %parallel_loop3A_1829 = arith.constant -2147483648 : i32
      %parallel_loop3A_1830 = vector.broadcast %parallel_loop3A_1829 : i32 to vector<16xi32>
      %parallel_loop3A_1831 = arith.ori %parallel_loop3A_1828, %parallel_loop3A_1830 : vector<16xi32>
      %parallel_loop3A_1832 = arith.xori %parallel_loop3A_1825, %parallel_loop3A_1831 : vector<16xi32>
      %parallel_loop3A_1833 = tpu.bitcast %parallel_loop3A_1832 : vector<16xi32> -> vector<16xi32>
      %parallel_loop3A_1834 = arith.constant 24 : i32
      %parallel_loop3A_1835 = vector.broadcast %parallel_loop3A_1834 : i32 to vector<16xi32>
      %parallel_loop3A_1836 = arith.shrui %parallel_loop3A_1833, %parallel_loop3A_1835 : vector<16xi32>
      %parallel_loop3A_1837 = arith.constant 256 : i32
      %parallel_loop3A_1838 = vector.broadcast %parallel_loop3A_1837 : i32 to vector<16xi32>
      %parallel_loop3A_1839 = arith.muli %iota3A, %parallel_loop3A_1838 : vector<16xi32>
      %parallel_loop3A_1840 = arith.addi %parallel_loop3A_1839, %parallel_loop3A_1836 : vector<16xi32>
      tpu.vector_store_idx %arg5[%parallel_loop3A_1840], %broadcast_in_dim3A_0 {add = true} : memref<4096xi32, #tpu.memory_space<vmem>>[vector<16xi32>], vector<16xi32>,
    } {sc.loop_unroll_factor = 8 : i64, sc.parallel_access}
    %dma_wait3A_165 = arith.constant 6 : i32
    %dma_wait3A_166 = arith.constant 49152 : i32
    %dma_wait3A_167 = tpu.memref_slice %arg4[%dma_wait3A_166] : memref<65536xf32, #tpu.memory_space<vmem>> -> memref<8192xf32, #tpu.memory_space<vmem>>
    %dma_wait3A_168 = tpu.memref_slice %arg2[%add3A_73] : memref<1048576xf32, #tpu.memory_space<hbm>> -> memref<8192xf32, #tpu.memory_space<hbm>>
    %dma_wait3A_169 = tpu.memref_slice %arg10[%dma_wait3A_165] : memref<16x!tpu.dma_semaphore, #tpu.memory_space<semaphore_mem>> -> memref<1x!tpu.dma_semaphore, #tpu.memory_space<semaphore_mem>>
    %dma_wait3A_170 = tpu.memref_squeeze %dma_wait3A_169 : memref<1x!tpu.dma_semaphore, #tpu.memory_space<semaphore_mem>> -> memref<!tpu.dma_semaphore, #tpu.memory_space<semaphore_mem>>
    %dma_wait3A_171 = arith.constant 49152 : i32
    %dma_wait3A_172 = tpu.memref_slice %arg4[%dma_wait3A_171] : memref<65536xf32, #tpu.memory_space<vmem>> -> memref<8192xf32, #tpu.memory_space<vmem>>
    %dma_wait3A_173 = tpu.memref_slice %arg2[%add3A_73] : memref<1048576xf32, #tpu.memory_space<hbm>> -> memref<8192xf32, #tpu.memory_space<hbm>>
    tpu.wait_dma2 semaphore(%dma_wait3A_170 : memref<!tpu.dma_semaphore, #tpu.memory_space<semaphore_mem>>) src(%dma_wait3A_173 : memref<8192xf32, #tpu.memory_space<hbm>>) dst(%dma_wait3A_172 : memref<8192xf32, #tpu.memory_space<vmem>>)
    %parallel_loop3A_174 = arith.constant 0 : i32
    %parallel_loop3A_175 = arith.constant 512 : i32
    %parallel_loop3A_176 = arith.constant 1 : i32
    scf.for %parallel_loop3A_1818 = %parallel_loop3A_174 to %parallel_loop3A_175 step %parallel_loop3A_176  : i32 {
      %parallel_loop3A_1819 = arith.constant 16 : i32
      %parallel_loop3A_1820 = arith.muli %parallel_loop3A_1818, %parallel_loop3A_1819 : i32
      %parallel_loop3A_1821 = arith.constant 49152 : i32
      %parallel_loop3A_1822 = arith.addi %parallel_loop3A_1821, %parallel_loop3A_1820 : i32
      %parallel_loop3A_1823 = arith.index_cast %parallel_loop3A_1822 : i32 to index
      %parallel_loop3A_1824 = tpu.vector_load %arg4[%parallel_loop3A_1823] {strides = array<i32>} : memref<65536xf32, #tpu.memory_space<vmem>>, vector<16xf32>,
      %parallel_loop3A_1825 = tpu.bitcast %parallel_loop3A_1824 : vector<16xf32> -> vector<16xi32>
      %parallel_loop3A_1826 = arith.constant 31 : i32
      %parallel_loop3A_1827 = vector.broadcast %parallel_loop3A_1826 : i32 to vector<16xi32>
      %parallel_loop3A_1828 = arith.shrsi %parallel_loop3A_1825, %parallel_loop3A_1827 : vector<16xi32>
      %parallel_loop3A_1829 = arith.constant -2147483648 : i32
      %parallel_loop3A_1830 = vector.broadcast %parallel_loop3A_1829 : i32 to vector<16xi32>
      %parallel_loop3A_1831 = arith.ori %parallel_loop3A_1828, %parallel_loop3A_1830 : vector<16xi32>
      %parallel_loop3A_1832 = arith.xori %parallel_loop3A_1825, %parallel_loop3A_1831 : vector<16xi32>
      %parallel_loop3A_1833 = tpu.bitcast %parallel_loop3A_1832 : vector<16xi32> -> vector<16xi32>
      %parallel_loop3A_1834 = arith.constant 24 : i32
      %parallel_loop3A_1835 = vector.broadcast %parallel_loop3A_1834 : i32 to vector<16xi32>
      %parallel_loop3A_1836 = arith.shrui %parallel_loop3A_1833, %parallel_loop3A_1835 : vector<16xi32>
      %parallel_loop3A_1837 = arith.constant 256 : i32
      %parallel_loop3A_1838 = vector.broadcast %parallel_loop3A_1837 : i32 to vector<16xi32>
      %parallel_loop3A_1839 = arith.muli %iota3A, %parallel_loop3A_1838 : vector<16xi32>
      %parallel_loop3A_1840 = arith.addi %parallel_loop3A_1839, %parallel_loop3A_1836 : vector<16xi32>
      tpu.vector_store_idx %arg5[%parallel_loop3A_1840], %broadcast_in_dim3A_0 {add = true} : memref<4096xi32, #tpu.memory_space<vmem>>[vector<16xi32>], vector<16xi32>,
    } {sc.loop_unroll_factor = 8 : i64, sc.parallel_access}
    %dma_wait3A_177 = arith.constant 7 : i32
    %dma_wait3A_178 = arith.constant 57344 : i32
    %dma_wait3A_179 = tpu.memref_slice %arg4[%dma_wait3A_178] : memref<65536xf32, #tpu.memory_space<vmem>> -> memref<8192xf32, #tpu.memory_space<vmem>>
    %dma_wait3A_180 = tpu.memref_slice %arg2[%add3A_84] : memref<1048576xf32, #tpu.memory_space<hbm>> -> memref<8192xf32, #tpu.memory_space<hbm>>
    %dma_wait3A_181 = tpu.memref_slice %arg10[%dma_wait3A_177] : memref<16x!tpu.dma_semaphore, #tpu.memory_space<semaphore_mem>> -> memref<1x!tpu.dma_semaphore, #tpu.memory_space<semaphore_mem>>
    %dma_wait3A_182 = tpu.memref_squeeze %dma_wait3A_181 : memref<1x!tpu.dma_semaphore, #tpu.memory_space<semaphore_mem>> -> memref<!tpu.dma_semaphore, #tpu.memory_space<semaphore_mem>>
    %dma_wait3A_183 = arith.constant 57344 : i32
    %dma_wait3A_184 = tpu.memref_slice %arg4[%dma_wait3A_183] : memref<65536xf32, #tpu.memory_space<vmem>> -> memref<8192xf32, #tpu.memory_space<vmem>>
    %dma_wait3A_185 = tpu.memref_slice %arg2[%add3A_84] : memref<1048576xf32, #tpu.memory_space<hbm>> -> memref<8192xf32, #tpu.memory_space<hbm>>
    tpu.wait_dma2 semaphore(%dma_wait3A_182 : memref<!tpu.dma_semaphore, #tpu.memory_space<semaphore_mem>>) src(%dma_wait3A_185 : memref<8192xf32, #tpu.memory_space<hbm>>) dst(%dma_wait3A_184 : memref<8192xf32, #tpu.memory_space<vmem>>)
    %parallel_loop3A_186 = arith.constant 0 : i32
    %parallel_loop3A_187 = arith.constant 512 : i32
    %parallel_loop3A_188 = arith.constant 1 : i32
    scf.for %parallel_loop3A_1818 = %parallel_loop3A_186 to %parallel_loop3A_187 step %parallel_loop3A_188  : i32 {
      %parallel_loop3A_1819 = arith.constant 16 : i32
      %parallel_loop3A_1820 = arith.muli %parallel_loop3A_1818, %parallel_loop3A_1819 : i32
      %parallel_loop3A_1821 = arith.constant 57344 : i32
      %parallel_loop3A_1822 = arith.addi %parallel_loop3A_1821, %parallel_loop3A_1820 : i32
      %parallel_loop3A_1823 = arith.index_cast %parallel_loop3A_1822 : i32 to index
      %parallel_loop3A_1824 = tpu.vector_load %arg4[%parallel_loop3A_1823] {strides = array<i32>} : memref<65536xf32, #tpu.memory_space<vmem>>, vector<16xf32>,
      %parallel_loop3A_1825 = tpu.bitcast %parallel_loop3A_1824 : vector<16xf32> -> vector<16xi32>
      %parallel_loop3A_1826 = arith.constant 31 : i32
      %parallel_loop3A_1827 = vector.broadcast %parallel_loop3A_1826 : i32 to vector<16xi32>
      %parallel_loop3A_1828 = arith.shrsi %parallel_loop3A_1825, %parallel_loop3A_1827 : vector<16xi32>
      %parallel_loop3A_1829 = arith.constant -2147483648 : i32
      %parallel_loop3A_1830 = vector.broadcast %parallel_loop3A_1829 : i32 to vector<16xi32>
      %parallel_loop3A_1831 = arith.ori %parallel_loop3A_1828, %parallel_loop3A_1830 : vector<16xi32>
      %parallel_loop3A_1832 = arith.xori %parallel_loop3A_1825, %parallel_loop3A_1831 : vector<16xi32>
      %parallel_loop3A_1833 = tpu.bitcast %parallel_loop3A_1832 : vector<16xi32> -> vector<16xi32>
      %parallel_loop3A_1834 = arith.constant 24 : i32
      %parallel_loop3A_1835 = vector.broadcast %parallel_loop3A_1834 : i32 to vector<16xi32>
      %parallel_loop3A_1836 = arith.shrui %parallel_loop3A_1833, %parallel_loop3A_1835 : vector<16xi32>
      %parallel_loop3A_1837 = arith.constant 256 : i32
      %parallel_loop3A_1838 = vector.broadcast %parallel_loop3A_1837 : i32 to vector<16xi32>
      %parallel_loop3A_1839 = arith.muli %iota3A, %parallel_loop3A_1838 : vector<16xi32>
      %parallel_loop3A_1840 = arith.addi %parallel_loop3A_1839, %parallel_loop3A_1836 : vector<16xi32>
      tpu.vector_store_idx %arg5[%parallel_loop3A_1840], %broadcast_in_dim3A_0 {add = true} : memref<4096xi32, #tpu.memory_space<vmem>>[vector<16xi32>], vector<16xi32>,
    } {sc.loop_unroll_factor = 8 : i64, sc.parallel_access}
    %scan3A = arith.constant 0 : i32
    %scan3A_189 = arith.constant 0 : i32
    %scan3A_190 = arith.constant 16 : i32
    %scan3A_191 = arith.addi %scan3A_189, %scan3A_190 : i32
    %scan3A_192 = arith.constant 1 : i32
    %scan3A_193 = scf.for %scan3A_1818 = %scan3A_189 to %scan3A_191 step %scan3A_192 iter_args(%scan3A_1819 = %scan3A) -> (i32)  : i32 {
      %scan3A_1820 = arith.constant 0 : i32
      %scan3A_1821 = arith.constant 16 : i32
      %scan3A_1822 = arith.addi %scan3A_1820, %scan3A_1821 : i32
      %scan3A_1823 = arith.constant 1 : i32
      %scan3A_1824 = scf.for %scan3A_1831 = %scan3A_1820 to %scan3A_1822 step %scan3A_1823 iter_args(%scan3A_1832 = %broadcast_in_dim3A_2) -> (vector<16xi32>)  : i32 {
        %mul3A_1833 = arith.constant 256 : i32
        %mul3A_1834 = arith.muli %scan3A_1831, %mul3A_1833 : i32
        %mul3A_1835 = arith.constant 16 : i32
        %mul3A_1836 = arith.muli %scan3A_1818, %mul3A_1835 : i32
        %add3A_1837 = arith.addi %mul3A_1834, %mul3A_1836 : i32
        %get3A = arith.index_cast %add3A_1837 : i32 to index
        %get3A_1838 = tpu.vector_load %arg5[%get3A] {strides = array<i32>} : memref<4096xi32, #tpu.memory_space<vmem>>, vector<16xi32>,
        %add3A_1839 = arith.addi %scan3A_1832, %get3A_1838 : vector<16xi32>
        scf.yield %add3A_1839 : vector<16xi32>
      }
      %scan3A_1825 = arith.constant 16 : i32
      %mul3A_1826 = arith.constant 16 : i32
      %mul3A_1827 = arith.muli %scan3A_1818, %mul3A_1826 : i32
      %swap3A_1828 = arith.index_cast %mul3A_1827 : i32 to index
      %swap3A_1829 = tpu.vector_load %arg6[%swap3A_1828] {strides = array<i32>} : memref<256xi32, #tpu.memory_space<vmem>>, vector<16xi32>,
      tpu.vector_store %arg6[%swap3A_1828], %scan3A_1824 {strides = array<i32>} : memref<256xi32, #tpu.memory_space<vmem>>, vector<16xi32>,
      %scan3A_1830 = arith.constant 0 : i32
      scf.yield %scan3A_1830 : i32
    }
    %scan3A_194 = arith.constant 16 : i32
    %mul3A_195 = arith.constant 16 : i32
    %mul3A_196 = arith.muli %arg1, %mul3A_195 : i32
    %add3A_197 = arith.constant 0 : i32
    %add3A_198 = arith.addi %add3A_197, %mul3A_196 : i32
    %dma_start3A_199 = arith.constant 0 : i32
    %dma_start3A_200 = arith.constant 0 : i32
    %dma_start3A_201 = tpu.memref_slice %arg6[%dma_start3A_200] : memref<256xi32, #tpu.memory_space<vmem>> -> memref<16xi32, #tpu.memory_space<vmem>>
    %dma_start3A_202 = tpu.memref_slice %arg11[%add3A_198] : memref<17408xi32, #tpu.memory_space<vmem_shared>> -> memref<16xi32, #tpu.memory_space<vmem_shared>>
    %dma_start3A_203 = tpu.memref_slice %arg10[%dma_start3A_199] : memref<16x!tpu.dma_semaphore, #tpu.memory_space<semaphore_mem>> -> memref<1x!tpu.dma_semaphore, #tpu.memory_space<semaphore_mem>>
    %dma_start3A_204 = tpu.memref_squeeze %dma_start3A_203 : memref<1x!tpu.dma_semaphore, #tpu.memory_space<semaphore_mem>> -> memref<!tpu.dma_semaphore, #tpu.memory_space<semaphore_mem>>
    %dma_start3A_205 = tpu.memref_slice %arg11[%add3A_198] : memref<17408xi32, #tpu.memory_space<vmem_shared>> -> memref<16xi32, #tpu.memory_space<vmem_shared>>
    %dma_start3A_206 = arith.constant 0 : i32
    %dma_start3A_207 = tpu.memref_slice %arg6[%dma_start3A_206] : memref<256xi32, #tpu.memory_space<vmem>> -> memref<16xi32, #tpu.memory_space<vmem>>
    tpu.enqueue_dma source(%dma_start3A_207 : memref<16xi32, #tpu.memory_space<vmem>>) target(%dma_start3A_205 : memref<16xi32, #tpu.memory_space<vmem_shared>>) target_semaphore(%dma_start3A_204 : memref<!tpu.dma_semaphore, #tpu.memory_space<semaphore_mem>>)
    %mul3A_208 = arith.constant 16 : i32
    %mul3A_209 = arith.muli %arg1, %mul3A_208 : i32
    %add3A_210 = arith.constant 256 : i32
    %add3A_211 = arith.addi %add3A_210, %mul3A_209 : i32
    %dma_start3A_212 = arith.constant 1 : i32
    %dma_start3A_213 = arith.constant 16 : i32
    %dma_start3A_214 = tpu.memref_slice %arg6[%dma_start3A_213] : memref<256xi32, #tpu.memory_space<vmem>> -> memref<16xi32, #tpu.memory_space<vmem>>
    %dma_start3A_215 = tpu.memref_slice %arg11[%add3A_211] : memref<17408xi32, #tpu.memory_space<vmem_shared>> -> memref<16xi32, #tpu.memory_space<vmem_shared>>
    %dma_start3A_216 = tpu.memref_slice %arg10[%dma_start3A_212] : memref<16x!tpu.dma_semaphore, #tpu.memory_space<semaphore_mem>> -> memref<1x!tpu.dma_semaphore, #tpu.memory_space<semaphore_mem>>
    %dma_start3A_217 = tpu.memref_squeeze %dma_start3A_216 : memref<1x!tpu.dma_semaphore, #tpu.memory_space<semaphore_mem>> -> memref<!tpu.dma_semaphore, #tpu.memory_space<semaphore_mem>>
    %dma_start3A_218 = tpu.memref_slice %arg11[%add3A_211] : memref<17408xi32, #tpu.memory_space<vmem_shared>> -> memref<16xi32, #tpu.memory_space<vmem_shared>>
    %dma_start3A_219 = arith.constant 16 : i32
    %dma_start3A_220 = tpu.memref_slice %arg6[%dma_start3A_219] : memref<256xi32, #tpu.memory_space<vmem>> -> memref<16xi32, #tpu.memory_space<vmem>>
    tpu.enqueue_dma source(%dma_start3A_220 : memref<16xi32, #tpu.memory_space<vmem>>) target(%dma_start3A_218 : memref<16xi32, #tpu.memory_space<vmem_shared>>) target_semaphore(%dma_start3A_217 : memref<!tpu.dma_semaphore, #tpu.memory_space<semaphore_mem>>)
    %mul3A_221 = arith.constant 16 : i32
    %mul3A_222 = arith.muli %arg1, %mul3A_221 : i32
    %add3A_223 = arith.constant 512 : i32
    %add3A_224 = arith.addi %add3A_223, %mul3A_222 : i32
    %dma_start3A_225 = arith.constant 2 : i32
    %dma_start3A_226 = arith.constant 32 : i32
    %dma_start3A_227 = tpu.memref_slice %arg6[%dma_start3A_226] : memref<256xi32, #tpu.memory_space<vmem>> -> memref<16xi32, #tpu.memory_space<vmem>>
    %dma_start3A_228 = tpu.memref_slice %arg11[%add3A_224] : memref<17408xi32, #tpu.memory_space<vmem_shared>> -> memref<16xi32, #tpu.memory_space<vmem_shared>>
    %dma_start3A_229 = tpu.memref_slice %arg10[%dma_start3A_225] : memref<16x!tpu.dma_semaphore, #tpu.memory_space<semaphore_mem>> -> memref<1x!tpu.dma_semaphore, #tpu.memory_space<semaphore_mem>>
    %dma_start3A_230 = tpu.memref_squeeze %dma_start3A_229 : memref<1x!tpu.dma_semaphore, #tpu.memory_space<semaphore_mem>> -> memref<!tpu.dma_semaphore, #tpu.memory_space<semaphore_mem>>
    %dma_start3A_231 = tpu.memref_slice %arg11[%add3A_224] : memref<17408xi32, #tpu.memory_space<vmem_shared>> -> memref<16xi32, #tpu.memory_space<vmem_shared>>
    %dma_start3A_232 = arith.constant 32 : i32
    %dma_start3A_233 = tpu.memref_slice %arg6[%dma_start3A_232] : memref<256xi32, #tpu.memory_space<vmem>> -> memref<16xi32, #tpu.memory_space<vmem>>
    tpu.enqueue_dma source(%dma_start3A_233 : memref<16xi32, #tpu.memory_space<vmem>>) target(%dma_start3A_231 : memref<16xi32, #tpu.memory_space<vmem_shared>>) target_semaphore(%dma_start3A_230 : memref<!tpu.dma_semaphore, #tpu.memory_space<semaphore_mem>>)
    %mul3A_234 = arith.constant 16 : i32
    %mul3A_235 = arith.muli %arg1, %mul3A_234 : i32
    %add3A_236 = arith.constant 768 : i32
    %add3A_237 = arith.addi %add3A_236, %mul3A_235 : i32
    %dma_start3A_238 = arith.constant 3 : i32
    %dma_start3A_239 = arith.constant 48 : i32
    %dma_start3A_240 = tpu.memref_slice %arg6[%dma_start3A_239] : memref<256xi32, #tpu.memory_space<vmem>> -> memref<16xi32, #tpu.memory_space<vmem>>
    %dma_start3A_241 = tpu.memref_slice %arg11[%add3A_237] : memref<17408xi32, #tpu.memory_space<vmem_shared>> -> memref<16xi32, #tpu.memory_space<vmem_shared>>
    %dma_start3A_242 = tpu.memref_slice %arg10[%dma_start3A_238] : memref<16x!tpu.dma_semaphore, #tpu.memory_space<semaphore_mem>> -> memref<1x!tpu.dma_semaphore, #tpu.memory_space<semaphore_mem>>
    %dma_start3A_243 = tpu.memref_squeeze %dma_start3A_242 : memref<1x!tpu.dma_semaphore, #tpu.memory_space<semaphore_mem>> -> memref<!tpu.dma_semaphore, #tpu.memory_space<semaphore_mem>>
    %dma_start3A_244 = tpu.memref_slice %arg11[%add3A_237] : memref<17408xi32, #tpu.memory_space<vmem_shared>> -> memref<16xi32, #tpu.memory_space<vmem_shared>>
    %dma_start3A_245 = arith.constant 48 : i32
    %dma_start3A_246 = tpu.memref_slice %arg6[%dma_start3A_245] : memref<256xi32, #tpu.memory_space<vmem>> -> memref<16xi32, #tpu.memory_space<vmem>>
    tpu.enqueue_dma source(%dma_start3A_246 : memref<16xi32, #tpu.memory_space<vmem>>) target(%dma_start3A_244 : memref<16xi32, #tpu.memory_space<vmem_shared>>) target_semaphore(%dma_start3A_243 : memref<!tpu.dma_semaphore, #tpu.memory_space<semaphore_mem>>)
    %mul3A_247 = arith.constant 16 : i32
    %mul3A_248 = arith.muli %arg1, %mul3A_247 : i32
    %add3A_249 = arith.constant 1024 : i32
    %add3A_250 = arith.addi %add3A_249, %mul3A_248 : i32
    %dma_start3A_251 = arith.constant 4 : i32
    %dma_start3A_252 = arith.constant 64 : i32
    %dma_start3A_253 = tpu.memref_slice %arg6[%dma_start3A_252] : memref<256xi32, #tpu.memory_space<vmem>> -> memref<16xi32, #tpu.memory_space<vmem>>
    %dma_start3A_254 = tpu.memref_slice %arg11[%add3A_250] : memref<17408xi32, #tpu.memory_space<vmem_shared>> -> memref<16xi32, #tpu.memory_space<vmem_shared>>
    %dma_start3A_255 = tpu.memref_slice %arg10[%dma_start3A_251] : memref<16x!tpu.dma_semaphore, #tpu.memory_space<semaphore_mem>> -> memref<1x!tpu.dma_semaphore, #tpu.memory_space<semaphore_mem>>
    %dma_start3A_256 = tpu.memref_squeeze %dma_start3A_255 : memref<1x!tpu.dma_semaphore, #tpu.memory_space<semaphore_mem>> -> memref<!tpu.dma_semaphore, #tpu.memory_space<semaphore_mem>>
    %dma_start3A_257 = tpu.memref_slice %arg11[%add3A_250] : memref<17408xi32, #tpu.memory_space<vmem_shared>> -> memref<16xi32, #tpu.memory_space<vmem_shared>>
    %dma_start3A_258 = arith.constant 64 : i32
    %dma_start3A_259 = tpu.memref_slice %arg6[%dma_start3A_258] : memref<256xi32, #tpu.memory_space<vmem>> -> memref<16xi32, #tpu.memory_space<vmem>>
    tpu.enqueue_dma source(%dma_start3A_259 : memref<16xi32, #tpu.memory_space<vmem>>) target(%dma_start3A_257 : memref<16xi32, #tpu.memory_space<vmem_shared>>) target_semaphore(%dma_start3A_256 : memref<!tpu.dma_semaphore, #tpu.memory_space<semaphore_mem>>)
    %mul3A_260 = arith.constant 16 : i32
    %mul3A_261 = arith.muli %arg1, %mul3A_260 : i32
    %add3A_262 = arith.constant 1280 : i32
    %add3A_263 = arith.addi %add3A_262, %mul3A_261 : i32
    %dma_start3A_264 = arith.constant 5 : i32
    %dma_start3A_265 = arith.constant 80 : i32
    %dma_start3A_266 = tpu.memref_slice %arg6[%dma_start3A_265] : memref<256xi32, #tpu.memory_space<vmem>> -> memref<16xi32, #tpu.memory_space<vmem>>
    %dma_start3A_267 = tpu.memref_slice %arg11[%add3A_263] : memref<17408xi32, #tpu.memory_space<vmem_shared>> -> memref<16xi32, #tpu.memory_space<vmem_shared>>
    %dma_start3A_268 = tpu.memref_slice %arg10[%dma_start3A_264] : memref<16x!tpu.dma_semaphore, #tpu.memory_space<semaphore_mem>> -> memref<1x!tpu.dma_semaphore, #tpu.memory_space<semaphore_mem>>
    %dma_start3A_269 = tpu.memref_squeeze %dma_start3A_268 : memref<1x!tpu.dma_semaphore, #tpu.memory_space<semaphore_mem>> -> memref<!tpu.dma_semaphore, #tpu.memory_space<semaphore_mem>>
    %dma_start3A_270 = tpu.memref_slice %arg11[%add3A_263] : memref<17408xi32, #tpu.memory_space<vmem_shared>> -> memref<16xi32, #tpu.memory_space<vmem_shared>>
    %dma_start3A_271 = arith.constant 80 : i32
    %dma_start3A_272 = tpu.memref_slice %arg6[%dma_start3A_271] : memref<256xi32, #tpu.memory_space<vmem>> -> memref<16xi32, #tpu.memory_space<vmem>>
    tpu.enqueue_dma source(%dma_start3A_272 : memref<16xi32, #tpu.memory_space<vmem>>) target(%dma_start3A_270 : memref<16xi32, #tpu.memory_space<vmem_shared>>) target_semaphore(%dma_start3A_269 : memref<!tpu.dma_semaphore, #tpu.memory_space<semaphore_mem>>)
    %mul3A_273 = arith.constant 16 : i32
    %mul3A_274 = arith.muli %arg1, %mul3A_273 : i32
    %add3A_275 = arith.constant 1536 : i32
    %add3A_276 = arith.addi %add3A_275, %mul3A_274 : i32
    %dma_start3A_277 = arith.constant 6 : i32
    %dma_start3A_278 = arith.constant 96 : i32
    %dma_start3A_279 = tpu.memref_slice %arg6[%dma_start3A_278] : memref<256xi32, #tpu.memory_space<vmem>> -> memref<16xi32, #tpu.memory_space<vmem>>
    %dma_start3A_280 = tpu.memref_slice %arg11[%add3A_276] : memref<17408xi32, #tpu.memory_space<vmem_shared>> -> memref<16xi32, #tpu.memory_space<vmem_shared>>
    %dma_start3A_281 = tpu.memref_slice %arg10[%dma_start3A_277] : memref<16x!tpu.dma_semaphore, #tpu.memory_space<semaphore_mem>> -> memref<1x!tpu.dma_semaphore, #tpu.memory_space<semaphore_mem>>
    %dma_start3A_282 = tpu.memref_squeeze %dma_start3A_281 : memref<1x!tpu.dma_semaphore, #tpu.memory_space<semaphore_mem>> -> memref<!tpu.dma_semaphore, #tpu.memory_space<semaphore_mem>>
    %dma_start3A_283 = tpu.memref_slice %arg11[%add3A_276] : memref<17408xi32, #tpu.memory_space<vmem_shared>> -> memref<16xi32, #tpu.memory_space<vmem_shared>>
    %dma_start3A_284 = arith.constant 96 : i32
    %dma_start3A_285 = tpu.memref_slice %arg6[%dma_start3A_284] : memref<256xi32, #tpu.memory_space<vmem>> -> memref<16xi32, #tpu.memory_space<vmem>>
    tpu.enqueue_dma source(%dma_start3A_285 : memref<16xi32, #tpu.memory_space<vmem>>) target(%dma_start3A_283 : memref<16xi32, #tpu.memory_space<vmem_shared>>) target_semaphore(%dma_start3A_282 : memref<!tpu.dma_semaphore, #tpu.memory_space<semaphore_mem>>)
    %mul3A_286 = arith.constant 16 : i32
    %mul3A_287 = arith.muli %arg1, %mul3A_286 : i32
    %add3A_288 = arith.constant 1792 : i32
    %add3A_289 = arith.addi %add3A_288, %mul3A_287 : i32
    %dma_start3A_290 = arith.constant 7 : i32
    %dma_start3A_291 = arith.constant 112 : i32
    %dma_start3A_292 = tpu.memref_slice %arg6[%dma_start3A_291] : memref<256xi32, #tpu.memory_space<vmem>> -> memref<16xi32, #tpu.memory_space<vmem>>
    %dma_start3A_293 = tpu.memref_slice %arg11[%add3A_289] : memref<17408xi32, #tpu.memory_space<vmem_shared>> -> memref<16xi32, #tpu.memory_space<vmem_shared>>
    %dma_start3A_294 = tpu.memref_slice %arg10[%dma_start3A_290] : memref<16x!tpu.dma_semaphore, #tpu.memory_space<semaphore_mem>> -> memref<1x!tpu.dma_semaphore, #tpu.memory_space<semaphore_mem>>
    %dma_start3A_295 = tpu.memref_squeeze %dma_start3A_294 : memref<1x!tpu.dma_semaphore, #tpu.memory_space<semaphore_mem>> -> memref<!tpu.dma_semaphore, #tpu.memory_space<semaphore_mem>>
    %dma_start3A_296 = tpu.memref_slice %arg11[%add3A_289] : memref<17408xi32, #tpu.memory_space<vmem_shared>> -> memref<16xi32, #tpu.memory_space<vmem_shared>>
    %dma_start3A_297 = arith.constant 112 : i32
    %dma_start3A_298 = tpu.memref_slice %arg6[%dma_start3A_297] : memref<256xi32, #tpu.memory_space<vmem>> -> memref<16xi32, #tpu.memory_space<vmem>>
    tpu.enqueue_dma source(%dma_start3A_298 : memref<16xi32, #tpu.memory_space<vmem>>) target(%dma_start3A_296 : memref<16xi32, #tpu.memory_space<vmem_shared>>) target_semaphore(%dma_start3A_295 : memref<!tpu.dma_semaphore, #tpu.memory_space<semaphore_mem>>)
    %mul3A_299 = arith.constant 16 : i32
    %mul3A_300 = arith.muli %arg1, %mul3A_299 : i32
    %add3A_301 = arith.constant 2048 : i32
    %add3A_302 = arith.addi %add3A_301, %mul3A_300 : i32
    %dma_start3A_303 = arith.constant 8 : i32
    %dma_start3A_304 = arith.constant 128 : i32
    %dma_start3A_305 = tpu.memref_slice %arg6[%dma_start3A_304] : memref<256xi32, #tpu.memory_space<vmem>> -> memref<16xi32, #tpu.memory_space<vmem>>
    %dma_start3A_306 = tpu.memref_slice %arg11[%add3A_302] : memref<17408xi32, #tpu.memory_space<vmem_shared>> -> memref<16xi32, #tpu.memory_space<vmem_shared>>
    %dma_start3A_307 = tpu.memref_slice %arg10[%dma_start3A_303] : memref<16x!tpu.dma_semaphore, #tpu.memory_space<semaphore_mem>> -> memref<1x!tpu.dma_semaphore, #tpu.memory_space<semaphore_mem>>
    %dma_start3A_308 = tpu.memref_squeeze %dma_start3A_307 : memref<1x!tpu.dma_semaphore, #tpu.memory_space<semaphore_mem>> -> memref<!tpu.dma_semaphore, #tpu.memory_space<semaphore_mem>>
    %dma_start3A_309 = tpu.memref_slice %arg11[%add3A_302] : memref<17408xi32, #tpu.memory_space<vmem_shared>> -> memref<16xi32, #tpu.memory_space<vmem_shared>>
    %dma_start3A_310 = arith.constant 128 : i32
    %dma_start3A_311 = tpu.memref_slice %arg6[%dma_start3A_310] : memref<256xi32, #tpu.memory_space<vmem>> -> memref<16xi32, #tpu.memory_space<vmem>>
    tpu.enqueue_dma source(%dma_start3A_311 : memref<16xi32, #tpu.memory_space<vmem>>) target(%dma_start3A_309 : memref<16xi32, #tpu.memory_space<vmem_shared>>) target_semaphore(%dma_start3A_308 : memref<!tpu.dma_semaphore, #tpu.memory_space<semaphore_mem>>)
    %mul3A_312 = arith.constant 16 : i32
    %mul3A_313 = arith.muli %arg1, %mul3A_312 : i32
    %add3A_314 = arith.constant 2304 : i32
    %add3A_315 = arith.addi %add3A_314, %mul3A_313 : i32
    %dma_start3A_316 = arith.constant 9 : i32
    %dma_start3A_317 = arith.constant 144 : i32
    %dma_start3A_318 = tpu.memref_slice %arg6[%dma_start3A_317] : memref<256xi32, #tpu.memory_space<vmem>> -> memref<16xi32, #tpu.memory_space<vmem>>
    %dma_start3A_319 = tpu.memref_slice %arg11[%add3A_315] : memref<17408xi32, #tpu.memory_space<vmem_shared>> -> memref<16xi32, #tpu.memory_space<vmem_shared>>
    %dma_start3A_320 = tpu.memref_slice %arg10[%dma_start3A_316] : memref<16x!tpu.dma_semaphore, #tpu.memory_space<semaphore_mem>> -> memref<1x!tpu.dma_semaphore, #tpu.memory_space<semaphore_mem>>
    %dma_start3A_321 = tpu.memref_squeeze %dma_start3A_320 : memref<1x!tpu.dma_semaphore, #tpu.memory_space<semaphore_mem>> -> memref<!tpu.dma_semaphore, #tpu.memory_space<semaphore_mem>>
    %dma_start3A_322 = tpu.memref_slice %arg11[%add3A_315] : memref<17408xi32, #tpu.memory_space<vmem_shared>> -> memref<16xi32, #tpu.memory_space<vmem_shared>>
    %dma_start3A_323 = arith.constant 144 : i32
    %dma_start3A_324 = tpu.memref_slice %arg6[%dma_start3A_323] : memref<256xi32, #tpu.memory_space<vmem>> -> memref<16xi32, #tpu.memory_space<vmem>>
    tpu.enqueue_dma source(%dma_start3A_324 : memref<16xi32, #tpu.memory_space<vmem>>) target(%dma_start3A_322 : memref<16xi32, #tpu.memory_space<vmem_shared>>) target_semaphore(%dma_start3A_321 : memref<!tpu.dma_semaphore, #tpu.memory_space<semaphore_mem>>)
    %mul3A_325 = arith.constant 16 : i32
    %mul3A_326 = arith.muli %arg1, %mul3A_325 : i32
    %add3A_327 = arith.constant 2560 : i32
    %add3A_328 = arith.addi %add3A_327, %mul3A_326 : i32
    %dma_start3A_329 = arith.constant 10 : i32
    %dma_start3A_330 = arith.constant 160 : i32
    %dma_start3A_331 = tpu.memref_slice %arg6[%dma_start3A_330] : memref<256xi32, #tpu.memory_space<vmem>> -> memref<16xi32, #tpu.memory_space<vmem>>
    %dma_start3A_332 = tpu.memref_slice %arg11[%add3A_328] : memref<17408xi32, #tpu.memory_space<vmem_shared>> -> memref<16xi32, #tpu.memory_space<vmem_shared>>
    %dma_start3A_333 = tpu.memref_slice %arg10[%dma_start3A_329] : memref<16x!tpu.dma_semaphore, #tpu.memory_space<semaphore_mem>> -> memref<1x!tpu.dma_semaphore, #tpu.memory_space<semaphore_mem>>
    %dma_start3A_334 = tpu.memref_squeeze %dma_start3A_333 : memref<1x!tpu.dma_semaphore, #tpu.memory_space<semaphore_mem>> -> memref<!tpu.dma_semaphore, #tpu.memory_space<semaphore_mem>>
    %dma_start3A_335 = tpu.memref_slice %arg11[%add3A_328] : memref<17408xi32, #tpu.memory_space<vmem_shared>> -> memref<16xi32, #tpu.memory_space<vmem_shared>>
    %dma_start3A_336 = arith.constant 160 : i32
    %dma_start3A_337 = tpu.memref_slice %arg6[%dma_start3A_336] : memref<256xi32, #tpu.memory_space<vmem>> -> memref<16xi32, #tpu.memory_space<vmem>>
    tpu.enqueue_dma source(%dma_start3A_337 : memref<16xi32, #tpu.memory_space<vmem>>) target(%dma_start3A_335 : memref<16xi32, #tpu.memory_space<vmem_shared>>) target_semaphore(%dma_start3A_334 : memref<!tpu.dma_semaphore, #tpu.memory_space<semaphore_mem>>)
    %mul3A_338 = arith.constant 16 : i32
    %mul3A_339 = arith.muli %arg1, %mul3A_338 : i32
    %add3A_340 = arith.constant 2816 : i32
    %add3A_341 = arith.addi %add3A_340, %mul3A_339 : i32
    %dma_start3A_342 = arith.constant 11 : i32
    %dma_start3A_343 = arith.constant 176 : i32
    %dma_start3A_344 = tpu.memref_slice %arg6[%dma_start3A_343] : memref<256xi32, #tpu.memory_space<vmem>> -> memref<16xi32, #tpu.memory_space<vmem>>
    %dma_start3A_345 = tpu.memref_slice %arg11[%add3A_341] : memref<17408xi32, #tpu.memory_space<vmem_shared>> -> memref<16xi32, #tpu.memory_space<vmem_shared>>
    %dma_start3A_346 = tpu.memref_slice %arg10[%dma_start3A_342] : memref<16x!tpu.dma_semaphore, #tpu.memory_space<semaphore_mem>> -> memref<1x!tpu.dma_semaphore, #tpu.memory_space<semaphore_mem>>
    %dma_start3A_347 = tpu.memref_squeeze %dma_start3A_346 : memref<1x!tpu.dma_semaphore, #tpu.memory_space<semaphore_mem>> -> memref<!tpu.dma_semaphore, #tpu.memory_space<semaphore_mem>>
    %dma_start3A_348 = tpu.memref_slice %arg11[%add3A_341] : memref<17408xi32, #tpu.memory_space<vmem_shared>> -> memref<16xi32, #tpu.memory_space<vmem_shared>>
    %dma_start3A_349 = arith.constant 176 : i32
    %dma_start3A_350 = tpu.memref_slice %arg6[%dma_start3A_349] : memref<256xi32, #tpu.memory_space<vmem>> -> memref<16xi32, #tpu.memory_space<vmem>>
    tpu.enqueue_dma source(%dma_start3A_350 : memref<16xi32, #tpu.memory_space<vmem>>) target(%dma_start3A_348 : memref<16xi32, #tpu.memory_space<vmem_shared>>) target_semaphore(%dma_start3A_347 : memref<!tpu.dma_semaphore, #tpu.memory_space<semaphore_mem>>)
    %mul3A_351 = arith.constant 16 : i32
    %mul3A_352 = arith.muli %arg1, %mul3A_351 : i32
    %add3A_353 = arith.constant 3072 : i32
    %add3A_354 = arith.addi %add3A_353, %mul3A_352 : i32
    %dma_start3A_355 = arith.constant 12 : i32
    %dma_start3A_356 = arith.constant 192 : i32
    %dma_start3A_357 = tpu.memref_slice %arg6[%dma_start3A_356] : memref<256xi32, #tpu.memory_space<vmem>> -> memref<16xi32, #tpu.memory_space<vmem>>
    %dma_start3A_358 = tpu.memref_slice %arg11[%add3A_354] : memref<17408xi32, #tpu.memory_space<vmem_shared>> -> memref<16xi32, #tpu.memory_space<vmem_shared>>
    %dma_start3A_359 = tpu.memref_slice %arg10[%dma_start3A_355] : memref<16x!tpu.dma_semaphore, #tpu.memory_space<semaphore_mem>> -> memref<1x!tpu.dma_semaphore, #tpu.memory_space<semaphore_mem>>
    %dma_start3A_360 = tpu.memref_squeeze %dma_start3A_359 : memref<1x!tpu.dma_semaphore, #tpu.memory_space<semaphore_mem>> -> memref<!tpu.dma_semaphore, #tpu.memory_space<semaphore_mem>>
    %dma_start3A_361 = tpu.memref_slice %arg11[%add3A_354] : memref<17408xi32, #tpu.memory_space<vmem_shared>> -> memref<16xi32, #tpu.memory_space<vmem_shared>>
    %dma_start3A_362 = arith.constant 192 : i32
    %dma_start3A_363 = tpu.memref_slice %arg6[%dma_start3A_362] : memref<256xi32, #tpu.memory_space<vmem>> -> memref<16xi32, #tpu.memory_space<vmem>>
    tpu.enqueue_dma source(%dma_start3A_363 : memref<16xi32, #tpu.memory_space<vmem>>) target(%dma_start3A_361 : memref<16xi32, #tpu.memory_space<vmem_shared>>) target_semaphore(%dma_start3A_360 : memref<!tpu.dma_semaphore, #tpu.memory_space<semaphore_mem>>)
    %mul3A_364 = arith.constant 16 : i32
    %mul3A_365 = arith.muli %arg1, %mul3A_364 : i32
    %add3A_366 = arith.constant 3328 : i32
    %add3A_367 = arith.addi %add3A_366, %mul3A_365 : i32
    %dma_start3A_368 = arith.constant 13 : i32
    %dma_start3A_369 = arith.constant 208 : i32
    %dma_start3A_370 = tpu.memref_slice %arg6[%dma_start3A_369] : memref<256xi32, #tpu.memory_space<vmem>> -> memref<16xi32, #tpu.memory_space<vmem>>
    %dma_start3A_371 = tpu.memref_slice %arg11[%add3A_367] : memref<17408xi32, #tpu.memory_space<vmem_shared>> -> memref<16xi32, #tpu.memory_space<vmem_shared>>
    %dma_start3A_372 = tpu.memref_slice %arg10[%dma_start3A_368] : memref<16x!tpu.dma_semaphore, #tpu.memory_space<semaphore_mem>> -> memref<1x!tpu.dma_semaphore, #tpu.memory_space<semaphore_mem>>
    %dma_start3A_373 = tpu.memref_squeeze %dma_start3A_372 : memref<1x!tpu.dma_semaphore, #tpu.memory_space<semaphore_mem>> -> memref<!tpu.dma_semaphore, #tpu.memory_space<semaphore_mem>>
    %dma_start3A_374 = tpu.memref_slice %arg11[%add3A_367] : memref<17408xi32, #tpu.memory_space<vmem_shared>> -> memref<16xi32, #tpu.memory_space<vmem_shared>>
    %dma_start3A_375 = arith.constant 208 : i32
    %dma_start3A_376 = tpu.memref_slice %arg6[%dma_start3A_375] : memref<256xi32, #tpu.memory_space<vmem>> -> memref<16xi32, #tpu.memory_space<vmem>>
    tpu.enqueue_dma source(%dma_start3A_376 : memref<16xi32, #tpu.memory_space<vmem>>) target(%dma_start3A_374 : memref<16xi32, #tpu.memory_space<vmem_shared>>) target_semaphore(%dma_start3A_373 : memref<!tpu.dma_semaphore, #tpu.memory_space<semaphore_mem>>)
    %mul3A_377 = arith.constant 16 : i32
    %mul3A_378 = arith.muli %arg1, %mul3A_377 : i32
    %add3A_379 = arith.constant 3584 : i32
    %add3A_380 = arith.addi %add3A_379, %mul3A_378 : i32
    %dma_start3A_381 = arith.constant 14 : i32
    %dma_start3A_382 = arith.constant 224 : i32
    %dma_start3A_383 = tpu.memref_slice %arg6[%dma_start3A_382] : memref<256xi32, #tpu.memory_space<vmem>> -> memref<16xi32, #tpu.memory_space<vmem>>
    %dma_start3A_384 = tpu.memref_slice %arg11[%add3A_380] : memref<17408xi32, #tpu.memory_space<vmem_shared>> -> memref<16xi32, #tpu.memory_space<vmem_shared>>
    %dma_start3A_385 = tpu.memref_slice %arg10[%dma_start3A_381] : memref<16x!tpu.dma_semaphore, #tpu.memory_space<semaphore_mem>> -> memref<1x!tpu.dma_semaphore, #tpu.memory_space<semaphore_mem>>
    %dma_start3A_386 = tpu.memref_squeeze %dma_start3A_385 : memref<1x!tpu.dma_semaphore, #tpu.memory_space<semaphore_mem>> -> memref<!tpu.dma_semaphore, #tpu.memory_space<semaphore_mem>>
    %dma_start3A_387 = tpu.memref_slice %arg11[%add3A_380] : memref<17408xi32, #tpu.memory_space<vmem_shared>> -> memref<16xi32, #tpu.memory_space<vmem_shared>>
    %dma_start3A_388 = arith.constant 224 : i32
    %dma_start3A_389 = tpu.memref_slice %arg6[%dma_start3A_388] : memref<256xi32, #tpu.memory_space<vmem>> -> memref<16xi32, #tpu.memory_space<vmem>>
    tpu.enqueue_dma source(%dma_start3A_389 : memref<16xi32, #tpu.memory_space<vmem>>) target(%dma_start3A_387 : memref<16xi32, #tpu.memory_space<vmem_shared>>) target_semaphore(%dma_start3A_386 : memref<!tpu.dma_semaphore, #tpu.memory_space<semaphore_mem>>)
    %mul3A_390 = arith.constant 16 : i32
    %mul3A_391 = arith.muli %arg1, %mul3A_390 : i32
    %add3A_392 = arith.constant 3840 : i32
    %add3A_393 = arith.addi %add3A_392, %mul3A_391 : i32
    %dma_start3A_394 = arith.constant 15 : i32
    %dma_start3A_395 = arith.constant 240 : i32
    %dma_start3A_396 = tpu.memref_slice %arg6[%dma_start3A_395] : memref<256xi32, #tpu.memory_space<vmem>> -> memref<16xi32, #tpu.memory_space<vmem>>
    %dma_start3A_397 = tpu.memref_slice %arg11[%add3A_393] : memref<17408xi32, #tpu.memory_space<vmem_shared>> -> memref<16xi32, #tpu.memory_space<vmem_shared>>
    %dma_start3A_398 = tpu.memref_slice %arg10[%dma_start3A_394] : memref<16x!tpu.dma_semaphore, #tpu.memory_space<semaphore_mem>> -> memref<1x!tpu.dma_semaphore, #tpu.memory_space<semaphore_mem>>
    %dma_start3A_399 = tpu.memref_squeeze %dma_start3A_398 : memref<1x!tpu.dma_semaphore, #tpu.memory_space<semaphore_mem>> -> memref<!tpu.dma_semaphore, #tpu.memory_space<semaphore_mem>>
    %dma_start3A_400 = tpu.memref_slice %arg11[%add3A_393] : memref<17408xi32, #tpu.memory_space<vmem_shared>> -> memref<16xi32, #tpu.memory_space<vmem_shared>>
    %dma_start3A_401 = arith.constant 240 : i32
    %dma_start3A_402 = tpu.memref_slice %arg6[%dma_start3A_401] : memref<256xi32, #tpu.memory_space<vmem>> -> memref<16xi32, #tpu.memory_space<vmem>>
    tpu.enqueue_dma source(%dma_start3A_402 : memref<16xi32, #tpu.memory_space<vmem>>) target(%dma_start3A_400 : memref<16xi32, #tpu.memory_space<vmem_shared>>) target_semaphore(%dma_start3A_399 : memref<!tpu.dma_semaphore, #tpu.memory_space<semaphore_mem>>)
    %dma_wait3A_403 = arith.constant 0 : i32
    %dma_wait3A_404 = arith.constant 0 : i32
    %dma_wait3A_405 = tpu.memref_slice %arg6[%dma_wait3A_404] : memref<256xi32, #tpu.memory_space<vmem>> -> memref<16xi32, #tpu.memory_space<vmem>>
    %dma_wait3A_406 = tpu.memref_slice %arg11[%add3A_198] : memref<17408xi32, #tpu.memory_space<vmem_shared>> -> memref<16xi32, #tpu.memory_space<vmem_shared>>
    %dma_wait3A_407 = tpu.memref_slice %arg10[%dma_wait3A_403] : memref<16x!tpu.dma_semaphore, #tpu.memory_space<semaphore_mem>> -> memref<1x!tpu.dma_semaphore, #tpu.memory_space<semaphore_mem>>
    %dma_wait3A_408 = tpu.memref_squeeze %dma_wait3A_407 : memref<1x!tpu.dma_semaphore, #tpu.memory_space<semaphore_mem>> -> memref<!tpu.dma_semaphore, #tpu.memory_space<semaphore_mem>>
    %dma_wait3A_409 = tpu.memref_slice %arg11[%add3A_198] : memref<17408xi32, #tpu.memory_space<vmem_shared>> -> memref<16xi32, #tpu.memory_space<vmem_shared>>
    %dma_wait3A_410 = arith.constant 0 : i32
    %dma_wait3A_411 = tpu.memref_slice %arg6[%dma_wait3A_410] : memref<256xi32, #tpu.memory_space<vmem>> -> memref<16xi32, #tpu.memory_space<vmem>>
    tpu.wait_dma2 semaphore(%dma_wait3A_408 : memref<!tpu.dma_semaphore, #tpu.memory_space<semaphore_mem>>) src(%dma_wait3A_411 : memref<16xi32, #tpu.memory_space<vmem>>) dst(%dma_wait3A_409 : memref<16xi32, #tpu.memory_space<vmem_shared>>)
    %dma_wait3A_412 = arith.constant 1 : i32
    %dma_wait3A_413 = arith.constant 16 : i32
    %dma_wait3A_414 = tpu.memref_slice %arg6[%dma_wait3A_413] : memref<256xi32, #tpu.memory_space<vmem>> -> memref<16xi32, #tpu.memory_space<vmem>>
    %dma_wait3A_415 = tpu.memref_slice %arg11[%add3A_211] : memref<17408xi32, #tpu.memory_space<vmem_shared>> -> memref<16xi32, #tpu.memory_space<vmem_shared>>
    %dma_wait3A_416 = tpu.memref_slice %arg10[%dma_wait3A_412] : memref<16x!tpu.dma_semaphore, #tpu.memory_space<semaphore_mem>> -> memref<1x!tpu.dma_semaphore, #tpu.memory_space<semaphore_mem>>
    %dma_wait3A_417 = tpu.memref_squeeze %dma_wait3A_416 : memref<1x!tpu.dma_semaphore, #tpu.memory_space<semaphore_mem>> -> memref<!tpu.dma_semaphore, #tpu.memory_space<semaphore_mem>>
    %dma_wait3A_418 = tpu.memref_slice %arg11[%add3A_211] : memref<17408xi32, #tpu.memory_space<vmem_shared>> -> memref<16xi32, #tpu.memory_space<vmem_shared>>
    %dma_wait3A_419 = arith.constant 16 : i32
    %dma_wait3A_420 = tpu.memref_slice %arg6[%dma_wait3A_419] : memref<256xi32, #tpu.memory_space<vmem>> -> memref<16xi32, #tpu.memory_space<vmem>>
    tpu.wait_dma2 semaphore(%dma_wait3A_417 : memref<!tpu.dma_semaphore, #tpu.memory_space<semaphore_mem>>) src(%dma_wait3A_420 : memref<16xi32, #tpu.memory_space<vmem>>) dst(%dma_wait3A_418 : memref<16xi32, #tpu.memory_space<vmem_shared>>)
    %dma_wait3A_421 = arith.constant 2 : i32
    %dma_wait3A_422 = arith.constant 32 : i32
    %dma_wait3A_423 = tpu.memref_slice %arg6[%dma_wait3A_422] : memref<256xi32, #tpu.memory_space<vmem>> -> memref<16xi32, #tpu.memory_space<vmem>>
    %dma_wait3A_424 = tpu.memref_slice %arg11[%add3A_224] : memref<17408xi32, #tpu.memory_space<vmem_shared>> -> memref<16xi32, #tpu.memory_space<vmem_shared>>
    %dma_wait3A_425 = tpu.memref_slice %arg10[%dma_wait3A_421] : memref<16x!tpu.dma_semaphore, #tpu.memory_space<semaphore_mem>> -> memref<1x!tpu.dma_semaphore, #tpu.memory_space<semaphore_mem>>
    %dma_wait3A_426 = tpu.memref_squeeze %dma_wait3A_425 : memref<1x!tpu.dma_semaphore, #tpu.memory_space<semaphore_mem>> -> memref<!tpu.dma_semaphore, #tpu.memory_space<semaphore_mem>>
    %dma_wait3A_427 = tpu.memref_slice %arg11[%add3A_224] : memref<17408xi32, #tpu.memory_space<vmem_shared>> -> memref<16xi32, #tpu.memory_space<vmem_shared>>
    %dma_wait3A_428 = arith.constant 32 : i32
    %dma_wait3A_429 = tpu.memref_slice %arg6[%dma_wait3A_428] : memref<256xi32, #tpu.memory_space<vmem>> -> memref<16xi32, #tpu.memory_space<vmem>>
    tpu.wait_dma2 semaphore(%dma_wait3A_426 : memref<!tpu.dma_semaphore, #tpu.memory_space<semaphore_mem>>) src(%dma_wait3A_429 : memref<16xi32, #tpu.memory_space<vmem>>) dst(%dma_wait3A_427 : memref<16xi32, #tpu.memory_space<vmem_shared>>)
    %dma_wait3A_430 = arith.constant 3 : i32
    %dma_wait3A_431 = arith.constant 48 : i32
    %dma_wait3A_432 = tpu.memref_slice %arg6[%dma_wait3A_431] : memref<256xi32, #tpu.memory_space<vmem>> -> memref<16xi32, #tpu.memory_space<vmem>>
    %dma_wait3A_433 = tpu.memref_slice %arg11[%add3A_237] : memref<17408xi32, #tpu.memory_space<vmem_shared>> -> memref<16xi32, #tpu.memory_space<vmem_shared>>
    %dma_wait3A_434 = tpu.memref_slice %arg10[%dma_wait3A_430] : memref<16x!tpu.dma_semaphore, #tpu.memory_space<semaphore_mem>> -> memref<1x!tpu.dma_semaphore, #tpu.memory_space<semaphore_mem>>
    %dma_wait3A_435 = tpu.memref_squeeze %dma_wait3A_434 : memref<1x!tpu.dma_semaphore, #tpu.memory_space<semaphore_mem>> -> memref<!tpu.dma_semaphore, #tpu.memory_space<semaphore_mem>>
    %dma_wait3A_436 = tpu.memref_slice %arg11[%add3A_237] : memref<17408xi32, #tpu.memory_space<vmem_shared>> -> memref<16xi32, #tpu.memory_space<vmem_shared>>
    %dma_wait3A_437 = arith.constant 48 : i32
    %dma_wait3A_438 = tpu.memref_slice %arg6[%dma_wait3A_437] : memref<256xi32, #tpu.memory_space<vmem>> -> memref<16xi32, #tpu.memory_space<vmem>>
    tpu.wait_dma2 semaphore(%dma_wait3A_435 : memref<!tpu.dma_semaphore, #tpu.memory_space<semaphore_mem>>) src(%dma_wait3A_438 : memref<16xi32, #tpu.memory_space<vmem>>) dst(%dma_wait3A_436 : memref<16xi32, #tpu.memory_space<vmem_shared>>)
    %dma_wait3A_439 = arith.constant 4 : i32
    %dma_wait3A_440 = arith.constant 64 : i32
    %dma_wait3A_441 = tpu.memref_slice %arg6[%dma_wait3A_440] : memref<256xi32, #tpu.memory_space<vmem>> -> memref<16xi32, #tpu.memory_space<vmem>>
    %dma_wait3A_442 = tpu.memref_slice %arg11[%add3A_250] : memref<17408xi32, #tpu.memory_space<vmem_shared>> -> memref<16xi32, #tpu.memory_space<vmem_shared>>
    %dma_wait3A_443 = tpu.memref_slice %arg10[%dma_wait3A_439] : memref<16x!tpu.dma_semaphore, #tpu.memory_space<semaphore_mem>> -> memref<1x!tpu.dma_semaphore, #tpu.memory_space<semaphore_mem>>
    %dma_wait3A_444 = tpu.memref_squeeze %dma_wait3A_443 : memref<1x!tpu.dma_semaphore, #tpu.memory_space<semaphore_mem>> -> memref<!tpu.dma_semaphore, #tpu.memory_space<semaphore_mem>>
    %dma_wait3A_445 = tpu.memref_slice %arg11[%add3A_250] : memref<17408xi32, #tpu.memory_space<vmem_shared>> -> memref<16xi32, #tpu.memory_space<vmem_shared>>
    %dma_wait3A_446 = arith.constant 64 : i32
    %dma_wait3A_447 = tpu.memref_slice %arg6[%dma_wait3A_446] : memref<256xi32, #tpu.memory_space<vmem>> -> memref<16xi32, #tpu.memory_space<vmem>>
    tpu.wait_dma2 semaphore(%dma_wait3A_444 : memref<!tpu.dma_semaphore, #tpu.memory_space<semaphore_mem>>) src(%dma_wait3A_447 : memref<16xi32, #tpu.memory_space<vmem>>) dst(%dma_wait3A_445 : memref<16xi32, #tpu.memory_space<vmem_shared>>)
    %dma_wait3A_448 = arith.constant 5 : i32
    %dma_wait3A_449 = arith.constant 80 : i32
    %dma_wait3A_450 = tpu.memref_slice %arg6[%dma_wait3A_449] : memref<256xi32, #tpu.memory_space<vmem>> -> memref<16xi32, #tpu.memory_space<vmem>>
    %dma_wait3A_451 = tpu.memref_slice %arg11[%add3A_263] : memref<17408xi32, #tpu.memory_space<vmem_shared>> -> memref<16xi32, #tpu.memory_space<vmem_shared>>
    %dma_wait3A_452 = tpu.memref_slice %arg10[%dma_wait3A_448] : memref<16x!tpu.dma_semaphore, #tpu.memory_space<semaphore_mem>> -> memref<1x!tpu.dma_semaphore, #tpu.memory_space<semaphore_mem>>
    %dma_wait3A_453 = tpu.memref_squeeze %dma_wait3A_452 : memref<1x!tpu.dma_semaphore, #tpu.memory_space<semaphore_mem>> -> memref<!tpu.dma_semaphore, #tpu.memory_space<semaphore_mem>>
    %dma_wait3A_454 = tpu.memref_slice %arg11[%add3A_263] : memref<17408xi32, #tpu.memory_space<vmem_shared>> -> memref<16xi32, #tpu.memory_space<vmem_shared>>
    %dma_wait3A_455 = arith.constant 80 : i32
    %dma_wait3A_456 = tpu.memref_slice %arg6[%dma_wait3A_455] : memref<256xi32, #tpu.memory_space<vmem>> -> memref<16xi32, #tpu.memory_space<vmem>>
    tpu.wait_dma2 semaphore(%dma_wait3A_453 : memref<!tpu.dma_semaphore, #tpu.memory_space<semaphore_mem>>) src(%dma_wait3A_456 : memref<16xi32, #tpu.memory_space<vmem>>) dst(%dma_wait3A_454 : memref<16xi32, #tpu.memory_space<vmem_shared>>)
    %dma_wait3A_457 = arith.constant 6 : i32
    %dma_wait3A_458 = arith.constant 96 : i32
    %dma_wait3A_459 = tpu.memref_slice %arg6[%dma_wait3A_458] : memref<256xi32, #tpu.memory_space<vmem>> -> memref<16xi32, #tpu.memory_space<vmem>>
    %dma_wait3A_460 = tpu.memref_slice %arg11[%add3A_276] : memref<17408xi32, #tpu.memory_space<vmem_shared>> -> memref<16xi32, #tpu.memory_space<vmem_shared>>
    %dma_wait3A_461 = tpu.memref_slice %arg10[%dma_wait3A_457] : memref<16x!tpu.dma_semaphore, #tpu.memory_space<semaphore_mem>> -> memref<1x!tpu.dma_semaphore, #tpu.memory_space<semaphore_mem>>
    %dma_wait3A_462 = tpu.memref_squeeze %dma_wait3A_461 : memref<1x!tpu.dma_semaphore, #tpu.memory_space<semaphore_mem>> -> memref<!tpu.dma_semaphore, #tpu.memory_space<semaphore_mem>>
    %dma_wait3A_463 = tpu.memref_slice %arg11[%add3A_276] : memref<17408xi32, #tpu.memory_space<vmem_shared>> -> memref<16xi32, #tpu.memory_space<vmem_shared>>
    %dma_wait3A_464 = arith.constant 96 : i32
    %dma_wait3A_465 = tpu.memref_slice %arg6[%dma_wait3A_464] : memref<256xi32, #tpu.memory_space<vmem>> -> memref<16xi32, #tpu.memory_space<vmem>>
    tpu.wait_dma2 semaphore(%dma_wait3A_462 : memref<!tpu.dma_semaphore, #tpu.memory_space<semaphore_mem>>) src(%dma_wait3A_465 : memref<16xi32, #tpu.memory_space<vmem>>) dst(%dma_wait3A_463 : memref<16xi32, #tpu.memory_space<vmem_shared>>)
    %dma_wait3A_466 = arith.constant 7 : i32
    %dma_wait3A_467 = arith.constant 112 : i32
    %dma_wait3A_468 = tpu.memref_slice %arg6[%dma_wait3A_467] : memref<256xi32, #tpu.memory_space<vmem>> -> memref<16xi32, #tpu.memory_space<vmem>>
    %dma_wait3A_469 = tpu.memref_slice %arg11[%add3A_289] : memref<17408xi32, #tpu.memory_space<vmem_shared>> -> memref<16xi32, #tpu.memory_space<vmem_shared>>
    %dma_wait3A_470 = tpu.memref_slice %arg10[%dma_wait3A_466] : memref<16x!tpu.dma_semaphore, #tpu.memory_space<semaphore_mem>> -> memref<1x!tpu.dma_semaphore, #tpu.memory_space<semaphore_mem>>
    %dma_wait3A_471 = tpu.memref_squeeze %dma_wait3A_470 : memref<1x!tpu.dma_semaphore, #tpu.memory_space<semaphore_mem>> -> memref<!tpu.dma_semaphore, #tpu.memory_space<semaphore_mem>>
    %dma_wait3A_472 = tpu.memref_slice %arg11[%add3A_289] : memref<17408xi32, #tpu.memory_space<vmem_shared>> -> memref<16xi32, #tpu.memory_space<vmem_shared>>
    %dma_wait3A_473 = arith.constant 112 : i32
    %dma_wait3A_474 = tpu.memref_slice %arg6[%dma_wait3A_473] : memref<256xi32, #tpu.memory_space<vmem>> -> memref<16xi32, #tpu.memory_space<vmem>>
    tpu.wait_dma2 semaphore(%dma_wait3A_471 : memref<!tpu.dma_semaphore, #tpu.memory_space<semaphore_mem>>) src(%dma_wait3A_474 : memref<16xi32, #tpu.memory_space<vmem>>) dst(%dma_wait3A_472 : memref<16xi32, #tpu.memory_space<vmem_shared>>)
    %dma_wait3A_475 = arith.constant 8 : i32
    %dma_wait3A_476 = arith.constant 128 : i32
    %dma_wait3A_477 = tpu.memref_slice %arg6[%dma_wait3A_476] : memref<256xi32, #tpu.memory_space<vmem>> -> memref<16xi32, #tpu.memory_space<vmem>>
    %dma_wait3A_478 = tpu.memref_slice %arg11[%add3A_302] : memref<17408xi32, #tpu.memory_space<vmem_shared>> -> memref<16xi32, #tpu.memory_space<vmem_shared>>
    %dma_wait3A_479 = tpu.memref_slice %arg10[%dma_wait3A_475] : memref<16x!tpu.dma_semaphore, #tpu.memory_space<semaphore_mem>> -> memref<1x!tpu.dma_semaphore, #tpu.memory_space<semaphore_mem>>
    %dma_wait3A_480 = tpu.memref_squeeze %dma_wait3A_479 : memref<1x!tpu.dma_semaphore, #tpu.memory_space<semaphore_mem>> -> memref<!tpu.dma_semaphore, #tpu.memory_space<semaphore_mem>>
    %dma_wait3A_481 = tpu.memref_slice %arg11[%add3A_302] : memref<17408xi32, #tpu.memory_space<vmem_shared>> -> memref<16xi32, #tpu.memory_space<vmem_shared>>
    %dma_wait3A_482 = arith.constant 128 : i32
    %dma_wait3A_483 = tpu.memref_slice %arg6[%dma_wait3A_482] : memref<256xi32, #tpu.memory_space<vmem>> -> memref<16xi32, #tpu.memory_space<vmem>>
    tpu.wait_dma2 semaphore(%dma_wait3A_480 : memref<!tpu.dma_semaphore, #tpu.memory_space<semaphore_mem>>) src(%dma_wait3A_483 : memref<16xi32, #tpu.memory_space<vmem>>) dst(%dma_wait3A_481 : memref<16xi32, #tpu.memory_space<vmem_shared>>)
    %dma_wait3A_484 = arith.constant 9 : i32
    %dma_wait3A_485 = arith.constant 144 : i32
    %dma_wait3A_486 = tpu.memref_slice %arg6[%dma_wait3A_485] : memref<256xi32, #tpu.memory_space<vmem>> -> memref<16xi32, #tpu.memory_space<vmem>>
    %dma_wait3A_487 = tpu.memref_slice %arg11[%add3A_315] : memref<17408xi32, #tpu.memory_space<vmem_shared>> -> memref<16xi32, #tpu.memory_space<vmem_shared>>
    %dma_wait3A_488 = tpu.memref_slice %arg10[%dma_wait3A_484] : memref<16x!tpu.dma_semaphore, #tpu.memory_space<semaphore_mem>> -> memref<1x!tpu.dma_semaphore, #tpu.memory_space<semaphore_mem>>
    %dma_wait3A_489 = tpu.memref_squeeze %dma_wait3A_488 : memref<1x!tpu.dma_semaphore, #tpu.memory_space<semaphore_mem>> -> memref<!tpu.dma_semaphore, #tpu.memory_space<semaphore_mem>>
    %dma_wait3A_490 = tpu.memref_slice %arg11[%add3A_315] : memref<17408xi32, #tpu.memory_space<vmem_shared>> -> memref<16xi32, #tpu.memory_space<vmem_shared>>
    %dma_wait3A_491 = arith.constant 144 : i32
    %dma_wait3A_492 = tpu.memref_slice %arg6[%dma_wait3A_491] : memref<256xi32, #tpu.memory_space<vmem>> -> memref<16xi32, #tpu.memory_space<vmem>>
    tpu.wait_dma2 semaphore(%dma_wait3A_489 : memref<!tpu.dma_semaphore, #tpu.memory_space<semaphore_mem>>) src(%dma_wait3A_492 : memref<16xi32, #tpu.memory_space<vmem>>) dst(%dma_wait3A_490 : memref<16xi32, #tpu.memory_space<vmem_shared>>)
    %dma_wait3A_493 = arith.constant 10 : i32
    %dma_wait3A_494 = arith.constant 160 : i32
    %dma_wait3A_495 = tpu.memref_slice %arg6[%dma_wait3A_494] : memref<256xi32, #tpu.memory_space<vmem>> -> memref<16xi32, #tpu.memory_space<vmem>>
    %dma_wait3A_496 = tpu.memref_slice %arg11[%add3A_328] : memref<17408xi32, #tpu.memory_space<vmem_shared>> -> memref<16xi32, #tpu.memory_space<vmem_shared>>
    %dma_wait3A_497 = tpu.memref_slice %arg10[%dma_wait3A_493] : memref<16x!tpu.dma_semaphore, #tpu.memory_space<semaphore_mem>> -> memref<1x!tpu.dma_semaphore, #tpu.memory_space<semaphore_mem>>
    %dma_wait3A_498 = tpu.memref_squeeze %dma_wait3A_497 : memref<1x!tpu.dma_semaphore, #tpu.memory_space<semaphore_mem>> -> memref<!tpu.dma_semaphore, #tpu.memory_space<semaphore_mem>>
    %dma_wait3A_499 = tpu.memref_slice %arg11[%add3A_328] : memref<17408xi32, #tpu.memory_space<vmem_shared>> -> memref<16xi32, #tpu.memory_space<vmem_shared>>
    %dma_wait3A_500 = arith.constant 160 : i32
    %dma_wait3A_501 = tpu.memref_slice %arg6[%dma_wait3A_500] : memref<256xi32, #tpu.memory_space<vmem>> -> memref<16xi32, #tpu.memory_space<vmem>>
    tpu.wait_dma2 semaphore(%dma_wait3A_498 : memref<!tpu.dma_semaphore, #tpu.memory_space<semaphore_mem>>) src(%dma_wait3A_501 : memref<16xi32, #tpu.memory_space<vmem>>) dst(%dma_wait3A_499 : memref<16xi32, #tpu.memory_space<vmem_shared>>)
    %dma_wait3A_502 = arith.constant 11 : i32
    %dma_wait3A_503 = arith.constant 176 : i32
    %dma_wait3A_504 = tpu.memref_slice %arg6[%dma_wait3A_503] : memref<256xi32, #tpu.memory_space<vmem>> -> memref<16xi32, #tpu.memory_space<vmem>>
    %dma_wait3A_505 = tpu.memref_slice %arg11[%add3A_341] : memref<17408xi32, #tpu.memory_space<vmem_shared>> -> memref<16xi32, #tpu.memory_space<vmem_shared>>
    %dma_wait3A_506 = tpu.memref_slice %arg10[%dma_wait3A_502] : memref<16x!tpu.dma_semaphore, #tpu.memory_space<semaphore_mem>> -> memref<1x!tpu.dma_semaphore, #tpu.memory_space<semaphore_mem>>
    %dma_wait3A_507 = tpu.memref_squeeze %dma_wait3A_506 : memref<1x!tpu.dma_semaphore, #tpu.memory_space<semaphore_mem>> -> memref<!tpu.dma_semaphore, #tpu.memory_space<semaphore_mem>>
    %dma_wait3A_508 = tpu.memref_slice %arg11[%add3A_341] : memref<17408xi32, #tpu.memory_space<vmem_shared>> -> memref<16xi32, #tpu.memory_space<vmem_shared>>
    %dma_wait3A_509 = arith.constant 176 : i32
    %dma_wait3A_510 = tpu.memref_slice %arg6[%dma_wait3A_509] : memref<256xi32, #tpu.memory_space<vmem>> -> memref<16xi32, #tpu.memory_space<vmem>>
    tpu.wait_dma2 semaphore(%dma_wait3A_507 : memref<!tpu.dma_semaphore, #tpu.memory_space<semaphore_mem>>) src(%dma_wait3A_510 : memref<16xi32, #tpu.memory_space<vmem>>) dst(%dma_wait3A_508 : memref<16xi32, #tpu.memory_space<vmem_shared>>)
    %dma_wait3A_511 = arith.constant 12 : i32
    %dma_wait3A_512 = arith.constant 192 : i32
    %dma_wait3A_513 = tpu.memref_slice %arg6[%dma_wait3A_512] : memref<256xi32, #tpu.memory_space<vmem>> -> memref<16xi32, #tpu.memory_space<vmem>>
    %dma_wait3A_514 = tpu.memref_slice %arg11[%add3A_354] : memref<17408xi32, #tpu.memory_space<vmem_shared>> -> memref<16xi32, #tpu.memory_space<vmem_shared>>
    %dma_wait3A_515 = tpu.memref_slice %arg10[%dma_wait3A_511] : memref<16x!tpu.dma_semaphore, #tpu.memory_space<semaphore_mem>> -> memref<1x!tpu.dma_semaphore, #tpu.memory_space<semaphore_mem>>
    %dma_wait3A_516 = tpu.memref_squeeze %dma_wait3A_515 : memref<1x!tpu.dma_semaphore, #tpu.memory_space<semaphore_mem>> -> memref<!tpu.dma_semaphore, #tpu.memory_space<semaphore_mem>>
    %dma_wait3A_517 = tpu.memref_slice %arg11[%add3A_354] : memref<17408xi32, #tpu.memory_space<vmem_shared>> -> memref<16xi32, #tpu.memory_space<vmem_shared>>
    %dma_wait3A_518 = arith.constant 192 : i32
    %dma_wait3A_519 = tpu.memref_slice %arg6[%dma_wait3A_518] : memref<256xi32, #tpu.memory_space<vmem>> -> memref<16xi32, #tpu.memory_space<vmem>>
    tpu.wait_dma2 semaphore(%dma_wait3A_516 : memref<!tpu.dma_semaphore, #tpu.memory_space<semaphore_mem>>) src(%dma_wait3A_519 : memref<16xi32, #tpu.memory_space<vmem>>) dst(%dma_wait3A_517 : memref<16xi32, #tpu.memory_space<vmem_shared>>)
    %dma_wait3A_520 = arith.constant 13 : i32
    %dma_wait3A_521 = arith.constant 208 : i32
    %dma_wait3A_522 = tpu.memref_slice %arg6[%dma_wait3A_521] : memref<256xi32, #tpu.memory_space<vmem>> -> memref<16xi32, #tpu.memory_space<vmem>>
    %dma_wait3A_523 = tpu.memref_slice %arg11[%add3A_367] : memref<17408xi32, #tpu.memory_space<vmem_shared>> -> memref<16xi32, #tpu.memory_space<vmem_shared>>
    %dma_wait3A_524 = tpu.memref_slice %arg10[%dma_wait3A_520] : memref<16x!tpu.dma_semaphore, #tpu.memory_space<semaphore_mem>> -> memref<1x!tpu.dma_semaphore, #tpu.memory_space<semaphore_mem>>
    %dma_wait3A_525 = tpu.memref_squeeze %dma_wait3A_524 : memref<1x!tpu.dma_semaphore, #tpu.memory_space<semaphore_mem>> -> memref<!tpu.dma_semaphore, #tpu.memory_space<semaphore_mem>>
    %dma_wait3A_526 = tpu.memref_slice %arg11[%add3A_367] : memref<17408xi32, #tpu.memory_space<vmem_shared>> -> memref<16xi32, #tpu.memory_space<vmem_shared>>
    %dma_wait3A_527 = arith.constant 208 : i32
    %dma_wait3A_528 = tpu.memref_slice %arg6[%dma_wait3A_527] : memref<256xi32, #tpu.memory_space<vmem>> -> memref<16xi32, #tpu.memory_space<vmem>>
    tpu.wait_dma2 semaphore(%dma_wait3A_525 : memref<!tpu.dma_semaphore, #tpu.memory_space<semaphore_mem>>) src(%dma_wait3A_528 : memref<16xi32, #tpu.memory_space<vmem>>) dst(%dma_wait3A_526 : memref<16xi32, #tpu.memory_space<vmem_shared>>)
    %dma_wait3A_529 = arith.constant 14 : i32
    %dma_wait3A_530 = arith.constant 224 : i32
    %dma_wait3A_531 = tpu.memref_slice %arg6[%dma_wait3A_530] : memref<256xi32, #tpu.memory_space<vmem>> -> memref<16xi32, #tpu.memory_space<vmem>>
    %dma_wait3A_532 = tpu.memref_slice %arg11[%add3A_380] : memref<17408xi32, #tpu.memory_space<vmem_shared>> -> memref<16xi32, #tpu.memory_space<vmem_shared>>
    %dma_wait3A_533 = tpu.memref_slice %arg10[%dma_wait3A_529] : memref<16x!tpu.dma_semaphore, #tpu.memory_space<semaphore_mem>> -> memref<1x!tpu.dma_semaphore, #tpu.memory_space<semaphore_mem>>
    %dma_wait3A_534 = tpu.memref_squeeze %dma_wait3A_533 : memref<1x!tpu.dma_semaphore, #tpu.memory_space<semaphore_mem>> -> memref<!tpu.dma_semaphore, #tpu.memory_space<semaphore_mem>>
    %dma_wait3A_535 = tpu.memref_slice %arg11[%add3A_380] : memref<17408xi32, #tpu.memory_space<vmem_shared>> -> memref<16xi32, #tpu.memory_space<vmem_shared>>
    %dma_wait3A_536 = arith.constant 224 : i32
    %dma_wait3A_537 = tpu.memref_slice %arg6[%dma_wait3A_536] : memref<256xi32, #tpu.memory_space<vmem>> -> memref<16xi32, #tpu.memory_space<vmem>>
    tpu.wait_dma2 semaphore(%dma_wait3A_534 : memref<!tpu.dma_semaphore, #tpu.memory_space<semaphore_mem>>) src(%dma_wait3A_537 : memref<16xi32, #tpu.memory_space<vmem>>) dst(%dma_wait3A_535 : memref<16xi32, #tpu.memory_space<vmem_shared>>)
    %dma_wait3A_538 = arith.constant 15 : i32
    %dma_wait3A_539 = arith.constant 240 : i32
    %dma_wait3A_540 = tpu.memref_slice %arg6[%dma_wait3A_539] : memref<256xi32, #tpu.memory_space<vmem>> -> memref<16xi32, #tpu.memory_space<vmem>>
    %dma_wait3A_541 = tpu.memref_slice %arg11[%add3A_393] : memref<17408xi32, #tpu.memory_space<vmem_shared>> -> memref<16xi32, #tpu.memory_space<vmem_shared>>
    %dma_wait3A_542 = tpu.memref_slice %arg10[%dma_wait3A_538] : memref<16x!tpu.dma_semaphore, #tpu.memory_space<semaphore_mem>> -> memref<1x!tpu.dma_semaphore, #tpu.memory_space<semaphore_mem>>
    %dma_wait3A_543 = tpu.memref_squeeze %dma_wait3A_542 : memref<1x!tpu.dma_semaphore, #tpu.memory_space<semaphore_mem>> -> memref<!tpu.dma_semaphore, #tpu.memory_space<semaphore_mem>>
    %dma_wait3A_544 = tpu.memref_slice %arg11[%add3A_393] : memref<17408xi32, #tpu.memory_space<vmem_shared>> -> memref<16xi32, #tpu.memory_space<vmem_shared>>
    %dma_wait3A_545 = arith.constant 240 : i32
    %dma_wait3A_546 = tpu.memref_slice %arg6[%dma_wait3A_545] : memref<256xi32, #tpu.memory_space<vmem>> -> memref<16xi32, #tpu.memory_space<vmem>>
    tpu.wait_dma2 semaphore(%dma_wait3A_543 : memref<!tpu.dma_semaphore, #tpu.memory_space<semaphore_mem>>) src(%dma_wait3A_546 : memref<16xi32, #tpu.memory_space<vmem>>) dst(%dma_wait3A_544 : memref<16xi32, #tpu.memory_space<vmem_shared>>)
    %barrier3A = arith.constant 0 : index
    tpu.barrier barrier_id(%barrier3A)
    %mul3A_547 = arith.constant 256 : i32
    %mul3A_548 = arith.muli %arg1, %mul3A_547 : i32
    %add3A_549 = arith.constant 0 : i32
    %add3A_550 = arith.addi %add3A_549, %mul3A_548 : i32
    "tpu.region"() ({
      %run_scoped3A = tpu.sem_alloc : memref<!tpu.dma_semaphore, #tpu.memory_space<semaphore_mem>>
      %dma_start3A_1818 = tpu.memref_slice %arg11[%add3A_550] : memref<17408xi32, #tpu.memory_space<vmem_shared>> -> memref<256xi32, #tpu.memory_space<vmem_shared>>
      %dma_start3A_1819 = tpu.memref_slice %arg11[%add3A_550] : memref<17408xi32, #tpu.memory_space<vmem_shared>> -> memref<256xi32, #tpu.memory_space<vmem_shared>>
      tpu.enqueue_dma source(%dma_start3A_1819 : memref<256xi32, #tpu.memory_space<vmem_shared>>) target(%arg6 : memref<256xi32, #tpu.memory_space<vmem>>) target_semaphore(%run_scoped3A : memref<!tpu.dma_semaphore, #tpu.memory_space<semaphore_mem>>)
      %dma_wait3A_1820 = tpu.memref_slice %arg11[%add3A_550] : memref<17408xi32, #tpu.memory_space<vmem_shared>> -> memref<256xi32, #tpu.memory_space<vmem_shared>>
      %dma_wait3A_1821 = tpu.memref_slice %arg11[%add3A_550] : memref<17408xi32, #tpu.memory_space<vmem_shared>> -> memref<256xi32, #tpu.memory_space<vmem_shared>>
      tpu.wait_dma2 semaphore(%run_scoped3A : memref<!tpu.dma_semaphore, #tpu.memory_space<semaphore_mem>>) src(%dma_wait3A_1821 : memref<256xi32, #tpu.memory_space<vmem_shared>>) dst(%arg6 : memref<256xi32, #tpu.memory_space<vmem>>)
      tpu.yield
    }) : () -> ()
    %scan3A_551 = arith.constant 0 : i32
    %scan3A_552 = arith.constant 16 : i32
    %scan3A_553 = arith.addi %scan3A_551, %scan3A_552 : i32
    %scan3A_554 = arith.constant 1 : i32
    %scan3A_555 = scf.for %scan3A_1818 = %scan3A_551 to %scan3A_553 step %scan3A_554 iter_args(%scan3A_1819 = %broadcast_in_dim3A_2) -> (vector<16xi32>)  : i32 {
      %mul3A_1820 = arith.constant 16 : i32
      %mul3A_1821 = arith.muli %scan3A_1818, %mul3A_1820 : i32
      %get3A = arith.index_cast %mul3A_1821 : i32 to index
      %get3A_1822 = tpu.vector_load %arg6[%get3A] {strides = array<i32>} : memref<256xi32, #tpu.memory_space<vmem>>, vector<16xi32>,
      %add3A_1823 = arith.addi %scan3A_1819, %get3A_1822 : vector<16xi32>
      scf.yield %add3A_1823 : vector<16xi32>
    }
    %scan3A_556 = arith.constant 16 : i32
    %swap3A = arith.constant 0 : index
    %swap3A_557 = tpu.vector_load %arg7[%swap3A] {strides = array<i32>} : memref<16xi32, #tpu.memory_space<vmem>>, vector<16xi32>,
    tpu.vector_store %arg7[%swap3A], %scan3A_555 {strides = array<i32>} : memref<16xi32, #tpu.memory_space<vmem>>, vector<16xi32>,
    %mul3A_558 = arith.constant 16 : i32
    %mul3A_559 = arith.muli %arg1, %mul3A_558 : i32
    %add3A_560 = arith.constant 16384 : i32
    %add3A_561 = arith.addi %add3A_560, %mul3A_559 : i32
    "tpu.region"() ({
      %run_scoped3A = tpu.sem_alloc : memref<!tpu.dma_semaphore, #tpu.memory_space<semaphore_mem>>
      %dma_start3A_1818 = tpu.memref_slice %arg11[%add3A_561] : memref<17408xi32, #tpu.memory_space<vmem_shared>> -> memref<16xi32, #tpu.memory_space<vmem_shared>>
      %dma_start3A_1819 = tpu.memref_slice %arg11[%add3A_561] : memref<17408xi32, #tpu.memory_space<vmem_shared>> -> memref<16xi32, #tpu.memory_space<vmem_shared>>
      tpu.enqueue_dma source(%arg7 : memref<16xi32, #tpu.memory_space<vmem>>) target(%dma_start3A_1819 : memref<16xi32, #tpu.memory_space<vmem_shared>>) target_semaphore(%run_scoped3A : memref<!tpu.dma_semaphore, #tpu.memory_space<semaphore_mem>>)
      %dma_wait3A_1820 = tpu.memref_slice %arg11[%add3A_561] : memref<17408xi32, #tpu.memory_space<vmem_shared>> -> memref<16xi32, #tpu.memory_space<vmem_shared>>
      %dma_wait3A_1821 = tpu.memref_slice %arg11[%add3A_561] : memref<17408xi32, #tpu.memory_space<vmem_shared>> -> memref<16xi32, #tpu.memory_space<vmem_shared>>
      tpu.wait_dma2 semaphore(%run_scoped3A : memref<!tpu.dma_semaphore, #tpu.memory_space<semaphore_mem>>) src(%arg7 : memref<16xi32, #tpu.memory_space<vmem>>) dst(%dma_wait3A_1821 : memref<16xi32, #tpu.memory_space<vmem_shared>>)
      tpu.yield
    }) : () -> ()
    %barrier3A_562 = arith.constant 0 : index
    tpu.barrier barrier_id(%barrier3A_562)
    "tpu.region"() ({
      %run_scoped3A = tpu.sem_alloc : memref<!tpu.dma_semaphore, #tpu.memory_space<semaphore_mem>>
      %dma_start3A_1818 = arith.constant 16384 : i32
      %dma_start3A_1819 = tpu.memref_slice %arg11[%dma_start3A_1818] : memref<17408xi32, #tpu.memory_space<vmem_shared>> -> memref<256xi32, #tpu.memory_space<vmem_shared>>
      %dma_start3A_1820 = arith.constant 16384 : i32
      %dma_start3A_1821 = tpu.memref_slice %arg11[%dma_start3A_1820] : memref<17408xi32, #tpu.memory_space<vmem_shared>> -> memref<256xi32, #tpu.memory_space<vmem_shared>>
      tpu.enqueue_dma source(%dma_start3A_1821 : memref<256xi32, #tpu.memory_space<vmem_shared>>) target(%arg6 : memref<256xi32, #tpu.memory_space<vmem>>) target_semaphore(%run_scoped3A : memref<!tpu.dma_semaphore, #tpu.memory_space<semaphore_mem>>)
      %dma_wait3A_1822 = arith.constant 16384 : i32
      %dma_wait3A_1823 = tpu.memref_slice %arg11[%dma_wait3A_1822] : memref<17408xi32, #tpu.memory_space<vmem_shared>> -> memref<256xi32, #tpu.memory_space<vmem_shared>>
      %dma_wait3A_1824 = arith.constant 16384 : i32
      %dma_wait3A_1825 = tpu.memref_slice %arg11[%dma_wait3A_1824] : memref<17408xi32, #tpu.memory_space<vmem_shared>> -> memref<256xi32, #tpu.memory_space<vmem_shared>>
      tpu.wait_dma2 semaphore(%run_scoped3A : memref<!tpu.dma_semaphore, #tpu.memory_space<semaphore_mem>>) src(%dma_wait3A_1825 : memref<256xi32, #tpu.memory_space<vmem_shared>>) dst(%arg6 : memref<256xi32, #tpu.memory_space<vmem>>)
      tpu.yield
    }) : () -> ()
    %scan3A_563 = arith.constant 52428 : i32
    %scan3A_564 = arith.constant 0 : i32
    %scan3A_565 = arith.constant 0 : i32
    %scan3A_566 = arith.constant 0 : i32
    %scan3A_567 = arith.constant 0 : i32
    %scan3A_568 = arith.constant 16 : i32
    %scan3A_569 = arith.addi %scan3A_567, %scan3A_568 : i32
    %scan3A_570 = arith.constant 1 : i32
    %scan3A_571:3 = scf.for %scan3A_1818 = %scan3A_567 to %scan3A_569 step %scan3A_570 iter_args(%scan3A_1819 = %scan3A_564, %scan3A_1820 = %scan3A_565, %scan3A_1821 = %scan3A_566) -> (i32, i32, i32)  : i32 {
      %mul3A_1822 = arith.constant 16 : i32
      %mul3A_1823 = arith.muli %scan3A_1818, %mul3A_1822 : i32
      %get3A = arith.index_cast %mul3A_1823 : i32 to index
      %get3A_1824 = tpu.vector_load %arg6[%get3A] {strides = array<i32>} : memref<256xi32, #tpu.memory_space<vmem>>, vector<16xi32>,
      %broadcast_in_dim3A_1825 = arith.constant true
      %broadcast_in_dim3A_1826 = vector.broadcast %broadcast_in_dim3A_1825 : i1 to vector<16xi1>
      %masked_cumsum3A = tpu.scan <sum>, %get3A_1824 masked %broadcast_in_dim3A_1826 : vector<16xi32>, vector<16xi1> -> vector<16xi32>
      %add3A_1827 = vector.broadcast %scan3A_1819 : i32 to vector<16xi32>
      %add3A_1828 = arith.addi %masked_cumsum3A, %add3A_1827 : vector<16xi32>
      %lt3A = vector.broadcast %scan3A_563 : i32 to vector<16xi32>
      %lt3A_1829 = arith.cmpi slt, %add3A_1828, %lt3A : vector<16xi32>
      %select_n3A = arith.select %lt3A_1829, %broadcast_in_dim3A_0, %broadcast_in_dim3A_2 : vector<16xi1>, vector<16xi32>
      %reduce_sum3A = arith.constant true
      %reduce_sum3A_1830 = vector.broadcast %reduce_sum3A : i1 to vector<16xi1>
      %reduce_sum3A_1831 = tpu.scan <sum>, %select_n3A masked %reduce_sum3A_1830 : vector<16xi32>, vector<16xi1> -> vector<16xi32>
      %reduce_sum3A_1832 = vector.extract %reduce_sum3A_1831[15] : i32 from vector<16xi32>
      %add3A_1833 = arith.addi %scan3A_1820, %reduce_sum3A_1832 : i32
      %select_n3A_1834 = arith.select %lt3A_1829, %get3A_1824, %broadcast_in_dim3A_2 : vector<16xi1>, vector<16xi32>
      %reduce_sum3A_1835 = arith.constant true
      %reduce_sum3A_1836 = vector.broadcast %reduce_sum3A_1835 : i1 to vector<16xi1>
      %reduce_sum3A_1837 = tpu.scan <sum>, %select_n3A_1834 masked %reduce_sum3A_1836 : vector<16xi32>, vector<16xi1> -> vector<16xi32>
      %reduce_sum3A_1838 = vector.extract %reduce_sum3A_1837[15] : i32 from vector<16xi32>
      %add3A_1839 = arith.addi %scan3A_1821, %reduce_sum3A_1838 : i32
      %reduce_sum3A_1840 = arith.constant true
      %reduce_sum3A_1841 = vector.broadcast %reduce_sum3A_1840 : i1 to vector<16xi1>
      %reduce_sum3A_1842 = tpu.scan <sum>, %get3A_1824 masked %reduce_sum3A_1841 : vector<16xi32>, vector<16xi1> -> vector<16xi32>
      %reduce_sum3A_1843 = vector.extract %reduce_sum3A_1842[15] : i32 from vector<16xi32>
      %add3A_1844 = arith.addi %scan3A_1819, %reduce_sum3A_1843 : i32
      scf.yield %add3A_1844, %add3A_1833, %add3A_1839 : i32, i32, i32
    }
    %scan3A_572 = arith.constant 16 : i32
    %sub3A = arith.constant 52428 : i32
    %sub3A_573 = arith.subi %sub3A, %scan3A_571#2 : i32
    %parallel_loop3A_574 = arith.constant 0 : i32
    %parallel_loop3A_575 = arith.constant 256 : i32
    %parallel_loop3A_576 = arith.constant 1 : i32
    scf.for %parallel_loop3A_1818 = %parallel_loop3A_574 to %parallel_loop3A_575 step %parallel_loop3A_576  : i32 {
      %parallel_loop3A_1819 = arith.constant 16 : i32
      %parallel_loop3A_1820 = arith.muli %parallel_loop3A_1818, %parallel_loop3A_1819 : i32
      %parallel_loop3A_1821 = arith.index_cast %parallel_loop3A_1820 : i32 to index
      %parallel_loop3A_1822 = tpu.vector_load %arg5[%parallel_loop3A_1821] {strides = array<i32>} : memref<4096xi32, #tpu.memory_space<vmem>>, vector<16xi32>,
      tpu.vector_store %arg5[%parallel_loop3A_1821], %broadcast_in_dim3A_2 {strides = array<i32>} : memref<4096xi32, #tpu.memory_space<vmem>>, vector<16xi32>,
    } {sc.loop_unroll_factor = 8 : i64, sc.parallel_access}
    %shift_left3A = arith.constant 24 : i32
    %shift_left3A_577 = arith.shli %scan3A_571#1, %shift_left3A : i32
    %add3A_578 = arith.constant 65536 : i32
    %add3A_579 = arith.constant 16 : i32
    %add3A_580 = arith.addi %add3A_578, %add3A_579 : i32
    %sub3A_581 = arith.constant 1 : i32
    %sub3A_582 = arith.subi %add3A_580, %sub3A_581 : i32
    %shift_right_arithmetic3A = arith.constant 4 : i32
    %shift_right_arithmetic3A_583 = arith.shrsi %sub3A_582, %shift_right_arithmetic3A : i32
    %parallel_loop3A_584 = arith.constant 0 : i32
    %parallel_loop3A_585 = arith.constant 1 : i32
    %parallel_loop3A_586 = arith.constant 65536 : i32
    %parallel_loop3A_587 = arith.constant 24 : i32
    %parallel_loop3A_588 = arith.constant 16 : i32
    %parallel_loop3A_589 = arith.constant 0 : i32
    %parallel_loop3A_590:2 = scf.for %parallel_loop3A_1818 = %parallel_loop3A_584 to %shift_right_arithmetic3A_583 step %parallel_loop3A_585 iter_args(%parallel_loop3A_1819 = %parallel_loop3A_589, %parallel_loop3A_1820 = %broadcast_in_dim3A_4) -> (i32, vector<16xf32>)  : i32 {
      %parallel_loop3A_1821 = arith.constant 16 : i32
      %parallel_loop3A_1822 = arith.muli %parallel_loop3A_1818, %parallel_loop3A_1821 : i32
      %parallel_loop3A_1823 = arith.index_cast %parallel_loop3A_1822 : i32 to index
      %parallel_loop3A_1824 = tpu.vector_load %arg4[%parallel_loop3A_1823] {strides = array<i32>} : memref<65536xf32, #tpu.memory_space<vmem>>, vector<16xf32>,
      %parallel_loop3A_1825 = tpu.bitcast %parallel_loop3A_1824 : vector<16xf32> -> vector<16xi32>
      %parallel_loop3A_1826 = arith.constant 31 : i32
      %parallel_loop3A_1827 = vector.broadcast %parallel_loop3A_1826 : i32 to vector<16xi32>
      %parallel_loop3A_1828 = arith.shrsi %parallel_loop3A_1825, %parallel_loop3A_1827 : vector<16xi32>
      %parallel_loop3A_1829 = arith.constant -2147483648 : i32
      %parallel_loop3A_1830 = vector.broadcast %parallel_loop3A_1829 : i32 to vector<16xi32>
      %parallel_loop3A_1831 = arith.ori %parallel_loop3A_1828, %parallel_loop3A_1830 : vector<16xi32>
      %parallel_loop3A_1832 = arith.xori %parallel_loop3A_1825, %parallel_loop3A_1831 : vector<16xi32>
      %parallel_loop3A_1833 = tpu.bitcast %parallel_loop3A_1832 : vector<16xi32> -> vector<16xi32>
      %parallel_loop3A_1834 = arith.constant 16 : i32
      %parallel_loop3A_1835 = arith.muli %parallel_loop3A_1818, %parallel_loop3A_1834 : i32
      %parallel_loop3A_1836 = vector.broadcast %parallel_loop3A_1835 : i32 to vector<16xi32>
      %parallel_loop3A_1837 = arith.addi %parallel_loop3A_1836, %iota3A : vector<16xi32>
      %parallel_loop3A_1838 = vector.broadcast %parallel_loop3A_586 : i32 to vector<16xi32>
      %parallel_loop3A_1839 = arith.cmpi slt, %parallel_loop3A_1837, %parallel_loop3A_1838 : vector<16xi32>
      %parallel_loop3A_1840 = vector.broadcast %parallel_loop3A_587 : i32 to vector<16xi32>
      %parallel_loop3A_1841 = arith.shrui %parallel_loop3A_1833, %parallel_loop3A_1840 : vector<16xi32>
      %parallel_loop3A_1842 = vector.broadcast %scan3A_571#1 : i32 to vector<16xi32>
      %parallel_loop3A_1843 = arith.cmpi eq, %parallel_loop3A_1841, %parallel_loop3A_1842 : vector<16xi32>
      %parallel_loop3A_1844 = arith.andi %parallel_loop3A_1839, %parallel_loop3A_1843 : vector<16xi1>
      %parallel_loop3A_1845 = vector.broadcast %shift_left3A_577 : i32 to vector<16xi32>
      %parallel_loop3A_1846 = arith.cmpi ult, %parallel_loop3A_1833, %parallel_loop3A_1845 : vector<16xi32>
      %parallel_loop3A_1847 = arith.andi %parallel_loop3A_1839, %parallel_loop3A_1846 : vector<16xi1>
      %parallel_loop3A_1848 = vector.broadcast %parallel_loop3A_588 : i32 to vector<16xi32>
      %parallel_loop3A_1849 = arith.shrui %parallel_loop3A_1833, %parallel_loop3A_1848 : vector<16xi32>
      %parallel_loop3A_1850 = arith.constant 255 : i32
      %parallel_loop3A_1851 = vector.broadcast %parallel_loop3A_1850 : i32 to vector<16xi32>
      %parallel_loop3A_1852 = arith.andi %parallel_loop3A_1849, %parallel_loop3A_1851 : vector<16xi32>
      %parallel_loop3A_1853 = arith.constant 256 : i32
      %parallel_loop3A_1854 = vector.broadcast %parallel_loop3A_1853 : i32 to vector<16xi32>
      %parallel_loop3A_1855 = arith.muli %iota3A, %parallel_loop3A_1854 : vector<16xi32>
      %parallel_loop3A_1856 = arith.addi %parallel_loop3A_1855, %parallel_loop3A_1852 : vector<16xi32>
      tpu.vector_store_idx %arg5[%parallel_loop3A_1856], %broadcast_in_dim3A_0 masked %parallel_loop3A_1844 {add = true} : memref<4096xi32, #tpu.memory_space<vmem>>[vector<16xi32>], vector<16xi32>, vector<16xi1>
      %parallel_loop3A_1857 = arith.select %parallel_loop3A_1847, %parallel_loop3A_1824, %broadcast_in_dim3A_4 : vector<16xi1>, vector<16xf32>
      %parallel_loop3A_1858 = arith.addf %parallel_loop3A_1820, %parallel_loop3A_1857 : vector<16xf32>
      %parallel_loop3A_1859 = arith.index_cast %parallel_loop3A_1819 : i32 to index
      %parallel_loop3A_1860 = tpu.vector_load %arg4[%parallel_loop3A_1859] masked %parallel_loop3A_1844 {strides = array<i32>} : memref<65536xf32, #tpu.memory_space<vmem>>, vector<16xf32>, vector<16xi1>
      tpu.vector_store %arg4[%parallel_loop3A_1859], %parallel_loop3A_1824 masked %parallel_loop3A_1844 {strides = array<i32>} : memref<65536xf32, #tpu.memory_space<vmem>>, vector<16xf32>, vector<16xi1>
      %parallel_loop3A_1861 = tpu.all_reduce %parallel_loop3A_1844 {dim = 0 : i64, kind = #tpu.reduction_kind<sum>} : vector<16xi1> -> vector<16xi32>
      %parallel_loop3A_1862 = vector.extract_strided_slice %parallel_loop3A_1861 {offsets = [0], sizes = [1], strides = [1]} : vector<16xi32> to vector<1xi32>
      %parallel_loop3A_1863 = vector.extract %parallel_loop3A_1862[0] : i32 from vector<1xi32>
      %parallel_loop3A_1864 = arith.addi %parallel_loop3A_1819, %parallel_loop3A_1863 : i32
      scf.yield %parallel_loop3A_1864, %parallel_loop3A_1858 : i32, vector<16xf32>
    } {sc.loop_unroll_factor = 4 : i64, sc.parallel_access}
    %scan3A_591 = arith.constant 0 : i32
    %scan3A_592 = arith.constant 0 : i32
    %scan3A_593 = arith.constant 16 : i32
    %scan3A_594 = arith.addi %scan3A_592, %scan3A_593 : i32
    %scan3A_595 = arith.constant 1 : i32
    %scan3A_596 = scf.for %scan3A_1818 = %scan3A_592 to %scan3A_594 step %scan3A_595 iter_args(%scan3A_1819 = %scan3A_591) -> (i32)  : i32 {
      %scan3A_1820 = arith.constant 0 : i32
      %scan3A_1821 = arith.constant 16 : i32
      %scan3A_1822 = arith.addi %scan3A_1820, %scan3A_1821 : i32
      %scan3A_1823 = arith.constant 1 : i32
      %scan3A_1824 = scf.for %scan3A_1831 = %scan3A_1820 to %scan3A_1822 step %scan3A_1823 iter_args(%scan3A_1832 = %broadcast_in_dim3A_2) -> (vector<16xi32>)  : i32 {
        %mul3A_1833 = arith.constant 256 : i32
        %mul3A_1834 = arith.muli %scan3A_1831, %mul3A_1833 : i32
        %mul3A_1835 = arith.constant 16 : i32
        %mul3A_1836 = arith.muli %scan3A_1818, %mul3A_1835 : i32
        %add3A_1837 = arith.addi %mul3A_1834, %mul3A_1836 : i32
        %get3A = arith.index_cast %add3A_1837 : i32 to index
        %get3A_1838 = tpu.vector_load %arg5[%get3A] {strides = array<i32>} : memref<4096xi32, #tpu.memory_space<vmem>>, vector<16xi32>,
        %add3A_1839 = arith.addi %scan3A_1832, %get3A_1838 : vector<16xi32>
        scf.yield %add3A_1839 : vector<16xi32>
      }
      %scan3A_1825 = arith.constant 16 : i32
      %mul3A_1826 = arith.constant 16 : i32
      %mul3A_1827 = arith.muli %scan3A_1818, %mul3A_1826 : i32
      %swap3A_1828 = arith.index_cast %mul3A_1827 : i32 to index
      %swap3A_1829 = tpu.vector_load %arg6[%swap3A_1828] {strides = array<i32>} : memref<256xi32, #tpu.memory_space<vmem>>, vector<16xi32>,
      tpu.vector_store %arg6[%swap3A_1828], %scan3A_1824 {strides = array<i32>} : memref<256xi32, #tpu.memory_space<vmem>>, vector<16xi32>,
      %scan3A_1830 = arith.constant 0 : i32
      scf.yield %scan3A_1830 : i32
    }
    %scan3A_597 = arith.constant 16 : i32
    %mul3A_598 = arith.constant 16 : i32
    %mul3A_599 = arith.muli %arg1, %mul3A_598 : i32
    %add3A_600 = arith.constant 4096 : i32
    %add3A_601 = arith.addi %add3A_600, %mul3A_599 : i32
    %dma_start3A_602 = arith.constant 0 : i32
    %dma_start3A_603 = arith.constant 0 : i32
    %dma_start3A_604 = tpu.memref_slice %arg6[%dma_start3A_603] : memref<256xi32, #tpu.memory_space<vmem>> -> memref<16xi32, #tpu.memory_space<vmem>>
    %dma_start3A_605 = tpu.memref_slice %arg11[%add3A_601] : memref<17408xi32, #tpu.memory_space<vmem_shared>> -> memref<16xi32, #tpu.memory_space<vmem_shared>>
    %dma_start3A_606 = tpu.memref_slice %arg10[%dma_start3A_602] : memref<16x!tpu.dma_semaphore, #tpu.memory_space<semaphore_mem>> -> memref<1x!tpu.dma_semaphore, #tpu.memory_space<semaphore_mem>>
    %dma_start3A_607 = tpu.memref_squeeze %dma_start3A_606 : memref<1x!tpu.dma_semaphore, #tpu.memory_space<semaphore_mem>> -> memref<!tpu.dma_semaphore, #tpu.memory_space<semaphore_mem>>
    %dma_start3A_608 = tpu.memref_slice %arg11[%add3A_601] : memref<17408xi32, #tpu.memory_space<vmem_shared>> -> memref<16xi32, #tpu.memory_space<vmem_shared>>
    %dma_start3A_609 = arith.constant 0 : i32
    %dma_start3A_610 = tpu.memref_slice %arg6[%dma_start3A_609] : memref<256xi32, #tpu.memory_space<vmem>> -> memref<16xi32, #tpu.memory_space<vmem>>
    tpu.enqueue_dma source(%dma_start3A_610 : memref<16xi32, #tpu.memory_space<vmem>>) target(%dma_start3A_608 : memref<16xi32, #tpu.memory_space<vmem_shared>>) target_semaphore(%dma_start3A_607 : memref<!tpu.dma_semaphore, #tpu.memory_space<semaphore_mem>>)
    %mul3A_611 = arith.constant 16 : i32
    %mul3A_612 = arith.muli %arg1, %mul3A_611 : i32
    %add3A_613 = arith.constant 4352 : i32
    %add3A_614 = arith.addi %add3A_613, %mul3A_612 : i32
    %dma_start3A_615 = arith.constant 1 : i32
    %dma_start3A_616 = arith.constant 16 : i32
    %dma_start3A_617 = tpu.memref_slice %arg6[%dma_start3A_616] : memref<256xi32, #tpu.memory_space<vmem>> -> memref<16xi32, #tpu.memory_space<vmem>>
    %dma_start3A_618 = tpu.memref_slice %arg11[%add3A_614] : memref<17408xi32, #tpu.memory_space<vmem_shared>> -> memref<16xi32, #tpu.memory_space<vmem_shared>>
    %dma_start3A_619 = tpu.memref_slice %arg10[%dma_start3A_615] : memref<16x!tpu.dma_semaphore, #tpu.memory_space<semaphore_mem>> -> memref<1x!tpu.dma_semaphore, #tpu.memory_space<semaphore_mem>>
    %dma_start3A_620 = tpu.memref_squeeze %dma_start3A_619 : memref<1x!tpu.dma_semaphore, #tpu.memory_space<semaphore_mem>> -> memref<!tpu.dma_semaphore, #tpu.memory_space<semaphore_mem>>
    %dma_start3A_621 = tpu.memref_slice %arg11[%add3A_614] : memref<17408xi32, #tpu.memory_space<vmem_shared>> -> memref<16xi32, #tpu.memory_space<vmem_shared>>
    %dma_start3A_622 = arith.constant 16 : i32
    %dma_start3A_623 = tpu.memref_slice %arg6[%dma_start3A_622] : memref<256xi32, #tpu.memory_space<vmem>> -> memref<16xi32, #tpu.memory_space<vmem>>
    tpu.enqueue_dma source(%dma_start3A_623 : memref<16xi32, #tpu.memory_space<vmem>>) target(%dma_start3A_621 : memref<16xi32, #tpu.memory_space<vmem_shared>>) target_semaphore(%dma_start3A_620 : memref<!tpu.dma_semaphore, #tpu.memory_space<semaphore_mem>>)
    %mul3A_624 = arith.constant 16 : i32
    %mul3A_625 = arith.muli %arg1, %mul3A_624 : i32
    %add3A_626 = arith.constant 4608 : i32
    %add3A_627 = arith.addi %add3A_626, %mul3A_625 : i32
    %dma_start3A_628 = arith.constant 2 : i32
    %dma_start3A_629 = arith.constant 32 : i32
    %dma_start3A_630 = tpu.memref_slice %arg6[%dma_start3A_629] : memref<256xi32, #tpu.memory_space<vmem>> -> memref<16xi32, #tpu.memory_space<vmem>>
    %dma_start3A_631 = tpu.memref_slice %arg11[%add3A_627] : memref<17408xi32, #tpu.memory_space<vmem_shared>> -> memref<16xi32, #tpu.memory_space<vmem_shared>>
    %dma_start3A_632 = tpu.memref_slice %arg10[%dma_start3A_628] : memref<16x!tpu.dma_semaphore, #tpu.memory_space<semaphore_mem>> -> memref<1x!tpu.dma_semaphore, #tpu.memory_space<semaphore_mem>>
    %dma_start3A_633 = tpu.memref_squeeze %dma_start3A_632 : memref<1x!tpu.dma_semaphore, #tpu.memory_space<semaphore_mem>> -> memref<!tpu.dma_semaphore, #tpu.memory_space<semaphore_mem>>
    %dma_start3A_634 = tpu.memref_slice %arg11[%add3A_627] : memref<17408xi32, #tpu.memory_space<vmem_shared>> -> memref<16xi32, #tpu.memory_space<vmem_shared>>
    %dma_start3A_635 = arith.constant 32 : i32
    %dma_start3A_636 = tpu.memref_slice %arg6[%dma_start3A_635] : memref<256xi32, #tpu.memory_space<vmem>> -> memref<16xi32, #tpu.memory_space<vmem>>
    tpu.enqueue_dma source(%dma_start3A_636 : memref<16xi32, #tpu.memory_space<vmem>>) target(%dma_start3A_634 : memref<16xi32, #tpu.memory_space<vmem_shared>>) target_semaphore(%dma_start3A_633 : memref<!tpu.dma_semaphore, #tpu.memory_space<semaphore_mem>>)
    %mul3A_637 = arith.constant 16 : i32
    %mul3A_638 = arith.muli %arg1, %mul3A_637 : i32
    %add3A_639 = arith.constant 4864 : i32
    %add3A_640 = arith.addi %add3A_639, %mul3A_638 : i32
    %dma_start3A_641 = arith.constant 3 : i32
    %dma_start3A_642 = arith.constant 48 : i32
    %dma_start3A_643 = tpu.memref_slice %arg6[%dma_start3A_642] : memref<256xi32, #tpu.memory_space<vmem>> -> memref<16xi32, #tpu.memory_space<vmem>>
    %dma_start3A_644 = tpu.memref_slice %arg11[%add3A_640] : memref<17408xi32, #tpu.memory_space<vmem_shared>> -> memref<16xi32, #tpu.memory_space<vmem_shared>>
    %dma_start3A_645 = tpu.memref_slice %arg10[%dma_start3A_641] : memref<16x!tpu.dma_semaphore, #tpu.memory_space<semaphore_mem>> -> memref<1x!tpu.dma_semaphore, #tpu.memory_space<semaphore_mem>>
    %dma_start3A_646 = tpu.memref_squeeze %dma_start3A_645 : memref<1x!tpu.dma_semaphore, #tpu.memory_space<semaphore_mem>> -> memref<!tpu.dma_semaphore, #tpu.memory_space<semaphore_mem>>
    %dma_start3A_647 = tpu.memref_slice %arg11[%add3A_640] : memref<17408xi32, #tpu.memory_space<vmem_shared>> -> memref<16xi32, #tpu.memory_space<vmem_shared>>
    %dma_start3A_648 = arith.constant 48 : i32
    %dma_start3A_649 = tpu.memref_slice %arg6[%dma_start3A_648] : memref<256xi32, #tpu.memory_space<vmem>> -> memref<16xi32, #tpu.memory_space<vmem>>
    tpu.enqueue_dma source(%dma_start3A_649 : memref<16xi32, #tpu.memory_space<vmem>>) target(%dma_start3A_647 : memref<16xi32, #tpu.memory_space<vmem_shared>>) target_semaphore(%dma_start3A_646 : memref<!tpu.dma_semaphore, #tpu.memory_space<semaphore_mem>>)
    %mul3A_650 = arith.constant 16 : i32
    %mul3A_651 = arith.muli %arg1, %mul3A_650 : i32
    %add3A_652 = arith.constant 5120 : i32
    %add3A_653 = arith.addi %add3A_652, %mul3A_651 : i32
    %dma_start3A_654 = arith.constant 4 : i32
    %dma_start3A_655 = arith.constant 64 : i32
    %dma_start3A_656 = tpu.memref_slice %arg6[%dma_start3A_655] : memref<256xi32, #tpu.memory_space<vmem>> -> memref<16xi32, #tpu.memory_space<vmem>>
    %dma_start3A_657 = tpu.memref_slice %arg11[%add3A_653] : memref<17408xi32, #tpu.memory_space<vmem_shared>> -> memref<16xi32, #tpu.memory_space<vmem_shared>>
    %dma_start3A_658 = tpu.memref_slice %arg10[%dma_start3A_654] : memref<16x!tpu.dma_semaphore, #tpu.memory_space<semaphore_mem>> -> memref<1x!tpu.dma_semaphore, #tpu.memory_space<semaphore_mem>>
    %dma_start3A_659 = tpu.memref_squeeze %dma_start3A_658 : memref<1x!tpu.dma_semaphore, #tpu.memory_space<semaphore_mem>> -> memref<!tpu.dma_semaphore, #tpu.memory_space<semaphore_mem>>
    %dma_start3A_660 = tpu.memref_slice %arg11[%add3A_653] : memref<17408xi32, #tpu.memory_space<vmem_shared>> -> memref<16xi32, #tpu.memory_space<vmem_shared>>
    %dma_start3A_661 = arith.constant 64 : i32
    %dma_start3A_662 = tpu.memref_slice %arg6[%dma_start3A_661] : memref<256xi32, #tpu.memory_space<vmem>> -> memref<16xi32, #tpu.memory_space<vmem>>
    tpu.enqueue_dma source(%dma_start3A_662 : memref<16xi32, #tpu.memory_space<vmem>>) target(%dma_start3A_660 : memref<16xi32, #tpu.memory_space<vmem_shared>>) target_semaphore(%dma_start3A_659 : memref<!tpu.dma_semaphore, #tpu.memory_space<semaphore_mem>>)
    %mul3A_663 = arith.constant 16 : i32
    %mul3A_664 = arith.muli %arg1, %mul3A_663 : i32
    %add3A_665 = arith.constant 5376 : i32
    %add3A_666 = arith.addi %add3A_665, %mul3A_664 : i32
    %dma_start3A_667 = arith.constant 5 : i32
    %dma_start3A_668 = arith.constant 80 : i32
    %dma_start3A_669 = tpu.memref_slice %arg6[%dma_start3A_668] : memref<256xi32, #tpu.memory_space<vmem>> -> memref<16xi32, #tpu.memory_space<vmem>>
    %dma_start3A_670 = tpu.memref_slice %arg11[%add3A_666] : memref<17408xi32, #tpu.memory_space<vmem_shared>> -> memref<16xi32, #tpu.memory_space<vmem_shared>>
    %dma_start3A_671 = tpu.memref_slice %arg10[%dma_start3A_667] : memref<16x!tpu.dma_semaphore, #tpu.memory_space<semaphore_mem>> -> memref<1x!tpu.dma_semaphore, #tpu.memory_space<semaphore_mem>>
    %dma_start3A_672 = tpu.memref_squeeze %dma_start3A_671 : memref<1x!tpu.dma_semaphore, #tpu.memory_space<semaphore_mem>> -> memref<!tpu.dma_semaphore, #tpu.memory_space<semaphore_mem>>
    %dma_start3A_673 = tpu.memref_slice %arg11[%add3A_666] : memref<17408xi32, #tpu.memory_space<vmem_shared>> -> memref<16xi32, #tpu.memory_space<vmem_shared>>
    %dma_start3A_674 = arith.constant 80 : i32
    %dma_start3A_675 = tpu.memref_slice %arg6[%dma_start3A_674] : memref<256xi32, #tpu.memory_space<vmem>> -> memref<16xi32, #tpu.memory_space<vmem>>
    tpu.enqueue_dma source(%dma_start3A_675 : memref<16xi32, #tpu.memory_space<vmem>>) target(%dma_start3A_673 : memref<16xi32, #tpu.memory_space<vmem_shared>>) target_semaphore(%dma_start3A_672 : memref<!tpu.dma_semaphore, #tpu.memory_space<semaphore_mem>>)
    %mul3A_676 = arith.constant 16 : i32
    %mul3A_677 = arith.muli %arg1, %mul3A_676 : i32
    %add3A_678 = arith.constant 5632 : i32
    %add3A_679 = arith.addi %add3A_678, %mul3A_677 : i32
    %dma_start3A_680 = arith.constant 6 : i32
    %dma_start3A_681 = arith.constant 96 : i32
    %dma_start3A_682 = tpu.memref_slice %arg6[%dma_start3A_681] : memref<256xi32, #tpu.memory_space<vmem>> -> memref<16xi32, #tpu.memory_space<vmem>>
    %dma_start3A_683 = tpu.memref_slice %arg11[%add3A_679] : memref<17408xi32, #tpu.memory_space<vmem_shared>> -> memref<16xi32, #tpu.memory_space<vmem_shared>>
    %dma_start3A_684 = tpu.memref_slice %arg10[%dma_start3A_680] : memref<16x!tpu.dma_semaphore, #tpu.memory_space<semaphore_mem>> -> memref<1x!tpu.dma_semaphore, #tpu.memory_space<semaphore_mem>>
    %dma_start3A_685 = tpu.memref_squeeze %dma_start3A_684 : memref<1x!tpu.dma_semaphore, #tpu.memory_space<semaphore_mem>> -> memref<!tpu.dma_semaphore, #tpu.memory_space<semaphore_mem>>
    %dma_start3A_686 = tpu.memref_slice %arg11[%add3A_679] : memref<17408xi32, #tpu.memory_space<vmem_shared>> -> memref<16xi32, #tpu.memory_space<vmem_shared>>
    %dma_start3A_687 = arith.constant 96 : i32
    %dma_start3A_688 = tpu.memref_slice %arg6[%dma_start3A_687] : memref<256xi32, #tpu.memory_space<vmem>> -> memref<16xi32, #tpu.memory_space<vmem>>
    tpu.enqueue_dma source(%dma_start3A_688 : memref<16xi32, #tpu.memory_space<vmem>>) target(%dma_start3A_686 : memref<16xi32, #tpu.memory_space<vmem_shared>>) target_semaphore(%dma_start3A_685 : memref<!tpu.dma_semaphore, #tpu.memory_space<semaphore_mem>>)
    %mul3A_689 = arith.constant 16 : i32
    %mul3A_690 = arith.muli %arg1, %mul3A_689 : i32
    %add3A_691 = arith.constant 5888 : i32
    %add3A_692 = arith.addi %add3A_691, %mul3A_690 : i32
    %dma_start3A_693 = arith.constant 7 : i32
    %dma_start3A_694 = arith.constant 112 : i32
    %dma_start3A_695 = tpu.memref_slice %arg6[%dma_start3A_694] : memref<256xi32, #tpu.memory_space<vmem>> -> memref<16xi32, #tpu.memory_space<vmem>>
    %dma_start3A_696 = tpu.memref_slice %arg11[%add3A_692] : memref<17408xi32, #tpu.memory_space<vmem_shared>> -> memref<16xi32, #tpu.memory_space<vmem_shared>>
    %dma_start3A_697 = tpu.memref_slice %arg10[%dma_start3A_693] : memref<16x!tpu.dma_semaphore, #tpu.memory_space<semaphore_mem>> -> memref<1x!tpu.dma_semaphore, #tpu.memory_space<semaphore_mem>>
    %dma_start3A_698 = tpu.memref_squeeze %dma_start3A_697 : memref<1x!tpu.dma_semaphore, #tpu.memory_space<semaphore_mem>> -> memref<!tpu.dma_semaphore, #tpu.memory_space<semaphore_mem>>
    %dma_start3A_699 = tpu.memref_slice %arg11[%add3A_692] : memref<17408xi32, #tpu.memory_space<vmem_shared>> -> memref<16xi32, #tpu.memory_space<vmem_shared>>
    %dma_start3A_700 = arith.constant 112 : i32
    %dma_start3A_701 = tpu.memref_slice %arg6[%dma_start3A_700] : memref<256xi32, #tpu.memory_space<vmem>> -> memref<16xi32, #tpu.memory_space<vmem>>
    tpu.enqueue_dma source(%dma_start3A_701 : memref<16xi32, #tpu.memory_space<vmem>>) target(%dma_start3A_699 : memref<16xi32, #tpu.memory_space<vmem_shared>>) target_semaphore(%dma_start3A_698 : memref<!tpu.dma_semaphore, #tpu.memory_space<semaphore_mem>>)
    %mul3A_702 = arith.constant 16 : i32
    %mul3A_703 = arith.muli %arg1, %mul3A_702 : i32
    %add3A_704 = arith.constant 6144 : i32
    %add3A_705 = arith.addi %add3A_704, %mul3A_703 : i32
    %dma_start3A_706 = arith.constant 8 : i32
    %dma_start3A_707 = arith.constant 128 : i32
    %dma_start3A_708 = tpu.memref_slice %arg6[%dma_start3A_707] : memref<256xi32, #tpu.memory_space<vmem>> -> memref<16xi32, #tpu.memory_space<vmem>>
    %dma_start3A_709 = tpu.memref_slice %arg11[%add3A_705] : memref<17408xi32, #tpu.memory_space<vmem_shared>> -> memref<16xi32, #tpu.memory_space<vmem_shared>>
    %dma_start3A_710 = tpu.memref_slice %arg10[%dma_start3A_706] : memref<16x!tpu.dma_semaphore, #tpu.memory_space<semaphore_mem>> -> memref<1x!tpu.dma_semaphore, #tpu.memory_space<semaphore_mem>>
    %dma_start3A_711 = tpu.memref_squeeze %dma_start3A_710 : memref<1x!tpu.dma_semaphore, #tpu.memory_space<semaphore_mem>> -> memref<!tpu.dma_semaphore, #tpu.memory_space<semaphore_mem>>
    %dma_start3A_712 = tpu.memref_slice %arg11[%add3A_705] : memref<17408xi32, #tpu.memory_space<vmem_shared>> -> memref<16xi32, #tpu.memory_space<vmem_shared>>
    %dma_start3A_713 = arith.constant 128 : i32
    %dma_start3A_714 = tpu.memref_slice %arg6[%dma_start3A_713] : memref<256xi32, #tpu.memory_space<vmem>> -> memref<16xi32, #tpu.memory_space<vmem>>
    tpu.enqueue_dma source(%dma_start3A_714 : memref<16xi32, #tpu.memory_space<vmem>>) target(%dma_start3A_712 : memref<16xi32, #tpu.memory_space<vmem_shared>>) target_semaphore(%dma_start3A_711 : memref<!tpu.dma_semaphore, #tpu.memory_space<semaphore_mem>>)
    %mul3A_715 = arith.constant 16 : i32
    %mul3A_716 = arith.muli %arg1, %mul3A_715 : i32
    %add3A_717 = arith.constant 6400 : i32
    %add3A_718 = arith.addi %add3A_717, %mul3A_716 : i32
    %dma_start3A_719 = arith.constant 9 : i32
    %dma_start3A_720 = arith.constant 144 : i32
    %dma_start3A_721 = tpu.memref_slice %arg6[%dma_start3A_720] : memref<256xi32, #tpu.memory_space<vmem>> -> memref<16xi32, #tpu.memory_space<vmem>>
    %dma_start3A_722 = tpu.memref_slice %arg11[%add3A_718] : memref<17408xi32, #tpu.memory_space<vmem_shared>> -> memref<16xi32, #tpu.memory_space<vmem_shared>>
    %dma_start3A_723 = tpu.memref_slice %arg10[%dma_start3A_719] : memref<16x!tpu.dma_semaphore, #tpu.memory_space<semaphore_mem>> -> memref<1x!tpu.dma_semaphore, #tpu.memory_space<semaphore_mem>>
    %dma_start3A_724 = tpu.memref_squeeze %dma_start3A_723 : memref<1x!tpu.dma_semaphore, #tpu.memory_space<semaphore_mem>> -> memref<!tpu.dma_semaphore, #tpu.memory_space<semaphore_mem>>
    %dma_start3A_725 = tpu.memref_slice %arg11[%add3A_718] : memref<17408xi32, #tpu.memory_space<vmem_shared>> -> memref<16xi32, #tpu.memory_space<vmem_shared>>
    %dma_start3A_726 = arith.constant 144 : i32
    %dma_start3A_727 = tpu.memref_slice %arg6[%dma_start3A_726] : memref<256xi32, #tpu.memory_space<vmem>> -> memref<16xi32, #tpu.memory_space<vmem>>
    tpu.enqueue_dma source(%dma_start3A_727 : memref<16xi32, #tpu.memory_space<vmem>>) target(%dma_start3A_725 : memref<16xi32, #tpu.memory_space<vmem_shared>>) target_semaphore(%dma_start3A_724 : memref<!tpu.dma_semaphore, #tpu.memory_space<semaphore_mem>>)
    %mul3A_728 = arith.constant 16 : i32
    %mul3A_729 = arith.muli %arg1, %mul3A_728 : i32
    %add3A_730 = arith.constant 6656 : i32
    %add3A_731 = arith.addi %add3A_730, %mul3A_729 : i32
    %dma_start3A_732 = arith.constant 10 : i32
    %dma_start3A_733 = arith.constant 160 : i32
    %dma_start3A_734 = tpu.memref_slice %arg6[%dma_start3A_733] : memref<256xi32, #tpu.memory_space<vmem>> -> memref<16xi32, #tpu.memory_space<vmem>>
    %dma_start3A_735 = tpu.memref_slice %arg11[%add3A_731] : memref<17408xi32, #tpu.memory_space<vmem_shared>> -> memref<16xi32, #tpu.memory_space<vmem_shared>>
    %dma_start3A_736 = tpu.memref_slice %arg10[%dma_start3A_732] : memref<16x!tpu.dma_semaphore, #tpu.memory_space<semaphore_mem>> -> memref<1x!tpu.dma_semaphore, #tpu.memory_space<semaphore_mem>>
    %dma_start3A_737 = tpu.memref_squeeze %dma_start3A_736 : memref<1x!tpu.dma_semaphore, #tpu.memory_space<semaphore_mem>> -> memref<!tpu.dma_semaphore, #tpu.memory_space<semaphore_mem>>
    %dma_start3A_738 = tpu.memref_slice %arg11[%add3A_731] : memref<17408xi32, #tpu.memory_space<vmem_shared>> -> memref<16xi32, #tpu.memory_space<vmem_shared>>
    %dma_start3A_739 = arith.constant 160 : i32
    %dma_start3A_740 = tpu.memref_slice %arg6[%dma_start3A_739] : memref<256xi32, #tpu.memory_space<vmem>> -> memref<16xi32, #tpu.memory_space<vmem>>
    tpu.enqueue_dma source(%dma_start3A_740 : memref<16xi32, #tpu.memory_space<vmem>>) target(%dma_start3A_738 : memref<16xi32, #tpu.memory_space<vmem_shared>>) target_semaphore(%dma_start3A_737 : memref<!tpu.dma_semaphore, #tpu.memory_space<semaphore_mem>>)
    %mul3A_741 = arith.constant 16 : i32
    %mul3A_742 = arith.muli %arg1, %mul3A_741 : i32
    %add3A_743 = arith.constant 6912 : i32
    %add3A_744 = arith.addi %add3A_743, %mul3A_742 : i32
    %dma_start3A_745 = arith.constant 11 : i32
    %dma_start3A_746 = arith.constant 176 : i32
    %dma_start3A_747 = tpu.memref_slice %arg6[%dma_start3A_746] : memref<256xi32, #tpu.memory_space<vmem>> -> memref<16xi32, #tpu.memory_space<vmem>>
    %dma_start3A_748 = tpu.memref_slice %arg11[%add3A_744] : memref<17408xi32, #tpu.memory_space<vmem_shared>> -> memref<16xi32, #tpu.memory_space<vmem_shared>>
    %dma_start3A_749 = tpu.memref_slice %arg10[%dma_start3A_745] : memref<16x!tpu.dma_semaphore, #tpu.memory_space<semaphore_mem>> -> memref<1x!tpu.dma_semaphore, #tpu.memory_space<semaphore_mem>>
    %dma_start3A_750 = tpu.memref_squeeze %dma_start3A_749 : memref<1x!tpu.dma_semaphore, #tpu.memory_space<semaphore_mem>> -> memref<!tpu.dma_semaphore, #tpu.memory_space<semaphore_mem>>
    %dma_start3A_751 = tpu.memref_slice %arg11[%add3A_744] : memref<17408xi32, #tpu.memory_space<vmem_shared>> -> memref<16xi32, #tpu.memory_space<vmem_shared>>
    %dma_start3A_752 = arith.constant 176 : i32
    %dma_start3A_753 = tpu.memref_slice %arg6[%dma_start3A_752] : memref<256xi32, #tpu.memory_space<vmem>> -> memref<16xi32, #tpu.memory_space<vmem>>
    tpu.enqueue_dma source(%dma_start3A_753 : memref<16xi32, #tpu.memory_space<vmem>>) target(%dma_start3A_751 : memref<16xi32, #tpu.memory_space<vmem_shared>>) target_semaphore(%dma_start3A_750 : memref<!tpu.dma_semaphore, #tpu.memory_space<semaphore_mem>>)
    %mul3A_754 = arith.constant 16 : i32
    %mul3A_755 = arith.muli %arg1, %mul3A_754 : i32
    %add3A_756 = arith.constant 7168 : i32
    %add3A_757 = arith.addi %add3A_756, %mul3A_755 : i32
    %dma_start3A_758 = arith.constant 12 : i32
    %dma_start3A_759 = arith.constant 192 : i32
    %dma_start3A_760 = tpu.memref_slice %arg6[%dma_start3A_759] : memref<256xi32, #tpu.memory_space<vmem>> -> memref<16xi32, #tpu.memory_space<vmem>>
    %dma_start3A_761 = tpu.memref_slice %arg11[%add3A_757] : memref<17408xi32, #tpu.memory_space<vmem_shared>> -> memref<16xi32, #tpu.memory_space<vmem_shared>>
    %dma_start3A_762 = tpu.memref_slice %arg10[%dma_start3A_758] : memref<16x!tpu.dma_semaphore, #tpu.memory_space<semaphore_mem>> -> memref<1x!tpu.dma_semaphore, #tpu.memory_space<semaphore_mem>>
    %dma_start3A_763 = tpu.memref_squeeze %dma_start3A_762 : memref<1x!tpu.dma_semaphore, #tpu.memory_space<semaphore_mem>> -> memref<!tpu.dma_semaphore, #tpu.memory_space<semaphore_mem>>
    %dma_start3A_764 = tpu.memref_slice %arg11[%add3A_757] : memref<17408xi32, #tpu.memory_space<vmem_shared>> -> memref<16xi32, #tpu.memory_space<vmem_shared>>
    %dma_start3A_765 = arith.constant 192 : i32
    %dma_start3A_766 = tpu.memref_slice %arg6[%dma_start3A_765] : memref<256xi32, #tpu.memory_space<vmem>> -> memref<16xi32, #tpu.memory_space<vmem>>
    tpu.enqueue_dma source(%dma_start3A_766 : memref<16xi32, #tpu.memory_space<vmem>>) target(%dma_start3A_764 : memref<16xi32, #tpu.memory_space<vmem_shared>>) target_semaphore(%dma_start3A_763 : memref<!tpu.dma_semaphore, #tpu.memory_space<semaphore_mem>>)
    %mul3A_767 = arith.constant 16 : i32
    %mul3A_768 = arith.muli %arg1, %mul3A_767 : i32
    %add3A_769 = arith.constant 7424 : i32
    %add3A_770 = arith.addi %add3A_769, %mul3A_768 : i32
    %dma_start3A_771 = arith.constant 13 : i32
    %dma_start3A_772 = arith.constant 208 : i32
    %dma_start3A_773 = tpu.memref_slice %arg6[%dma_start3A_772] : memref<256xi32, #tpu.memory_space<vmem>> -> memref<16xi32, #tpu.memory_space<vmem>>
    %dma_start3A_774 = tpu.memref_slice %arg11[%add3A_770] : memref<17408xi32, #tpu.memory_space<vmem_shared>> -> memref<16xi32, #tpu.memory_space<vmem_shared>>
    %dma_start3A_775 = tpu.memref_slice %arg10[%dma_start3A_771] : memref<16x!tpu.dma_semaphore, #tpu.memory_space<semaphore_mem>> -> memref<1x!tpu.dma_semaphore, #tpu.memory_space<semaphore_mem>>
    %dma_start3A_776 = tpu.memref_squeeze %dma_start3A_775 : memref<1x!tpu.dma_semaphore, #tpu.memory_space<semaphore_mem>> -> memref<!tpu.dma_semaphore, #tpu.memory_space<semaphore_mem>>
    %dma_start3A_777 = tpu.memref_slice %arg11[%add3A_770] : memref<17408xi32, #tpu.memory_space<vmem_shared>> -> memref<16xi32, #tpu.memory_space<vmem_shared>>
    %dma_start3A_778 = arith.constant 208 : i32
    %dma_start3A_779 = tpu.memref_slice %arg6[%dma_start3A_778] : memref<256xi32, #tpu.memory_space<vmem>> -> memref<16xi32, #tpu.memory_space<vmem>>
    tpu.enqueue_dma source(%dma_start3A_779 : memref<16xi32, #tpu.memory_space<vmem>>) target(%dma_start3A_777 : memref<16xi32, #tpu.memory_space<vmem_shared>>) target_semaphore(%dma_start3A_776 : memref<!tpu.dma_semaphore, #tpu.memory_space<semaphore_mem>>)
    %mul3A_780 = arith.constant 16 : i32
    %mul3A_781 = arith.muli %arg1, %mul3A_780 : i32
    %add3A_782 = arith.constant 7680 : i32
    %add3A_783 = arith.addi %add3A_782, %mul3A_781 : i32
    %dma_start3A_784 = arith.constant 14 : i32
    %dma_start3A_785 = arith.constant 224 : i32
    %dma_start3A_786 = tpu.memref_slice %arg6[%dma_start3A_785] : memref<256xi32, #tpu.memory_space<vmem>> -> memref<16xi32, #tpu.memory_space<vmem>>
    %dma_start3A_787 = tpu.memref_slice %arg11[%add3A_783] : memref<17408xi32, #tpu.memory_space<vmem_shared>> -> memref<16xi32, #tpu.memory_space<vmem_shared>>
    %dma_start3A_788 = tpu.memref_slice %arg10[%dma_start3A_784] : memref<16x!tpu.dma_semaphore, #tpu.memory_space<semaphore_mem>> -> memref<1x!tpu.dma_semaphore, #tpu.memory_space<semaphore_mem>>
    %dma_start3A_789 = tpu.memref_squeeze %dma_start3A_788 : memref<1x!tpu.dma_semaphore, #tpu.memory_space<semaphore_mem>> -> memref<!tpu.dma_semaphore, #tpu.memory_space<semaphore_mem>>
    %dma_start3A_790 = tpu.memref_slice %arg11[%add3A_783] : memref<17408xi32, #tpu.memory_space<vmem_shared>> -> memref<16xi32, #tpu.memory_space<vmem_shared>>
    %dma_start3A_791 = arith.constant 224 : i32
    %dma_start3A_792 = tpu.memref_slice %arg6[%dma_start3A_791] : memref<256xi32, #tpu.memory_space<vmem>> -> memref<16xi32, #tpu.memory_space<vmem>>
    tpu.enqueue_dma source(%dma_start3A_792 : memref<16xi32, #tpu.memory_space<vmem>>) target(%dma_start3A_790 : memref<16xi32, #tpu.memory_space<vmem_shared>>) target_semaphore(%dma_start3A_789 : memref<!tpu.dma_semaphore, #tpu.memory_space<semaphore_mem>>)
    %mul3A_793 = arith.constant 16 : i32
    %mul3A_794 = arith.muli %arg1, %mul3A_793 : i32
    %add3A_795 = arith.constant 7936 : i32
    %add3A_796 = arith.addi %add3A_795, %mul3A_794 : i32
    %dma_start3A_797 = arith.constant 15 : i32
    %dma_start3A_798 = arith.constant 240 : i32
    %dma_start3A_799 = tpu.memref_slice %arg6[%dma_start3A_798] : memref<256xi32, #tpu.memory_space<vmem>> -> memref<16xi32, #tpu.memory_space<vmem>>
    %dma_start3A_800 = tpu.memref_slice %arg11[%add3A_796] : memref<17408xi32, #tpu.memory_space<vmem_shared>> -> memref<16xi32, #tpu.memory_space<vmem_shared>>
    %dma_start3A_801 = tpu.memref_slice %arg10[%dma_start3A_797] : memref<16x!tpu.dma_semaphore, #tpu.memory_space<semaphore_mem>> -> memref<1x!tpu.dma_semaphore, #tpu.memory_space<semaphore_mem>>
    %dma_start3A_802 = tpu.memref_squeeze %dma_start3A_801 : memref<1x!tpu.dma_semaphore, #tpu.memory_space<semaphore_mem>> -> memref<!tpu.dma_semaphore, #tpu.memory_space<semaphore_mem>>
    %dma_start3A_803 = tpu.memref_slice %arg11[%add3A_796] : memref<17408xi32, #tpu.memory_space<vmem_shared>> -> memref<16xi32, #tpu.memory_space<vmem_shared>>
    %dma_start3A_804 = arith.constant 240 : i32
    %dma_start3A_805 = tpu.memref_slice %arg6[%dma_start3A_804] : memref<256xi32, #tpu.memory_space<vmem>> -> memref<16xi32, #tpu.memory_space<vmem>>
    tpu.enqueue_dma source(%dma_start3A_805 : memref<16xi32, #tpu.memory_space<vmem>>) target(%dma_start3A_803 : memref<16xi32, #tpu.memory_space<vmem_shared>>) target_semaphore(%dma_start3A_802 : memref<!tpu.dma_semaphore, #tpu.memory_space<semaphore_mem>>)
    %dma_wait3A_806 = arith.constant 0 : i32
    %dma_wait3A_807 = arith.constant 0 : i32
    %dma_wait3A_808 = tpu.memref_slice %arg6[%dma_wait3A_807] : memref<256xi32, #tpu.memory_space<vmem>> -> memref<16xi32, #tpu.memory_space<vmem>>
    %dma_wait3A_809 = tpu.memref_slice %arg11[%add3A_601] : memref<17408xi32, #tpu.memory_space<vmem_shared>> -> memref<16xi32, #tpu.memory_space<vmem_shared>>
    %dma_wait3A_810 = tpu.memref_slice %arg10[%dma_wait3A_806] : memref<16x!tpu.dma_semaphore, #tpu.memory_space<semaphore_mem>> -> memref<1x!tpu.dma_semaphore, #tpu.memory_space<semaphore_mem>>
    %dma_wait3A_811 = tpu.memref_squeeze %dma_wait3A_810 : memref<1x!tpu.dma_semaphore, #tpu.memory_space<semaphore_mem>> -> memref<!tpu.dma_semaphore, #tpu.memory_space<semaphore_mem>>
    %dma_wait3A_812 = tpu.memref_slice %arg11[%add3A_601] : memref<17408xi32, #tpu.memory_space<vmem_shared>> -> memref<16xi32, #tpu.memory_space<vmem_shared>>
    %dma_wait3A_813 = arith.constant 0 : i32
    %dma_wait3A_814 = tpu.memref_slice %arg6[%dma_wait3A_813] : memref<256xi32, #tpu.memory_space<vmem>> -> memref<16xi32, #tpu.memory_space<vmem>>
    tpu.wait_dma2 semaphore(%dma_wait3A_811 : memref<!tpu.dma_semaphore, #tpu.memory_space<semaphore_mem>>) src(%dma_wait3A_814 : memref<16xi32, #tpu.memory_space<vmem>>) dst(%dma_wait3A_812 : memref<16xi32, #tpu.memory_space<vmem_shared>>)
    %dma_wait3A_815 = arith.constant 1 : i32
    %dma_wait3A_816 = arith.constant 16 : i32
    %dma_wait3A_817 = tpu.memref_slice %arg6[%dma_wait3A_816] : memref<256xi32, #tpu.memory_space<vmem>> -> memref<16xi32, #tpu.memory_space<vmem>>
    %dma_wait3A_818 = tpu.memref_slice %arg11[%add3A_614] : memref<17408xi32, #tpu.memory_space<vmem_shared>> -> memref<16xi32, #tpu.memory_space<vmem_shared>>
    %dma_wait3A_819 = tpu.memref_slice %arg10[%dma_wait3A_815] : memref<16x!tpu.dma_semaphore, #tpu.memory_space<semaphore_mem>> -> memref<1x!tpu.dma_semaphore, #tpu.memory_space<semaphore_mem>>
    %dma_wait3A_820 = tpu.memref_squeeze %dma_wait3A_819 : memref<1x!tpu.dma_semaphore, #tpu.memory_space<semaphore_mem>> -> memref<!tpu.dma_semaphore, #tpu.memory_space<semaphore_mem>>
    %dma_wait3A_821 = tpu.memref_slice %arg11[%add3A_614] : memref<17408xi32, #tpu.memory_space<vmem_shared>> -> memref<16xi32, #tpu.memory_space<vmem_shared>>
    %dma_wait3A_822 = arith.constant 16 : i32
    %dma_wait3A_823 = tpu.memref_slice %arg6[%dma_wait3A_822] : memref<256xi32, #tpu.memory_space<vmem>> -> memref<16xi32, #tpu.memory_space<vmem>>
    tpu.wait_dma2 semaphore(%dma_wait3A_820 : memref<!tpu.dma_semaphore, #tpu.memory_space<semaphore_mem>>) src(%dma_wait3A_823 : memref<16xi32, #tpu.memory_space<vmem>>) dst(%dma_wait3A_821 : memref<16xi32, #tpu.memory_space<vmem_shared>>)
    %dma_wait3A_824 = arith.constant 2 : i32
    %dma_wait3A_825 = arith.constant 32 : i32
    %dma_wait3A_826 = tpu.memref_slice %arg6[%dma_wait3A_825] : memref<256xi32, #tpu.memory_space<vmem>> -> memref<16xi32, #tpu.memory_space<vmem>>
    %dma_wait3A_827 = tpu.memref_slice %arg11[%add3A_627] : memref<17408xi32, #tpu.memory_space<vmem_shared>> -> memref<16xi32, #tpu.memory_space<vmem_shared>>
    %dma_wait3A_828 = tpu.memref_slice %arg10[%dma_wait3A_824] : memref<16x!tpu.dma_semaphore, #tpu.memory_space<semaphore_mem>> -> memref<1x!tpu.dma_semaphore, #tpu.memory_space<semaphore_mem>>
    %dma_wait3A_829 = tpu.memref_squeeze %dma_wait3A_828 : memref<1x!tpu.dma_semaphore, #tpu.memory_space<semaphore_mem>> -> memref<!tpu.dma_semaphore, #tpu.memory_space<semaphore_mem>>
    %dma_wait3A_830 = tpu.memref_slice %arg11[%add3A_627] : memref<17408xi32, #tpu.memory_space<vmem_shared>> -> memref<16xi32, #tpu.memory_space<vmem_shared>>
    %dma_wait3A_831 = arith.constant 32 : i32
    %dma_wait3A_832 = tpu.memref_slice %arg6[%dma_wait3A_831] : memref<256xi32, #tpu.memory_space<vmem>> -> memref<16xi32, #tpu.memory_space<vmem>>
    tpu.wait_dma2 semaphore(%dma_wait3A_829 : memref<!tpu.dma_semaphore, #tpu.memory_space<semaphore_mem>>) src(%dma_wait3A_832 : memref<16xi32, #tpu.memory_space<vmem>>) dst(%dma_wait3A_830 : memref<16xi32, #tpu.memory_space<vmem_shared>>)
    %dma_wait3A_833 = arith.constant 3 : i32
    %dma_wait3A_834 = arith.constant 48 : i32
    %dma_wait3A_835 = tpu.memref_slice %arg6[%dma_wait3A_834] : memref<256xi32, #tpu.memory_space<vmem>> -> memref<16xi32, #tpu.memory_space<vmem>>
    %dma_wait3A_836 = tpu.memref_slice %arg11[%add3A_640] : memref<17408xi32, #tpu.memory_space<vmem_shared>> -> memref<16xi32, #tpu.memory_space<vmem_shared>>
    %dma_wait3A_837 = tpu.memref_slice %arg10[%dma_wait3A_833] : memref<16x!tpu.dma_semaphore, #tpu.memory_space<semaphore_mem>> -> memref<1x!tpu.dma_semaphore, #tpu.memory_space<semaphore_mem>>
    %dma_wait3A_838 = tpu.memref_squeeze %dma_wait3A_837 : memref<1x!tpu.dma_semaphore, #tpu.memory_space<semaphore_mem>> -> memref<!tpu.dma_semaphore, #tpu.memory_space<semaphore_mem>>
    %dma_wait3A_839 = tpu.memref_slice %arg11[%add3A_640] : memref<17408xi32, #tpu.memory_space<vmem_shared>> -> memref<16xi32, #tpu.memory_space<vmem_shared>>
    %dma_wait3A_840 = arith.constant 48 : i32
    %dma_wait3A_841 = tpu.memref_slice %arg6[%dma_wait3A_840] : memref<256xi32, #tpu.memory_space<vmem>> -> memref<16xi32, #tpu.memory_space<vmem>>
    tpu.wait_dma2 semaphore(%dma_wait3A_838 : memref<!tpu.dma_semaphore, #tpu.memory_space<semaphore_mem>>) src(%dma_wait3A_841 : memref<16xi32, #tpu.memory_space<vmem>>) dst(%dma_wait3A_839 : memref<16xi32, #tpu.memory_space<vmem_shared>>)
    %dma_wait3A_842 = arith.constant 4 : i32
    %dma_wait3A_843 = arith.constant 64 : i32
    %dma_wait3A_844 = tpu.memref_slice %arg6[%dma_wait3A_843] : memref<256xi32, #tpu.memory_space<vmem>> -> memref<16xi32, #tpu.memory_space<vmem>>
    %dma_wait3A_845 = tpu.memref_slice %arg11[%add3A_653] : memref<17408xi32, #tpu.memory_space<vmem_shared>> -> memref<16xi32, #tpu.memory_space<vmem_shared>>
    %dma_wait3A_846 = tpu.memref_slice %arg10[%dma_wait3A_842] : memref<16x!tpu.dma_semaphore, #tpu.memory_space<semaphore_mem>> -> memref<1x!tpu.dma_semaphore, #tpu.memory_space<semaphore_mem>>
    %dma_wait3A_847 = tpu.memref_squeeze %dma_wait3A_846 : memref<1x!tpu.dma_semaphore, #tpu.memory_space<semaphore_mem>> -> memref<!tpu.dma_semaphore, #tpu.memory_space<semaphore_mem>>
    %dma_wait3A_848 = tpu.memref_slice %arg11[%add3A_653] : memref<17408xi32, #tpu.memory_space<vmem_shared>> -> memref<16xi32, #tpu.memory_space<vmem_shared>>
    %dma_wait3A_849 = arith.constant 64 : i32
    %dma_wait3A_850 = tpu.memref_slice %arg6[%dma_wait3A_849] : memref<256xi32, #tpu.memory_space<vmem>> -> memref<16xi32, #tpu.memory_space<vmem>>
    tpu.wait_dma2 semaphore(%dma_wait3A_847 : memref<!tpu.dma_semaphore, #tpu.memory_space<semaphore_mem>>) src(%dma_wait3A_850 : memref<16xi32, #tpu.memory_space<vmem>>) dst(%dma_wait3A_848 : memref<16xi32, #tpu.memory_space<vmem_shared>>)
    %dma_wait3A_851 = arith.constant 5 : i32
    %dma_wait3A_852 = arith.constant 80 : i32
    %dma_wait3A_853 = tpu.memref_slice %arg6[%dma_wait3A_852] : memref<256xi32, #tpu.memory_space<vmem>> -> memref<16xi32, #tpu.memory_space<vmem>>
    %dma_wait3A_854 = tpu.memref_slice %arg11[%add3A_666] : memref<17408xi32, #tpu.memory_space<vmem_shared>> -> memref<16xi32, #tpu.memory_space<vmem_shared>>
    %dma_wait3A_855 = tpu.memref_slice %arg10[%dma_wait3A_851] : memref<16x!tpu.dma_semaphore, #tpu.memory_space<semaphore_mem>> -> memref<1x!tpu.dma_semaphore, #tpu.memory_space<semaphore_mem>>
    %dma_wait3A_856 = tpu.memref_squeeze %dma_wait3A_855 : memref<1x!tpu.dma_semaphore, #tpu.memory_space<semaphore_mem>> -> memref<!tpu.dma_semaphore, #tpu.memory_space<semaphore_mem>>
    %dma_wait3A_857 = tpu.memref_slice %arg11[%add3A_666] : memref<17408xi32, #tpu.memory_space<vmem_shared>> -> memref<16xi32, #tpu.memory_space<vmem_shared>>
    %dma_wait3A_858 = arith.constant 80 : i32
    %dma_wait3A_859 = tpu.memref_slice %arg6[%dma_wait3A_858] : memref<256xi32, #tpu.memory_space<vmem>> -> memref<16xi32, #tpu.memory_space<vmem>>
    tpu.wait_dma2 semaphore(%dma_wait3A_856 : memref<!tpu.dma_semaphore, #tpu.memory_space<semaphore_mem>>) src(%dma_wait3A_859 : memref<16xi32, #tpu.memory_space<vmem>>) dst(%dma_wait3A_857 : memref<16xi32, #tpu.memory_space<vmem_shared>>)
    %dma_wait3A_860 = arith.constant 6 : i32
    %dma_wait3A_861 = arith.constant 96 : i32
    %dma_wait3A_862 = tpu.memref_slice %arg6[%dma_wait3A_861] : memref<256xi32, #tpu.memory_space<vmem>> -> memref<16xi32, #tpu.memory_space<vmem>>
    %dma_wait3A_863 = tpu.memref_slice %arg11[%add3A_679] : memref<17408xi32, #tpu.memory_space<vmem_shared>> -> memref<16xi32, #tpu.memory_space<vmem_shared>>
    %dma_wait3A_864 = tpu.memref_slice %arg10[%dma_wait3A_860] : memref<16x!tpu.dma_semaphore, #tpu.memory_space<semaphore_mem>> -> memref<1x!tpu.dma_semaphore, #tpu.memory_space<semaphore_mem>>
    %dma_wait3A_865 = tpu.memref_squeeze %dma_wait3A_864 : memref<1x!tpu.dma_semaphore, #tpu.memory_space<semaphore_mem>> -> memref<!tpu.dma_semaphore, #tpu.memory_space<semaphore_mem>>
    %dma_wait3A_866 = tpu.memref_slice %arg11[%add3A_679] : memref<17408xi32, #tpu.memory_space<vmem_shared>> -> memref<16xi32, #tpu.memory_space<vmem_shared>>
    %dma_wait3A_867 = arith.constant 96 : i32
    %dma_wait3A_868 = tpu.memref_slice %arg6[%dma_wait3A_867] : memref<256xi32, #tpu.memory_space<vmem>> -> memref<16xi32, #tpu.memory_space<vmem>>
    tpu.wait_dma2 semaphore(%dma_wait3A_865 : memref<!tpu.dma_semaphore, #tpu.memory_space<semaphore_mem>>) src(%dma_wait3A_868 : memref<16xi32, #tpu.memory_space<vmem>>) dst(%dma_wait3A_866 : memref<16xi32, #tpu.memory_space<vmem_shared>>)
    %dma_wait3A_869 = arith.constant 7 : i32
    %dma_wait3A_870 = arith.constant 112 : i32
    %dma_wait3A_871 = tpu.memref_slice %arg6[%dma_wait3A_870] : memref<256xi32, #tpu.memory_space<vmem>> -> memref<16xi32, #tpu.memory_space<vmem>>
    %dma_wait3A_872 = tpu.memref_slice %arg11[%add3A_692] : memref<17408xi32, #tpu.memory_space<vmem_shared>> -> memref<16xi32, #tpu.memory_space<vmem_shared>>
    %dma_wait3A_873 = tpu.memref_slice %arg10[%dma_wait3A_869] : memref<16x!tpu.dma_semaphore, #tpu.memory_space<semaphore_mem>> -> memref<1x!tpu.dma_semaphore, #tpu.memory_space<semaphore_mem>>
    %dma_wait3A_874 = tpu.memref_squeeze %dma_wait3A_873 : memref<1x!tpu.dma_semaphore, #tpu.memory_space<semaphore_mem>> -> memref<!tpu.dma_semaphore, #tpu.memory_space<semaphore_mem>>
    %dma_wait3A_875 = tpu.memref_slice %arg11[%add3A_692] : memref<17408xi32, #tpu.memory_space<vmem_shared>> -> memref<16xi32, #tpu.memory_space<vmem_shared>>
    %dma_wait3A_876 = arith.constant 112 : i32
    %dma_wait3A_877 = tpu.memref_slice %arg6[%dma_wait3A_876] : memref<256xi32, #tpu.memory_space<vmem>> -> memref<16xi32, #tpu.memory_space<vmem>>
    tpu.wait_dma2 semaphore(%dma_wait3A_874 : memref<!tpu.dma_semaphore, #tpu.memory_space<semaphore_mem>>) src(%dma_wait3A_877 : memref<16xi32, #tpu.memory_space<vmem>>) dst(%dma_wait3A_875 : memref<16xi32, #tpu.memory_space<vmem_shared>>)
    %dma_wait3A_878 = arith.constant 8 : i32
    %dma_wait3A_879 = arith.constant 128 : i32
    %dma_wait3A_880 = tpu.memref_slice %arg6[%dma_wait3A_879] : memref<256xi32, #tpu.memory_space<vmem>> -> memref<16xi32, #tpu.memory_space<vmem>>
    %dma_wait3A_881 = tpu.memref_slice %arg11[%add3A_705] : memref<17408xi32, #tpu.memory_space<vmem_shared>> -> memref<16xi32, #tpu.memory_space<vmem_shared>>
    %dma_wait3A_882 = tpu.memref_slice %arg10[%dma_wait3A_878] : memref<16x!tpu.dma_semaphore, #tpu.memory_space<semaphore_mem>> -> memref<1x!tpu.dma_semaphore, #tpu.memory_space<semaphore_mem>>
    %dma_wait3A_883 = tpu.memref_squeeze %dma_wait3A_882 : memref<1x!tpu.dma_semaphore, #tpu.memory_space<semaphore_mem>> -> memref<!tpu.dma_semaphore, #tpu.memory_space<semaphore_mem>>
    %dma_wait3A_884 = tpu.memref_slice %arg11[%add3A_705] : memref<17408xi32, #tpu.memory_space<vmem_shared>> -> memref<16xi32, #tpu.memory_space<vmem_shared>>
    %dma_wait3A_885 = arith.constant 128 : i32
    %dma_wait3A_886 = tpu.memref_slice %arg6[%dma_wait3A_885] : memref<256xi32, #tpu.memory_space<vmem>> -> memref<16xi32, #tpu.memory_space<vmem>>
    tpu.wait_dma2 semaphore(%dma_wait3A_883 : memref<!tpu.dma_semaphore, #tpu.memory_space<semaphore_mem>>) src(%dma_wait3A_886 : memref<16xi32, #tpu.memory_space<vmem>>) dst(%dma_wait3A_884 : memref<16xi32, #tpu.memory_space<vmem_shared>>)
    %dma_wait3A_887 = arith.constant 9 : i32
    %dma_wait3A_888 = arith.constant 144 : i32
    %dma_wait3A_889 = tpu.memref_slice %arg6[%dma_wait3A_888] : memref<256xi32, #tpu.memory_space<vmem>> -> memref<16xi32, #tpu.memory_space<vmem>>
    %dma_wait3A_890 = tpu.memref_slice %arg11[%add3A_718] : memref<17408xi32, #tpu.memory_space<vmem_shared>> -> memref<16xi32, #tpu.memory_space<vmem_shared>>
    %dma_wait3A_891 = tpu.memref_slice %arg10[%dma_wait3A_887] : memref<16x!tpu.dma_semaphore, #tpu.memory_space<semaphore_mem>> -> memref<1x!tpu.dma_semaphore, #tpu.memory_space<semaphore_mem>>
    %dma_wait3A_892 = tpu.memref_squeeze %dma_wait3A_891 : memref<1x!tpu.dma_semaphore, #tpu.memory_space<semaphore_mem>> -> memref<!tpu.dma_semaphore, #tpu.memory_space<semaphore_mem>>
    %dma_wait3A_893 = tpu.memref_slice %arg11[%add3A_718] : memref<17408xi32, #tpu.memory_space<vmem_shared>> -> memref<16xi32, #tpu.memory_space<vmem_shared>>
    %dma_wait3A_894 = arith.constant 144 : i32
    %dma_wait3A_895 = tpu.memref_slice %arg6[%dma_wait3A_894] : memref<256xi32, #tpu.memory_space<vmem>> -> memref<16xi32, #tpu.memory_space<vmem>>
    tpu.wait_dma2 semaphore(%dma_wait3A_892 : memref<!tpu.dma_semaphore, #tpu.memory_space<semaphore_mem>>) src(%dma_wait3A_895 : memref<16xi32, #tpu.memory_space<vmem>>) dst(%dma_wait3A_893 : memref<16xi32, #tpu.memory_space<vmem_shared>>)
    %dma_wait3A_896 = arith.constant 10 : i32
    %dma_wait3A_897 = arith.constant 160 : i32
    %dma_wait3A_898 = tpu.memref_slice %arg6[%dma_wait3A_897] : memref<256xi32, #tpu.memory_space<vmem>> -> memref<16xi32, #tpu.memory_space<vmem>>
    %dma_wait3A_899 = tpu.memref_slice %arg11[%add3A_731] : memref<17408xi32, #tpu.memory_space<vmem_shared>> -> memref<16xi32, #tpu.memory_space<vmem_shared>>
    %dma_wait3A_900 = tpu.memref_slice %arg10[%dma_wait3A_896] : memref<16x!tpu.dma_semaphore, #tpu.memory_space<semaphore_mem>> -> memref<1x!tpu.dma_semaphore, #tpu.memory_space<semaphore_mem>>
    %dma_wait3A_901 = tpu.memref_squeeze %dma_wait3A_900 : memref<1x!tpu.dma_semaphore, #tpu.memory_space<semaphore_mem>> -> memref<!tpu.dma_semaphore, #tpu.memory_space<semaphore_mem>>
    %dma_wait3A_902 = tpu.memref_slice %arg11[%add3A_731] : memref<17408xi32, #tpu.memory_space<vmem_shared>> -> memref<16xi32, #tpu.memory_space<vmem_shared>>
    %dma_wait3A_903 = arith.constant 160 : i32
    %dma_wait3A_904 = tpu.memref_slice %arg6[%dma_wait3A_903] : memref<256xi32, #tpu.memory_space<vmem>> -> memref<16xi32, #tpu.memory_space<vmem>>
    tpu.wait_dma2 semaphore(%dma_wait3A_901 : memref<!tpu.dma_semaphore, #tpu.memory_space<semaphore_mem>>) src(%dma_wait3A_904 : memref<16xi32, #tpu.memory_space<vmem>>) dst(%dma_wait3A_902 : memref<16xi32, #tpu.memory_space<vmem_shared>>)
    %dma_wait3A_905 = arith.constant 11 : i32
    %dma_wait3A_906 = arith.constant 176 : i32
    %dma_wait3A_907 = tpu.memref_slice %arg6[%dma_wait3A_906] : memref<256xi32, #tpu.memory_space<vmem>> -> memref<16xi32, #tpu.memory_space<vmem>>
    %dma_wait3A_908 = tpu.memref_slice %arg11[%add3A_744] : memref<17408xi32, #tpu.memory_space<vmem_shared>> -> memref<16xi32, #tpu.memory_space<vmem_shared>>
    %dma_wait3A_909 = tpu.memref_slice %arg10[%dma_wait3A_905] : memref<16x!tpu.dma_semaphore, #tpu.memory_space<semaphore_mem>> -> memref<1x!tpu.dma_semaphore, #tpu.memory_space<semaphore_mem>>
    %dma_wait3A_910 = tpu.memref_squeeze %dma_wait3A_909 : memref<1x!tpu.dma_semaphore, #tpu.memory_space<semaphore_mem>> -> memref<!tpu.dma_semaphore, #tpu.memory_space<semaphore_mem>>
    %dma_wait3A_911 = tpu.memref_slice %arg11[%add3A_744] : memref<17408xi32, #tpu.memory_space<vmem_shared>> -> memref<16xi32, #tpu.memory_space<vmem_shared>>
    %dma_wait3A_912 = arith.constant 176 : i32
    %dma_wait3A_913 = tpu.memref_slice %arg6[%dma_wait3A_912] : memref<256xi32, #tpu.memory_space<vmem>> -> memref<16xi32, #tpu.memory_space<vmem>>
    tpu.wait_dma2 semaphore(%dma_wait3A_910 : memref<!tpu.dma_semaphore, #tpu.memory_space<semaphore_mem>>) src(%dma_wait3A_913 : memref<16xi32, #tpu.memory_space<vmem>>) dst(%dma_wait3A_911 : memref<16xi32, #tpu.memory_space<vmem_shared>>)
    %dma_wait3A_914 = arith.constant 12 : i32
    %dma_wait3A_915 = arith.constant 192 : i32
    %dma_wait3A_916 = tpu.memref_slice %arg6[%dma_wait3A_915] : memref<256xi32, #tpu.memory_space<vmem>> -> memref<16xi32, #tpu.memory_space<vmem>>
    %dma_wait3A_917 = tpu.memref_slice %arg11[%add3A_757] : memref<17408xi32, #tpu.memory_space<vmem_shared>> -> memref<16xi32, #tpu.memory_space<vmem_shared>>
    %dma_wait3A_918 = tpu.memref_slice %arg10[%dma_wait3A_914] : memref<16x!tpu.dma_semaphore, #tpu.memory_space<semaphore_mem>> -> memref<1x!tpu.dma_semaphore, #tpu.memory_space<semaphore_mem>>
    %dma_wait3A_919 = tpu.memref_squeeze %dma_wait3A_918 : memref<1x!tpu.dma_semaphore, #tpu.memory_space<semaphore_mem>> -> memref<!tpu.dma_semaphore, #tpu.memory_space<semaphore_mem>>
    %dma_wait3A_920 = tpu.memref_slice %arg11[%add3A_757] : memref<17408xi32, #tpu.memory_space<vmem_shared>> -> memref<16xi32, #tpu.memory_space<vmem_shared>>
    %dma_wait3A_921 = arith.constant 192 : i32
    %dma_wait3A_922 = tpu.memref_slice %arg6[%dma_wait3A_921] : memref<256xi32, #tpu.memory_space<vmem>> -> memref<16xi32, #tpu.memory_space<vmem>>
    tpu.wait_dma2 semaphore(%dma_wait3A_919 : memref<!tpu.dma_semaphore, #tpu.memory_space<semaphore_mem>>) src(%dma_wait3A_922 : memref<16xi32, #tpu.memory_space<vmem>>) dst(%dma_wait3A_920 : memref<16xi32, #tpu.memory_space<vmem_shared>>)
    %dma_wait3A_923 = arith.constant 13 : i32
    %dma_wait3A_924 = arith.constant 208 : i32
    %dma_wait3A_925 = tpu.memref_slice %arg6[%dma_wait3A_924] : memref<256xi32, #tpu.memory_space<vmem>> -> memref<16xi32, #tpu.memory_space<vmem>>
    %dma_wait3A_926 = tpu.memref_slice %arg11[%add3A_770] : memref<17408xi32, #tpu.memory_space<vmem_shared>> -> memref<16xi32, #tpu.memory_space<vmem_shared>>
    %dma_wait3A_927 = tpu.memref_slice %arg10[%dma_wait3A_923] : memref<16x!tpu.dma_semaphore, #tpu.memory_space<semaphore_mem>> -> memref<1x!tpu.dma_semaphore, #tpu.memory_space<semaphore_mem>>
    %dma_wait3A_928 = tpu.memref_squeeze %dma_wait3A_927 : memref<1x!tpu.dma_semaphore, #tpu.memory_space<semaphore_mem>> -> memref<!tpu.dma_semaphore, #tpu.memory_space<semaphore_mem>>
    %dma_wait3A_929 = tpu.memref_slice %arg11[%add3A_770] : memref<17408xi32, #tpu.memory_space<vmem_shared>> -> memref<16xi32, #tpu.memory_space<vmem_shared>>
    %dma_wait3A_930 = arith.constant 208 : i32
    %dma_wait3A_931 = tpu.memref_slice %arg6[%dma_wait3A_930] : memref<256xi32, #tpu.memory_space<vmem>> -> memref<16xi32, #tpu.memory_space<vmem>>
    tpu.wait_dma2 semaphore(%dma_wait3A_928 : memref<!tpu.dma_semaphore, #tpu.memory_space<semaphore_mem>>) src(%dma_wait3A_931 : memref<16xi32, #tpu.memory_space<vmem>>) dst(%dma_wait3A_929 : memref<16xi32, #tpu.memory_space<vmem_shared>>)
    %dma_wait3A_932 = arith.constant 14 : i32
    %dma_wait3A_933 = arith.constant 224 : i32
    %dma_wait3A_934 = tpu.memref_slice %arg6[%dma_wait3A_933] : memref<256xi32, #tpu.memory_space<vmem>> -> memref<16xi32, #tpu.memory_space<vmem>>
    %dma_wait3A_935 = tpu.memref_slice %arg11[%add3A_783] : memref<17408xi32, #tpu.memory_space<vmem_shared>> -> memref<16xi32, #tpu.memory_space<vmem_shared>>
    %dma_wait3A_936 = tpu.memref_slice %arg10[%dma_wait3A_932] : memref<16x!tpu.dma_semaphore, #tpu.memory_space<semaphore_mem>> -> memref<1x!tpu.dma_semaphore, #tpu.memory_space<semaphore_mem>>
    %dma_wait3A_937 = tpu.memref_squeeze %dma_wait3A_936 : memref<1x!tpu.dma_semaphore, #tpu.memory_space<semaphore_mem>> -> memref<!tpu.dma_semaphore, #tpu.memory_space<semaphore_mem>>
    %dma_wait3A_938 = tpu.memref_slice %arg11[%add3A_783] : memref<17408xi32, #tpu.memory_space<vmem_shared>> -> memref<16xi32, #tpu.memory_space<vmem_shared>>
    %dma_wait3A_939 = arith.constant 224 : i32
    %dma_wait3A_940 = tpu.memref_slice %arg6[%dma_wait3A_939] : memref<256xi32, #tpu.memory_space<vmem>> -> memref<16xi32, #tpu.memory_space<vmem>>
    tpu.wait_dma2 semaphore(%dma_wait3A_937 : memref<!tpu.dma_semaphore, #tpu.memory_space<semaphore_mem>>) src(%dma_wait3A_940 : memref<16xi32, #tpu.memory_space<vmem>>) dst(%dma_wait3A_938 : memref<16xi32, #tpu.memory_space<vmem_shared>>)
    %dma_wait3A_941 = arith.constant 15 : i32
    %dma_wait3A_942 = arith.constant 240 : i32
    %dma_wait3A_943 = tpu.memref_slice %arg6[%dma_wait3A_942] : memref<256xi32, #tpu.memory_space<vmem>> -> memref<16xi32, #tpu.memory_space<vmem>>
    %dma_wait3A_944 = tpu.memref_slice %arg11[%add3A_796] : memref<17408xi32, #tpu.memory_space<vmem_shared>> -> memref<16xi32, #tpu.memory_space<vmem_shared>>
    %dma_wait3A_945 = tpu.memref_slice %arg10[%dma_wait3A_941] : memref<16x!tpu.dma_semaphore, #tpu.memory_space<semaphore_mem>> -> memref<1x!tpu.dma_semaphore, #tpu.memory_space<semaphore_mem>>
    %dma_wait3A_946 = tpu.memref_squeeze %dma_wait3A_945 : memref<1x!tpu.dma_semaphore, #tpu.memory_space<semaphore_mem>> -> memref<!tpu.dma_semaphore, #tpu.memory_space<semaphore_mem>>
    %dma_wait3A_947 = tpu.memref_slice %arg11[%add3A_796] : memref<17408xi32, #tpu.memory_space<vmem_shared>> -> memref<16xi32, #tpu.memory_space<vmem_shared>>
    %dma_wait3A_948 = arith.constant 240 : i32
    %dma_wait3A_949 = tpu.memref_slice %arg6[%dma_wait3A_948] : memref<256xi32, #tpu.memory_space<vmem>> -> memref<16xi32, #tpu.memory_space<vmem>>
    tpu.wait_dma2 semaphore(%dma_wait3A_946 : memref<!tpu.dma_semaphore, #tpu.memory_space<semaphore_mem>>) src(%dma_wait3A_949 : memref<16xi32, #tpu.memory_space<vmem>>) dst(%dma_wait3A_947 : memref<16xi32, #tpu.memory_space<vmem_shared>>)
    %barrier3A_950 = arith.constant 0 : index
    tpu.barrier barrier_id(%barrier3A_950)
    %mul3A_951 = arith.constant 256 : i32
    %mul3A_952 = arith.muli %arg1, %mul3A_951 : i32
    %add3A_953 = arith.constant 4096 : i32
    %add3A_954 = arith.addi %add3A_953, %mul3A_952 : i32
    "tpu.region"() ({
      %run_scoped3A = tpu.sem_alloc : memref<!tpu.dma_semaphore, #tpu.memory_space<semaphore_mem>>
      %dma_start3A_1818 = tpu.memref_slice %arg11[%add3A_954] : memref<17408xi32, #tpu.memory_space<vmem_shared>> -> memref<256xi32, #tpu.memory_space<vmem_shared>>
      %dma_start3A_1819 = tpu.memref_slice %arg11[%add3A_954] : memref<17408xi32, #tpu.memory_space<vmem_shared>> -> memref<256xi32, #tpu.memory_space<vmem_shared>>
      tpu.enqueue_dma source(%dma_start3A_1819 : memref<256xi32, #tpu.memory_space<vmem_shared>>) target(%arg6 : memref<256xi32, #tpu.memory_space<vmem>>) target_semaphore(%run_scoped3A : memref<!tpu.dma_semaphore, #tpu.memory_space<semaphore_mem>>)
      %dma_wait3A_1820 = tpu.memref_slice %arg11[%add3A_954] : memref<17408xi32, #tpu.memory_space<vmem_shared>> -> memref<256xi32, #tpu.memory_space<vmem_shared>>
      %dma_wait3A_1821 = tpu.memref_slice %arg11[%add3A_954] : memref<17408xi32, #tpu.memory_space<vmem_shared>> -> memref<256xi32, #tpu.memory_space<vmem_shared>>
      tpu.wait_dma2 semaphore(%run_scoped3A : memref<!tpu.dma_semaphore, #tpu.memory_space<semaphore_mem>>) src(%dma_wait3A_1821 : memref<256xi32, #tpu.memory_space<vmem_shared>>) dst(%arg6 : memref<256xi32, #tpu.memory_space<vmem>>)
      tpu.yield
    }) : () -> ()
    %scan3A_955 = arith.constant 0 : i32
    %scan3A_956 = arith.constant 16 : i32
    %scan3A_957 = arith.addi %scan3A_955, %scan3A_956 : i32
    %scan3A_958 = arith.constant 1 : i32
    %scan3A_959 = scf.for %scan3A_1818 = %scan3A_955 to %scan3A_957 step %scan3A_958 iter_args(%scan3A_1819 = %broadcast_in_dim3A_2) -> (vector<16xi32>)  : i32 {
      %mul3A_1820 = arith.constant 16 : i32
      %mul3A_1821 = arith.muli %scan3A_1818, %mul3A_1820 : i32
      %get3A = arith.index_cast %mul3A_1821 : i32 to index
      %get3A_1822 = tpu.vector_load %arg6[%get3A] {strides = array<i32>} : memref<256xi32, #tpu.memory_space<vmem>>, vector<16xi32>,
      %add3A_1823 = arith.addi %scan3A_1819, %get3A_1822 : vector<16xi32>
      scf.yield %add3A_1823 : vector<16xi32>
    }
    %scan3A_960 = arith.constant 16 : i32
    %swap3A_961 = arith.constant 0 : index
    %swap3A_962 = tpu.vector_load %arg7[%swap3A_961] {strides = array<i32>} : memref<16xi32, #tpu.memory_space<vmem>>, vector<16xi32>,
    tpu.vector_store %arg7[%swap3A_961], %scan3A_959 {strides = array<i32>} : memref<16xi32, #tpu.memory_space<vmem>>, vector<16xi32>,
    %mul3A_963 = arith.constant 16 : i32
    %mul3A_964 = arith.muli %arg1, %mul3A_963 : i32
    %add3A_965 = arith.constant 16640 : i32
    %add3A_966 = arith.addi %add3A_965, %mul3A_964 : i32
    "tpu.region"() ({
      %run_scoped3A = tpu.sem_alloc : memref<!tpu.dma_semaphore, #tpu.memory_space<semaphore_mem>>
      %dma_start3A_1818 = tpu.memref_slice %arg11[%add3A_966] : memref<17408xi32, #tpu.memory_space<vmem_shared>> -> memref<16xi32, #tpu.memory_space<vmem_shared>>
      %dma_start3A_1819 = tpu.memref_slice %arg11[%add3A_966] : memref<17408xi32, #tpu.memory_space<vmem_shared>> -> memref<16xi32, #tpu.memory_space<vmem_shared>>
      tpu.enqueue_dma source(%arg7 : memref<16xi32, #tpu.memory_space<vmem>>) target(%dma_start3A_1819 : memref<16xi32, #tpu.memory_space<vmem_shared>>) target_semaphore(%run_scoped3A : memref<!tpu.dma_semaphore, #tpu.memory_space<semaphore_mem>>)
      %dma_wait3A_1820 = tpu.memref_slice %arg11[%add3A_966] : memref<17408xi32, #tpu.memory_space<vmem_shared>> -> memref<16xi32, #tpu.memory_space<vmem_shared>>
      %dma_wait3A_1821 = tpu.memref_slice %arg11[%add3A_966] : memref<17408xi32, #tpu.memory_space<vmem_shared>> -> memref<16xi32, #tpu.memory_space<vmem_shared>>
      tpu.wait_dma2 semaphore(%run_scoped3A : memref<!tpu.dma_semaphore, #tpu.memory_space<semaphore_mem>>) src(%arg7 : memref<16xi32, #tpu.memory_space<vmem>>) dst(%dma_wait3A_1821 : memref<16xi32, #tpu.memory_space<vmem_shared>>)
      tpu.yield
    }) : () -> ()
    %barrier3A_967 = arith.constant 0 : index
    tpu.barrier barrier_id(%barrier3A_967)
    "tpu.region"() ({
      %run_scoped3A = tpu.sem_alloc : memref<!tpu.dma_semaphore, #tpu.memory_space<semaphore_mem>>
      %dma_start3A_1818 = arith.constant 16640 : i32
      %dma_start3A_1819 = tpu.memref_slice %arg11[%dma_start3A_1818] : memref<17408xi32, #tpu.memory_space<vmem_shared>> -> memref<256xi32, #tpu.memory_space<vmem_shared>>
      %dma_start3A_1820 = arith.constant 16640 : i32
      %dma_start3A_1821 = tpu.memref_slice %arg11[%dma_start3A_1820] : memref<17408xi32, #tpu.memory_space<vmem_shared>> -> memref<256xi32, #tpu.memory_space<vmem_shared>>
      tpu.enqueue_dma source(%dma_start3A_1821 : memref<256xi32, #tpu.memory_space<vmem_shared>>) target(%arg6 : memref<256xi32, #tpu.memory_space<vmem>>) target_semaphore(%run_scoped3A : memref<!tpu.dma_semaphore, #tpu.memory_space<semaphore_mem>>)
      %dma_wait3A_1822 = arith.constant 16640 : i32
      %dma_wait3A_1823 = tpu.memref_slice %arg11[%dma_wait3A_1822] : memref<17408xi32, #tpu.memory_space<vmem_shared>> -> memref<256xi32, #tpu.memory_space<vmem_shared>>
      %dma_wait3A_1824 = arith.constant 16640 : i32
      %dma_wait3A_1825 = tpu.memref_slice %arg11[%dma_wait3A_1824] : memref<17408xi32, #tpu.memory_space<vmem_shared>> -> memref<256xi32, #tpu.memory_space<vmem_shared>>
      tpu.wait_dma2 semaphore(%run_scoped3A : memref<!tpu.dma_semaphore, #tpu.memory_space<semaphore_mem>>) src(%dma_wait3A_1825 : memref<256xi32, #tpu.memory_space<vmem_shared>>) dst(%arg6 : memref<256xi32, #tpu.memory_space<vmem>>)
      tpu.yield
    }) : () -> ()
    %scan3A_968 = arith.constant 0 : i32
    %scan3A_969 = arith.constant 0 : i32
    %scan3A_970 = arith.constant 0 : i32
    %scan3A_971 = arith.constant 0 : i32
    %scan3A_972 = arith.constant 16 : i32
    %scan3A_973 = arith.addi %scan3A_971, %scan3A_972 : i32
    %scan3A_974 = arith.constant 1 : i32
    %scan3A_975:3 = scf.for %scan3A_1818 = %scan3A_971 to %scan3A_973 step %scan3A_974 iter_args(%scan3A_1819 = %scan3A_968, %scan3A_1820 = %scan3A_969, %scan3A_1821 = %scan3A_970) -> (i32, i32, i32)  : i32 {
      %mul3A_1822 = arith.constant 16 : i32
      %mul3A_1823 = arith.muli %scan3A_1818, %mul3A_1822 : i32
      %get3A = arith.index_cast %mul3A_1823 : i32 to index
      %get3A_1824 = tpu.vector_load %arg6[%get3A] {strides = array<i32>} : memref<256xi32, #tpu.memory_space<vmem>>, vector<16xi32>,
      %broadcast_in_dim3A_1825 = arith.constant true
      %broadcast_in_dim3A_1826 = vector.broadcast %broadcast_in_dim3A_1825 : i1 to vector<16xi1>
      %masked_cumsum3A = tpu.scan <sum>, %get3A_1824 masked %broadcast_in_dim3A_1826 : vector<16xi32>, vector<16xi1> -> vector<16xi32>
      %add3A_1827 = vector.broadcast %scan3A_1819 : i32 to vector<16xi32>
      %add3A_1828 = arith.addi %masked_cumsum3A, %add3A_1827 : vector<16xi32>
      %lt3A = vector.broadcast %sub3A_573 : i32 to vector<16xi32>
      %lt3A_1829 = arith.cmpi slt, %add3A_1828, %lt3A : vector<16xi32>
      %select_n3A = arith.select %lt3A_1829, %broadcast_in_dim3A_0, %broadcast_in_dim3A_2 : vector<16xi1>, vector<16xi32>
      %reduce_sum3A = arith.constant true
      %reduce_sum3A_1830 = vector.broadcast %reduce_sum3A : i1 to vector<16xi1>
      %reduce_sum3A_1831 = tpu.scan <sum>, %select_n3A masked %reduce_sum3A_1830 : vector<16xi32>, vector<16xi1> -> vector<16xi32>
      %reduce_sum3A_1832 = vector.extract %reduce_sum3A_1831[15] : i32 from vector<16xi32>
      %add3A_1833 = arith.addi %scan3A_1820, %reduce_sum3A_1832 : i32
      %select_n3A_1834 = arith.select %lt3A_1829, %get3A_1824, %broadcast_in_dim3A_2 : vector<16xi1>, vector<16xi32>
      %reduce_sum3A_1835 = arith.constant true
      %reduce_sum3A_1836 = vector.broadcast %reduce_sum3A_1835 : i1 to vector<16xi1>
      %reduce_sum3A_1837 = tpu.scan <sum>, %select_n3A_1834 masked %reduce_sum3A_1836 : vector<16xi32>, vector<16xi1> -> vector<16xi32>
      %reduce_sum3A_1838 = vector.extract %reduce_sum3A_1837[15] : i32 from vector<16xi32>
      %add3A_1839 = arith.addi %scan3A_1821, %reduce_sum3A_1838 : i32
      %reduce_sum3A_1840 = arith.constant true
      %reduce_sum3A_1841 = vector.broadcast %reduce_sum3A_1840 : i1 to vector<16xi1>
      %reduce_sum3A_1842 = tpu.scan <sum>, %get3A_1824 masked %reduce_sum3A_1841 : vector<16xi32>, vector<16xi1> -> vector<16xi32>
      %reduce_sum3A_1843 = vector.extract %reduce_sum3A_1842[15] : i32 from vector<16xi32>
      %add3A_1844 = arith.addi %scan3A_1819, %reduce_sum3A_1843 : i32
      scf.yield %add3A_1844, %add3A_1833, %add3A_1839 : i32, i32, i32
    }
    %scan3A_976 = arith.constant 16 : i32
    %sub3A_977 = arith.subi %sub3A_573, %scan3A_975#2 : i32
    %mul3A_978 = arith.constant 256 : i32
    %mul3A_979 = arith.muli %scan3A_571#1, %mul3A_978 : i32
    %add3A_980 = arith.addi %mul3A_979, %scan3A_975#1 : i32
    %parallel_loop3A_981 = arith.constant 0 : i32
    %parallel_loop3A_982 = arith.constant 256 : i32
    %parallel_loop3A_983 = arith.constant 1 : i32
    scf.for %parallel_loop3A_1818 = %parallel_loop3A_981 to %parallel_loop3A_982 step %parallel_loop3A_983  : i32 {
      %parallel_loop3A_1819 = arith.constant 16 : i32
      %parallel_loop3A_1820 = arith.muli %parallel_loop3A_1818, %parallel_loop3A_1819 : i32
      %parallel_loop3A_1821 = arith.index_cast %parallel_loop3A_1820 : i32 to index
      %parallel_loop3A_1822 = tpu.vector_load %arg5[%parallel_loop3A_1821] {strides = array<i32>} : memref<4096xi32, #tpu.memory_space<vmem>>, vector<16xi32>,
      tpu.vector_store %arg5[%parallel_loop3A_1821], %broadcast_in_dim3A_2 {strides = array<i32>} : memref<4096xi32, #tpu.memory_space<vmem>>, vector<16xi32>,
    } {sc.loop_unroll_factor = 8 : i64, sc.parallel_access}
    %shift_left3A_984 = arith.constant 16 : i32
    %shift_left3A_985 = arith.shli %add3A_980, %shift_left3A_984 : i32
    %add3A_986 = arith.constant 16 : i32
    %add3A_987 = arith.addi %parallel_loop3A_590#0, %add3A_986 : i32
    %sub3A_988 = arith.constant 1 : i32
    %sub3A_989 = arith.subi %add3A_987, %sub3A_988 : i32
    %shift_right_arithmetic3A_990 = arith.constant 4 : i32
    %shift_right_arithmetic3A_991 = arith.shrsi %sub3A_989, %shift_right_arithmetic3A_990 : i32
    %parallel_loop3A_992 = arith.constant 0 : i32
    %parallel_loop3A_993 = arith.constant 1 : i32
    %parallel_loop3A_994 = arith.constant 16 : i32
    %parallel_loop3A_995 = arith.constant 8 : i32
    %parallel_loop3A_996 = arith.constant 0 : i32
    %parallel_loop3A_997:2 = scf.for %parallel_loop3A_1818 = %parallel_loop3A_992 to %shift_right_arithmetic3A_991 step %parallel_loop3A_993 iter_args(%parallel_loop3A_1819 = %parallel_loop3A_996, %parallel_loop3A_1820 = %parallel_loop3A_590#1) -> (i32, vector<16xf32>)  : i32 {
      %parallel_loop3A_1821 = arith.constant 16 : i32
      %parallel_loop3A_1822 = arith.muli %parallel_loop3A_1818, %parallel_loop3A_1821 : i32
      %parallel_loop3A_1823 = arith.index_cast %parallel_loop3A_1822 : i32 to index
      %parallel_loop3A_1824 = tpu.vector_load %arg4[%parallel_loop3A_1823] {strides = array<i32>} : memref<65536xf32, #tpu.memory_space<vmem>>, vector<16xf32>,
      %parallel_loop3A_1825 = tpu.bitcast %parallel_loop3A_1824 : vector<16xf32> -> vector<16xi32>
      %parallel_loop3A_1826 = arith.constant 31 : i32
      %parallel_loop3A_1827 = vector.broadcast %parallel_loop3A_1826 : i32 to vector<16xi32>
      %parallel_loop3A_1828 = arith.shrsi %parallel_loop3A_1825, %parallel_loop3A_1827 : vector<16xi32>
      %parallel_loop3A_1829 = arith.constant -2147483648 : i32
      %parallel_loop3A_1830 = vector.broadcast %parallel_loop3A_1829 : i32 to vector<16xi32>
      %parallel_loop3A_1831 = arith.ori %parallel_loop3A_1828, %parallel_loop3A_1830 : vector<16xi32>
      %parallel_loop3A_1832 = arith.xori %parallel_loop3A_1825, %parallel_loop3A_1831 : vector<16xi32>
      %parallel_loop3A_1833 = tpu.bitcast %parallel_loop3A_1832 : vector<16xi32> -> vector<16xi32>
      %parallel_loop3A_1834 = arith.constant 16 : i32
      %parallel_loop3A_1835 = arith.muli %parallel_loop3A_1818, %parallel_loop3A_1834 : i32
      %parallel_loop3A_1836 = vector.broadcast %parallel_loop3A_1835 : i32 to vector<16xi32>
      %parallel_loop3A_1837 = arith.addi %parallel_loop3A_1836, %iota3A : vector<16xi32>
      %parallel_loop3A_1838 = vector.broadcast %parallel_loop3A_590#0 : i32 to vector<16xi32>
      %parallel_loop3A_1839 = arith.cmpi slt, %parallel_loop3A_1837, %parallel_loop3A_1838 : vector<16xi32>
      %parallel_loop3A_1840 = vector.broadcast %parallel_loop3A_994 : i32 to vector<16xi32>
      %parallel_loop3A_1841 = arith.shrui %parallel_loop3A_1833, %parallel_loop3A_1840 : vector<16xi32>
      %parallel_loop3A_1842 = vector.broadcast %add3A_980 : i32 to vector<16xi32>
      %parallel_loop3A_1843 = arith.cmpi eq, %parallel_loop3A_1841, %parallel_loop3A_1842 : vector<16xi32>
      %parallel_loop3A_1844 = arith.andi %parallel_loop3A_1839, %parallel_loop3A_1843 : vector<16xi1>
      %parallel_loop3A_1845 = vector.broadcast %shift_left3A_985 : i32 to vector<16xi32>
      %parallel_loop3A_1846 = arith.cmpi ult, %parallel_loop3A_1833, %parallel_loop3A_1845 : vector<16xi32>
      %parallel_loop3A_1847 = arith.andi %parallel_loop3A_1839, %parallel_loop3A_1846 : vector<16xi1>
      %parallel_loop3A_1848 = vector.broadcast %parallel_loop3A_995 : i32 to vector<16xi32>
      %parallel_loop3A_1849 = arith.shrui %parallel_loop3A_1833, %parallel_loop3A_1848 : vector<16xi32>
      %parallel_loop3A_1850 = arith.constant 255 : i32
      %parallel_loop3A_1851 = vector.broadcast %parallel_loop3A_1850 : i32 to vector<16xi32>
      %parallel_loop3A_1852 = arith.andi %parallel_loop3A_1849, %parallel_loop3A_1851 : vector<16xi32>
      %parallel_loop3A_1853 = arith.constant 256 : i32
      %parallel_loop3A_1854 = vector.broadcast %parallel_loop3A_1853 : i32 to vector<16xi32>
      %parallel_loop3A_1855 = arith.muli %iota3A, %parallel_loop3A_1854 : vector<16xi32>
      %parallel_loop3A_1856 = arith.addi %parallel_loop3A_1855, %parallel_loop3A_1852 : vector<16xi32>
      tpu.vector_store_idx %arg5[%parallel_loop3A_1856], %broadcast_in_dim3A_0 masked %parallel_loop3A_1844 {add = true} : memref<4096xi32, #tpu.memory_space<vmem>>[vector<16xi32>], vector<16xi32>, vector<16xi1>
      %parallel_loop3A_1857 = arith.select %parallel_loop3A_1847, %parallel_loop3A_1824, %broadcast_in_dim3A_4 : vector<16xi1>, vector<16xf32>
      %parallel_loop3A_1858 = arith.addf %parallel_loop3A_1820, %parallel_loop3A_1857 : vector<16xf32>
      %parallel_loop3A_1859 = arith.index_cast %parallel_loop3A_1819 : i32 to index
      %parallel_loop3A_1860 = tpu.vector_load %arg4[%parallel_loop3A_1859] masked %parallel_loop3A_1844 {strides = array<i32>} : memref<65536xf32, #tpu.memory_space<vmem>>, vector<16xf32>, vector<16xi1>
      tpu.vector_store %arg4[%parallel_loop3A_1859], %parallel_loop3A_1824 masked %parallel_loop3A_1844 {strides = array<i32>} : memref<65536xf32, #tpu.memory_space<vmem>>, vector<16xf32>, vector<16xi1>
      %parallel_loop3A_1861 = tpu.all_reduce %parallel_loop3A_1844 {dim = 0 : i64, kind = #tpu.reduction_kind<sum>} : vector<16xi1> -> vector<16xi32>
      %parallel_loop3A_1862 = vector.extract_strided_slice %parallel_loop3A_1861 {offsets = [0], sizes = [1], strides = [1]} : vector<16xi32> to vector<1xi32>
      %parallel_loop3A_1863 = vector.extract %parallel_loop3A_1862[0] : i32 from vector<1xi32>
      %parallel_loop3A_1864 = arith.addi %parallel_loop3A_1819, %parallel_loop3A_1863 : i32
      scf.yield %parallel_loop3A_1864, %parallel_loop3A_1858 : i32, vector<16xf32>
    } {sc.loop_unroll_factor = 4 : i64, sc.parallel_access}
    %scan3A_998 = arith.constant 0 : i32
    %scan3A_999 = arith.constant 0 : i32
    %scan3A_1000 = arith.constant 16 : i32
    %scan3A_1001 = arith.addi %scan3A_999, %scan3A_1000 : i32
    %scan3A_1002 = arith.constant 1 : i32
    %scan3A_1003 = scf.for %scan3A_1818 = %scan3A_999 to %scan3A_1001 step %scan3A_1002 iter_args(%scan3A_1819 = %scan3A_998) -> (i32)  : i32 {
      %scan3A_1820 = arith.constant 0 : i32
      %scan3A_1821 = arith.constant 16 : i32
      %scan3A_1822 = arith.addi %scan3A_1820, %scan3A_1821 : i32
      %scan3A_1823 = arith.constant 1 : i32
      %scan3A_1824 = scf.for %scan3A_1831 = %scan3A_1820 to %scan3A_1822 step %scan3A_1823 iter_args(%scan3A_1832 = %broadcast_in_dim3A_2) -> (vector<16xi32>)  : i32 {
        %mul3A_1833 = arith.constant 256 : i32
        %mul3A_1834 = arith.muli %scan3A_1831, %mul3A_1833 : i32
        %mul3A_1835 = arith.constant 16 : i32
        %mul3A_1836 = arith.muli %scan3A_1818, %mul3A_1835 : i32
        %add3A_1837 = arith.addi %mul3A_1834, %mul3A_1836 : i32
        %get3A = arith.index_cast %add3A_1837 : i32 to index
        %get3A_1838 = tpu.vector_load %arg5[%get3A] {strides = array<i32>} : memref<4096xi32, #tpu.memory_space<vmem>>, vector<16xi32>,
        %add3A_1839 = arith.addi %scan3A_1832, %get3A_1838 : vector<16xi32>
        scf.yield %add3A_1839 : vector<16xi32>
      }
      %scan3A_1825 = arith.constant 16 : i32
      %mul3A_1826 = arith.constant 16 : i32
      %mul3A_1827 = arith.muli %scan3A_1818, %mul3A_1826 : i32
      %swap3A_1828 = arith.index_cast %mul3A_1827 : i32 to index
      %swap3A_1829 = tpu.vector_load %arg6[%swap3A_1828] {strides = array<i32>} : memref<256xi32, #tpu.memory_space<vmem>>, vector<16xi32>,
      tpu.vector_store %arg6[%swap3A_1828], %scan3A_1824 {strides = array<i32>} : memref<256xi32, #tpu.memory_space<vmem>>, vector<16xi32>,
      %scan3A_1830 = arith.constant 0 : i32
      scf.yield %scan3A_1830 : i32
    }
    %scan3A_1004 = arith.constant 16 : i32
    %mul3A_1005 = arith.constant 16 : i32
    %mul3A_1006 = arith.muli %arg1, %mul3A_1005 : i32
    %add3A_1007 = arith.constant 8192 : i32
    %add3A_1008 = arith.addi %add3A_1007, %mul3A_1006 : i32
    %dma_start3A_1009 = arith.constant 0 : i32
    %dma_start3A_1010 = arith.constant 0 : i32
    %dma_start3A_1011 = tpu.memref_slice %arg6[%dma_start3A_1010] : memref<256xi32, #tpu.memory_space<vmem>> -> memref<16xi32, #tpu.memory_space<vmem>>
    %dma_start3A_1012 = tpu.memref_slice %arg11[%add3A_1008] : memref<17408xi32, #tpu.memory_space<vmem_shared>> -> memref<16xi32, #tpu.memory_space<vmem_shared>>
    %dma_start3A_1013 = tpu.memref_slice %arg10[%dma_start3A_1009] : memref<16x!tpu.dma_semaphore, #tpu.memory_space<semaphore_mem>> -> memref<1x!tpu.dma_semaphore, #tpu.memory_space<semaphore_mem>>
    %dma_start3A_1014 = tpu.memref_squeeze %dma_start3A_1013 : memref<1x!tpu.dma_semaphore, #tpu.memory_space<semaphore_mem>> -> memref<!tpu.dma_semaphore, #tpu.memory_space<semaphore_mem>>
    %dma_start3A_1015 = tpu.memref_slice %arg11[%add3A_1008] : memref<17408xi32, #tpu.memory_space<vmem_shared>> -> memref<16xi32, #tpu.memory_space<vmem_shared>>
    %dma_start3A_1016 = arith.constant 0 : i32
    %dma_start3A_1017 = tpu.memref_slice %arg6[%dma_start3A_1016] : memref<256xi32, #tpu.memory_space<vmem>> -> memref<16xi32, #tpu.memory_space<vmem>>
    tpu.enqueue_dma source(%dma_start3A_1017 : memref<16xi32, #tpu.memory_space<vmem>>) target(%dma_start3A_1015 : memref<16xi32, #tpu.memory_space<vmem_shared>>) target_semaphore(%dma_start3A_1014 : memref<!tpu.dma_semaphore, #tpu.memory_space<semaphore_mem>>)
    %mul3A_1018 = arith.constant 16 : i32
    %mul3A_1019 = arith.muli %arg1, %mul3A_1018 : i32
    %add3A_1020 = arith.constant 8448 : i32
    %add3A_1021 = arith.addi %add3A_1020, %mul3A_1019 : i32
    %dma_start3A_1022 = arith.constant 1 : i32
    %dma_start3A_1023 = arith.constant 16 : i32
    %dma_start3A_1024 = tpu.memref_slice %arg6[%dma_start3A_1023] : memref<256xi32, #tpu.memory_space<vmem>> -> memref<16xi32, #tpu.memory_space<vmem>>
    %dma_start3A_1025 = tpu.memref_slice %arg11[%add3A_1021] : memref<17408xi32, #tpu.memory_space<vmem_shared>> -> memref<16xi32, #tpu.memory_space<vmem_shared>>
    %dma_start3A_1026 = tpu.memref_slice %arg10[%dma_start3A_1022] : memref<16x!tpu.dma_semaphore, #tpu.memory_space<semaphore_mem>> -> memref<1x!tpu.dma_semaphore, #tpu.memory_space<semaphore_mem>>
    %dma_start3A_1027 = tpu.memref_squeeze %dma_start3A_1026 : memref<1x!tpu.dma_semaphore, #tpu.memory_space<semaphore_mem>> -> memref<!tpu.dma_semaphore, #tpu.memory_space<semaphore_mem>>
    %dma_start3A_1028 = tpu.memref_slice %arg11[%add3A_1021] : memref<17408xi32, #tpu.memory_space<vmem_shared>> -> memref<16xi32, #tpu.memory_space<vmem_shared>>
    %dma_start3A_1029 = arith.constant 16 : i32
    %dma_start3A_1030 = tpu.memref_slice %arg6[%dma_start3A_1029] : memref<256xi32, #tpu.memory_space<vmem>> -> memref<16xi32, #tpu.memory_space<vmem>>
    tpu.enqueue_dma source(%dma_start3A_1030 : memref<16xi32, #tpu.memory_space<vmem>>) target(%dma_start3A_1028 : memref<16xi32, #tpu.memory_space<vmem_shared>>) target_semaphore(%dma_start3A_1027 : memref<!tpu.dma_semaphore, #tpu.memory_space<semaphore_mem>>)
    %mul3A_1031 = arith.constant 16 : i32
    %mul3A_1032 = arith.muli %arg1, %mul3A_1031 : i32
    %add3A_1033 = arith.constant 8704 : i32
    %add3A_1034 = arith.addi %add3A_1033, %mul3A_1032 : i32
    %dma_start3A_1035 = arith.constant 2 : i32
    %dma_start3A_1036 = arith.constant 32 : i32
    %dma_start3A_1037 = tpu.memref_slice %arg6[%dma_start3A_1036] : memref<256xi32, #tpu.memory_space<vmem>> -> memref<16xi32, #tpu.memory_space<vmem>>
    %dma_start3A_1038 = tpu.memref_slice %arg11[%add3A_1034] : memref<17408xi32, #tpu.memory_space<vmem_shared>> -> memref<16xi32, #tpu.memory_space<vmem_shared>>
    %dma_start3A_1039 = tpu.memref_slice %arg10[%dma_start3A_1035] : memref<16x!tpu.dma_semaphore, #tpu.memory_space<semaphore_mem>> -> memref<1x!tpu.dma_semaphore, #tpu.memory_space<semaphore_mem>>
    %dma_start3A_1040 = tpu.memref_squeeze %dma_start3A_1039 : memref<1x!tpu.dma_semaphore, #tpu.memory_space<semaphore_mem>> -> memref<!tpu.dma_semaphore, #tpu.memory_space<semaphore_mem>>
    %dma_start3A_1041 = tpu.memref_slice %arg11[%add3A_1034] : memref<17408xi32, #tpu.memory_space<vmem_shared>> -> memref<16xi32, #tpu.memory_space<vmem_shared>>
    %dma_start3A_1042 = arith.constant 32 : i32
    %dma_start3A_1043 = tpu.memref_slice %arg6[%dma_start3A_1042] : memref<256xi32, #tpu.memory_space<vmem>> -> memref<16xi32, #tpu.memory_space<vmem>>
    tpu.enqueue_dma source(%dma_start3A_1043 : memref<16xi32, #tpu.memory_space<vmem>>) target(%dma_start3A_1041 : memref<16xi32, #tpu.memory_space<vmem_shared>>) target_semaphore(%dma_start3A_1040 : memref<!tpu.dma_semaphore, #tpu.memory_space<semaphore_mem>>)
    %mul3A_1044 = arith.constant 16 : i32
    %mul3A_1045 = arith.muli %arg1, %mul3A_1044 : i32
    %add3A_1046 = arith.constant 8960 : i32
    %add3A_1047 = arith.addi %add3A_1046, %mul3A_1045 : i32
    %dma_start3A_1048 = arith.constant 3 : i32
    %dma_start3A_1049 = arith.constant 48 : i32
    %dma_start3A_1050 = tpu.memref_slice %arg6[%dma_start3A_1049] : memref<256xi32, #tpu.memory_space<vmem>> -> memref<16xi32, #tpu.memory_space<vmem>>
    %dma_start3A_1051 = tpu.memref_slice %arg11[%add3A_1047] : memref<17408xi32, #tpu.memory_space<vmem_shared>> -> memref<16xi32, #tpu.memory_space<vmem_shared>>
    %dma_start3A_1052 = tpu.memref_slice %arg10[%dma_start3A_1048] : memref<16x!tpu.dma_semaphore, #tpu.memory_space<semaphore_mem>> -> memref<1x!tpu.dma_semaphore, #tpu.memory_space<semaphore_mem>>
    %dma_start3A_1053 = tpu.memref_squeeze %dma_start3A_1052 : memref<1x!tpu.dma_semaphore, #tpu.memory_space<semaphore_mem>> -> memref<!tpu.dma_semaphore, #tpu.memory_space<semaphore_mem>>
    %dma_start3A_1054 = tpu.memref_slice %arg11[%add3A_1047] : memref<17408xi32, #tpu.memory_space<vmem_shared>> -> memref<16xi32, #tpu.memory_space<vmem_shared>>
    %dma_start3A_1055 = arith.constant 48 : i32
    %dma_start3A_1056 = tpu.memref_slice %arg6[%dma_start3A_1055] : memref<256xi32, #tpu.memory_space<vmem>> -> memref<16xi32, #tpu.memory_space<vmem>>
    tpu.enqueue_dma source(%dma_start3A_1056 : memref<16xi32, #tpu.memory_space<vmem>>) target(%dma_start3A_1054 : memref<16xi32, #tpu.memory_space<vmem_shared>>) target_semaphore(%dma_start3A_1053 : memref<!tpu.dma_semaphore, #tpu.memory_space<semaphore_mem>>)
    %mul3A_1057 = arith.constant 16 : i32
    %mul3A_1058 = arith.muli %arg1, %mul3A_1057 : i32
    %add3A_1059 = arith.constant 9216 : i32
    %add3A_1060 = arith.addi %add3A_1059, %mul3A_1058 : i32
    %dma_start3A_1061 = arith.constant 4 : i32
    %dma_start3A_1062 = arith.constant 64 : i32
    %dma_start3A_1063 = tpu.memref_slice %arg6[%dma_start3A_1062] : memref<256xi32, #tpu.memory_space<vmem>> -> memref<16xi32, #tpu.memory_space<vmem>>
    %dma_start3A_1064 = tpu.memref_slice %arg11[%add3A_1060] : memref<17408xi32, #tpu.memory_space<vmem_shared>> -> memref<16xi32, #tpu.memory_space<vmem_shared>>
    %dma_start3A_1065 = tpu.memref_slice %arg10[%dma_start3A_1061] : memref<16x!tpu.dma_semaphore, #tpu.memory_space<semaphore_mem>> -> memref<1x!tpu.dma_semaphore, #tpu.memory_space<semaphore_mem>>
    %dma_start3A_1066 = tpu.memref_squeeze %dma_start3A_1065 : memref<1x!tpu.dma_semaphore, #tpu.memory_space<semaphore_mem>> -> memref<!tpu.dma_semaphore, #tpu.memory_space<semaphore_mem>>
    %dma_start3A_1067 = tpu.memref_slice %arg11[%add3A_1060] : memref<17408xi32, #tpu.memory_space<vmem_shared>> -> memref<16xi32, #tpu.memory_space<vmem_shared>>
    %dma_start3A_1068 = arith.constant 64 : i32
    %dma_start3A_1069 = tpu.memref_slice %arg6[%dma_start3A_1068] : memref<256xi32, #tpu.memory_space<vmem>> -> memref<16xi32, #tpu.memory_space<vmem>>
    tpu.enqueue_dma source(%dma_start3A_1069 : memref<16xi32, #tpu.memory_space<vmem>>) target(%dma_start3A_1067 : memref<16xi32, #tpu.memory_space<vmem_shared>>) target_semaphore(%dma_start3A_1066 : memref<!tpu.dma_semaphore, #tpu.memory_space<semaphore_mem>>)
    %mul3A_1070 = arith.constant 16 : i32
    %mul3A_1071 = arith.muli %arg1, %mul3A_1070 : i32
    %add3A_1072 = arith.constant 9472 : i32
    %add3A_1073 = arith.addi %add3A_1072, %mul3A_1071 : i32
    %dma_start3A_1074 = arith.constant 5 : i32
    %dma_start3A_1075 = arith.constant 80 : i32
    %dma_start3A_1076 = tpu.memref_slice %arg6[%dma_start3A_1075] : memref<256xi32, #tpu.memory_space<vmem>> -> memref<16xi32, #tpu.memory_space<vmem>>
    %dma_start3A_1077 = tpu.memref_slice %arg11[%add3A_1073] : memref<17408xi32, #tpu.memory_space<vmem_shared>> -> memref<16xi32, #tpu.memory_space<vmem_shared>>
    %dma_start3A_1078 = tpu.memref_slice %arg10[%dma_start3A_1074] : memref<16x!tpu.dma_semaphore, #tpu.memory_space<semaphore_mem>> -> memref<1x!tpu.dma_semaphore, #tpu.memory_space<semaphore_mem>>
    %dma_start3A_1079 = tpu.memref_squeeze %dma_start3A_1078 : memref<1x!tpu.dma_semaphore, #tpu.memory_space<semaphore_mem>> -> memref<!tpu.dma_semaphore, #tpu.memory_space<semaphore_mem>>
    %dma_start3A_1080 = tpu.memref_slice %arg11[%add3A_1073] : memref<17408xi32, #tpu.memory_space<vmem_shared>> -> memref<16xi32, #tpu.memory_space<vmem_shared>>
    %dma_start3A_1081 = arith.constant 80 : i32
    %dma_start3A_1082 = tpu.memref_slice %arg6[%dma_start3A_1081] : memref<256xi32, #tpu.memory_space<vmem>> -> memref<16xi32, #tpu.memory_space<vmem>>
    tpu.enqueue_dma source(%dma_start3A_1082 : memref<16xi32, #tpu.memory_space<vmem>>) target(%dma_start3A_1080 : memref<16xi32, #tpu.memory_space<vmem_shared>>) target_semaphore(%dma_start3A_1079 : memref<!tpu.dma_semaphore, #tpu.memory_space<semaphore_mem>>)
    %mul3A_1083 = arith.constant 16 : i32
    %mul3A_1084 = arith.muli %arg1, %mul3A_1083 : i32
    %add3A_1085 = arith.constant 9728 : i32
    %add3A_1086 = arith.addi %add3A_1085, %mul3A_1084 : i32
    %dma_start3A_1087 = arith.constant 6 : i32
    %dma_start3A_1088 = arith.constant 96 : i32
    %dma_start3A_1089 = tpu.memref_slice %arg6[%dma_start3A_1088] : memref<256xi32, #tpu.memory_space<vmem>> -> memref<16xi32, #tpu.memory_space<vmem>>
    %dma_start3A_1090 = tpu.memref_slice %arg11[%add3A_1086] : memref<17408xi32, #tpu.memory_space<vmem_shared>> -> memref<16xi32, #tpu.memory_space<vmem_shared>>
    %dma_start3A_1091 = tpu.memref_slice %arg10[%dma_start3A_1087] : memref<16x!tpu.dma_semaphore, #tpu.memory_space<semaphore_mem>> -> memref<1x!tpu.dma_semaphore, #tpu.memory_space<semaphore_mem>>
    %dma_start3A_1092 = tpu.memref_squeeze %dma_start3A_1091 : memref<1x!tpu.dma_semaphore, #tpu.memory_space<semaphore_mem>> -> memref<!tpu.dma_semaphore, #tpu.memory_space<semaphore_mem>>
    %dma_start3A_1093 = tpu.memref_slice %arg11[%add3A_1086] : memref<17408xi32, #tpu.memory_space<vmem_shared>> -> memref<16xi32, #tpu.memory_space<vmem_shared>>
    %dma_start3A_1094 = arith.constant 96 : i32
    %dma_start3A_1095 = tpu.memref_slice %arg6[%dma_start3A_1094] : memref<256xi32, #tpu.memory_space<vmem>> -> memref<16xi32, #tpu.memory_space<vmem>>
    tpu.enqueue_dma source(%dma_start3A_1095 : memref<16xi32, #tpu.memory_space<vmem>>) target(%dma_start3A_1093 : memref<16xi32, #tpu.memory_space<vmem_shared>>) target_semaphore(%dma_start3A_1092 : memref<!tpu.dma_semaphore, #tpu.memory_space<semaphore_mem>>)
    %mul3A_1096 = arith.constant 16 : i32
    %mul3A_1097 = arith.muli %arg1, %mul3A_1096 : i32
    %add3A_1098 = arith.constant 9984 : i32
    %add3A_1099 = arith.addi %add3A_1098, %mul3A_1097 : i32
    %dma_start3A_1100 = arith.constant 7 : i32
    %dma_start3A_1101 = arith.constant 112 : i32
    %dma_start3A_1102 = tpu.memref_slice %arg6[%dma_start3A_1101] : memref<256xi32, #tpu.memory_space<vmem>> -> memref<16xi32, #tpu.memory_space<vmem>>
    %dma_start3A_1103 = tpu.memref_slice %arg11[%add3A_1099] : memref<17408xi32, #tpu.memory_space<vmem_shared>> -> memref<16xi32, #tpu.memory_space<vmem_shared>>
    %dma_start3A_1104 = tpu.memref_slice %arg10[%dma_start3A_1100] : memref<16x!tpu.dma_semaphore, #tpu.memory_space<semaphore_mem>> -> memref<1x!tpu.dma_semaphore, #tpu.memory_space<semaphore_mem>>
    %dma_start3A_1105 = tpu.memref_squeeze %dma_start3A_1104 : memref<1x!tpu.dma_semaphore, #tpu.memory_space<semaphore_mem>> -> memref<!tpu.dma_semaphore, #tpu.memory_space<semaphore_mem>>
    %dma_start3A_1106 = tpu.memref_slice %arg11[%add3A_1099] : memref<17408xi32, #tpu.memory_space<vmem_shared>> -> memref<16xi32, #tpu.memory_space<vmem_shared>>
    %dma_start3A_1107 = arith.constant 112 : i32
    %dma_start3A_1108 = tpu.memref_slice %arg6[%dma_start3A_1107] : memref<256xi32, #tpu.memory_space<vmem>> -> memref<16xi32, #tpu.memory_space<vmem>>
    tpu.enqueue_dma source(%dma_start3A_1108 : memref<16xi32, #tpu.memory_space<vmem>>) target(%dma_start3A_1106 : memref<16xi32, #tpu.memory_space<vmem_shared>>) target_semaphore(%dma_start3A_1105 : memref<!tpu.dma_semaphore, #tpu.memory_space<semaphore_mem>>)
    %mul3A_1109 = arith.constant 16 : i32
    %mul3A_1110 = arith.muli %arg1, %mul3A_1109 : i32
    %add3A_1111 = arith.constant 10240 : i32
    %add3A_1112 = arith.addi %add3A_1111, %mul3A_1110 : i32
    %dma_start3A_1113 = arith.constant 8 : i32
    %dma_start3A_1114 = arith.constant 128 : i32
    %dma_start3A_1115 = tpu.memref_slice %arg6[%dma_start3A_1114] : memref<256xi32, #tpu.memory_space<vmem>> -> memref<16xi32, #tpu.memory_space<vmem>>
    %dma_start3A_1116 = tpu.memref_slice %arg11[%add3A_1112] : memref<17408xi32, #tpu.memory_space<vmem_shared>> -> memref<16xi32, #tpu.memory_space<vmem_shared>>
    %dma_start3A_1117 = tpu.memref_slice %arg10[%dma_start3A_1113] : memref<16x!tpu.dma_semaphore, #tpu.memory_space<semaphore_mem>> -> memref<1x!tpu.dma_semaphore, #tpu.memory_space<semaphore_mem>>
    %dma_start3A_1118 = tpu.memref_squeeze %dma_start3A_1117 : memref<1x!tpu.dma_semaphore, #tpu.memory_space<semaphore_mem>> -> memref<!tpu.dma_semaphore, #tpu.memory_space<semaphore_mem>>
    %dma_start3A_1119 = tpu.memref_slice %arg11[%add3A_1112] : memref<17408xi32, #tpu.memory_space<vmem_shared>> -> memref<16xi32, #tpu.memory_space<vmem_shared>>
    %dma_start3A_1120 = arith.constant 128 : i32
    %dma_start3A_1121 = tpu.memref_slice %arg6[%dma_start3A_1120] : memref<256xi32, #tpu.memory_space<vmem>> -> memref<16xi32, #tpu.memory_space<vmem>>
    tpu.enqueue_dma source(%dma_start3A_1121 : memref<16xi32, #tpu.memory_space<vmem>>) target(%dma_start3A_1119 : memref<16xi32, #tpu.memory_space<vmem_shared>>) target_semaphore(%dma_start3A_1118 : memref<!tpu.dma_semaphore, #tpu.memory_space<semaphore_mem>>)
    %mul3A_1122 = arith.constant 16 : i32
    %mul3A_1123 = arith.muli %arg1, %mul3A_1122 : i32
    %add3A_1124 = arith.constant 10496 : i32
    %add3A_1125 = arith.addi %add3A_1124, %mul3A_1123 : i32
    %dma_start3A_1126 = arith.constant 9 : i32
    %dma_start3A_1127 = arith.constant 144 : i32
    %dma_start3A_1128 = tpu.memref_slice %arg6[%dma_start3A_1127] : memref<256xi32, #tpu.memory_space<vmem>> -> memref<16xi32, #tpu.memory_space<vmem>>
    %dma_start3A_1129 = tpu.memref_slice %arg11[%add3A_1125] : memref<17408xi32, #tpu.memory_space<vmem_shared>> -> memref<16xi32, #tpu.memory_space<vmem_shared>>
    %dma_start3A_1130 = tpu.memref_slice %arg10[%dma_start3A_1126] : memref<16x!tpu.dma_semaphore, #tpu.memory_space<semaphore_mem>> -> memref<1x!tpu.dma_semaphore, #tpu.memory_space<semaphore_mem>>
    %dma_start3A_1131 = tpu.memref_squeeze %dma_start3A_1130 : memref<1x!tpu.dma_semaphore, #tpu.memory_space<semaphore_mem>> -> memref<!tpu.dma_semaphore, #tpu.memory_space<semaphore_mem>>
    %dma_start3A_1132 = tpu.memref_slice %arg11[%add3A_1125] : memref<17408xi32, #tpu.memory_space<vmem_shared>> -> memref<16xi32, #tpu.memory_space<vmem_shared>>
    %dma_start3A_1133 = arith.constant 144 : i32
    %dma_start3A_1134 = tpu.memref_slice %arg6[%dma_start3A_1133] : memref<256xi32, #tpu.memory_space<vmem>> -> memref<16xi32, #tpu.memory_space<vmem>>
    tpu.enqueue_dma source(%dma_start3A_1134 : memref<16xi32, #tpu.memory_space<vmem>>) target(%dma_start3A_1132 : memref<16xi32, #tpu.memory_space<vmem_shared>>) target_semaphore(%dma_start3A_1131 : memref<!tpu.dma_semaphore, #tpu.memory_space<semaphore_mem>>)
    %mul3A_1135 = arith.constant 16 : i32
    %mul3A_1136 = arith.muli %arg1, %mul3A_1135 : i32
    %add3A_1137 = arith.constant 10752 : i32
    %add3A_1138 = arith.addi %add3A_1137, %mul3A_1136 : i32
    %dma_start3A_1139 = arith.constant 10 : i32
    %dma_start3A_1140 = arith.constant 160 : i32
    %dma_start3A_1141 = tpu.memref_slice %arg6[%dma_start3A_1140] : memref<256xi32, #tpu.memory_space<vmem>> -> memref<16xi32, #tpu.memory_space<vmem>>
    %dma_start3A_1142 = tpu.memref_slice %arg11[%add3A_1138] : memref<17408xi32, #tpu.memory_space<vmem_shared>> -> memref<16xi32, #tpu.memory_space<vmem_shared>>
    %dma_start3A_1143 = tpu.memref_slice %arg10[%dma_start3A_1139] : memref<16x!tpu.dma_semaphore, #tpu.memory_space<semaphore_mem>> -> memref<1x!tpu.dma_semaphore, #tpu.memory_space<semaphore_mem>>
    %dma_start3A_1144 = tpu.memref_squeeze %dma_start3A_1143 : memref<1x!tpu.dma_semaphore, #tpu.memory_space<semaphore_mem>> -> memref<!tpu.dma_semaphore, #tpu.memory_space<semaphore_mem>>
    %dma_start3A_1145 = tpu.memref_slice %arg11[%add3A_1138] : memref<17408xi32, #tpu.memory_space<vmem_shared>> -> memref<16xi32, #tpu.memory_space<vmem_shared>>
    %dma_start3A_1146 = arith.constant 160 : i32
    %dma_start3A_1147 = tpu.memref_slice %arg6[%dma_start3A_1146] : memref<256xi32, #tpu.memory_space<vmem>> -> memref<16xi32, #tpu.memory_space<vmem>>
    tpu.enqueue_dma source(%dma_start3A_1147 : memref<16xi32, #tpu.memory_space<vmem>>) target(%dma_start3A_1145 : memref<16xi32, #tpu.memory_space<vmem_shared>>) target_semaphore(%dma_start3A_1144 : memref<!tpu.dma_semaphore, #tpu.memory_space<semaphore_mem>>)
    %mul3A_1148 = arith.constant 16 : i32
    %mul3A_1149 = arith.muli %arg1, %mul3A_1148 : i32
    %add3A_1150 = arith.constant 11008 : i32
    %add3A_1151 = arith.addi %add3A_1150, %mul3A_1149 : i32
    %dma_start3A_1152 = arith.constant 11 : i32
    %dma_start3A_1153 = arith.constant 176 : i32
    %dma_start3A_1154 = tpu.memref_slice %arg6[%dma_start3A_1153] : memref<256xi32, #tpu.memory_space<vmem>> -> memref<16xi32, #tpu.memory_space<vmem>>
    %dma_start3A_1155 = tpu.memref_slice %arg11[%add3A_1151] : memref<17408xi32, #tpu.memory_space<vmem_shared>> -> memref<16xi32, #tpu.memory_space<vmem_shared>>
    %dma_start3A_1156 = tpu.memref_slice %arg10[%dma_start3A_1152] : memref<16x!tpu.dma_semaphore, #tpu.memory_space<semaphore_mem>> -> memref<1x!tpu.dma_semaphore, #tpu.memory_space<semaphore_mem>>
    %dma_start3A_1157 = tpu.memref_squeeze %dma_start3A_1156 : memref<1x!tpu.dma_semaphore, #tpu.memory_space<semaphore_mem>> -> memref<!tpu.dma_semaphore, #tpu.memory_space<semaphore_mem>>
    %dma_start3A_1158 = tpu.memref_slice %arg11[%add3A_1151] : memref<17408xi32, #tpu.memory_space<vmem_shared>> -> memref<16xi32, #tpu.memory_space<vmem_shared>>
    %dma_start3A_1159 = arith.constant 176 : i32
    %dma_start3A_1160 = tpu.memref_slice %arg6[%dma_start3A_1159] : memref<256xi32, #tpu.memory_space<vmem>> -> memref<16xi32, #tpu.memory_space<vmem>>
    tpu.enqueue_dma source(%dma_start3A_1160 : memref<16xi32, #tpu.memory_space<vmem>>) target(%dma_start3A_1158 : memref<16xi32, #tpu.memory_space<vmem_shared>>) target_semaphore(%dma_start3A_1157 : memref<!tpu.dma_semaphore, #tpu.memory_space<semaphore_mem>>)
    %mul3A_1161 = arith.constant 16 : i32
    %mul3A_1162 = arith.muli %arg1, %mul3A_1161 : i32
    %add3A_1163 = arith.constant 11264 : i32
    %add3A_1164 = arith.addi %add3A_1163, %mul3A_1162 : i32
    %dma_start3A_1165 = arith.constant 12 : i32
    %dma_start3A_1166 = arith.constant 192 : i32
    %dma_start3A_1167 = tpu.memref_slice %arg6[%dma_start3A_1166] : memref<256xi32, #tpu.memory_space<vmem>> -> memref<16xi32, #tpu.memory_space<vmem>>
    %dma_start3A_1168 = tpu.memref_slice %arg11[%add3A_1164] : memref<17408xi32, #tpu.memory_space<vmem_shared>> -> memref<16xi32, #tpu.memory_space<vmem_shared>>
    %dma_start3A_1169 = tpu.memref_slice %arg10[%dma_start3A_1165] : memref<16x!tpu.dma_semaphore, #tpu.memory_space<semaphore_mem>> -> memref<1x!tpu.dma_semaphore, #tpu.memory_space<semaphore_mem>>
    %dma_start3A_1170 = tpu.memref_squeeze %dma_start3A_1169 : memref<1x!tpu.dma_semaphore, #tpu.memory_space<semaphore_mem>> -> memref<!tpu.dma_semaphore, #tpu.memory_space<semaphore_mem>>
    %dma_start3A_1171 = tpu.memref_slice %arg11[%add3A_1164] : memref<17408xi32, #tpu.memory_space<vmem_shared>> -> memref<16xi32, #tpu.memory_space<vmem_shared>>
    %dma_start3A_1172 = arith.constant 192 : i32
    %dma_start3A_1173 = tpu.memref_slice %arg6[%dma_start3A_1172] : memref<256xi32, #tpu.memory_space<vmem>> -> memref<16xi32, #tpu.memory_space<vmem>>
    tpu.enqueue_dma source(%dma_start3A_1173 : memref<16xi32, #tpu.memory_space<vmem>>) target(%dma_start3A_1171 : memref<16xi32, #tpu.memory_space<vmem_shared>>) target_semaphore(%dma_start3A_1170 : memref<!tpu.dma_semaphore, #tpu.memory_space<semaphore_mem>>)
    %mul3A_1174 = arith.constant 16 : i32
    %mul3A_1175 = arith.muli %arg1, %mul3A_1174 : i32
    %add3A_1176 = arith.constant 11520 : i32
    %add3A_1177 = arith.addi %add3A_1176, %mul3A_1175 : i32
    %dma_start3A_1178 = arith.constant 13 : i32
    %dma_start3A_1179 = arith.constant 208 : i32
    %dma_start3A_1180 = tpu.memref_slice %arg6[%dma_start3A_1179] : memref<256xi32, #tpu.memory_space<vmem>> -> memref<16xi32, #tpu.memory_space<vmem>>
    %dma_start3A_1181 = tpu.memref_slice %arg11[%add3A_1177] : memref<17408xi32, #tpu.memory_space<vmem_shared>> -> memref<16xi32, #tpu.memory_space<vmem_shared>>
    %dma_start3A_1182 = tpu.memref_slice %arg10[%dma_start3A_1178] : memref<16x!tpu.dma_semaphore, #tpu.memory_space<semaphore_mem>> -> memref<1x!tpu.dma_semaphore, #tpu.memory_space<semaphore_mem>>
    %dma_start3A_1183 = tpu.memref_squeeze %dma_start3A_1182 : memref<1x!tpu.dma_semaphore, #tpu.memory_space<semaphore_mem>> -> memref<!tpu.dma_semaphore, #tpu.memory_space<semaphore_mem>>
    %dma_start3A_1184 = tpu.memref_slice %arg11[%add3A_1177] : memref<17408xi32, #tpu.memory_space<vmem_shared>> -> memref<16xi32, #tpu.memory_space<vmem_shared>>
    %dma_start3A_1185 = arith.constant 208 : i32
    %dma_start3A_1186 = tpu.memref_slice %arg6[%dma_start3A_1185] : memref<256xi32, #tpu.memory_space<vmem>> -> memref<16xi32, #tpu.memory_space<vmem>>
    tpu.enqueue_dma source(%dma_start3A_1186 : memref<16xi32, #tpu.memory_space<vmem>>) target(%dma_start3A_1184 : memref<16xi32, #tpu.memory_space<vmem_shared>>) target_semaphore(%dma_start3A_1183 : memref<!tpu.dma_semaphore, #tpu.memory_space<semaphore_mem>>)
    %mul3A_1187 = arith.constant 16 : i32
    %mul3A_1188 = arith.muli %arg1, %mul3A_1187 : i32
    %add3A_1189 = arith.constant 11776 : i32
    %add3A_1190 = arith.addi %add3A_1189, %mul3A_1188 : i32
    %dma_start3A_1191 = arith.constant 14 : i32
    %dma_start3A_1192 = arith.constant 224 : i32
    %dma_start3A_1193 = tpu.memref_slice %arg6[%dma_start3A_1192] : memref<256xi32, #tpu.memory_space<vmem>> -> memref<16xi32, #tpu.memory_space<vmem>>
    %dma_start3A_1194 = tpu.memref_slice %arg11[%add3A_1190] : memref<17408xi32, #tpu.memory_space<vmem_shared>> -> memref<16xi32, #tpu.memory_space<vmem_shared>>
    %dma_start3A_1195 = tpu.memref_slice %arg10[%dma_start3A_1191] : memref<16x!tpu.dma_semaphore, #tpu.memory_space<semaphore_mem>> -> memref<1x!tpu.dma_semaphore, #tpu.memory_space<semaphore_mem>>
    %dma_start3A_1196 = tpu.memref_squeeze %dma_start3A_1195 : memref<1x!tpu.dma_semaphore, #tpu.memory_space<semaphore_mem>> -> memref<!tpu.dma_semaphore, #tpu.memory_space<semaphore_mem>>
    %dma_start3A_1197 = tpu.memref_slice %arg11[%add3A_1190] : memref<17408xi32, #tpu.memory_space<vmem_shared>> -> memref<16xi32, #tpu.memory_space<vmem_shared>>
    %dma_start3A_1198 = arith.constant 224 : i32
    %dma_start3A_1199 = tpu.memref_slice %arg6[%dma_start3A_1198] : memref<256xi32, #tpu.memory_space<vmem>> -> memref<16xi32, #tpu.memory_space<vmem>>
    tpu.enqueue_dma source(%dma_start3A_1199 : memref<16xi32, #tpu.memory_space<vmem>>) target(%dma_start3A_1197 : memref<16xi32, #tpu.memory_space<vmem_shared>>) target_semaphore(%dma_start3A_1196 : memref<!tpu.dma_semaphore, #tpu.memory_space<semaphore_mem>>)
    %mul3A_1200 = arith.constant 16 : i32
    %mul3A_1201 = arith.muli %arg1, %mul3A_1200 : i32
    %add3A_1202 = arith.constant 12032 : i32
    %add3A_1203 = arith.addi %add3A_1202, %mul3A_1201 : i32
    %dma_start3A_1204 = arith.constant 15 : i32
    %dma_start3A_1205 = arith.constant 240 : i32
    %dma_start3A_1206 = tpu.memref_slice %arg6[%dma_start3A_1205] : memref<256xi32, #tpu.memory_space<vmem>> -> memref<16xi32, #tpu.memory_space<vmem>>
    %dma_start3A_1207 = tpu.memref_slice %arg11[%add3A_1203] : memref<17408xi32, #tpu.memory_space<vmem_shared>> -> memref<16xi32, #tpu.memory_space<vmem_shared>>
    %dma_start3A_1208 = tpu.memref_slice %arg10[%dma_start3A_1204] : memref<16x!tpu.dma_semaphore, #tpu.memory_space<semaphore_mem>> -> memref<1x!tpu.dma_semaphore, #tpu.memory_space<semaphore_mem>>
    %dma_start3A_1209 = tpu.memref_squeeze %dma_start3A_1208 : memref<1x!tpu.dma_semaphore, #tpu.memory_space<semaphore_mem>> -> memref<!tpu.dma_semaphore, #tpu.memory_space<semaphore_mem>>
    %dma_start3A_1210 = tpu.memref_slice %arg11[%add3A_1203] : memref<17408xi32, #tpu.memory_space<vmem_shared>> -> memref<16xi32, #tpu.memory_space<vmem_shared>>
    %dma_start3A_1211 = arith.constant 240 : i32
    %dma_start3A_1212 = tpu.memref_slice %arg6[%dma_start3A_1211] : memref<256xi32, #tpu.memory_space<vmem>> -> memref<16xi32, #tpu.memory_space<vmem>>
    tpu.enqueue_dma source(%dma_start3A_1212 : memref<16xi32, #tpu.memory_space<vmem>>) target(%dma_start3A_1210 : memref<16xi32, #tpu.memory_space<vmem_shared>>) target_semaphore(%dma_start3A_1209 : memref<!tpu.dma_semaphore, #tpu.memory_space<semaphore_mem>>)
    %dma_wait3A_1213 = arith.constant 0 : i32
    %dma_wait3A_1214 = arith.constant 0 : i32
    %dma_wait3A_1215 = tpu.memref_slice %arg6[%dma_wait3A_1214] : memref<256xi32, #tpu.memory_space<vmem>> -> memref<16xi32, #tpu.memory_space<vmem>>
    %dma_wait3A_1216 = tpu.memref_slice %arg11[%add3A_1008] : memref<17408xi32, #tpu.memory_space<vmem_shared>> -> memref<16xi32, #tpu.memory_space<vmem_shared>>
    %dma_wait3A_1217 = tpu.memref_slice %arg10[%dma_wait3A_1213] : memref<16x!tpu.dma_semaphore, #tpu.memory_space<semaphore_mem>> -> memref<1x!tpu.dma_semaphore, #tpu.memory_space<semaphore_mem>>
    %dma_wait3A_1218 = tpu.memref_squeeze %dma_wait3A_1217 : memref<1x!tpu.dma_semaphore, #tpu.memory_space<semaphore_mem>> -> memref<!tpu.dma_semaphore, #tpu.memory_space<semaphore_mem>>
    %dma_wait3A_1219 = tpu.memref_slice %arg11[%add3A_1008] : memref<17408xi32, #tpu.memory_space<vmem_shared>> -> memref<16xi32, #tpu.memory_space<vmem_shared>>
    %dma_wait3A_1220 = arith.constant 0 : i32
    %dma_wait3A_1221 = tpu.memref_slice %arg6[%dma_wait3A_1220] : memref<256xi32, #tpu.memory_space<vmem>> -> memref<16xi32, #tpu.memory_space<vmem>>
    tpu.wait_dma2 semaphore(%dma_wait3A_1218 : memref<!tpu.dma_semaphore, #tpu.memory_space<semaphore_mem>>) src(%dma_wait3A_1221 : memref<16xi32, #tpu.memory_space<vmem>>) dst(%dma_wait3A_1219 : memref<16xi32, #tpu.memory_space<vmem_shared>>)
    %dma_wait3A_1222 = arith.constant 1 : i32
    %dma_wait3A_1223 = arith.constant 16 : i32
    %dma_wait3A_1224 = tpu.memref_slice %arg6[%dma_wait3A_1223] : memref<256xi32, #tpu.memory_space<vmem>> -> memref<16xi32, #tpu.memory_space<vmem>>
    %dma_wait3A_1225 = tpu.memref_slice %arg11[%add3A_1021] : memref<17408xi32, #tpu.memory_space<vmem_shared>> -> memref<16xi32, #tpu.memory_space<vmem_shared>>
    %dma_wait3A_1226 = tpu.memref_slice %arg10[%dma_wait3A_1222] : memref<16x!tpu.dma_semaphore, #tpu.memory_space<semaphore_mem>> -> memref<1x!tpu.dma_semaphore, #tpu.memory_space<semaphore_mem>>
    %dma_wait3A_1227 = tpu.memref_squeeze %dma_wait3A_1226 : memref<1x!tpu.dma_semaphore, #tpu.memory_space<semaphore_mem>> -> memref<!tpu.dma_semaphore, #tpu.memory_space<semaphore_mem>>
    %dma_wait3A_1228 = tpu.memref_slice %arg11[%add3A_1021] : memref<17408xi32, #tpu.memory_space<vmem_shared>> -> memref<16xi32, #tpu.memory_space<vmem_shared>>
    %dma_wait3A_1229 = arith.constant 16 : i32
    %dma_wait3A_1230 = tpu.memref_slice %arg6[%dma_wait3A_1229] : memref<256xi32, #tpu.memory_space<vmem>> -> memref<16xi32, #tpu.memory_space<vmem>>
    tpu.wait_dma2 semaphore(%dma_wait3A_1227 : memref<!tpu.dma_semaphore, #tpu.memory_space<semaphore_mem>>) src(%dma_wait3A_1230 : memref<16xi32, #tpu.memory_space<vmem>>) dst(%dma_wait3A_1228 : memref<16xi32, #tpu.memory_space<vmem_shared>>)
    %dma_wait3A_1231 = arith.constant 2 : i32
    %dma_wait3A_1232 = arith.constant 32 : i32
    %dma_wait3A_1233 = tpu.memref_slice %arg6[%dma_wait3A_1232] : memref<256xi32, #tpu.memory_space<vmem>> -> memref<16xi32, #tpu.memory_space<vmem>>
    %dma_wait3A_1234 = tpu.memref_slice %arg11[%add3A_1034] : memref<17408xi32, #tpu.memory_space<vmem_shared>> -> memref<16xi32, #tpu.memory_space<vmem_shared>>
    %dma_wait3A_1235 = tpu.memref_slice %arg10[%dma_wait3A_1231] : memref<16x!tpu.dma_semaphore, #tpu.memory_space<semaphore_mem>> -> memref<1x!tpu.dma_semaphore, #tpu.memory_space<semaphore_mem>>
    %dma_wait3A_1236 = tpu.memref_squeeze %dma_wait3A_1235 : memref<1x!tpu.dma_semaphore, #tpu.memory_space<semaphore_mem>> -> memref<!tpu.dma_semaphore, #tpu.memory_space<semaphore_mem>>
    %dma_wait3A_1237 = tpu.memref_slice %arg11[%add3A_1034] : memref<17408xi32, #tpu.memory_space<vmem_shared>> -> memref<16xi32, #tpu.memory_space<vmem_shared>>
    %dma_wait3A_1238 = arith.constant 32 : i32
    %dma_wait3A_1239 = tpu.memref_slice %arg6[%dma_wait3A_1238] : memref<256xi32, #tpu.memory_space<vmem>> -> memref<16xi32, #tpu.memory_space<vmem>>
    tpu.wait_dma2 semaphore(%dma_wait3A_1236 : memref<!tpu.dma_semaphore, #tpu.memory_space<semaphore_mem>>) src(%dma_wait3A_1239 : memref<16xi32, #tpu.memory_space<vmem>>) dst(%dma_wait3A_1237 : memref<16xi32, #tpu.memory_space<vmem_shared>>)
    %dma_wait3A_1240 = arith.constant 3 : i32
    %dma_wait3A_1241 = arith.constant 48 : i32
    %dma_wait3A_1242 = tpu.memref_slice %arg6[%dma_wait3A_1241] : memref<256xi32, #tpu.memory_space<vmem>> -> memref<16xi32, #tpu.memory_space<vmem>>
    %dma_wait3A_1243 = tpu.memref_slice %arg11[%add3A_1047] : memref<17408xi32, #tpu.memory_space<vmem_shared>> -> memref<16xi32, #tpu.memory_space<vmem_shared>>
    %dma_wait3A_1244 = tpu.memref_slice %arg10[%dma_wait3A_1240] : memref<16x!tpu.dma_semaphore, #tpu.memory_space<semaphore_mem>> -> memref<1x!tpu.dma_semaphore, #tpu.memory_space<semaphore_mem>>
    %dma_wait3A_1245 = tpu.memref_squeeze %dma_wait3A_1244 : memref<1x!tpu.dma_semaphore, #tpu.memory_space<semaphore_mem>> -> memref<!tpu.dma_semaphore, #tpu.memory_space<semaphore_mem>>
    %dma_wait3A_1246 = tpu.memref_slice %arg11[%add3A_1047] : memref<17408xi32, #tpu.memory_space<vmem_shared>> -> memref<16xi32, #tpu.memory_space<vmem_shared>>
    %dma_wait3A_1247 = arith.constant 48 : i32
    %dma_wait3A_1248 = tpu.memref_slice %arg6[%dma_wait3A_1247] : memref<256xi32, #tpu.memory_space<vmem>> -> memref<16xi32, #tpu.memory_space<vmem>>
    tpu.wait_dma2 semaphore(%dma_wait3A_1245 : memref<!tpu.dma_semaphore, #tpu.memory_space<semaphore_mem>>) src(%dma_wait3A_1248 : memref<16xi32, #tpu.memory_space<vmem>>) dst(%dma_wait3A_1246 : memref<16xi32, #tpu.memory_space<vmem_shared>>)
    %dma_wait3A_1249 = arith.constant 4 : i32
    %dma_wait3A_1250 = arith.constant 64 : i32
    %dma_wait3A_1251 = tpu.memref_slice %arg6[%dma_wait3A_1250] : memref<256xi32, #tpu.memory_space<vmem>> -> memref<16xi32, #tpu.memory_space<vmem>>
    %dma_wait3A_1252 = tpu.memref_slice %arg11[%add3A_1060] : memref<17408xi32, #tpu.memory_space<vmem_shared>> -> memref<16xi32, #tpu.memory_space<vmem_shared>>
    %dma_wait3A_1253 = tpu.memref_slice %arg10[%dma_wait3A_1249] : memref<16x!tpu.dma_semaphore, #tpu.memory_space<semaphore_mem>> -> memref<1x!tpu.dma_semaphore, #tpu.memory_space<semaphore_mem>>
    %dma_wait3A_1254 = tpu.memref_squeeze %dma_wait3A_1253 : memref<1x!tpu.dma_semaphore, #tpu.memory_space<semaphore_mem>> -> memref<!tpu.dma_semaphore, #tpu.memory_space<semaphore_mem>>
    %dma_wait3A_1255 = tpu.memref_slice %arg11[%add3A_1060] : memref<17408xi32, #tpu.memory_space<vmem_shared>> -> memref<16xi32, #tpu.memory_space<vmem_shared>>
    %dma_wait3A_1256 = arith.constant 64 : i32
    %dma_wait3A_1257 = tpu.memref_slice %arg6[%dma_wait3A_1256] : memref<256xi32, #tpu.memory_space<vmem>> -> memref<16xi32, #tpu.memory_space<vmem>>
    tpu.wait_dma2 semaphore(%dma_wait3A_1254 : memref<!tpu.dma_semaphore, #tpu.memory_space<semaphore_mem>>) src(%dma_wait3A_1257 : memref<16xi32, #tpu.memory_space<vmem>>) dst(%dma_wait3A_1255 : memref<16xi32, #tpu.memory_space<vmem_shared>>)
    %dma_wait3A_1258 = arith.constant 5 : i32
    %dma_wait3A_1259 = arith.constant 80 : i32
    %dma_wait3A_1260 = tpu.memref_slice %arg6[%dma_wait3A_1259] : memref<256xi32, #tpu.memory_space<vmem>> -> memref<16xi32, #tpu.memory_space<vmem>>
    %dma_wait3A_1261 = tpu.memref_slice %arg11[%add3A_1073] : memref<17408xi32, #tpu.memory_space<vmem_shared>> -> memref<16xi32, #tpu.memory_space<vmem_shared>>
    %dma_wait3A_1262 = tpu.memref_slice %arg10[%dma_wait3A_1258] : memref<16x!tpu.dma_semaphore, #tpu.memory_space<semaphore_mem>> -> memref<1x!tpu.dma_semaphore, #tpu.memory_space<semaphore_mem>>
    %dma_wait3A_1263 = tpu.memref_squeeze %dma_wait3A_1262 : memref<1x!tpu.dma_semaphore, #tpu.memory_space<semaphore_mem>> -> memref<!tpu.dma_semaphore, #tpu.memory_space<semaphore_mem>>
    %dma_wait3A_1264 = tpu.memref_slice %arg11[%add3A_1073] : memref<17408xi32, #tpu.memory_space<vmem_shared>> -> memref<16xi32, #tpu.memory_space<vmem_shared>>
    %dma_wait3A_1265 = arith.constant 80 : i32
    %dma_wait3A_1266 = tpu.memref_slice %arg6[%dma_wait3A_1265] : memref<256xi32, #tpu.memory_space<vmem>> -> memref<16xi32, #tpu.memory_space<vmem>>
    tpu.wait_dma2 semaphore(%dma_wait3A_1263 : memref<!tpu.dma_semaphore, #tpu.memory_space<semaphore_mem>>) src(%dma_wait3A_1266 : memref<16xi32, #tpu.memory_space<vmem>>) dst(%dma_wait3A_1264 : memref<16xi32, #tpu.memory_space<vmem_shared>>)
    %dma_wait3A_1267 = arith.constant 6 : i32
    %dma_wait3A_1268 = arith.constant 96 : i32
    %dma_wait3A_1269 = tpu.memref_slice %arg6[%dma_wait3A_1268] : memref<256xi32, #tpu.memory_space<vmem>> -> memref<16xi32, #tpu.memory_space<vmem>>
    %dma_wait3A_1270 = tpu.memref_slice %arg11[%add3A_1086] : memref<17408xi32, #tpu.memory_space<vmem_shared>> -> memref<16xi32, #tpu.memory_space<vmem_shared>>
    %dma_wait3A_1271 = tpu.memref_slice %arg10[%dma_wait3A_1267] : memref<16x!tpu.dma_semaphore, #tpu.memory_space<semaphore_mem>> -> memref<1x!tpu.dma_semaphore, #tpu.memory_space<semaphore_mem>>
    %dma_wait3A_1272 = tpu.memref_squeeze %dma_wait3A_1271 : memref<1x!tpu.dma_semaphore, #tpu.memory_space<semaphore_mem>> -> memref<!tpu.dma_semaphore, #tpu.memory_space<semaphore_mem>>
    %dma_wait3A_1273 = tpu.memref_slice %arg11[%add3A_1086] : memref<17408xi32, #tpu.memory_space<vmem_shared>> -> memref<16xi32, #tpu.memory_space<vmem_shared>>
    %dma_wait3A_1274 = arith.constant 96 : i32
    %dma_wait3A_1275 = tpu.memref_slice %arg6[%dma_wait3A_1274] : memref<256xi32, #tpu.memory_space<vmem>> -> memref<16xi32, #tpu.memory_space<vmem>>
    tpu.wait_dma2 semaphore(%dma_wait3A_1272 : memref<!tpu.dma_semaphore, #tpu.memory_space<semaphore_mem>>) src(%dma_wait3A_1275 : memref<16xi32, #tpu.memory_space<vmem>>) dst(%dma_wait3A_1273 : memref<16xi32, #tpu.memory_space<vmem_shared>>)
    %dma_wait3A_1276 = arith.constant 7 : i32
    %dma_wait3A_1277 = arith.constant 112 : i32
    %dma_wait3A_1278 = tpu.memref_slice %arg6[%dma_wait3A_1277] : memref<256xi32, #tpu.memory_space<vmem>> -> memref<16xi32, #tpu.memory_space<vmem>>
    %dma_wait3A_1279 = tpu.memref_slice %arg11[%add3A_1099] : memref<17408xi32, #tpu.memory_space<vmem_shared>> -> memref<16xi32, #tpu.memory_space<vmem_shared>>
    %dma_wait3A_1280 = tpu.memref_slice %arg10[%dma_wait3A_1276] : memref<16x!tpu.dma_semaphore, #tpu.memory_space<semaphore_mem>> -> memref<1x!tpu.dma_semaphore, #tpu.memory_space<semaphore_mem>>
    %dma_wait3A_1281 = tpu.memref_squeeze %dma_wait3A_1280 : memref<1x!tpu.dma_semaphore, #tpu.memory_space<semaphore_mem>> -> memref<!tpu.dma_semaphore, #tpu.memory_space<semaphore_mem>>
    %dma_wait3A_1282 = tpu.memref_slice %arg11[%add3A_1099] : memref<17408xi32, #tpu.memory_space<vmem_shared>> -> memref<16xi32, #tpu.memory_space<vmem_shared>>
    %dma_wait3A_1283 = arith.constant 112 : i32
    %dma_wait3A_1284 = tpu.memref_slice %arg6[%dma_wait3A_1283] : memref<256xi32, #tpu.memory_space<vmem>> -> memref<16xi32, #tpu.memory_space<vmem>>
    tpu.wait_dma2 semaphore(%dma_wait3A_1281 : memref<!tpu.dma_semaphore, #tpu.memory_space<semaphore_mem>>) src(%dma_wait3A_1284 : memref<16xi32, #tpu.memory_space<vmem>>) dst(%dma_wait3A_1282 : memref<16xi32, #tpu.memory_space<vmem_shared>>)
    %dma_wait3A_1285 = arith.constant 8 : i32
    %dma_wait3A_1286 = arith.constant 128 : i32
    %dma_wait3A_1287 = tpu.memref_slice %arg6[%dma_wait3A_1286] : memref<256xi32, #tpu.memory_space<vmem>> -> memref<16xi32, #tpu.memory_space<vmem>>
    %dma_wait3A_1288 = tpu.memref_slice %arg11[%add3A_1112] : memref<17408xi32, #tpu.memory_space<vmem_shared>> -> memref<16xi32, #tpu.memory_space<vmem_shared>>
    %dma_wait3A_1289 = tpu.memref_slice %arg10[%dma_wait3A_1285] : memref<16x!tpu.dma_semaphore, #tpu.memory_space<semaphore_mem>> -> memref<1x!tpu.dma_semaphore, #tpu.memory_space<semaphore_mem>>
    %dma_wait3A_1290 = tpu.memref_squeeze %dma_wait3A_1289 : memref<1x!tpu.dma_semaphore, #tpu.memory_space<semaphore_mem>> -> memref<!tpu.dma_semaphore, #tpu.memory_space<semaphore_mem>>
    %dma_wait3A_1291 = tpu.memref_slice %arg11[%add3A_1112] : memref<17408xi32, #tpu.memory_space<vmem_shared>> -> memref<16xi32, #tpu.memory_space<vmem_shared>>
    %dma_wait3A_1292 = arith.constant 128 : i32
    %dma_wait3A_1293 = tpu.memref_slice %arg6[%dma_wait3A_1292] : memref<256xi32, #tpu.memory_space<vmem>> -> memref<16xi32, #tpu.memory_space<vmem>>
    tpu.wait_dma2 semaphore(%dma_wait3A_1290 : memref<!tpu.dma_semaphore, #tpu.memory_space<semaphore_mem>>) src(%dma_wait3A_1293 : memref<16xi32, #tpu.memory_space<vmem>>) dst(%dma_wait3A_1291 : memref<16xi32, #tpu.memory_space<vmem_shared>>)
    %dma_wait3A_1294 = arith.constant 9 : i32
    %dma_wait3A_1295 = arith.constant 144 : i32
    %dma_wait3A_1296 = tpu.memref_slice %arg6[%dma_wait3A_1295] : memref<256xi32, #tpu.memory_space<vmem>> -> memref<16xi32, #tpu.memory_space<vmem>>
    %dma_wait3A_1297 = tpu.memref_slice %arg11[%add3A_1125] : memref<17408xi32, #tpu.memory_space<vmem_shared>> -> memref<16xi32, #tpu.memory_space<vmem_shared>>
    %dma_wait3A_1298 = tpu.memref_slice %arg10[%dma_wait3A_1294] : memref<16x!tpu.dma_semaphore, #tpu.memory_space<semaphore_mem>> -> memref<1x!tpu.dma_semaphore, #tpu.memory_space<semaphore_mem>>
    %dma_wait3A_1299 = tpu.memref_squeeze %dma_wait3A_1298 : memref<1x!tpu.dma_semaphore, #tpu.memory_space<semaphore_mem>> -> memref<!tpu.dma_semaphore, #tpu.memory_space<semaphore_mem>>
    %dma_wait3A_1300 = tpu.memref_slice %arg11[%add3A_1125] : memref<17408xi32, #tpu.memory_space<vmem_shared>> -> memref<16xi32, #tpu.memory_space<vmem_shared>>
    %dma_wait3A_1301 = arith.constant 144 : i32
    %dma_wait3A_1302 = tpu.memref_slice %arg6[%dma_wait3A_1301] : memref<256xi32, #tpu.memory_space<vmem>> -> memref<16xi32, #tpu.memory_space<vmem>>
    tpu.wait_dma2 semaphore(%dma_wait3A_1299 : memref<!tpu.dma_semaphore, #tpu.memory_space<semaphore_mem>>) src(%dma_wait3A_1302 : memref<16xi32, #tpu.memory_space<vmem>>) dst(%dma_wait3A_1300 : memref<16xi32, #tpu.memory_space<vmem_shared>>)
    %dma_wait3A_1303 = arith.constant 10 : i32
    %dma_wait3A_1304 = arith.constant 160 : i32
    %dma_wait3A_1305 = tpu.memref_slice %arg6[%dma_wait3A_1304] : memref<256xi32, #tpu.memory_space<vmem>> -> memref<16xi32, #tpu.memory_space<vmem>>
    %dma_wait3A_1306 = tpu.memref_slice %arg11[%add3A_1138] : memref<17408xi32, #tpu.memory_space<vmem_shared>> -> memref<16xi32, #tpu.memory_space<vmem_shared>>
    %dma_wait3A_1307 = tpu.memref_slice %arg10[%dma_wait3A_1303] : memref<16x!tpu.dma_semaphore, #tpu.memory_space<semaphore_mem>> -> memref<1x!tpu.dma_semaphore, #tpu.memory_space<semaphore_mem>>
    %dma_wait3A_1308 = tpu.memref_squeeze %dma_wait3A_1307 : memref<1x!tpu.dma_semaphore, #tpu.memory_space<semaphore_mem>> -> memref<!tpu.dma_semaphore, #tpu.memory_space<semaphore_mem>>
    %dma_wait3A_1309 = tpu.memref_slice %arg11[%add3A_1138] : memref<17408xi32, #tpu.memory_space<vmem_shared>> -> memref<16xi32, #tpu.memory_space<vmem_shared>>
    %dma_wait3A_1310 = arith.constant 160 : i32
    %dma_wait3A_1311 = tpu.memref_slice %arg6[%dma_wait3A_1310] : memref<256xi32, #tpu.memory_space<vmem>> -> memref<16xi32, #tpu.memory_space<vmem>>
    tpu.wait_dma2 semaphore(%dma_wait3A_1308 : memref<!tpu.dma_semaphore, #tpu.memory_space<semaphore_mem>>) src(%dma_wait3A_1311 : memref<16xi32, #tpu.memory_space<vmem>>) dst(%dma_wait3A_1309 : memref<16xi32, #tpu.memory_space<vmem_shared>>)
    %dma_wait3A_1312 = arith.constant 11 : i32
    %dma_wait3A_1313 = arith.constant 176 : i32
    %dma_wait3A_1314 = tpu.memref_slice %arg6[%dma_wait3A_1313] : memref<256xi32, #tpu.memory_space<vmem>> -> memref<16xi32, #tpu.memory_space<vmem>>
    %dma_wait3A_1315 = tpu.memref_slice %arg11[%add3A_1151] : memref<17408xi32, #tpu.memory_space<vmem_shared>> -> memref<16xi32, #tpu.memory_space<vmem_shared>>
    %dma_wait3A_1316 = tpu.memref_slice %arg10[%dma_wait3A_1312] : memref<16x!tpu.dma_semaphore, #tpu.memory_space<semaphore_mem>> -> memref<1x!tpu.dma_semaphore, #tpu.memory_space<semaphore_mem>>
    %dma_wait3A_1317 = tpu.memref_squeeze %dma_wait3A_1316 : memref<1x!tpu.dma_semaphore, #tpu.memory_space<semaphore_mem>> -> memref<!tpu.dma_semaphore, #tpu.memory_space<semaphore_mem>>
    %dma_wait3A_1318 = tpu.memref_slice %arg11[%add3A_1151] : memref<17408xi32, #tpu.memory_space<vmem_shared>> -> memref<16xi32, #tpu.memory_space<vmem_shared>>
    %dma_wait3A_1319 = arith.constant 176 : i32
    %dma_wait3A_1320 = tpu.memref_slice %arg6[%dma_wait3A_1319] : memref<256xi32, #tpu.memory_space<vmem>> -> memref<16xi32, #tpu.memory_space<vmem>>
    tpu.wait_dma2 semaphore(%dma_wait3A_1317 : memref<!tpu.dma_semaphore, #tpu.memory_space<semaphore_mem>>) src(%dma_wait3A_1320 : memref<16xi32, #tpu.memory_space<vmem>>) dst(%dma_wait3A_1318 : memref<16xi32, #tpu.memory_space<vmem_shared>>)
    %dma_wait3A_1321 = arith.constant 12 : i32
    %dma_wait3A_1322 = arith.constant 192 : i32
    %dma_wait3A_1323 = tpu.memref_slice %arg6[%dma_wait3A_1322] : memref<256xi32, #tpu.memory_space<vmem>> -> memref<16xi32, #tpu.memory_space<vmem>>
    %dma_wait3A_1324 = tpu.memref_slice %arg11[%add3A_1164] : memref<17408xi32, #tpu.memory_space<vmem_shared>> -> memref<16xi32, #tpu.memory_space<vmem_shared>>
    %dma_wait3A_1325 = tpu.memref_slice %arg10[%dma_wait3A_1321] : memref<16x!tpu.dma_semaphore, #tpu.memory_space<semaphore_mem>> -> memref<1x!tpu.dma_semaphore, #tpu.memory_space<semaphore_mem>>
    %dma_wait3A_1326 = tpu.memref_squeeze %dma_wait3A_1325 : memref<1x!tpu.dma_semaphore, #tpu.memory_space<semaphore_mem>> -> memref<!tpu.dma_semaphore, #tpu.memory_space<semaphore_mem>>
    %dma_wait3A_1327 = tpu.memref_slice %arg11[%add3A_1164] : memref<17408xi32, #tpu.memory_space<vmem_shared>> -> memref<16xi32, #tpu.memory_space<vmem_shared>>
    %dma_wait3A_1328 = arith.constant 192 : i32
    %dma_wait3A_1329 = tpu.memref_slice %arg6[%dma_wait3A_1328] : memref<256xi32, #tpu.memory_space<vmem>> -> memref<16xi32, #tpu.memory_space<vmem>>
    tpu.wait_dma2 semaphore(%dma_wait3A_1326 : memref<!tpu.dma_semaphore, #tpu.memory_space<semaphore_mem>>) src(%dma_wait3A_1329 : memref<16xi32, #tpu.memory_space<vmem>>) dst(%dma_wait3A_1327 : memref<16xi32, #tpu.memory_space<vmem_shared>>)
    %dma_wait3A_1330 = arith.constant 13 : i32
    %dma_wait3A_1331 = arith.constant 208 : i32
    %dma_wait3A_1332 = tpu.memref_slice %arg6[%dma_wait3A_1331] : memref<256xi32, #tpu.memory_space<vmem>> -> memref<16xi32, #tpu.memory_space<vmem>>
    %dma_wait3A_1333 = tpu.memref_slice %arg11[%add3A_1177] : memref<17408xi32, #tpu.memory_space<vmem_shared>> -> memref<16xi32, #tpu.memory_space<vmem_shared>>
    %dma_wait3A_1334 = tpu.memref_slice %arg10[%dma_wait3A_1330] : memref<16x!tpu.dma_semaphore, #tpu.memory_space<semaphore_mem>> -> memref<1x!tpu.dma_semaphore, #tpu.memory_space<semaphore_mem>>
    %dma_wait3A_1335 = tpu.memref_squeeze %dma_wait3A_1334 : memref<1x!tpu.dma_semaphore, #tpu.memory_space<semaphore_mem>> -> memref<!tpu.dma_semaphore, #tpu.memory_space<semaphore_mem>>
    %dma_wait3A_1336 = tpu.memref_slice %arg11[%add3A_1177] : memref<17408xi32, #tpu.memory_space<vmem_shared>> -> memref<16xi32, #tpu.memory_space<vmem_shared>>
    %dma_wait3A_1337 = arith.constant 208 : i32
    %dma_wait3A_1338 = tpu.memref_slice %arg6[%dma_wait3A_1337] : memref<256xi32, #tpu.memory_space<vmem>> -> memref<16xi32, #tpu.memory_space<vmem>>
    tpu.wait_dma2 semaphore(%dma_wait3A_1335 : memref<!tpu.dma_semaphore, #tpu.memory_space<semaphore_mem>>) src(%dma_wait3A_1338 : memref<16xi32, #tpu.memory_space<vmem>>) dst(%dma_wait3A_1336 : memref<16xi32, #tpu.memory_space<vmem_shared>>)
    %dma_wait3A_1339 = arith.constant 14 : i32
    %dma_wait3A_1340 = arith.constant 224 : i32
    %dma_wait3A_1341 = tpu.memref_slice %arg6[%dma_wait3A_1340] : memref<256xi32, #tpu.memory_space<vmem>> -> memref<16xi32, #tpu.memory_space<vmem>>
    %dma_wait3A_1342 = tpu.memref_slice %arg11[%add3A_1190] : memref<17408xi32, #tpu.memory_space<vmem_shared>> -> memref<16xi32, #tpu.memory_space<vmem_shared>>
    %dma_wait3A_1343 = tpu.memref_slice %arg10[%dma_wait3A_1339] : memref<16x!tpu.dma_semaphore, #tpu.memory_space<semaphore_mem>> -> memref<1x!tpu.dma_semaphore, #tpu.memory_space<semaphore_mem>>
    %dma_wait3A_1344 = tpu.memref_squeeze %dma_wait3A_1343 : memref<1x!tpu.dma_semaphore, #tpu.memory_space<semaphore_mem>> -> memref<!tpu.dma_semaphore, #tpu.memory_space<semaphore_mem>>
    %dma_wait3A_1345 = tpu.memref_slice %arg11[%add3A_1190] : memref<17408xi32, #tpu.memory_space<vmem_shared>> -> memref<16xi32, #tpu.memory_space<vmem_shared>>
    %dma_wait3A_1346 = arith.constant 224 : i32
    %dma_wait3A_1347 = tpu.memref_slice %arg6[%dma_wait3A_1346] : memref<256xi32, #tpu.memory_space<vmem>> -> memref<16xi32, #tpu.memory_space<vmem>>
    tpu.wait_dma2 semaphore(%dma_wait3A_1344 : memref<!tpu.dma_semaphore, #tpu.memory_space<semaphore_mem>>) src(%dma_wait3A_1347 : memref<16xi32, #tpu.memory_space<vmem>>) dst(%dma_wait3A_1345 : memref<16xi32, #tpu.memory_space<vmem_shared>>)
    %dma_wait3A_1348 = arith.constant 15 : i32
    %dma_wait3A_1349 = arith.constant 240 : i32
    %dma_wait3A_1350 = tpu.memref_slice %arg6[%dma_wait3A_1349] : memref<256xi32, #tpu.memory_space<vmem>> -> memref<16xi32, #tpu.memory_space<vmem>>
    %dma_wait3A_1351 = tpu.memref_slice %arg11[%add3A_1203] : memref<17408xi32, #tpu.memory_space<vmem_shared>> -> memref<16xi32, #tpu.memory_space<vmem_shared>>
    %dma_wait3A_1352 = tpu.memref_slice %arg10[%dma_wait3A_1348] : memref<16x!tpu.dma_semaphore, #tpu.memory_space<semaphore_mem>> -> memref<1x!tpu.dma_semaphore, #tpu.memory_space<semaphore_mem>>
    %dma_wait3A_1353 = tpu.memref_squeeze %dma_wait3A_1352 : memref<1x!tpu.dma_semaphore, #tpu.memory_space<semaphore_mem>> -> memref<!tpu.dma_semaphore, #tpu.memory_space<semaphore_mem>>
    %dma_wait3A_1354 = tpu.memref_slice %arg11[%add3A_1203] : memref<17408xi32, #tpu.memory_space<vmem_shared>> -> memref<16xi32, #tpu.memory_space<vmem_shared>>
    %dma_wait3A_1355 = arith.constant 240 : i32
    %dma_wait3A_1356 = tpu.memref_slice %arg6[%dma_wait3A_1355] : memref<256xi32, #tpu.memory_space<vmem>> -> memref<16xi32, #tpu.memory_space<vmem>>
    tpu.wait_dma2 semaphore(%dma_wait3A_1353 : memref<!tpu.dma_semaphore, #tpu.memory_space<semaphore_mem>>) src(%dma_wait3A_1356 : memref<16xi32, #tpu.memory_space<vmem>>) dst(%dma_wait3A_1354 : memref<16xi32, #tpu.memory_space<vmem_shared>>)
    %barrier3A_1357 = arith.constant 0 : index
    tpu.barrier barrier_id(%barrier3A_1357)
    %mul3A_1358 = arith.constant 256 : i32
    %mul3A_1359 = arith.muli %arg1, %mul3A_1358 : i32
    %add3A_1360 = arith.constant 8192 : i32
    %add3A_1361 = arith.addi %add3A_1360, %mul3A_1359 : i32
    "tpu.region"() ({
      %run_scoped3A = tpu.sem_alloc : memref<!tpu.dma_semaphore, #tpu.memory_space<semaphore_mem>>
      %dma_start3A_1818 = tpu.memref_slice %arg11[%add3A_1361] : memref<17408xi32, #tpu.memory_space<vmem_shared>> -> memref<256xi32, #tpu.memory_space<vmem_shared>>
      %dma_start3A_1819 = tpu.memref_slice %arg11[%add3A_1361] : memref<17408xi32, #tpu.memory_space<vmem_shared>> -> memref<256xi32, #tpu.memory_space<vmem_shared>>
      tpu.enqueue_dma source(%dma_start3A_1819 : memref<256xi32, #tpu.memory_space<vmem_shared>>) target(%arg6 : memref<256xi32, #tpu.memory_space<vmem>>) target_semaphore(%run_scoped3A : memref<!tpu.dma_semaphore, #tpu.memory_space<semaphore_mem>>)
      %dma_wait3A_1820 = tpu.memref_slice %arg11[%add3A_1361] : memref<17408xi32, #tpu.memory_space<vmem_shared>> -> memref<256xi32, #tpu.memory_space<vmem_shared>>
      %dma_wait3A_1821 = tpu.memref_slice %arg11[%add3A_1361] : memref<17408xi32, #tpu.memory_space<vmem_shared>> -> memref<256xi32, #tpu.memory_space<vmem_shared>>
      tpu.wait_dma2 semaphore(%run_scoped3A : memref<!tpu.dma_semaphore, #tpu.memory_space<semaphore_mem>>) src(%dma_wait3A_1821 : memref<256xi32, #tpu.memory_space<vmem_shared>>) dst(%arg6 : memref<256xi32, #tpu.memory_space<vmem>>)
      tpu.yield
    }) : () -> ()
    %scan3A_1362 = arith.constant 0 : i32
    %scan3A_1363 = arith.constant 16 : i32
    %scan3A_1364 = arith.addi %scan3A_1362, %scan3A_1363 : i32
    %scan3A_1365 = arith.constant 1 : i32
    %scan3A_1366 = scf.for %scan3A_1818 = %scan3A_1362 to %scan3A_1364 step %scan3A_1365 iter_args(%scan3A_1819 = %broadcast_in_dim3A_2) -> (vector<16xi32>)  : i32 {
      %mul3A_1820 = arith.constant 16 : i32
      %mul3A_1821 = arith.muli %scan3A_1818, %mul3A_1820 : i32
      %get3A = arith.index_cast %mul3A_1821 : i32 to index
      %get3A_1822 = tpu.vector_load %arg6[%get3A] {strides = array<i32>} : memref<256xi32, #tpu.memory_space<vmem>>, vector<16xi32>,
      %add3A_1823 = arith.addi %scan3A_1819, %get3A_1822 : vector<16xi32>
      scf.yield %add3A_1823 : vector<16xi32>
    }
    %scan3A_1367 = arith.constant 16 : i32
    %swap3A_1368 = arith.constant 0 : index
    %swap3A_1369 = tpu.vector_load %arg7[%swap3A_1368] {strides = array<i32>} : memref<16xi32, #tpu.memory_space<vmem>>, vector<16xi32>,
    tpu.vector_store %arg7[%swap3A_1368], %scan3A_1366 {strides = array<i32>} : memref<16xi32, #tpu.memory_space<vmem>>, vector<16xi32>,
    %mul3A_1370 = arith.constant 16 : i32
    %mul3A_1371 = arith.muli %arg1, %mul3A_1370 : i32
    %add3A_1372 = arith.constant 16896 : i32
    %add3A_1373 = arith.addi %add3A_1372, %mul3A_1371 : i32
    "tpu.region"() ({
      %run_scoped3A = tpu.sem_alloc : memref<!tpu.dma_semaphore, #tpu.memory_space<semaphore_mem>>
      %dma_start3A_1818 = tpu.memref_slice %arg11[%add3A_1373] : memref<17408xi32, #tpu.memory_space<vmem_shared>> -> memref<16xi32, #tpu.memory_space<vmem_shared>>
      %dma_start3A_1819 = tpu.memref_slice %arg11[%add3A_1373] : memref<17408xi32, #tpu.memory_space<vmem_shared>> -> memref<16xi32, #tpu.memory_space<vmem_shared>>
      tpu.enqueue_dma source(%arg7 : memref<16xi32, #tpu.memory_space<vmem>>) target(%dma_start3A_1819 : memref<16xi32, #tpu.memory_space<vmem_shared>>) target_semaphore(%run_scoped3A : memref<!tpu.dma_semaphore, #tpu.memory_space<semaphore_mem>>)
      %dma_wait3A_1820 = tpu.memref_slice %arg11[%add3A_1373] : memref<17408xi32, #tpu.memory_space<vmem_shared>> -> memref<16xi32, #tpu.memory_space<vmem_shared>>
      %dma_wait3A_1821 = tpu.memref_slice %arg11[%add3A_1373] : memref<17408xi32, #tpu.memory_space<vmem_shared>> -> memref<16xi32, #tpu.memory_space<vmem_shared>>
      tpu.wait_dma2 semaphore(%run_scoped3A : memref<!tpu.dma_semaphore, #tpu.memory_space<semaphore_mem>>) src(%arg7 : memref<16xi32, #tpu.memory_space<vmem>>) dst(%dma_wait3A_1821 : memref<16xi32, #tpu.memory_space<vmem_shared>>)
      tpu.yield
    }) : () -> ()
    %barrier3A_1374 = arith.constant 0 : index
    tpu.barrier barrier_id(%barrier3A_1374)
    "tpu.region"() ({
      %run_scoped3A = tpu.sem_alloc : memref<!tpu.dma_semaphore, #tpu.memory_space<semaphore_mem>>
      %dma_start3A_1818 = arith.constant 16896 : i32
      %dma_start3A_1819 = tpu.memref_slice %arg11[%dma_start3A_1818] : memref<17408xi32, #tpu.memory_space<vmem_shared>> -> memref<256xi32, #tpu.memory_space<vmem_shared>>
      %dma_start3A_1820 = arith.constant 16896 : i32
      %dma_start3A_1821 = tpu.memref_slice %arg11[%dma_start3A_1820] : memref<17408xi32, #tpu.memory_space<vmem_shared>> -> memref<256xi32, #tpu.memory_space<vmem_shared>>
      tpu.enqueue_dma source(%dma_start3A_1821 : memref<256xi32, #tpu.memory_space<vmem_shared>>) target(%arg6 : memref<256xi32, #tpu.memory_space<vmem>>) target_semaphore(%run_scoped3A : memref<!tpu.dma_semaphore, #tpu.memory_space<semaphore_mem>>)
      %dma_wait3A_1822 = arith.constant 16896 : i32
      %dma_wait3A_1823 = tpu.memref_slice %arg11[%dma_wait3A_1822] : memref<17408xi32, #tpu.memory_space<vmem_shared>> -> memref<256xi32, #tpu.memory_space<vmem_shared>>
      %dma_wait3A_1824 = arith.constant 16896 : i32
      %dma_wait3A_1825 = tpu.memref_slice %arg11[%dma_wait3A_1824] : memref<17408xi32, #tpu.memory_space<vmem_shared>> -> memref<256xi32, #tpu.memory_space<vmem_shared>>
      tpu.wait_dma2 semaphore(%run_scoped3A : memref<!tpu.dma_semaphore, #tpu.memory_space<semaphore_mem>>) src(%dma_wait3A_1825 : memref<256xi32, #tpu.memory_space<vmem_shared>>) dst(%arg6 : memref<256xi32, #tpu.memory_space<vmem>>)
      tpu.yield
    }) : () -> ()
    %scan3A_1375 = arith.constant 0 : i32
    %scan3A_1376 = arith.constant 0 : i32
    %scan3A_1377 = arith.constant 0 : i32
    %scan3A_1378 = arith.constant 0 : i32
    %scan3A_1379 = arith.constant 16 : i32
    %scan3A_1380 = arith.addi %scan3A_1378, %scan3A_1379 : i32
    %scan3A_1381 = arith.constant 1 : i32
    %scan3A_1382:3 = scf.for %scan3A_1818 = %scan3A_1378 to %scan3A_1380 step %scan3A_1381 iter_args(%scan3A_1819 = %scan3A_1375, %scan3A_1820 = %scan3A_1376, %scan3A_1821 = %scan3A_1377) -> (i32, i32, i32)  : i32 {
      %mul3A_1822 = arith.constant 16 : i32
      %mul3A_1823 = arith.muli %scan3A_1818, %mul3A_1822 : i32
      %get3A = arith.index_cast %mul3A_1823 : i32 to index
      %get3A_1824 = tpu.vector_load %arg6[%get3A] {strides = array<i32>} : memref<256xi32, #tpu.memory_space<vmem>>, vector<16xi32>,
      %broadcast_in_dim3A_1825 = arith.constant true
      %broadcast_in_dim3A_1826 = vector.broadcast %broadcast_in_dim3A_1825 : i1 to vector<16xi1>
      %masked_cumsum3A = tpu.scan <sum>, %get3A_1824 masked %broadcast_in_dim3A_1826 : vector<16xi32>, vector<16xi1> -> vector<16xi32>
      %add3A_1827 = vector.broadcast %scan3A_1819 : i32 to vector<16xi32>
      %add3A_1828 = arith.addi %masked_cumsum3A, %add3A_1827 : vector<16xi32>
      %lt3A = vector.broadcast %sub3A_977 : i32 to vector<16xi32>
      %lt3A_1829 = arith.cmpi slt, %add3A_1828, %lt3A : vector<16xi32>
      %select_n3A = arith.select %lt3A_1829, %broadcast_in_dim3A_0, %broadcast_in_dim3A_2 : vector<16xi1>, vector<16xi32>
      %reduce_sum3A = arith.constant true
      %reduce_sum3A_1830 = vector.broadcast %reduce_sum3A : i1 to vector<16xi1>
      %reduce_sum3A_1831 = tpu.scan <sum>, %select_n3A masked %reduce_sum3A_1830 : vector<16xi32>, vector<16xi1> -> vector<16xi32>
      %reduce_sum3A_1832 = vector.extract %reduce_sum3A_1831[15] : i32 from vector<16xi32>
      %add3A_1833 = arith.addi %scan3A_1820, %reduce_sum3A_1832 : i32
      %select_n3A_1834 = arith.select %lt3A_1829, %get3A_1824, %broadcast_in_dim3A_2 : vector<16xi1>, vector<16xi32>
      %reduce_sum3A_1835 = arith.constant true
      %reduce_sum3A_1836 = vector.broadcast %reduce_sum3A_1835 : i1 to vector<16xi1>
      %reduce_sum3A_1837 = tpu.scan <sum>, %select_n3A_1834 masked %reduce_sum3A_1836 : vector<16xi32>, vector<16xi1> -> vector<16xi32>
      %reduce_sum3A_1838 = vector.extract %reduce_sum3A_1837[15] : i32 from vector<16xi32>
      %add3A_1839 = arith.addi %scan3A_1821, %reduce_sum3A_1838 : i32
      %reduce_sum3A_1840 = arith.constant true
      %reduce_sum3A_1841 = vector.broadcast %reduce_sum3A_1840 : i1 to vector<16xi1>
      %reduce_sum3A_1842 = tpu.scan <sum>, %get3A_1824 masked %reduce_sum3A_1841 : vector<16xi32>, vector<16xi1> -> vector<16xi32>
      %reduce_sum3A_1843 = vector.extract %reduce_sum3A_1842[15] : i32 from vector<16xi32>
      %add3A_1844 = arith.addi %scan3A_1819, %reduce_sum3A_1843 : i32
      scf.yield %add3A_1844, %add3A_1833, %add3A_1839 : i32, i32, i32
    }
    %scan3A_1383 = arith.constant 16 : i32
    %sub3A_1384 = arith.subi %sub3A_977, %scan3A_1382#2 : i32
    %mul3A_1385 = arith.constant 256 : i32
    %mul3A_1386 = arith.muli %add3A_980, %mul3A_1385 : i32
    %add3A_1387 = arith.addi %mul3A_1386, %scan3A_1382#1 : i32
    %parallel_loop3A_1388 = arith.constant 0 : i32
    %parallel_loop3A_1389 = arith.constant 256 : i32
    %parallel_loop3A_1390 = arith.constant 1 : i32
    scf.for %parallel_loop3A_1818 = %parallel_loop3A_1388 to %parallel_loop3A_1389 step %parallel_loop3A_1390  : i32 {
      %parallel_loop3A_1819 = arith.constant 16 : i32
      %parallel_loop3A_1820 = arith.muli %parallel_loop3A_1818, %parallel_loop3A_1819 : i32
      %parallel_loop3A_1821 = arith.index_cast %parallel_loop3A_1820 : i32 to index
      %parallel_loop3A_1822 = tpu.vector_load %arg5[%parallel_loop3A_1821] {strides = array<i32>} : memref<4096xi32, #tpu.memory_space<vmem>>, vector<16xi32>,
      tpu.vector_store %arg5[%parallel_loop3A_1821], %broadcast_in_dim3A_2 {strides = array<i32>} : memref<4096xi32, #tpu.memory_space<vmem>>, vector<16xi32>,
    } {sc.loop_unroll_factor = 8 : i64, sc.parallel_access}
    %shift_left3A_1391 = arith.constant 8 : i32
    %shift_left3A_1392 = arith.shli %add3A_1387, %shift_left3A_1391 : i32
    %add3A_1393 = arith.constant 16 : i32
    %add3A_1394 = arith.addi %parallel_loop3A_997#0, %add3A_1393 : i32
    %sub3A_1395 = arith.constant 1 : i32
    %sub3A_1396 = arith.subi %add3A_1394, %sub3A_1395 : i32
    %shift_right_arithmetic3A_1397 = arith.constant 4 : i32
    %shift_right_arithmetic3A_1398 = arith.shrsi %sub3A_1396, %shift_right_arithmetic3A_1397 : i32
    %parallel_loop3A_1399 = arith.constant 0 : i32
    %parallel_loop3A_1400 = arith.constant 1 : i32
    %parallel_loop3A_1401 = arith.constant 8 : i32
    %parallel_loop3A_1402 = arith.constant 0 : i32
    %parallel_loop3A_1403 = arith.constant 0 : i32
    %parallel_loop3A_1404:2 = scf.for %parallel_loop3A_1818 = %parallel_loop3A_1399 to %shift_right_arithmetic3A_1398 step %parallel_loop3A_1400 iter_args(%parallel_loop3A_1819 = %parallel_loop3A_1403, %parallel_loop3A_1820 = %parallel_loop3A_997#1) -> (i32, vector<16xf32>)  : i32 {
      %parallel_loop3A_1821 = arith.constant 16 : i32
      %parallel_loop3A_1822 = arith.muli %parallel_loop3A_1818, %parallel_loop3A_1821 : i32
      %parallel_loop3A_1823 = arith.index_cast %parallel_loop3A_1822 : i32 to index
      %parallel_loop3A_1824 = tpu.vector_load %arg4[%parallel_loop3A_1823] {strides = array<i32>} : memref<65536xf32, #tpu.memory_space<vmem>>, vector<16xf32>,
      %parallel_loop3A_1825 = tpu.bitcast %parallel_loop3A_1824 : vector<16xf32> -> vector<16xi32>
      %parallel_loop3A_1826 = arith.constant 31 : i32
      %parallel_loop3A_1827 = vector.broadcast %parallel_loop3A_1826 : i32 to vector<16xi32>
      %parallel_loop3A_1828 = arith.shrsi %parallel_loop3A_1825, %parallel_loop3A_1827 : vector<16xi32>
      %parallel_loop3A_1829 = arith.constant -2147483648 : i32
      %parallel_loop3A_1830 = vector.broadcast %parallel_loop3A_1829 : i32 to vector<16xi32>
      %parallel_loop3A_1831 = arith.ori %parallel_loop3A_1828, %parallel_loop3A_1830 : vector<16xi32>
      %parallel_loop3A_1832 = arith.xori %parallel_loop3A_1825, %parallel_loop3A_1831 : vector<16xi32>
      %parallel_loop3A_1833 = tpu.bitcast %parallel_loop3A_1832 : vector<16xi32> -> vector<16xi32>
      %parallel_loop3A_1834 = arith.constant 16 : i32
      %parallel_loop3A_1835 = arith.muli %parallel_loop3A_1818, %parallel_loop3A_1834 : i32
      %parallel_loop3A_1836 = vector.broadcast %parallel_loop3A_1835 : i32 to vector<16xi32>
      %parallel_loop3A_1837 = arith.addi %parallel_loop3A_1836, %iota3A : vector<16xi32>
      %parallel_loop3A_1838 = vector.broadcast %parallel_loop3A_997#0 : i32 to vector<16xi32>
      %parallel_loop3A_1839 = arith.cmpi slt, %parallel_loop3A_1837, %parallel_loop3A_1838 : vector<16xi32>
      %parallel_loop3A_1840 = vector.broadcast %parallel_loop3A_1401 : i32 to vector<16xi32>
      %parallel_loop3A_1841 = arith.shrui %parallel_loop3A_1833, %parallel_loop3A_1840 : vector<16xi32>
      %parallel_loop3A_1842 = vector.broadcast %add3A_1387 : i32 to vector<16xi32>
      %parallel_loop3A_1843 = arith.cmpi eq, %parallel_loop3A_1841, %parallel_loop3A_1842 : vector<16xi32>
      %parallel_loop3A_1844 = arith.andi %parallel_loop3A_1839, %parallel_loop3A_1843 : vector<16xi1>
      %parallel_loop3A_1845 = vector.broadcast %shift_left3A_1392 : i32 to vector<16xi32>
      %parallel_loop3A_1846 = arith.cmpi ult, %parallel_loop3A_1833, %parallel_loop3A_1845 : vector<16xi32>
      %parallel_loop3A_1847 = arith.andi %parallel_loop3A_1839, %parallel_loop3A_1846 : vector<16xi1>
      %parallel_loop3A_1848 = vector.broadcast %parallel_loop3A_1402 : i32 to vector<16xi32>
      %parallel_loop3A_1849 = arith.shrui %parallel_loop3A_1833, %parallel_loop3A_1848 : vector<16xi32>
      %parallel_loop3A_1850 = arith.constant 255 : i32
      %parallel_loop3A_1851 = vector.broadcast %parallel_loop3A_1850 : i32 to vector<16xi32>
      %parallel_loop3A_1852 = arith.andi %parallel_loop3A_1849, %parallel_loop3A_1851 : vector<16xi32>
      %parallel_loop3A_1853 = arith.constant 256 : i32
      %parallel_loop3A_1854 = vector.broadcast %parallel_loop3A_1853 : i32 to vector<16xi32>
      %parallel_loop3A_1855 = arith.muli %iota3A, %parallel_loop3A_1854 : vector<16xi32>
      %parallel_loop3A_1856 = arith.addi %parallel_loop3A_1855, %parallel_loop3A_1852 : vector<16xi32>
      tpu.vector_store_idx %arg5[%parallel_loop3A_1856], %broadcast_in_dim3A_0 masked %parallel_loop3A_1844 {add = true} : memref<4096xi32, #tpu.memory_space<vmem>>[vector<16xi32>], vector<16xi32>, vector<16xi1>
      %parallel_loop3A_1857 = arith.select %parallel_loop3A_1847, %parallel_loop3A_1824, %broadcast_in_dim3A_4 : vector<16xi1>, vector<16xf32>
      %parallel_loop3A_1858 = arith.addf %parallel_loop3A_1820, %parallel_loop3A_1857 : vector<16xf32>
      %parallel_loop3A_1859 = arith.index_cast %parallel_loop3A_1819 : i32 to index
      %parallel_loop3A_1860 = tpu.vector_load %arg4[%parallel_loop3A_1859] masked %parallel_loop3A_1844 {strides = array<i32>} : memref<65536xf32, #tpu.memory_space<vmem>>, vector<16xf32>, vector<16xi1>
      tpu.vector_store %arg4[%parallel_loop3A_1859], %parallel_loop3A_1824 masked %parallel_loop3A_1844 {strides = array<i32>} : memref<65536xf32, #tpu.memory_space<vmem>>, vector<16xf32>, vector<16xi1>
      %parallel_loop3A_1861 = tpu.all_reduce %parallel_loop3A_1844 {dim = 0 : i64, kind = #tpu.reduction_kind<sum>} : vector<16xi1> -> vector<16xi32>
      %parallel_loop3A_1862 = vector.extract_strided_slice %parallel_loop3A_1861 {offsets = [0], sizes = [1], strides = [1]} : vector<16xi32> to vector<1xi32>
      %parallel_loop3A_1863 = vector.extract %parallel_loop3A_1862[0] : i32 from vector<1xi32>
      %parallel_loop3A_1864 = arith.addi %parallel_loop3A_1819, %parallel_loop3A_1863 : i32
      scf.yield %parallel_loop3A_1864, %parallel_loop3A_1858 : i32, vector<16xf32>
    } {sc.loop_unroll_factor = 4 : i64, sc.parallel_access}
    %scan3A_1405 = arith.constant 0 : i32
    %scan3A_1406 = arith.constant 0 : i32
    %scan3A_1407 = arith.constant 16 : i32
    %scan3A_1408 = arith.addi %scan3A_1406, %scan3A_1407 : i32
    %scan3A_1409 = arith.constant 1 : i32
    %scan3A_1410 = scf.for %scan3A_1818 = %scan3A_1406 to %scan3A_1408 step %scan3A_1409 iter_args(%scan3A_1819 = %scan3A_1405) -> (i32)  : i32 {
      %scan3A_1820 = arith.constant 0 : i32
      %scan3A_1821 = arith.constant 16 : i32
      %scan3A_1822 = arith.addi %scan3A_1820, %scan3A_1821 : i32
      %scan3A_1823 = arith.constant 1 : i32
      %scan3A_1824 = scf.for %scan3A_1831 = %scan3A_1820 to %scan3A_1822 step %scan3A_1823 iter_args(%scan3A_1832 = %broadcast_in_dim3A_2) -> (vector<16xi32>)  : i32 {
        %mul3A_1833 = arith.constant 256 : i32
        %mul3A_1834 = arith.muli %scan3A_1831, %mul3A_1833 : i32
        %mul3A_1835 = arith.constant 16 : i32
        %mul3A_1836 = arith.muli %scan3A_1818, %mul3A_1835 : i32
        %add3A_1837 = arith.addi %mul3A_1834, %mul3A_1836 : i32
        %get3A = arith.index_cast %add3A_1837 : i32 to index
        %get3A_1838 = tpu.vector_load %arg5[%get3A] {strides = array<i32>} : memref<4096xi32, #tpu.memory_space<vmem>>, vector<16xi32>,
        %add3A_1839 = arith.addi %scan3A_1832, %get3A_1838 : vector<16xi32>
        scf.yield %add3A_1839 : vector<16xi32>
      }
      %scan3A_1825 = arith.constant 16 : i32
      %mul3A_1826 = arith.constant 16 : i32
      %mul3A_1827 = arith.muli %scan3A_1818, %mul3A_1826 : i32
      %swap3A_1828 = arith.index_cast %mul3A_1827 : i32 to index
      %swap3A_1829 = tpu.vector_load %arg6[%swap3A_1828] {strides = array<i32>} : memref<256xi32, #tpu.memory_space<vmem>>, vector<16xi32>,
      tpu.vector_store %arg6[%swap3A_1828], %scan3A_1824 {strides = array<i32>} : memref<256xi32, #tpu.memory_space<vmem>>, vector<16xi32>,
      %scan3A_1830 = arith.constant 0 : i32
      scf.yield %scan3A_1830 : i32
    }
    %scan3A_1411 = arith.constant 16 : i32
    %mul3A_1412 = arith.constant 16 : i32
    %mul3A_1413 = arith.muli %arg1, %mul3A_1412 : i32
    %add3A_1414 = arith.constant 12288 : i32
    %add3A_1415 = arith.addi %add3A_1414, %mul3A_1413 : i32
    %dma_start3A_1416 = arith.constant 0 : i32
    %dma_start3A_1417 = arith.constant 0 : i32
    %dma_start3A_1418 = tpu.memref_slice %arg6[%dma_start3A_1417] : memref<256xi32, #tpu.memory_space<vmem>> -> memref<16xi32, #tpu.memory_space<vmem>>
    %dma_start3A_1419 = tpu.memref_slice %arg11[%add3A_1415] : memref<17408xi32, #tpu.memory_space<vmem_shared>> -> memref<16xi32, #tpu.memory_space<vmem_shared>>
    %dma_start3A_1420 = tpu.memref_slice %arg10[%dma_start3A_1416] : memref<16x!tpu.dma_semaphore, #tpu.memory_space<semaphore_mem>> -> memref<1x!tpu.dma_semaphore, #tpu.memory_space<semaphore_mem>>
    %dma_start3A_1421 = tpu.memref_squeeze %dma_start3A_1420 : memref<1x!tpu.dma_semaphore, #tpu.memory_space<semaphore_mem>> -> memref<!tpu.dma_semaphore, #tpu.memory_space<semaphore_mem>>
    %dma_start3A_1422 = tpu.memref_slice %arg11[%add3A_1415] : memref<17408xi32, #tpu.memory_space<vmem_shared>> -> memref<16xi32, #tpu.memory_space<vmem_shared>>
    %dma_start3A_1423 = arith.constant 0 : i32
    %dma_start3A_1424 = tpu.memref_slice %arg6[%dma_start3A_1423] : memref<256xi32, #tpu.memory_space<vmem>> -> memref<16xi32, #tpu.memory_space<vmem>>
    tpu.enqueue_dma source(%dma_start3A_1424 : memref<16xi32, #tpu.memory_space<vmem>>) target(%dma_start3A_1422 : memref<16xi32, #tpu.memory_space<vmem_shared>>) target_semaphore(%dma_start3A_1421 : memref<!tpu.dma_semaphore, #tpu.memory_space<semaphore_mem>>)
    %mul3A_1425 = arith.constant 16 : i32
    %mul3A_1426 = arith.muli %arg1, %mul3A_1425 : i32
    %add3A_1427 = arith.constant 12544 : i32
    %add3A_1428 = arith.addi %add3A_1427, %mul3A_1426 : i32
    %dma_start3A_1429 = arith.constant 1 : i32
    %dma_start3A_1430 = arith.constant 16 : i32
    %dma_start3A_1431 = tpu.memref_slice %arg6[%dma_start3A_1430] : memref<256xi32, #tpu.memory_space<vmem>> -> memref<16xi32, #tpu.memory_space<vmem>>
    %dma_start3A_1432 = tpu.memref_slice %arg11[%add3A_1428] : memref<17408xi32, #tpu.memory_space<vmem_shared>> -> memref<16xi32, #tpu.memory_space<vmem_shared>>
    %dma_start3A_1433 = tpu.memref_slice %arg10[%dma_start3A_1429] : memref<16x!tpu.dma_semaphore, #tpu.memory_space<semaphore_mem>> -> memref<1x!tpu.dma_semaphore, #tpu.memory_space<semaphore_mem>>
    %dma_start3A_1434 = tpu.memref_squeeze %dma_start3A_1433 : memref<1x!tpu.dma_semaphore, #tpu.memory_space<semaphore_mem>> -> memref<!tpu.dma_semaphore, #tpu.memory_space<semaphore_mem>>
    %dma_start3A_1435 = tpu.memref_slice %arg11[%add3A_1428] : memref<17408xi32, #tpu.memory_space<vmem_shared>> -> memref<16xi32, #tpu.memory_space<vmem_shared>>
    %dma_start3A_1436 = arith.constant 16 : i32
    %dma_start3A_1437 = tpu.memref_slice %arg6[%dma_start3A_1436] : memref<256xi32, #tpu.memory_space<vmem>> -> memref<16xi32, #tpu.memory_space<vmem>>
    tpu.enqueue_dma source(%dma_start3A_1437 : memref<16xi32, #tpu.memory_space<vmem>>) target(%dma_start3A_1435 : memref<16xi32, #tpu.memory_space<vmem_shared>>) target_semaphore(%dma_start3A_1434 : memref<!tpu.dma_semaphore, #tpu.memory_space<semaphore_mem>>)
    %mul3A_1438 = arith.constant 16 : i32
    %mul3A_1439 = arith.muli %arg1, %mul3A_1438 : i32
    %add3A_1440 = arith.constant 12800 : i32
    %add3A_1441 = arith.addi %add3A_1440, %mul3A_1439 : i32
    %dma_start3A_1442 = arith.constant 2 : i32
    %dma_start3A_1443 = arith.constant 32 : i32
    %dma_start3A_1444 = tpu.memref_slice %arg6[%dma_start3A_1443] : memref<256xi32, #tpu.memory_space<vmem>> -> memref<16xi32, #tpu.memory_space<vmem>>
    %dma_start3A_1445 = tpu.memref_slice %arg11[%add3A_1441] : memref<17408xi32, #tpu.memory_space<vmem_shared>> -> memref<16xi32, #tpu.memory_space<vmem_shared>>
    %dma_start3A_1446 = tpu.memref_slice %arg10[%dma_start3A_1442] : memref<16x!tpu.dma_semaphore, #tpu.memory_space<semaphore_mem>> -> memref<1x!tpu.dma_semaphore, #tpu.memory_space<semaphore_mem>>
    %dma_start3A_1447 = tpu.memref_squeeze %dma_start3A_1446 : memref<1x!tpu.dma_semaphore, #tpu.memory_space<semaphore_mem>> -> memref<!tpu.dma_semaphore, #tpu.memory_space<semaphore_mem>>
    %dma_start3A_1448 = tpu.memref_slice %arg11[%add3A_1441] : memref<17408xi32, #tpu.memory_space<vmem_shared>> -> memref<16xi32, #tpu.memory_space<vmem_shared>>
    %dma_start3A_1449 = arith.constant 32 : i32
    %dma_start3A_1450 = tpu.memref_slice %arg6[%dma_start3A_1449] : memref<256xi32, #tpu.memory_space<vmem>> -> memref<16xi32, #tpu.memory_space<vmem>>
    tpu.enqueue_dma source(%dma_start3A_1450 : memref<16xi32, #tpu.memory_space<vmem>>) target(%dma_start3A_1448 : memref<16xi32, #tpu.memory_space<vmem_shared>>) target_semaphore(%dma_start3A_1447 : memref<!tpu.dma_semaphore, #tpu.memory_space<semaphore_mem>>)
    %mul3A_1451 = arith.constant 16 : i32
    %mul3A_1452 = arith.muli %arg1, %mul3A_1451 : i32
    %add3A_1453 = arith.constant 13056 : i32
    %add3A_1454 = arith.addi %add3A_1453, %mul3A_1452 : i32
    %dma_start3A_1455 = arith.constant 3 : i32
    %dma_start3A_1456 = arith.constant 48 : i32
    %dma_start3A_1457 = tpu.memref_slice %arg6[%dma_start3A_1456] : memref<256xi32, #tpu.memory_space<vmem>> -> memref<16xi32, #tpu.memory_space<vmem>>
    %dma_start3A_1458 = tpu.memref_slice %arg11[%add3A_1454] : memref<17408xi32, #tpu.memory_space<vmem_shared>> -> memref<16xi32, #tpu.memory_space<vmem_shared>>
    %dma_start3A_1459 = tpu.memref_slice %arg10[%dma_start3A_1455] : memref<16x!tpu.dma_semaphore, #tpu.memory_space<semaphore_mem>> -> memref<1x!tpu.dma_semaphore, #tpu.memory_space<semaphore_mem>>
    %dma_start3A_1460 = tpu.memref_squeeze %dma_start3A_1459 : memref<1x!tpu.dma_semaphore, #tpu.memory_space<semaphore_mem>> -> memref<!tpu.dma_semaphore, #tpu.memory_space<semaphore_mem>>
    %dma_start3A_1461 = tpu.memref_slice %arg11[%add3A_1454] : memref<17408xi32, #tpu.memory_space<vmem_shared>> -> memref<16xi32, #tpu.memory_space<vmem_shared>>
    %dma_start3A_1462 = arith.constant 48 : i32
    %dma_start3A_1463 = tpu.memref_slice %arg6[%dma_start3A_1462] : memref<256xi32, #tpu.memory_space<vmem>> -> memref<16xi32, #tpu.memory_space<vmem>>
    tpu.enqueue_dma source(%dma_start3A_1463 : memref<16xi32, #tpu.memory_space<vmem>>) target(%dma_start3A_1461 : memref<16xi32, #tpu.memory_space<vmem_shared>>) target_semaphore(%dma_start3A_1460 : memref<!tpu.dma_semaphore, #tpu.memory_space<semaphore_mem>>)
    %mul3A_1464 = arith.constant 16 : i32
    %mul3A_1465 = arith.muli %arg1, %mul3A_1464 : i32
    %add3A_1466 = arith.constant 13312 : i32
    %add3A_1467 = arith.addi %add3A_1466, %mul3A_1465 : i32
    %dma_start3A_1468 = arith.constant 4 : i32
    %dma_start3A_1469 = arith.constant 64 : i32
    %dma_start3A_1470 = tpu.memref_slice %arg6[%dma_start3A_1469] : memref<256xi32, #tpu.memory_space<vmem>> -> memref<16xi32, #tpu.memory_space<vmem>>
    %dma_start3A_1471 = tpu.memref_slice %arg11[%add3A_1467] : memref<17408xi32, #tpu.memory_space<vmem_shared>> -> memref<16xi32, #tpu.memory_space<vmem_shared>>
    %dma_start3A_1472 = tpu.memref_slice %arg10[%dma_start3A_1468] : memref<16x!tpu.dma_semaphore, #tpu.memory_space<semaphore_mem>> -> memref<1x!tpu.dma_semaphore, #tpu.memory_space<semaphore_mem>>
    %dma_start3A_1473 = tpu.memref_squeeze %dma_start3A_1472 : memref<1x!tpu.dma_semaphore, #tpu.memory_space<semaphore_mem>> -> memref<!tpu.dma_semaphore, #tpu.memory_space<semaphore_mem>>
    %dma_start3A_1474 = tpu.memref_slice %arg11[%add3A_1467] : memref<17408xi32, #tpu.memory_space<vmem_shared>> -> memref<16xi32, #tpu.memory_space<vmem_shared>>
    %dma_start3A_1475 = arith.constant 64 : i32
    %dma_start3A_1476 = tpu.memref_slice %arg6[%dma_start3A_1475] : memref<256xi32, #tpu.memory_space<vmem>> -> memref<16xi32, #tpu.memory_space<vmem>>
    tpu.enqueue_dma source(%dma_start3A_1476 : memref<16xi32, #tpu.memory_space<vmem>>) target(%dma_start3A_1474 : memref<16xi32, #tpu.memory_space<vmem_shared>>) target_semaphore(%dma_start3A_1473 : memref<!tpu.dma_semaphore, #tpu.memory_space<semaphore_mem>>)
    %mul3A_1477 = arith.constant 16 : i32
    %mul3A_1478 = arith.muli %arg1, %mul3A_1477 : i32
    %add3A_1479 = arith.constant 13568 : i32
    %add3A_1480 = arith.addi %add3A_1479, %mul3A_1478 : i32
    %dma_start3A_1481 = arith.constant 5 : i32
    %dma_start3A_1482 = arith.constant 80 : i32
    %dma_start3A_1483 = tpu.memref_slice %arg6[%dma_start3A_1482] : memref<256xi32, #tpu.memory_space<vmem>> -> memref<16xi32, #tpu.memory_space<vmem>>
    %dma_start3A_1484 = tpu.memref_slice %arg11[%add3A_1480] : memref<17408xi32, #tpu.memory_space<vmem_shared>> -> memref<16xi32, #tpu.memory_space<vmem_shared>>
    %dma_start3A_1485 = tpu.memref_slice %arg10[%dma_start3A_1481] : memref<16x!tpu.dma_semaphore, #tpu.memory_space<semaphore_mem>> -> memref<1x!tpu.dma_semaphore, #tpu.memory_space<semaphore_mem>>
    %dma_start3A_1486 = tpu.memref_squeeze %dma_start3A_1485 : memref<1x!tpu.dma_semaphore, #tpu.memory_space<semaphore_mem>> -> memref<!tpu.dma_semaphore, #tpu.memory_space<semaphore_mem>>
    %dma_start3A_1487 = tpu.memref_slice %arg11[%add3A_1480] : memref<17408xi32, #tpu.memory_space<vmem_shared>> -> memref<16xi32, #tpu.memory_space<vmem_shared>>
    %dma_start3A_1488 = arith.constant 80 : i32
    %dma_start3A_1489 = tpu.memref_slice %arg6[%dma_start3A_1488] : memref<256xi32, #tpu.memory_space<vmem>> -> memref<16xi32, #tpu.memory_space<vmem>>
    tpu.enqueue_dma source(%dma_start3A_1489 : memref<16xi32, #tpu.memory_space<vmem>>) target(%dma_start3A_1487 : memref<16xi32, #tpu.memory_space<vmem_shared>>) target_semaphore(%dma_start3A_1486 : memref<!tpu.dma_semaphore, #tpu.memory_space<semaphore_mem>>)
    %mul3A_1490 = arith.constant 16 : i32
    %mul3A_1491 = arith.muli %arg1, %mul3A_1490 : i32
    %add3A_1492 = arith.constant 13824 : i32
    %add3A_1493 = arith.addi %add3A_1492, %mul3A_1491 : i32
    %dma_start3A_1494 = arith.constant 6 : i32
    %dma_start3A_1495 = arith.constant 96 : i32
    %dma_start3A_1496 = tpu.memref_slice %arg6[%dma_start3A_1495] : memref<256xi32, #tpu.memory_space<vmem>> -> memref<16xi32, #tpu.memory_space<vmem>>
    %dma_start3A_1497 = tpu.memref_slice %arg11[%add3A_1493] : memref<17408xi32, #tpu.memory_space<vmem_shared>> -> memref<16xi32, #tpu.memory_space<vmem_shared>>
    %dma_start3A_1498 = tpu.memref_slice %arg10[%dma_start3A_1494] : memref<16x!tpu.dma_semaphore, #tpu.memory_space<semaphore_mem>> -> memref<1x!tpu.dma_semaphore, #tpu.memory_space<semaphore_mem>>
    %dma_start3A_1499 = tpu.memref_squeeze %dma_start3A_1498 : memref<1x!tpu.dma_semaphore, #tpu.memory_space<semaphore_mem>> -> memref<!tpu.dma_semaphore, #tpu.memory_space<semaphore_mem>>
    %dma_start3A_1500 = tpu.memref_slice %arg11[%add3A_1493] : memref<17408xi32, #tpu.memory_space<vmem_shared>> -> memref<16xi32, #tpu.memory_space<vmem_shared>>
    %dma_start3A_1501 = arith.constant 96 : i32
    %dma_start3A_1502 = tpu.memref_slice %arg6[%dma_start3A_1501] : memref<256xi32, #tpu.memory_space<vmem>> -> memref<16xi32, #tpu.memory_space<vmem>>
    tpu.enqueue_dma source(%dma_start3A_1502 : memref<16xi32, #tpu.memory_space<vmem>>) target(%dma_start3A_1500 : memref<16xi32, #tpu.memory_space<vmem_shared>>) target_semaphore(%dma_start3A_1499 : memref<!tpu.dma_semaphore, #tpu.memory_space<semaphore_mem>>)
    %mul3A_1503 = arith.constant 16 : i32
    %mul3A_1504 = arith.muli %arg1, %mul3A_1503 : i32
    %add3A_1505 = arith.constant 14080 : i32
    %add3A_1506 = arith.addi %add3A_1505, %mul3A_1504 : i32
    %dma_start3A_1507 = arith.constant 7 : i32
    %dma_start3A_1508 = arith.constant 112 : i32
    %dma_start3A_1509 = tpu.memref_slice %arg6[%dma_start3A_1508] : memref<256xi32, #tpu.memory_space<vmem>> -> memref<16xi32, #tpu.memory_space<vmem>>
    %dma_start3A_1510 = tpu.memref_slice %arg11[%add3A_1506] : memref<17408xi32, #tpu.memory_space<vmem_shared>> -> memref<16xi32, #tpu.memory_space<vmem_shared>>
    %dma_start3A_1511 = tpu.memref_slice %arg10[%dma_start3A_1507] : memref<16x!tpu.dma_semaphore, #tpu.memory_space<semaphore_mem>> -> memref<1x!tpu.dma_semaphore, #tpu.memory_space<semaphore_mem>>
    %dma_start3A_1512 = tpu.memref_squeeze %dma_start3A_1511 : memref<1x!tpu.dma_semaphore, #tpu.memory_space<semaphore_mem>> -> memref<!tpu.dma_semaphore, #tpu.memory_space<semaphore_mem>>
    %dma_start3A_1513 = tpu.memref_slice %arg11[%add3A_1506] : memref<17408xi32, #tpu.memory_space<vmem_shared>> -> memref<16xi32, #tpu.memory_space<vmem_shared>>
    %dma_start3A_1514 = arith.constant 112 : i32
    %dma_start3A_1515 = tpu.memref_slice %arg6[%dma_start3A_1514] : memref<256xi32, #tpu.memory_space<vmem>> -> memref<16xi32, #tpu.memory_space<vmem>>
    tpu.enqueue_dma source(%dma_start3A_1515 : memref<16xi32, #tpu.memory_space<vmem>>) target(%dma_start3A_1513 : memref<16xi32, #tpu.memory_space<vmem_shared>>) target_semaphore(%dma_start3A_1512 : memref<!tpu.dma_semaphore, #tpu.memory_space<semaphore_mem>>)
    %mul3A_1516 = arith.constant 16 : i32
    %mul3A_1517 = arith.muli %arg1, %mul3A_1516 : i32
    %add3A_1518 = arith.constant 14336 : i32
    %add3A_1519 = arith.addi %add3A_1518, %mul3A_1517 : i32
    %dma_start3A_1520 = arith.constant 8 : i32
    %dma_start3A_1521 = arith.constant 128 : i32
    %dma_start3A_1522 = tpu.memref_slice %arg6[%dma_start3A_1521] : memref<256xi32, #tpu.memory_space<vmem>> -> memref<16xi32, #tpu.memory_space<vmem>>
    %dma_start3A_1523 = tpu.memref_slice %arg11[%add3A_1519] : memref<17408xi32, #tpu.memory_space<vmem_shared>> -> memref<16xi32, #tpu.memory_space<vmem_shared>>
    %dma_start3A_1524 = tpu.memref_slice %arg10[%dma_start3A_1520] : memref<16x!tpu.dma_semaphore, #tpu.memory_space<semaphore_mem>> -> memref<1x!tpu.dma_semaphore, #tpu.memory_space<semaphore_mem>>
    %dma_start3A_1525 = tpu.memref_squeeze %dma_start3A_1524 : memref<1x!tpu.dma_semaphore, #tpu.memory_space<semaphore_mem>> -> memref<!tpu.dma_semaphore, #tpu.memory_space<semaphore_mem>>
    %dma_start3A_1526 = tpu.memref_slice %arg11[%add3A_1519] : memref<17408xi32, #tpu.memory_space<vmem_shared>> -> memref<16xi32, #tpu.memory_space<vmem_shared>>
    %dma_start3A_1527 = arith.constant 128 : i32
    %dma_start3A_1528 = tpu.memref_slice %arg6[%dma_start3A_1527] : memref<256xi32, #tpu.memory_space<vmem>> -> memref<16xi32, #tpu.memory_space<vmem>>
    tpu.enqueue_dma source(%dma_start3A_1528 : memref<16xi32, #tpu.memory_space<vmem>>) target(%dma_start3A_1526 : memref<16xi32, #tpu.memory_space<vmem_shared>>) target_semaphore(%dma_start3A_1525 : memref<!tpu.dma_semaphore, #tpu.memory_space<semaphore_mem>>)
    %mul3A_1529 = arith.constant 16 : i32
    %mul3A_1530 = arith.muli %arg1, %mul3A_1529 : i32
    %add3A_1531 = arith.constant 14592 : i32
    %add3A_1532 = arith.addi %add3A_1531, %mul3A_1530 : i32
    %dma_start3A_1533 = arith.constant 9 : i32
    %dma_start3A_1534 = arith.constant 144 : i32
    %dma_start3A_1535 = tpu.memref_slice %arg6[%dma_start3A_1534] : memref<256xi32, #tpu.memory_space<vmem>> -> memref<16xi32, #tpu.memory_space<vmem>>
    %dma_start3A_1536 = tpu.memref_slice %arg11[%add3A_1532] : memref<17408xi32, #tpu.memory_space<vmem_shared>> -> memref<16xi32, #tpu.memory_space<vmem_shared>>
    %dma_start3A_1537 = tpu.memref_slice %arg10[%dma_start3A_1533] : memref<16x!tpu.dma_semaphore, #tpu.memory_space<semaphore_mem>> -> memref<1x!tpu.dma_semaphore, #tpu.memory_space<semaphore_mem>>
    %dma_start3A_1538 = tpu.memref_squeeze %dma_start3A_1537 : memref<1x!tpu.dma_semaphore, #tpu.memory_space<semaphore_mem>> -> memref<!tpu.dma_semaphore, #tpu.memory_space<semaphore_mem>>
    %dma_start3A_1539 = tpu.memref_slice %arg11[%add3A_1532] : memref<17408xi32, #tpu.memory_space<vmem_shared>> -> memref<16xi32, #tpu.memory_space<vmem_shared>>
    %dma_start3A_1540 = arith.constant 144 : i32
    %dma_start3A_1541 = tpu.memref_slice %arg6[%dma_start3A_1540] : memref<256xi32, #tpu.memory_space<vmem>> -> memref<16xi32, #tpu.memory_space<vmem>>
    tpu.enqueue_dma source(%dma_start3A_1541 : memref<16xi32, #tpu.memory_space<vmem>>) target(%dma_start3A_1539 : memref<16xi32, #tpu.memory_space<vmem_shared>>) target_semaphore(%dma_start3A_1538 : memref<!tpu.dma_semaphore, #tpu.memory_space<semaphore_mem>>)
    %mul3A_1542 = arith.constant 16 : i32
    %mul3A_1543 = arith.muli %arg1, %mul3A_1542 : i32
    %add3A_1544 = arith.constant 14848 : i32
    %add3A_1545 = arith.addi %add3A_1544, %mul3A_1543 : i32
    %dma_start3A_1546 = arith.constant 10 : i32
    %dma_start3A_1547 = arith.constant 160 : i32
    %dma_start3A_1548 = tpu.memref_slice %arg6[%dma_start3A_1547] : memref<256xi32, #tpu.memory_space<vmem>> -> memref<16xi32, #tpu.memory_space<vmem>>
    %dma_start3A_1549 = tpu.memref_slice %arg11[%add3A_1545] : memref<17408xi32, #tpu.memory_space<vmem_shared>> -> memref<16xi32, #tpu.memory_space<vmem_shared>>
    %dma_start3A_1550 = tpu.memref_slice %arg10[%dma_start3A_1546] : memref<16x!tpu.dma_semaphore, #tpu.memory_space<semaphore_mem>> -> memref<1x!tpu.dma_semaphore, #tpu.memory_space<semaphore_mem>>
    %dma_start3A_1551 = tpu.memref_squeeze %dma_start3A_1550 : memref<1x!tpu.dma_semaphore, #tpu.memory_space<semaphore_mem>> -> memref<!tpu.dma_semaphore, #tpu.memory_space<semaphore_mem>>
    %dma_start3A_1552 = tpu.memref_slice %arg11[%add3A_1545] : memref<17408xi32, #tpu.memory_space<vmem_shared>> -> memref<16xi32, #tpu.memory_space<vmem_shared>>
    %dma_start3A_1553 = arith.constant 160 : i32
    %dma_start3A_1554 = tpu.memref_slice %arg6[%dma_start3A_1553] : memref<256xi32, #tpu.memory_space<vmem>> -> memref<16xi32, #tpu.memory_space<vmem>>
    tpu.enqueue_dma source(%dma_start3A_1554 : memref<16xi32, #tpu.memory_space<vmem>>) target(%dma_start3A_1552 : memref<16xi32, #tpu.memory_space<vmem_shared>>) target_semaphore(%dma_start3A_1551 : memref<!tpu.dma_semaphore, #tpu.memory_space<semaphore_mem>>)
    %mul3A_1555 = arith.constant 16 : i32
    %mul3A_1556 = arith.muli %arg1, %mul3A_1555 : i32
    %add3A_1557 = arith.constant 15104 : i32
    %add3A_1558 = arith.addi %add3A_1557, %mul3A_1556 : i32
    %dma_start3A_1559 = arith.constant 11 : i32
    %dma_start3A_1560 = arith.constant 176 : i32
    %dma_start3A_1561 = tpu.memref_slice %arg6[%dma_start3A_1560] : memref<256xi32, #tpu.memory_space<vmem>> -> memref<16xi32, #tpu.memory_space<vmem>>
    %dma_start3A_1562 = tpu.memref_slice %arg11[%add3A_1558] : memref<17408xi32, #tpu.memory_space<vmem_shared>> -> memref<16xi32, #tpu.memory_space<vmem_shared>>
    %dma_start3A_1563 = tpu.memref_slice %arg10[%dma_start3A_1559] : memref<16x!tpu.dma_semaphore, #tpu.memory_space<semaphore_mem>> -> memref<1x!tpu.dma_semaphore, #tpu.memory_space<semaphore_mem>>
    %dma_start3A_1564 = tpu.memref_squeeze %dma_start3A_1563 : memref<1x!tpu.dma_semaphore, #tpu.memory_space<semaphore_mem>> -> memref<!tpu.dma_semaphore, #tpu.memory_space<semaphore_mem>>
    %dma_start3A_1565 = tpu.memref_slice %arg11[%add3A_1558] : memref<17408xi32, #tpu.memory_space<vmem_shared>> -> memref<16xi32, #tpu.memory_space<vmem_shared>>
    %dma_start3A_1566 = arith.constant 176 : i32
    %dma_start3A_1567 = tpu.memref_slice %arg6[%dma_start3A_1566] : memref<256xi32, #tpu.memory_space<vmem>> -> memref<16xi32, #tpu.memory_space<vmem>>
    tpu.enqueue_dma source(%dma_start3A_1567 : memref<16xi32, #tpu.memory_space<vmem>>) target(%dma_start3A_1565 : memref<16xi32, #tpu.memory_space<vmem_shared>>) target_semaphore(%dma_start3A_1564 : memref<!tpu.dma_semaphore, #tpu.memory_space<semaphore_mem>>)
    %mul3A_1568 = arith.constant 16 : i32
    %mul3A_1569 = arith.muli %arg1, %mul3A_1568 : i32
    %add3A_1570 = arith.constant 15360 : i32
    %add3A_1571 = arith.addi %add3A_1570, %mul3A_1569 : i32
    %dma_start3A_1572 = arith.constant 12 : i32
    %dma_start3A_1573 = arith.constant 192 : i32
    %dma_start3A_1574 = tpu.memref_slice %arg6[%dma_start3A_1573] : memref<256xi32, #tpu.memory_space<vmem>> -> memref<16xi32, #tpu.memory_space<vmem>>
    %dma_start3A_1575 = tpu.memref_slice %arg11[%add3A_1571] : memref<17408xi32, #tpu.memory_space<vmem_shared>> -> memref<16xi32, #tpu.memory_space<vmem_shared>>
    %dma_start3A_1576 = tpu.memref_slice %arg10[%dma_start3A_1572] : memref<16x!tpu.dma_semaphore, #tpu.memory_space<semaphore_mem>> -> memref<1x!tpu.dma_semaphore, #tpu.memory_space<semaphore_mem>>
    %dma_start3A_1577 = tpu.memref_squeeze %dma_start3A_1576 : memref<1x!tpu.dma_semaphore, #tpu.memory_space<semaphore_mem>> -> memref<!tpu.dma_semaphore, #tpu.memory_space<semaphore_mem>>
    %dma_start3A_1578 = tpu.memref_slice %arg11[%add3A_1571] : memref<17408xi32, #tpu.memory_space<vmem_shared>> -> memref<16xi32, #tpu.memory_space<vmem_shared>>
    %dma_start3A_1579 = arith.constant 192 : i32
    %dma_start3A_1580 = tpu.memref_slice %arg6[%dma_start3A_1579] : memref<256xi32, #tpu.memory_space<vmem>> -> memref<16xi32, #tpu.memory_space<vmem>>
    tpu.enqueue_dma source(%dma_start3A_1580 : memref<16xi32, #tpu.memory_space<vmem>>) target(%dma_start3A_1578 : memref<16xi32, #tpu.memory_space<vmem_shared>>) target_semaphore(%dma_start3A_1577 : memref<!tpu.dma_semaphore, #tpu.memory_space<semaphore_mem>>)
    %mul3A_1581 = arith.constant 16 : i32
    %mul3A_1582 = arith.muli %arg1, %mul3A_1581 : i32
    %add3A_1583 = arith.constant 15616 : i32
    %add3A_1584 = arith.addi %add3A_1583, %mul3A_1582 : i32
    %dma_start3A_1585 = arith.constant 13 : i32
    %dma_start3A_1586 = arith.constant 208 : i32
    %dma_start3A_1587 = tpu.memref_slice %arg6[%dma_start3A_1586] : memref<256xi32, #tpu.memory_space<vmem>> -> memref<16xi32, #tpu.memory_space<vmem>>
    %dma_start3A_1588 = tpu.memref_slice %arg11[%add3A_1584] : memref<17408xi32, #tpu.memory_space<vmem_shared>> -> memref<16xi32, #tpu.memory_space<vmem_shared>>
    %dma_start3A_1589 = tpu.memref_slice %arg10[%dma_start3A_1585] : memref<16x!tpu.dma_semaphore, #tpu.memory_space<semaphore_mem>> -> memref<1x!tpu.dma_semaphore, #tpu.memory_space<semaphore_mem>>
    %dma_start3A_1590 = tpu.memref_squeeze %dma_start3A_1589 : memref<1x!tpu.dma_semaphore, #tpu.memory_space<semaphore_mem>> -> memref<!tpu.dma_semaphore, #tpu.memory_space<semaphore_mem>>
    %dma_start3A_1591 = tpu.memref_slice %arg11[%add3A_1584] : memref<17408xi32, #tpu.memory_space<vmem_shared>> -> memref<16xi32, #tpu.memory_space<vmem_shared>>
    %dma_start3A_1592 = arith.constant 208 : i32
    %dma_start3A_1593 = tpu.memref_slice %arg6[%dma_start3A_1592] : memref<256xi32, #tpu.memory_space<vmem>> -> memref<16xi32, #tpu.memory_space<vmem>>
    tpu.enqueue_dma source(%dma_start3A_1593 : memref<16xi32, #tpu.memory_space<vmem>>) target(%dma_start3A_1591 : memref<16xi32, #tpu.memory_space<vmem_shared>>) target_semaphore(%dma_start3A_1590 : memref<!tpu.dma_semaphore, #tpu.memory_space<semaphore_mem>>)
    %mul3A_1594 = arith.constant 16 : i32
    %mul3A_1595 = arith.muli %arg1, %mul3A_1594 : i32
    %add3A_1596 = arith.constant 15872 : i32
    %add3A_1597 = arith.addi %add3A_1596, %mul3A_1595 : i32
    %dma_start3A_1598 = arith.constant 14 : i32
    %dma_start3A_1599 = arith.constant 224 : i32
    %dma_start3A_1600 = tpu.memref_slice %arg6[%dma_start3A_1599] : memref<256xi32, #tpu.memory_space<vmem>> -> memref<16xi32, #tpu.memory_space<vmem>>
    %dma_start3A_1601 = tpu.memref_slice %arg11[%add3A_1597] : memref<17408xi32, #tpu.memory_space<vmem_shared>> -> memref<16xi32, #tpu.memory_space<vmem_shared>>
    %dma_start3A_1602 = tpu.memref_slice %arg10[%dma_start3A_1598] : memref<16x!tpu.dma_semaphore, #tpu.memory_space<semaphore_mem>> -> memref<1x!tpu.dma_semaphore, #tpu.memory_space<semaphore_mem>>
    %dma_start3A_1603 = tpu.memref_squeeze %dma_start3A_1602 : memref<1x!tpu.dma_semaphore, #tpu.memory_space<semaphore_mem>> -> memref<!tpu.dma_semaphore, #tpu.memory_space<semaphore_mem>>
    %dma_start3A_1604 = tpu.memref_slice %arg11[%add3A_1597] : memref<17408xi32, #tpu.memory_space<vmem_shared>> -> memref<16xi32, #tpu.memory_space<vmem_shared>>
    %dma_start3A_1605 = arith.constant 224 : i32
    %dma_start3A_1606 = tpu.memref_slice %arg6[%dma_start3A_1605] : memref<256xi32, #tpu.memory_space<vmem>> -> memref<16xi32, #tpu.memory_space<vmem>>
    tpu.enqueue_dma source(%dma_start3A_1606 : memref<16xi32, #tpu.memory_space<vmem>>) target(%dma_start3A_1604 : memref<16xi32, #tpu.memory_space<vmem_shared>>) target_semaphore(%dma_start3A_1603 : memref<!tpu.dma_semaphore, #tpu.memory_space<semaphore_mem>>)
    %mul3A_1607 = arith.constant 16 : i32
    %mul3A_1608 = arith.muli %arg1, %mul3A_1607 : i32
    %add3A_1609 = arith.constant 16128 : i32
    %add3A_1610 = arith.addi %add3A_1609, %mul3A_1608 : i32
    %dma_start3A_1611 = arith.constant 15 : i32
    %dma_start3A_1612 = arith.constant 240 : i32
    %dma_start3A_1613 = tpu.memref_slice %arg6[%dma_start3A_1612] : memref<256xi32, #tpu.memory_space<vmem>> -> memref<16xi32, #tpu.memory_space<vmem>>
    %dma_start3A_1614 = tpu.memref_slice %arg11[%add3A_1610] : memref<17408xi32, #tpu.memory_space<vmem_shared>> -> memref<16xi32, #tpu.memory_space<vmem_shared>>
    %dma_start3A_1615 = tpu.memref_slice %arg10[%dma_start3A_1611] : memref<16x!tpu.dma_semaphore, #tpu.memory_space<semaphore_mem>> -> memref<1x!tpu.dma_semaphore, #tpu.memory_space<semaphore_mem>>
    %dma_start3A_1616 = tpu.memref_squeeze %dma_start3A_1615 : memref<1x!tpu.dma_semaphore, #tpu.memory_space<semaphore_mem>> -> memref<!tpu.dma_semaphore, #tpu.memory_space<semaphore_mem>>
    %dma_start3A_1617 = tpu.memref_slice %arg11[%add3A_1610] : memref<17408xi32, #tpu.memory_space<vmem_shared>> -> memref<16xi32, #tpu.memory_space<vmem_shared>>
    %dma_start3A_1618 = arith.constant 240 : i32
    %dma_start3A_1619 = tpu.memref_slice %arg6[%dma_start3A_1618] : memref<256xi32, #tpu.memory_space<vmem>> -> memref<16xi32, #tpu.memory_space<vmem>>
    tpu.enqueue_dma source(%dma_start3A_1619 : memref<16xi32, #tpu.memory_space<vmem>>) target(%dma_start3A_1617 : memref<16xi32, #tpu.memory_space<vmem_shared>>) target_semaphore(%dma_start3A_1616 : memref<!tpu.dma_semaphore, #tpu.memory_space<semaphore_mem>>)
    %dma_wait3A_1620 = arith.constant 0 : i32
    %dma_wait3A_1621 = arith.constant 0 : i32
    %dma_wait3A_1622 = tpu.memref_slice %arg6[%dma_wait3A_1621] : memref<256xi32, #tpu.memory_space<vmem>> -> memref<16xi32, #tpu.memory_space<vmem>>
    %dma_wait3A_1623 = tpu.memref_slice %arg11[%add3A_1415] : memref<17408xi32, #tpu.memory_space<vmem_shared>> -> memref<16xi32, #tpu.memory_space<vmem_shared>>
    %dma_wait3A_1624 = tpu.memref_slice %arg10[%dma_wait3A_1620] : memref<16x!tpu.dma_semaphore, #tpu.memory_space<semaphore_mem>> -> memref<1x!tpu.dma_semaphore, #tpu.memory_space<semaphore_mem>>
    %dma_wait3A_1625 = tpu.memref_squeeze %dma_wait3A_1624 : memref<1x!tpu.dma_semaphore, #tpu.memory_space<semaphore_mem>> -> memref<!tpu.dma_semaphore, #tpu.memory_space<semaphore_mem>>
    %dma_wait3A_1626 = tpu.memref_slice %arg11[%add3A_1415] : memref<17408xi32, #tpu.memory_space<vmem_shared>> -> memref<16xi32, #tpu.memory_space<vmem_shared>>
    %dma_wait3A_1627 = arith.constant 0 : i32
    %dma_wait3A_1628 = tpu.memref_slice %arg6[%dma_wait3A_1627] : memref<256xi32, #tpu.memory_space<vmem>> -> memref<16xi32, #tpu.memory_space<vmem>>
    tpu.wait_dma2 semaphore(%dma_wait3A_1625 : memref<!tpu.dma_semaphore, #tpu.memory_space<semaphore_mem>>) src(%dma_wait3A_1628 : memref<16xi32, #tpu.memory_space<vmem>>) dst(%dma_wait3A_1626 : memref<16xi32, #tpu.memory_space<vmem_shared>>)
    %dma_wait3A_1629 = arith.constant 1 : i32
    %dma_wait3A_1630 = arith.constant 16 : i32
    %dma_wait3A_1631 = tpu.memref_slice %arg6[%dma_wait3A_1630] : memref<256xi32, #tpu.memory_space<vmem>> -> memref<16xi32, #tpu.memory_space<vmem>>
    %dma_wait3A_1632 = tpu.memref_slice %arg11[%add3A_1428] : memref<17408xi32, #tpu.memory_space<vmem_shared>> -> memref<16xi32, #tpu.memory_space<vmem_shared>>
    %dma_wait3A_1633 = tpu.memref_slice %arg10[%dma_wait3A_1629] : memref<16x!tpu.dma_semaphore, #tpu.memory_space<semaphore_mem>> -> memref<1x!tpu.dma_semaphore, #tpu.memory_space<semaphore_mem>>
    %dma_wait3A_1634 = tpu.memref_squeeze %dma_wait3A_1633 : memref<1x!tpu.dma_semaphore, #tpu.memory_space<semaphore_mem>> -> memref<!tpu.dma_semaphore, #tpu.memory_space<semaphore_mem>>
    %dma_wait3A_1635 = tpu.memref_slice %arg11[%add3A_1428] : memref<17408xi32, #tpu.memory_space<vmem_shared>> -> memref<16xi32, #tpu.memory_space<vmem_shared>>
    %dma_wait3A_1636 = arith.constant 16 : i32
    %dma_wait3A_1637 = tpu.memref_slice %arg6[%dma_wait3A_1636] : memref<256xi32, #tpu.memory_space<vmem>> -> memref<16xi32, #tpu.memory_space<vmem>>
    tpu.wait_dma2 semaphore(%dma_wait3A_1634 : memref<!tpu.dma_semaphore, #tpu.memory_space<semaphore_mem>>) src(%dma_wait3A_1637 : memref<16xi32, #tpu.memory_space<vmem>>) dst(%dma_wait3A_1635 : memref<16xi32, #tpu.memory_space<vmem_shared>>)
    %dma_wait3A_1638 = arith.constant 2 : i32
    %dma_wait3A_1639 = arith.constant 32 : i32
    %dma_wait3A_1640 = tpu.memref_slice %arg6[%dma_wait3A_1639] : memref<256xi32, #tpu.memory_space<vmem>> -> memref<16xi32, #tpu.memory_space<vmem>>
    %dma_wait3A_1641 = tpu.memref_slice %arg11[%add3A_1441] : memref<17408xi32, #tpu.memory_space<vmem_shared>> -> memref<16xi32, #tpu.memory_space<vmem_shared>>
    %dma_wait3A_1642 = tpu.memref_slice %arg10[%dma_wait3A_1638] : memref<16x!tpu.dma_semaphore, #tpu.memory_space<semaphore_mem>> -> memref<1x!tpu.dma_semaphore, #tpu.memory_space<semaphore_mem>>
    %dma_wait3A_1643 = tpu.memref_squeeze %dma_wait3A_1642 : memref<1x!tpu.dma_semaphore, #tpu.memory_space<semaphore_mem>> -> memref<!tpu.dma_semaphore, #tpu.memory_space<semaphore_mem>>
    %dma_wait3A_1644 = tpu.memref_slice %arg11[%add3A_1441] : memref<17408xi32, #tpu.memory_space<vmem_shared>> -> memref<16xi32, #tpu.memory_space<vmem_shared>>
    %dma_wait3A_1645 = arith.constant 32 : i32
    %dma_wait3A_1646 = tpu.memref_slice %arg6[%dma_wait3A_1645] : memref<256xi32, #tpu.memory_space<vmem>> -> memref<16xi32, #tpu.memory_space<vmem>>
    tpu.wait_dma2 semaphore(%dma_wait3A_1643 : memref<!tpu.dma_semaphore, #tpu.memory_space<semaphore_mem>>) src(%dma_wait3A_1646 : memref<16xi32, #tpu.memory_space<vmem>>) dst(%dma_wait3A_1644 : memref<16xi32, #tpu.memory_space<vmem_shared>>)
    %dma_wait3A_1647 = arith.constant 3 : i32
    %dma_wait3A_1648 = arith.constant 48 : i32
    %dma_wait3A_1649 = tpu.memref_slice %arg6[%dma_wait3A_1648] : memref<256xi32, #tpu.memory_space<vmem>> -> memref<16xi32, #tpu.memory_space<vmem>>
    %dma_wait3A_1650 = tpu.memref_slice %arg11[%add3A_1454] : memref<17408xi32, #tpu.memory_space<vmem_shared>> -> memref<16xi32, #tpu.memory_space<vmem_shared>>
    %dma_wait3A_1651 = tpu.memref_slice %arg10[%dma_wait3A_1647] : memref<16x!tpu.dma_semaphore, #tpu.memory_space<semaphore_mem>> -> memref<1x!tpu.dma_semaphore, #tpu.memory_space<semaphore_mem>>
    %dma_wait3A_1652 = tpu.memref_squeeze %dma_wait3A_1651 : memref<1x!tpu.dma_semaphore, #tpu.memory_space<semaphore_mem>> -> memref<!tpu.dma_semaphore, #tpu.memory_space<semaphore_mem>>
    %dma_wait3A_1653 = tpu.memref_slice %arg11[%add3A_1454] : memref<17408xi32, #tpu.memory_space<vmem_shared>> -> memref<16xi32, #tpu.memory_space<vmem_shared>>
    %dma_wait3A_1654 = arith.constant 48 : i32
    %dma_wait3A_1655 = tpu.memref_slice %arg6[%dma_wait3A_1654] : memref<256xi32, #tpu.memory_space<vmem>> -> memref<16xi32, #tpu.memory_space<vmem>>
    tpu.wait_dma2 semaphore(%dma_wait3A_1652 : memref<!tpu.dma_semaphore, #tpu.memory_space<semaphore_mem>>) src(%dma_wait3A_1655 : memref<16xi32, #tpu.memory_space<vmem>>) dst(%dma_wait3A_1653 : memref<16xi32, #tpu.memory_space<vmem_shared>>)
    %dma_wait3A_1656 = arith.constant 4 : i32
    %dma_wait3A_1657 = arith.constant 64 : i32
    %dma_wait3A_1658 = tpu.memref_slice %arg6[%dma_wait3A_1657] : memref<256xi32, #tpu.memory_space<vmem>> -> memref<16xi32, #tpu.memory_space<vmem>>
    %dma_wait3A_1659 = tpu.memref_slice %arg11[%add3A_1467] : memref<17408xi32, #tpu.memory_space<vmem_shared>> -> memref<16xi32, #tpu.memory_space<vmem_shared>>
    %dma_wait3A_1660 = tpu.memref_slice %arg10[%dma_wait3A_1656] : memref<16x!tpu.dma_semaphore, #tpu.memory_space<semaphore_mem>> -> memref<1x!tpu.dma_semaphore, #tpu.memory_space<semaphore_mem>>
    %dma_wait3A_1661 = tpu.memref_squeeze %dma_wait3A_1660 : memref<1x!tpu.dma_semaphore, #tpu.memory_space<semaphore_mem>> -> memref<!tpu.dma_semaphore, #tpu.memory_space<semaphore_mem>>
    %dma_wait3A_1662 = tpu.memref_slice %arg11[%add3A_1467] : memref<17408xi32, #tpu.memory_space<vmem_shared>> -> memref<16xi32, #tpu.memory_space<vmem_shared>>
    %dma_wait3A_1663 = arith.constant 64 : i32
    %dma_wait3A_1664 = tpu.memref_slice %arg6[%dma_wait3A_1663] : memref<256xi32, #tpu.memory_space<vmem>> -> memref<16xi32, #tpu.memory_space<vmem>>
    tpu.wait_dma2 semaphore(%dma_wait3A_1661 : memref<!tpu.dma_semaphore, #tpu.memory_space<semaphore_mem>>) src(%dma_wait3A_1664 : memref<16xi32, #tpu.memory_space<vmem>>) dst(%dma_wait3A_1662 : memref<16xi32, #tpu.memory_space<vmem_shared>>)
    %dma_wait3A_1665 = arith.constant 5 : i32
    %dma_wait3A_1666 = arith.constant 80 : i32
    %dma_wait3A_1667 = tpu.memref_slice %arg6[%dma_wait3A_1666] : memref<256xi32, #tpu.memory_space<vmem>> -> memref<16xi32, #tpu.memory_space<vmem>>
    %dma_wait3A_1668 = tpu.memref_slice %arg11[%add3A_1480] : memref<17408xi32, #tpu.memory_space<vmem_shared>> -> memref<16xi32, #tpu.memory_space<vmem_shared>>
    %dma_wait3A_1669 = tpu.memref_slice %arg10[%dma_wait3A_1665] : memref<16x!tpu.dma_semaphore, #tpu.memory_space<semaphore_mem>> -> memref<1x!tpu.dma_semaphore, #tpu.memory_space<semaphore_mem>>
    %dma_wait3A_1670 = tpu.memref_squeeze %dma_wait3A_1669 : memref<1x!tpu.dma_semaphore, #tpu.memory_space<semaphore_mem>> -> memref<!tpu.dma_semaphore, #tpu.memory_space<semaphore_mem>>
    %dma_wait3A_1671 = tpu.memref_slice %arg11[%add3A_1480] : memref<17408xi32, #tpu.memory_space<vmem_shared>> -> memref<16xi32, #tpu.memory_space<vmem_shared>>
    %dma_wait3A_1672 = arith.constant 80 : i32
    %dma_wait3A_1673 = tpu.memref_slice %arg6[%dma_wait3A_1672] : memref<256xi32, #tpu.memory_space<vmem>> -> memref<16xi32, #tpu.memory_space<vmem>>
    tpu.wait_dma2 semaphore(%dma_wait3A_1670 : memref<!tpu.dma_semaphore, #tpu.memory_space<semaphore_mem>>) src(%dma_wait3A_1673 : memref<16xi32, #tpu.memory_space<vmem>>) dst(%dma_wait3A_1671 : memref<16xi32, #tpu.memory_space<vmem_shared>>)
    %dma_wait3A_1674 = arith.constant 6 : i32
    %dma_wait3A_1675 = arith.constant 96 : i32
    %dma_wait3A_1676 = tpu.memref_slice %arg6[%dma_wait3A_1675] : memref<256xi32, #tpu.memory_space<vmem>> -> memref<16xi32, #tpu.memory_space<vmem>>
    %dma_wait3A_1677 = tpu.memref_slice %arg11[%add3A_1493] : memref<17408xi32, #tpu.memory_space<vmem_shared>> -> memref<16xi32, #tpu.memory_space<vmem_shared>>
    %dma_wait3A_1678 = tpu.memref_slice %arg10[%dma_wait3A_1674] : memref<16x!tpu.dma_semaphore, #tpu.memory_space<semaphore_mem>> -> memref<1x!tpu.dma_semaphore, #tpu.memory_space<semaphore_mem>>
    %dma_wait3A_1679 = tpu.memref_squeeze %dma_wait3A_1678 : memref<1x!tpu.dma_semaphore, #tpu.memory_space<semaphore_mem>> -> memref<!tpu.dma_semaphore, #tpu.memory_space<semaphore_mem>>
    %dma_wait3A_1680 = tpu.memref_slice %arg11[%add3A_1493] : memref<17408xi32, #tpu.memory_space<vmem_shared>> -> memref<16xi32, #tpu.memory_space<vmem_shared>>
    %dma_wait3A_1681 = arith.constant 96 : i32
    %dma_wait3A_1682 = tpu.memref_slice %arg6[%dma_wait3A_1681] : memref<256xi32, #tpu.memory_space<vmem>> -> memref<16xi32, #tpu.memory_space<vmem>>
    tpu.wait_dma2 semaphore(%dma_wait3A_1679 : memref<!tpu.dma_semaphore, #tpu.memory_space<semaphore_mem>>) src(%dma_wait3A_1682 : memref<16xi32, #tpu.memory_space<vmem>>) dst(%dma_wait3A_1680 : memref<16xi32, #tpu.memory_space<vmem_shared>>)
    %dma_wait3A_1683 = arith.constant 7 : i32
    %dma_wait3A_1684 = arith.constant 112 : i32
    %dma_wait3A_1685 = tpu.memref_slice %arg6[%dma_wait3A_1684] : memref<256xi32, #tpu.memory_space<vmem>> -> memref<16xi32, #tpu.memory_space<vmem>>
    %dma_wait3A_1686 = tpu.memref_slice %arg11[%add3A_1506] : memref<17408xi32, #tpu.memory_space<vmem_shared>> -> memref<16xi32, #tpu.memory_space<vmem_shared>>
    %dma_wait3A_1687 = tpu.memref_slice %arg10[%dma_wait3A_1683] : memref<16x!tpu.dma_semaphore, #tpu.memory_space<semaphore_mem>> -> memref<1x!tpu.dma_semaphore, #tpu.memory_space<semaphore_mem>>
    %dma_wait3A_1688 = tpu.memref_squeeze %dma_wait3A_1687 : memref<1x!tpu.dma_semaphore, #tpu.memory_space<semaphore_mem>> -> memref<!tpu.dma_semaphore, #tpu.memory_space<semaphore_mem>>
    %dma_wait3A_1689 = tpu.memref_slice %arg11[%add3A_1506] : memref<17408xi32, #tpu.memory_space<vmem_shared>> -> memref<16xi32, #tpu.memory_space<vmem_shared>>
    %dma_wait3A_1690 = arith.constant 112 : i32
    %dma_wait3A_1691 = tpu.memref_slice %arg6[%dma_wait3A_1690] : memref<256xi32, #tpu.memory_space<vmem>> -> memref<16xi32, #tpu.memory_space<vmem>>
    tpu.wait_dma2 semaphore(%dma_wait3A_1688 : memref<!tpu.dma_semaphore, #tpu.memory_space<semaphore_mem>>) src(%dma_wait3A_1691 : memref<16xi32, #tpu.memory_space<vmem>>) dst(%dma_wait3A_1689 : memref<16xi32, #tpu.memory_space<vmem_shared>>)
    %dma_wait3A_1692 = arith.constant 8 : i32
    %dma_wait3A_1693 = arith.constant 128 : i32
    %dma_wait3A_1694 = tpu.memref_slice %arg6[%dma_wait3A_1693] : memref<256xi32, #tpu.memory_space<vmem>> -> memref<16xi32, #tpu.memory_space<vmem>>
    %dma_wait3A_1695 = tpu.memref_slice %arg11[%add3A_1519] : memref<17408xi32, #tpu.memory_space<vmem_shared>> -> memref<16xi32, #tpu.memory_space<vmem_shared>>
    %dma_wait3A_1696 = tpu.memref_slice %arg10[%dma_wait3A_1692] : memref<16x!tpu.dma_semaphore, #tpu.memory_space<semaphore_mem>> -> memref<1x!tpu.dma_semaphore, #tpu.memory_space<semaphore_mem>>
    %dma_wait3A_1697 = tpu.memref_squeeze %dma_wait3A_1696 : memref<1x!tpu.dma_semaphore, #tpu.memory_space<semaphore_mem>> -> memref<!tpu.dma_semaphore, #tpu.memory_space<semaphore_mem>>
    %dma_wait3A_1698 = tpu.memref_slice %arg11[%add3A_1519] : memref<17408xi32, #tpu.memory_space<vmem_shared>> -> memref<16xi32, #tpu.memory_space<vmem_shared>>
    %dma_wait3A_1699 = arith.constant 128 : i32
    %dma_wait3A_1700 = tpu.memref_slice %arg6[%dma_wait3A_1699] : memref<256xi32, #tpu.memory_space<vmem>> -> memref<16xi32, #tpu.memory_space<vmem>>
    tpu.wait_dma2 semaphore(%dma_wait3A_1697 : memref<!tpu.dma_semaphore, #tpu.memory_space<semaphore_mem>>) src(%dma_wait3A_1700 : memref<16xi32, #tpu.memory_space<vmem>>) dst(%dma_wait3A_1698 : memref<16xi32, #tpu.memory_space<vmem_shared>>)
    %dma_wait3A_1701 = arith.constant 9 : i32
    %dma_wait3A_1702 = arith.constant 144 : i32
    %dma_wait3A_1703 = tpu.memref_slice %arg6[%dma_wait3A_1702] : memref<256xi32, #tpu.memory_space<vmem>> -> memref<16xi32, #tpu.memory_space<vmem>>
    %dma_wait3A_1704 = tpu.memref_slice %arg11[%add3A_1532] : memref<17408xi32, #tpu.memory_space<vmem_shared>> -> memref<16xi32, #tpu.memory_space<vmem_shared>>
    %dma_wait3A_1705 = tpu.memref_slice %arg10[%dma_wait3A_1701] : memref<16x!tpu.dma_semaphore, #tpu.memory_space<semaphore_mem>> -> memref<1x!tpu.dma_semaphore, #tpu.memory_space<semaphore_mem>>
    %dma_wait3A_1706 = tpu.memref_squeeze %dma_wait3A_1705 : memref<1x!tpu.dma_semaphore, #tpu.memory_space<semaphore_mem>> -> memref<!tpu.dma_semaphore, #tpu.memory_space<semaphore_mem>>
    %dma_wait3A_1707 = tpu.memref_slice %arg11[%add3A_1532] : memref<17408xi32, #tpu.memory_space<vmem_shared>> -> memref<16xi32, #tpu.memory_space<vmem_shared>>
    %dma_wait3A_1708 = arith.constant 144 : i32
    %dma_wait3A_1709 = tpu.memref_slice %arg6[%dma_wait3A_1708] : memref<256xi32, #tpu.memory_space<vmem>> -> memref<16xi32, #tpu.memory_space<vmem>>
    tpu.wait_dma2 semaphore(%dma_wait3A_1706 : memref<!tpu.dma_semaphore, #tpu.memory_space<semaphore_mem>>) src(%dma_wait3A_1709 : memref<16xi32, #tpu.memory_space<vmem>>) dst(%dma_wait3A_1707 : memref<16xi32, #tpu.memory_space<vmem_shared>>)
    %dma_wait3A_1710 = arith.constant 10 : i32
    %dma_wait3A_1711 = arith.constant 160 : i32
    %dma_wait3A_1712 = tpu.memref_slice %arg6[%dma_wait3A_1711] : memref<256xi32, #tpu.memory_space<vmem>> -> memref<16xi32, #tpu.memory_space<vmem>>
    %dma_wait3A_1713 = tpu.memref_slice %arg11[%add3A_1545] : memref<17408xi32, #tpu.memory_space<vmem_shared>> -> memref<16xi32, #tpu.memory_space<vmem_shared>>
    %dma_wait3A_1714 = tpu.memref_slice %arg10[%dma_wait3A_1710] : memref<16x!tpu.dma_semaphore, #tpu.memory_space<semaphore_mem>> -> memref<1x!tpu.dma_semaphore, #tpu.memory_space<semaphore_mem>>
    %dma_wait3A_1715 = tpu.memref_squeeze %dma_wait3A_1714 : memref<1x!tpu.dma_semaphore, #tpu.memory_space<semaphore_mem>> -> memref<!tpu.dma_semaphore, #tpu.memory_space<semaphore_mem>>
    %dma_wait3A_1716 = tpu.memref_slice %arg11[%add3A_1545] : memref<17408xi32, #tpu.memory_space<vmem_shared>> -> memref<16xi32, #tpu.memory_space<vmem_shared>>
    %dma_wait3A_1717 = arith.constant 160 : i32
    %dma_wait3A_1718 = tpu.memref_slice %arg6[%dma_wait3A_1717] : memref<256xi32, #tpu.memory_space<vmem>> -> memref<16xi32, #tpu.memory_space<vmem>>
    tpu.wait_dma2 semaphore(%dma_wait3A_1715 : memref<!tpu.dma_semaphore, #tpu.memory_space<semaphore_mem>>) src(%dma_wait3A_1718 : memref<16xi32, #tpu.memory_space<vmem>>) dst(%dma_wait3A_1716 : memref<16xi32, #tpu.memory_space<vmem_shared>>)
    %dma_wait3A_1719 = arith.constant 11 : i32
    %dma_wait3A_1720 = arith.constant 176 : i32
    %dma_wait3A_1721 = tpu.memref_slice %arg6[%dma_wait3A_1720] : memref<256xi32, #tpu.memory_space<vmem>> -> memref<16xi32, #tpu.memory_space<vmem>>
    %dma_wait3A_1722 = tpu.memref_slice %arg11[%add3A_1558] : memref<17408xi32, #tpu.memory_space<vmem_shared>> -> memref<16xi32, #tpu.memory_space<vmem_shared>>
    %dma_wait3A_1723 = tpu.memref_slice %arg10[%dma_wait3A_1719] : memref<16x!tpu.dma_semaphore, #tpu.memory_space<semaphore_mem>> -> memref<1x!tpu.dma_semaphore, #tpu.memory_space<semaphore_mem>>
    %dma_wait3A_1724 = tpu.memref_squeeze %dma_wait3A_1723 : memref<1x!tpu.dma_semaphore, #tpu.memory_space<semaphore_mem>> -> memref<!tpu.dma_semaphore, #tpu.memory_space<semaphore_mem>>
    %dma_wait3A_1725 = tpu.memref_slice %arg11[%add3A_1558] : memref<17408xi32, #tpu.memory_space<vmem_shared>> -> memref<16xi32, #tpu.memory_space<vmem_shared>>
    %dma_wait3A_1726 = arith.constant 176 : i32
    %dma_wait3A_1727 = tpu.memref_slice %arg6[%dma_wait3A_1726] : memref<256xi32, #tpu.memory_space<vmem>> -> memref<16xi32, #tpu.memory_space<vmem>>
    tpu.wait_dma2 semaphore(%dma_wait3A_1724 : memref<!tpu.dma_semaphore, #tpu.memory_space<semaphore_mem>>) src(%dma_wait3A_1727 : memref<16xi32, #tpu.memory_space<vmem>>) dst(%dma_wait3A_1725 : memref<16xi32, #tpu.memory_space<vmem_shared>>)
    %dma_wait3A_1728 = arith.constant 12 : i32
    %dma_wait3A_1729 = arith.constant 192 : i32
    %dma_wait3A_1730 = tpu.memref_slice %arg6[%dma_wait3A_1729] : memref<256xi32, #tpu.memory_space<vmem>> -> memref<16xi32, #tpu.memory_space<vmem>>
    %dma_wait3A_1731 = tpu.memref_slice %arg11[%add3A_1571] : memref<17408xi32, #tpu.memory_space<vmem_shared>> -> memref<16xi32, #tpu.memory_space<vmem_shared>>
    %dma_wait3A_1732 = tpu.memref_slice %arg10[%dma_wait3A_1728] : memref<16x!tpu.dma_semaphore, #tpu.memory_space<semaphore_mem>> -> memref<1x!tpu.dma_semaphore, #tpu.memory_space<semaphore_mem>>
    %dma_wait3A_1733 = tpu.memref_squeeze %dma_wait3A_1732 : memref<1x!tpu.dma_semaphore, #tpu.memory_space<semaphore_mem>> -> memref<!tpu.dma_semaphore, #tpu.memory_space<semaphore_mem>>
    %dma_wait3A_1734 = tpu.memref_slice %arg11[%add3A_1571] : memref<17408xi32, #tpu.memory_space<vmem_shared>> -> memref<16xi32, #tpu.memory_space<vmem_shared>>
    %dma_wait3A_1735 = arith.constant 192 : i32
    %dma_wait3A_1736 = tpu.memref_slice %arg6[%dma_wait3A_1735] : memref<256xi32, #tpu.memory_space<vmem>> -> memref<16xi32, #tpu.memory_space<vmem>>
    tpu.wait_dma2 semaphore(%dma_wait3A_1733 : memref<!tpu.dma_semaphore, #tpu.memory_space<semaphore_mem>>) src(%dma_wait3A_1736 : memref<16xi32, #tpu.memory_space<vmem>>) dst(%dma_wait3A_1734 : memref<16xi32, #tpu.memory_space<vmem_shared>>)
    %dma_wait3A_1737 = arith.constant 13 : i32
    %dma_wait3A_1738 = arith.constant 208 : i32
    %dma_wait3A_1739 = tpu.memref_slice %arg6[%dma_wait3A_1738] : memref<256xi32, #tpu.memory_space<vmem>> -> memref<16xi32, #tpu.memory_space<vmem>>
    %dma_wait3A_1740 = tpu.memref_slice %arg11[%add3A_1584] : memref<17408xi32, #tpu.memory_space<vmem_shared>> -> memref<16xi32, #tpu.memory_space<vmem_shared>>
    %dma_wait3A_1741 = tpu.memref_slice %arg10[%dma_wait3A_1737] : memref<16x!tpu.dma_semaphore, #tpu.memory_space<semaphore_mem>> -> memref<1x!tpu.dma_semaphore, #tpu.memory_space<semaphore_mem>>
    %dma_wait3A_1742 = tpu.memref_squeeze %dma_wait3A_1741 : memref<1x!tpu.dma_semaphore, #tpu.memory_space<semaphore_mem>> -> memref<!tpu.dma_semaphore, #tpu.memory_space<semaphore_mem>>
    %dma_wait3A_1743 = tpu.memref_slice %arg11[%add3A_1584] : memref<17408xi32, #tpu.memory_space<vmem_shared>> -> memref<16xi32, #tpu.memory_space<vmem_shared>>
    %dma_wait3A_1744 = arith.constant 208 : i32
    %dma_wait3A_1745 = tpu.memref_slice %arg6[%dma_wait3A_1744] : memref<256xi32, #tpu.memory_space<vmem>> -> memref<16xi32, #tpu.memory_space<vmem>>
    tpu.wait_dma2 semaphore(%dma_wait3A_1742 : memref<!tpu.dma_semaphore, #tpu.memory_space<semaphore_mem>>) src(%dma_wait3A_1745 : memref<16xi32, #tpu.memory_space<vmem>>) dst(%dma_wait3A_1743 : memref<16xi32, #tpu.memory_space<vmem_shared>>)
    %dma_wait3A_1746 = arith.constant 14 : i32
    %dma_wait3A_1747 = arith.constant 224 : i32
    %dma_wait3A_1748 = tpu.memref_slice %arg6[%dma_wait3A_1747] : memref<256xi32, #tpu.memory_space<vmem>> -> memref<16xi32, #tpu.memory_space<vmem>>
    %dma_wait3A_1749 = tpu.memref_slice %arg11[%add3A_1597] : memref<17408xi32, #tpu.memory_space<vmem_shared>> -> memref<16xi32, #tpu.memory_space<vmem_shared>>
    %dma_wait3A_1750 = tpu.memref_slice %arg10[%dma_wait3A_1746] : memref<16x!tpu.dma_semaphore, #tpu.memory_space<semaphore_mem>> -> memref<1x!tpu.dma_semaphore, #tpu.memory_space<semaphore_mem>>
    %dma_wait3A_1751 = tpu.memref_squeeze %dma_wait3A_1750 : memref<1x!tpu.dma_semaphore, #tpu.memory_space<semaphore_mem>> -> memref<!tpu.dma_semaphore, #tpu.memory_space<semaphore_mem>>
    %dma_wait3A_1752 = tpu.memref_slice %arg11[%add3A_1597] : memref<17408xi32, #tpu.memory_space<vmem_shared>> -> memref<16xi32, #tpu.memory_space<vmem_shared>>
    %dma_wait3A_1753 = arith.constant 224 : i32
    %dma_wait3A_1754 = tpu.memref_slice %arg6[%dma_wait3A_1753] : memref<256xi32, #tpu.memory_space<vmem>> -> memref<16xi32, #tpu.memory_space<vmem>>
    tpu.wait_dma2 semaphore(%dma_wait3A_1751 : memref<!tpu.dma_semaphore, #tpu.memory_space<semaphore_mem>>) src(%dma_wait3A_1754 : memref<16xi32, #tpu.memory_space<vmem>>) dst(%dma_wait3A_1752 : memref<16xi32, #tpu.memory_space<vmem_shared>>)
    %dma_wait3A_1755 = arith.constant 15 : i32
    %dma_wait3A_1756 = arith.constant 240 : i32
    %dma_wait3A_1757 = tpu.memref_slice %arg6[%dma_wait3A_1756] : memref<256xi32, #tpu.memory_space<vmem>> -> memref<16xi32, #tpu.memory_space<vmem>>
    %dma_wait3A_1758 = tpu.memref_slice %arg11[%add3A_1610] : memref<17408xi32, #tpu.memory_space<vmem_shared>> -> memref<16xi32, #tpu.memory_space<vmem_shared>>
    %dma_wait3A_1759 = tpu.memref_slice %arg10[%dma_wait3A_1755] : memref<16x!tpu.dma_semaphore, #tpu.memory_space<semaphore_mem>> -> memref<1x!tpu.dma_semaphore, #tpu.memory_space<semaphore_mem>>
    %dma_wait3A_1760 = tpu.memref_squeeze %dma_wait3A_1759 : memref<1x!tpu.dma_semaphore, #tpu.memory_space<semaphore_mem>> -> memref<!tpu.dma_semaphore, #tpu.memory_space<semaphore_mem>>
    %dma_wait3A_1761 = tpu.memref_slice %arg11[%add3A_1610] : memref<17408xi32, #tpu.memory_space<vmem_shared>> -> memref<16xi32, #tpu.memory_space<vmem_shared>>
    %dma_wait3A_1762 = arith.constant 240 : i32
    %dma_wait3A_1763 = tpu.memref_slice %arg6[%dma_wait3A_1762] : memref<256xi32, #tpu.memory_space<vmem>> -> memref<16xi32, #tpu.memory_space<vmem>>
    tpu.wait_dma2 semaphore(%dma_wait3A_1760 : memref<!tpu.dma_semaphore, #tpu.memory_space<semaphore_mem>>) src(%dma_wait3A_1763 : memref<16xi32, #tpu.memory_space<vmem>>) dst(%dma_wait3A_1761 : memref<16xi32, #tpu.memory_space<vmem_shared>>)
    %barrier3A_1764 = arith.constant 0 : index
    tpu.barrier barrier_id(%barrier3A_1764)
    %mul3A_1765 = arith.constant 256 : i32
    %mul3A_1766 = arith.muli %arg1, %mul3A_1765 : i32
    %add3A_1767 = arith.constant 12288 : i32
    %add3A_1768 = arith.addi %add3A_1767, %mul3A_1766 : i32
    "tpu.region"() ({
      %run_scoped3A = tpu.sem_alloc : memref<!tpu.dma_semaphore, #tpu.memory_space<semaphore_mem>>
      %dma_start3A_1818 = tpu.memref_slice %arg11[%add3A_1768] : memref<17408xi32, #tpu.memory_space<vmem_shared>> -> memref<256xi32, #tpu.memory_space<vmem_shared>>
      %dma_start3A_1819 = tpu.memref_slice %arg11[%add3A_1768] : memref<17408xi32, #tpu.memory_space<vmem_shared>> -> memref<256xi32, #tpu.memory_space<vmem_shared>>
      tpu.enqueue_dma source(%dma_start3A_1819 : memref<256xi32, #tpu.memory_space<vmem_shared>>) target(%arg6 : memref<256xi32, #tpu.memory_space<vmem>>) target_semaphore(%run_scoped3A : memref<!tpu.dma_semaphore, #tpu.memory_space<semaphore_mem>>)
      %dma_wait3A_1820 = tpu.memref_slice %arg11[%add3A_1768] : memref<17408xi32, #tpu.memory_space<vmem_shared>> -> memref<256xi32, #tpu.memory_space<vmem_shared>>
      %dma_wait3A_1821 = tpu.memref_slice %arg11[%add3A_1768] : memref<17408xi32, #tpu.memory_space<vmem_shared>> -> memref<256xi32, #tpu.memory_space<vmem_shared>>
      tpu.wait_dma2 semaphore(%run_scoped3A : memref<!tpu.dma_semaphore, #tpu.memory_space<semaphore_mem>>) src(%dma_wait3A_1821 : memref<256xi32, #tpu.memory_space<vmem_shared>>) dst(%arg6 : memref<256xi32, #tpu.memory_space<vmem>>)
      tpu.yield
    }) : () -> ()
    %scan3A_1769 = arith.constant 0 : i32
    %scan3A_1770 = arith.constant 16 : i32
    %scan3A_1771 = arith.addi %scan3A_1769, %scan3A_1770 : i32
    %scan3A_1772 = arith.constant 1 : i32
    %scan3A_1773 = scf.for %scan3A_1818 = %scan3A_1769 to %scan3A_1771 step %scan3A_1772 iter_args(%scan3A_1819 = %broadcast_in_dim3A_2) -> (vector<16xi32>)  : i32 {
      %mul3A_1820 = arith.constant 16 : i32
      %mul3A_1821 = arith.muli %scan3A_1818, %mul3A_1820 : i32
      %get3A = arith.index_cast %mul3A_1821 : i32 to index
      %get3A_1822 = tpu.vector_load %arg6[%get3A] {strides = array<i32>} : memref<256xi32, #tpu.memory_space<vmem>>, vector<16xi32>,
      %add3A_1823 = arith.addi %scan3A_1819, %get3A_1822 : vector<16xi32>
      scf.yield %add3A_1823 : vector<16xi32>
    }
    %scan3A_1774 = arith.constant 16 : i32
    %swap3A_1775 = arith.constant 0 : index
    %swap3A_1776 = tpu.vector_load %arg7[%swap3A_1775] {strides = array<i32>} : memref<16xi32, #tpu.memory_space<vmem>>, vector<16xi32>,
    tpu.vector_store %arg7[%swap3A_1775], %scan3A_1773 {strides = array<i32>} : memref<16xi32, #tpu.memory_space<vmem>>, vector<16xi32>,
    %mul3A_1777 = arith.constant 16 : i32
    %mul3A_1778 = arith.muli %arg1, %mul3A_1777 : i32
    %add3A_1779 = arith.constant 17152 : i32
    %add3A_1780 = arith.addi %add3A_1779, %mul3A_1778 : i32
    "tpu.region"() ({
      %run_scoped3A = tpu.sem_alloc : memref<!tpu.dma_semaphore, #tpu.memory_space<semaphore_mem>>
      %dma_start3A_1818 = tpu.memref_slice %arg11[%add3A_1780] : memref<17408xi32, #tpu.memory_space<vmem_shared>> -> memref<16xi32, #tpu.memory_space<vmem_shared>>
      %dma_start3A_1819 = tpu.memref_slice %arg11[%add3A_1780] : memref<17408xi32, #tpu.memory_space<vmem_shared>> -> memref<16xi32, #tpu.memory_space<vmem_shared>>
      tpu.enqueue_dma source(%arg7 : memref<16xi32, #tpu.memory_space<vmem>>) target(%dma_start3A_1819 : memref<16xi32, #tpu.memory_space<vmem_shared>>) target_semaphore(%run_scoped3A : memref<!tpu.dma_semaphore, #tpu.memory_space<semaphore_mem>>)
      %dma_wait3A_1820 = tpu.memref_slice %arg11[%add3A_1780] : memref<17408xi32, #tpu.memory_space<vmem_shared>> -> memref<16xi32, #tpu.memory_space<vmem_shared>>
      %dma_wait3A_1821 = tpu.memref_slice %arg11[%add3A_1780] : memref<17408xi32, #tpu.memory_space<vmem_shared>> -> memref<16xi32, #tpu.memory_space<vmem_shared>>
      tpu.wait_dma2 semaphore(%run_scoped3A : memref<!tpu.dma_semaphore, #tpu.memory_space<semaphore_mem>>) src(%arg7 : memref<16xi32, #tpu.memory_space<vmem>>) dst(%dma_wait3A_1821 : memref<16xi32, #tpu.memory_space<vmem_shared>>)
      tpu.yield
    }) : () -> ()
    %barrier3A_1781 = arith.constant 0 : index
    tpu.barrier barrier_id(%barrier3A_1781)
    "tpu.region"() ({
      %run_scoped3A = tpu.sem_alloc : memref<!tpu.dma_semaphore, #tpu.memory_space<semaphore_mem>>
      %dma_start3A_1818 = arith.constant 17152 : i32
      %dma_start3A_1819 = tpu.memref_slice %arg11[%dma_start3A_1818] : memref<17408xi32, #tpu.memory_space<vmem_shared>> -> memref<256xi32, #tpu.memory_space<vmem_shared>>
      %dma_start3A_1820 = arith.constant 17152 : i32
      %dma_start3A_1821 = tpu.memref_slice %arg11[%dma_start3A_1820] : memref<17408xi32, #tpu.memory_space<vmem_shared>> -> memref<256xi32, #tpu.memory_space<vmem_shared>>
      tpu.enqueue_dma source(%dma_start3A_1821 : memref<256xi32, #tpu.memory_space<vmem_shared>>) target(%arg6 : memref<256xi32, #tpu.memory_space<vmem>>) target_semaphore(%run_scoped3A : memref<!tpu.dma_semaphore, #tpu.memory_space<semaphore_mem>>)
      %dma_wait3A_1822 = arith.constant 17152 : i32
      %dma_wait3A_1823 = tpu.memref_slice %arg11[%dma_wait3A_1822] : memref<17408xi32, #tpu.memory_space<vmem_shared>> -> memref<256xi32, #tpu.memory_space<vmem_shared>>
      %dma_wait3A_1824 = arith.constant 17152 : i32
      %dma_wait3A_1825 = tpu.memref_slice %arg11[%dma_wait3A_1824] : memref<17408xi32, #tpu.memory_space<vmem_shared>> -> memref<256xi32, #tpu.memory_space<vmem_shared>>
      tpu.wait_dma2 semaphore(%run_scoped3A : memref<!tpu.dma_semaphore, #tpu.memory_space<semaphore_mem>>) src(%dma_wait3A_1825 : memref<256xi32, #tpu.memory_space<vmem_shared>>) dst(%arg6 : memref<256xi32, #tpu.memory_space<vmem>>)
      tpu.yield
    }) : () -> ()
    %scan3A_1782 = arith.constant 0 : i32
    %scan3A_1783 = arith.constant 0 : i32
    %scan3A_1784 = arith.constant 0 : i32
    %scan3A_1785 = arith.constant 0 : i32
    %scan3A_1786 = arith.constant 16 : i32
    %scan3A_1787 = arith.addi %scan3A_1785, %scan3A_1786 : i32
    %scan3A_1788 = arith.constant 1 : i32
    %scan3A_1789:3 = scf.for %scan3A_1818 = %scan3A_1785 to %scan3A_1787 step %scan3A_1788 iter_args(%scan3A_1819 = %scan3A_1782, %scan3A_1820 = %scan3A_1783, %scan3A_1821 = %scan3A_1784) -> (i32, i32, i32)  : i32 {
      %mul3A_1822 = arith.constant 16 : i32
      %mul3A_1823 = arith.muli %scan3A_1818, %mul3A_1822 : i32
      %get3A = arith.index_cast %mul3A_1823 : i32 to index
      %get3A_1824 = tpu.vector_load %arg6[%get3A] {strides = array<i32>} : memref<256xi32, #tpu.memory_space<vmem>>, vector<16xi32>,
      %broadcast_in_dim3A_1825 = arith.constant true
      %broadcast_in_dim3A_1826 = vector.broadcast %broadcast_in_dim3A_1825 : i1 to vector<16xi1>
      %masked_cumsum3A = tpu.scan <sum>, %get3A_1824 masked %broadcast_in_dim3A_1826 : vector<16xi32>, vector<16xi1> -> vector<16xi32>
      %add3A_1827 = vector.broadcast %scan3A_1819 : i32 to vector<16xi32>
      %add3A_1828 = arith.addi %masked_cumsum3A, %add3A_1827 : vector<16xi32>
      %lt3A = vector.broadcast %sub3A_1384 : i32 to vector<16xi32>
      %lt3A_1829 = arith.cmpi slt, %add3A_1828, %lt3A : vector<16xi32>
      %select_n3A = arith.select %lt3A_1829, %broadcast_in_dim3A_0, %broadcast_in_dim3A_2 : vector<16xi1>, vector<16xi32>
      %reduce_sum3A = arith.constant true
      %reduce_sum3A_1830 = vector.broadcast %reduce_sum3A : i1 to vector<16xi1>
      %reduce_sum3A_1831 = tpu.scan <sum>, %select_n3A masked %reduce_sum3A_1830 : vector<16xi32>, vector<16xi1> -> vector<16xi32>
      %reduce_sum3A_1832 = vector.extract %reduce_sum3A_1831[15] : i32 from vector<16xi32>
      %add3A_1833 = arith.addi %scan3A_1820, %reduce_sum3A_1832 : i32
      %select_n3A_1834 = arith.select %lt3A_1829, %get3A_1824, %broadcast_in_dim3A_2 : vector<16xi1>, vector<16xi32>
      %reduce_sum3A_1835 = arith.constant true
      %reduce_sum3A_1836 = vector.broadcast %reduce_sum3A_1835 : i1 to vector<16xi1>
      %reduce_sum3A_1837 = tpu.scan <sum>, %select_n3A_1834 masked %reduce_sum3A_1836 : vector<16xi32>, vector<16xi1> -> vector<16xi32>
      %reduce_sum3A_1838 = vector.extract %reduce_sum3A_1837[15] : i32 from vector<16xi32>
      %add3A_1839 = arith.addi %scan3A_1821, %reduce_sum3A_1838 : i32
      %reduce_sum3A_1840 = arith.constant true
      %reduce_sum3A_1841 = vector.broadcast %reduce_sum3A_1840 : i1 to vector<16xi1>
      %reduce_sum3A_1842 = tpu.scan <sum>, %get3A_1824 masked %reduce_sum3A_1841 : vector<16xi32>, vector<16xi1> -> vector<16xi32>
      %reduce_sum3A_1843 = vector.extract %reduce_sum3A_1842[15] : i32 from vector<16xi32>
      %add3A_1844 = arith.addi %scan3A_1819, %reduce_sum3A_1843 : i32
      scf.yield %add3A_1844, %add3A_1833, %add3A_1839 : i32, i32, i32
    }
    %scan3A_1790 = arith.constant 16 : i32
    %sub3A_1791 = arith.subi %sub3A_1384, %scan3A_1789#2 : i32
    %mul3A_1792 = arith.constant 256 : i32
    %mul3A_1793 = arith.muli %add3A_1387, %mul3A_1792 : i32
    %add3A_1794 = arith.addi %mul3A_1793, %scan3A_1789#1 : i32
    %add3A_1795 = arith.constant 16 : i32
    %add3A_1796 = arith.addi %parallel_loop3A_1404#0, %add3A_1795 : i32
    %sub3A_1797 = arith.constant 1 : i32
    %sub3A_1798 = arith.subi %add3A_1796, %sub3A_1797 : i32
    %shift_right_arithmetic3A_1799 = arith.constant 4 : i32
    %shift_right_arithmetic3A_1800 = arith.shrsi %sub3A_1798, %shift_right_arithmetic3A_1799 : i32
    %while3A = arith.constant 0 : i32
    %while3A_1801 = arith.subi %shift_right_arithmetic3A_1800, %while3A : i32
    %while3A_1802 = arith.addi %while3A, %while3A_1801 : i32
    %while3A_1803 = arith.constant 1 : i32
    %while3A_1804 = arith.divsi %while3A_1801, %while3A_1803 : i32
    %while3A_1805 = arith.muli %while3A_1804, %while3A_1803 : i32
    %while3A_1806 = arith.addi %while3A, %while3A_1805 : i32
    %while3A_1807 = arith.constant 1 : i32
    %while3A_1808 = scf.for %while3A_1818 = %while3A to %while3A_1806 step %while3A_1807 iter_args(%while3A_1819 = %parallel_loop3A_1404#1) -> (vector<16xf32>)  : i32 {
      %mul3A_1820 = arith.constant 16 : i32
      %mul3A_1821 = arith.muli %while3A_1818, %mul3A_1820 : i32
      %get3A = arith.index_cast %mul3A_1821 : i32 to index
      %get3A_1822 = tpu.vector_load %arg4[%get3A] {strides = array<i32>} : memref<65536xf32, #tpu.memory_space<vmem>>, vector<16xf32>,
      %bitcast_convert_type3A = tpu.bitcast %get3A_1822 : vector<16xf32> -> vector<16xi32>
      %shift_right_arithmetic3A_1823 = arith.constant 31 : i32
      %shift_right_arithmetic3A_1824 = vector.broadcast %shift_right_arithmetic3A_1823 : i32 to vector<16xi32>
      %shift_right_arithmetic3A_1825 = arith.shrsi %bitcast_convert_type3A, %shift_right_arithmetic3A_1824 : vector<16xi32>
      %or3A = arith.constant -2147483648 : i32
      %or3A_1826 = vector.broadcast %or3A : i32 to vector<16xi32>
      %or3A_1827 = arith.ori %shift_right_arithmetic3A_1825, %or3A_1826 : vector<16xi32>
      %xor3A = arith.xori %bitcast_convert_type3A, %or3A_1827 : vector<16xi32>
      %bitcast_convert_type3A_1828 = tpu.bitcast %xor3A : vector<16xi32> -> vector<16xi32>
      %mul3A_1829 = arith.constant 16 : i32
      %mul3A_1830 = arith.muli %while3A_1818, %mul3A_1829 : i32
      %add3A_1831 = vector.broadcast %mul3A_1830 : i32 to vector<16xi32>
      %add3A_1832 = arith.addi %add3A_1831, %iota3A : vector<16xi32>
      %lt3A = vector.broadcast %parallel_loop3A_1404#0 : i32 to vector<16xi32>
      %lt3A_1833 = arith.cmpi slt, %add3A_1832, %lt3A : vector<16xi32>
      %lt3A_1834 = vector.broadcast %add3A_1794 : i32 to vector<16xi32>
      %lt3A_1835 = arith.cmpi ult, %bitcast_convert_type3A_1828, %lt3A_1834 : vector<16xi32>
      %and3A = arith.andi %lt3A_1833, %lt3A_1835 : vector<16xi1>
      %select_n3A = arith.select %and3A, %get3A_1822, %broadcast_in_dim3A_4 : vector<16xi1>, vector<16xf32>
      %add3A_1836 = arith.addf %while3A_1819, %select_n3A : vector<16xf32>
      scf.yield %add3A_1836 : vector<16xf32>
    }
    %while3A_1809 = arith.constant 1 : i32
    %while3A_1810 = scf.for %while3A_1818 = %while3A_1806 to %while3A_1802 step %while3A_1809 iter_args(%while3A_1819 = %while3A_1808) -> (vector<16xf32>)  : i32 {
      %mul3A_1820 = arith.constant 16 : i32
      %mul3A_1821 = arith.muli %while3A_1818, %mul3A_1820 : i32
      %get3A = arith.index_cast %mul3A_1821 : i32 to index
      %get3A_1822 = tpu.vector_load %arg4[%get3A] {strides = array<i32>} : memref<65536xf32, #tpu.memory_space<vmem>>, vector<16xf32>,
      %bitcast_convert_type3A = tpu.bitcast %get3A_1822 : vector<16xf32> -> vector<16xi32>
      %shift_right_arithmetic3A_1823 = arith.constant 31 : i32
      %shift_right_arithmetic3A_1824 = vector.broadcast %shift_right_arithmetic3A_1823 : i32 to vector<16xi32>
      %shift_right_arithmetic3A_1825 = arith.shrsi %bitcast_convert_type3A, %shift_right_arithmetic3A_1824 : vector<16xi32>
      %or3A = arith.constant -2147483648 : i32
      %or3A_1826 = vector.broadcast %or3A : i32 to vector<16xi32>
      %or3A_1827 = arith.ori %shift_right_arithmetic3A_1825, %or3A_1826 : vector<16xi32>
      %xor3A = arith.xori %bitcast_convert_type3A, %or3A_1827 : vector<16xi32>
      %bitcast_convert_type3A_1828 = tpu.bitcast %xor3A : vector<16xi32> -> vector<16xi32>
      %mul3A_1829 = arith.constant 16 : i32
      %mul3A_1830 = arith.muli %while3A_1818, %mul3A_1829 : i32
      %add3A_1831 = vector.broadcast %mul3A_1830 : i32 to vector<16xi32>
      %add3A_1832 = arith.addi %add3A_1831, %iota3A : vector<16xi32>
      %lt3A = vector.broadcast %parallel_loop3A_1404#0 : i32 to vector<16xi32>
      %lt3A_1833 = arith.cmpi slt, %add3A_1832, %lt3A : vector<16xi32>
      %lt3A_1834 = vector.broadcast %add3A_1794 : i32 to vector<16xi32>
      %lt3A_1835 = arith.cmpi ult, %bitcast_convert_type3A_1828, %lt3A_1834 : vector<16xi32>
      %and3A = arith.andi %lt3A_1833, %lt3A_1835 : vector<16xi1>
      %select_n3A = arith.select %and3A, %get3A_1822, %broadcast_in_dim3A_4 : vector<16xi1>, vector<16xf32>
      %add3A_1836 = arith.addf %while3A_1819, %select_n3A : vector<16xf32>
      scf.yield %add3A_1836 : vector<16xf32>
    }
    %swap3A_1811 = arith.constant 0 : index
    %swap3A_1812 = tpu.vector_load %arg8[%swap3A_1811] {strides = array<i32>} : memref<16xf32, #tpu.memory_space<vmem>>, vector<16xf32>,
    tpu.vector_store %arg8[%swap3A_1811], %while3A_1810 {strides = array<i32>} : memref<16xf32, #tpu.memory_space<vmem>>, vector<16xf32>,
    %mul3A_1813 = arith.constant 16 : i32
    %mul3A_1814 = arith.muli %arg1, %mul3A_1813 : i32
    "tpu.region"() ({
      %run_scoped3A = tpu.sem_alloc : memref<!tpu.dma_semaphore, #tpu.memory_space<semaphore_mem>>
      %dma_start3A_1818 = tpu.memref_slice %arg12[%mul3A_1814] : memref<256xf32, #tpu.memory_space<vmem_shared>> -> memref<16xf32, #tpu.memory_space<vmem_shared>>
      %dma_start3A_1819 = tpu.memref_slice %arg12[%mul3A_1814] : memref<256xf32, #tpu.memory_space<vmem_shared>> -> memref<16xf32, #tpu.memory_space<vmem_shared>>
      tpu.enqueue_dma source(%arg8 : memref<16xf32, #tpu.memory_space<vmem>>) target(%dma_start3A_1819 : memref<16xf32, #tpu.memory_space<vmem_shared>>) target_semaphore(%run_scoped3A : memref<!tpu.dma_semaphore, #tpu.memory_space<semaphore_mem>>)
      %dma_wait3A_1820 = tpu.memref_slice %arg12[%mul3A_1814] : memref<256xf32, #tpu.memory_space<vmem_shared>> -> memref<16xf32, #tpu.memory_space<vmem_shared>>
      %dma_wait3A_1821 = tpu.memref_slice %arg12[%mul3A_1814] : memref<256xf32, #tpu.memory_space<vmem_shared>> -> memref<16xf32, #tpu.memory_space<vmem_shared>>
      tpu.wait_dma2 semaphore(%run_scoped3A : memref<!tpu.dma_semaphore, #tpu.memory_space<semaphore_mem>>) src(%arg8 : memref<16xf32, #tpu.memory_space<vmem>>) dst(%dma_wait3A_1821 : memref<16xf32, #tpu.memory_space<vmem_shared>>)
      tpu.yield
    }) : () -> ()
    %barrier3A_1815 = arith.constant 0 : index
    tpu.barrier barrier_id(%barrier3A_1815)
    %eq3A = arith.constant 0 : i32
    %eq3A_1816 = arith.cmpi eq, %arg1, %eq3A : i32
    %convert_element_type3A = arith.extui %eq3A_1816 : i1 to i32
    %cond3A = arith.constant 0 : i32
    %cond3A_1817 = arith.cmpi ne, %convert_element_type3A, %cond3A : i32
    scf.if %cond3A_1817 {
      "tpu.region"() ({
        %run_scoped3A = tpu.sem_alloc : memref<!tpu.dma_semaphore, #tpu.memory_space<semaphore_mem>>
        tpu.enqueue_dma source(%arg12 : memref<256xf32, #tpu.memory_space<vmem_shared>>) target(%arg9 : memref<256xf32, #tpu.memory_space<vmem>>) target_semaphore(%run_scoped3A : memref<!tpu.dma_semaphore, #tpu.memory_space<semaphore_mem>>)
        tpu.wait_dma2 semaphore(%run_scoped3A : memref<!tpu.dma_semaphore, #tpu.memory_space<semaphore_mem>>) src(%arg12 : memref<256xf32, #tpu.memory_space<vmem_shared>>) dst(%arg9 : memref<256xf32, #tpu.memory_space<vmem>>)
        tpu.yield
      }) : () -> ()
      %scan3A_1818 = arith.constant 0 : i32
      %scan3A_1819 = arith.constant 16 : i32
      %scan3A_1820 = arith.addi %scan3A_1818, %scan3A_1819 : i32
      %scan3A_1821 = arith.constant 1 : i32
      %scan3A_1822 = scf.for %scan3A_1844 = %scan3A_1818 to %scan3A_1820 step %scan3A_1821 iter_args(%scan3A_1845 = %broadcast_in_dim3A_4) -> (vector<16xf32>)  : i32 {
        %mul3A_1846 = arith.constant 16 : i32
        %mul3A_1847 = arith.muli %scan3A_1844, %mul3A_1846 : i32
        %get3A = arith.index_cast %mul3A_1847 : i32 to index
        %get3A_1848 = tpu.vector_load %arg9[%get3A] {strides = array<i32>} : memref<256xf32, #tpu.memory_space<vmem>>, vector<16xf32>,
        %add3A_1849 = arith.addf %scan3A_1845, %get3A_1848 : vector<16xf32>
        scf.yield %add3A_1849 : vector<16xf32>
      }
      %scan3A_1823 = arith.constant 16 : i32
      %broadcast_in_dim3A_1824 = vector.broadcast %add3A_1794 : i32 to vector<16xi32>
      %bitcast_convert_type3A = tpu.bitcast %broadcast_in_dim3A_1824 : vector<16xi32> -> vector<16xi32>
      %shift_right_arithmetic3A_1825 = arith.constant 31 : i32
      %shift_right_arithmetic3A_1826 = vector.broadcast %shift_right_arithmetic3A_1825 : i32 to vector<16xi32>
      %shift_right_arithmetic3A_1827 = arith.shrsi %bitcast_convert_type3A, %shift_right_arithmetic3A_1826 : vector<16xi32>
      %and3A = arith.constant -2147483648 : i32
      %and3A_1828 = vector.broadcast %and3A : i32 to vector<16xi32>
      %and3A_1829 = arith.andi %shift_right_arithmetic3A_1827, %and3A_1828 : vector<16xi32>
      %not3A = arith.constant dense<-1> : vector<16xi32>
      %not3A_1830 = arith.xori %shift_right_arithmetic3A_1827, %not3A : vector<16xi32>
      %or3A = arith.ori %and3A_1829, %not3A_1830 : vector<16xi32>
      %xor3A = arith.xori %bitcast_convert_type3A, %or3A : vector<16xi32>
      %bitcast_convert_type3A_1831 = tpu.bitcast %xor3A : vector<16xi32> -> vector<16xf32>
      %reduce_sum3A = arith.constant true
      %reduce_sum3A_1832 = vector.broadcast %reduce_sum3A : i1 to vector<16xi1>
      %reduce_sum3A_1833 = tpu.scan <sum>, %scan3A_1822 masked %reduce_sum3A_1832 : vector<16xf32>, vector<16xi1> -> vector<16xf32>
      %reduce_sum3A_1834 = vector.extract %reduce_sum3A_1833[15] : f32 from vector<16xf32>
      %convert_element_type3A_1835 = arith.sitofp %sub3A_1791 : i32 to f32
      %mul3A_1836 = vector.broadcast %convert_element_type3A_1835 : f32 to vector<16xf32>
      %mul3A_1837 = arith.mulf %mul3A_1836, %bitcast_convert_type3A_1831 : vector<16xf32>
      %add3A_1838 = vector.broadcast %reduce_sum3A_1834 : f32 to vector<16xf32>
      %add3A_1839 = arith.addf %add3A_1838, %mul3A_1837 : vector<16xf32>
      %div3A = arith.constant 5.242800e+04 : f32
      %div3A_1840 = vector.broadcast %div3A : f32 to vector<16xf32>
      %div3A_1841 = arith.divf %add3A_1839, %div3A_1840 : vector<16xf32>
      %swap3A_1842 = arith.constant 0 : index
      %swap3A_1843 = tpu.vector_load %arg8[%swap3A_1842] {strides = array<i32>} : memref<16xf32, #tpu.memory_space<vmem>>, vector<16xf32>,
      tpu.vector_store %arg8[%swap3A_1842], %div3A_1841 {strides = array<i32>} : memref<16xf32, #tpu.memory_space<vmem>>, vector<16xf32>,
      "tpu.region"() ({
        %run_scoped3A = tpu.sem_alloc : memref<!tpu.dma_semaphore, #tpu.memory_space<semaphore_mem>>
        tpu.enqueue_dma source(%arg8 : memref<16xf32, #tpu.memory_space<vmem>>) target(%arg3 : memref<16xf32, #tpu.memory_space<hbm>>) target_semaphore(%run_scoped3A : memref<!tpu.dma_semaphore, #tpu.memory_space<semaphore_mem>>)
        tpu.wait_dma2 semaphore(%run_scoped3A : memref<!tpu.dma_semaphore, #tpu.memory_space<semaphore_mem>>) src(%arg8 : memref<16xf32, #tpu.memory_space<vmem>>) dst(%arg3 : memref<16xf32, #tpu.memory_space<hbm>>)
        tpu.yield
      }) : () -> ()
    } else {
    }
    return
  }
}

</mosaic_0001>

<sc_bundles>
// kernel: wrapper.3.cloned.1.call-start
scs
__scs_entry_jumppad:
0x0: {  	(pc) =	sbr.rel $0x88, $3  }
0x1: {  	(tag) =	ssettag $0x0;
	lr =	simm.s32 $0x1  }
0x2: {  	[smem:$0x3FA0] =	sst lr;
	_ =	strace $0xD0000000  }
0x3: {  	_ = 	snop  }
0x4: {  	_ = 	snop  }
0x5: {  	_ = 	snop  }
0x6: {  	_ = 	snop  }
0x7: {  	_ = 	snop  }
__scs_overlays_trampoline_lowered:
0x8: {  	[smem:$0x3FAF] =	sst s0  }
0x9: {  	[smem:$0x3FB0] =	sst s1  }
0xa: {  	[smem:$0x3FB1] =	sst s2  }
0xb: {  	[smem:$0x3FB2] =	sst s3  }
0xc: {  	[smem:$0x3FB3] =	sst s4  }
0xd: {  	[smem:$0x3FB4] =	sst s5  }
0xe: {  	[smem:$0x3FB5] =	sst s6  }
0xf: {  	[smem:$0x3FB6] =	sst s7  }
0x10: {  	[smem:$0x3FB7] =	sst s8  }
0x11: {  	[smem:$0x3FB8] =	sst s9;
	s0 =	simm.s32 @!p0 $0x0  }
0x12: {  	s1 =	sld [smem:$0x3F9E];
	s0 =	simm.s32 @p0 $0x1  }
0x13: {  	[smem:$0x3FB9] =	sst s0;
	s0 =	simm.s32 @!p1 $0x0  }
0x14: {  	s2 =	sld [smem:$0x3F9D];
	s0 =	simm.s32 @p1 $0x1  }
0x15: {  	[smem:$0x3FBA] =	sst s0;
	s0 =	simm.s32 @!p2 $0x0  }
0x16: {  	s3 =	sld [smem:$0x3FDB];
	s0 =	simm.s32 @p2 $0x1  }
0x17: {  	s4 =	simm.s32 $0x1BF5;
	[smem:$0x3FBC] =	sst s0  }
0x18: {  	s0 =	sld [smem:$0x3F9F];
	_ =	swait.ge [sflag:s4], $0x0  }
0x19: {  	s7 =	sld [smem:$0x3FA0]  }
0x1a: {  	s8 =	sadd.s32 $0xFFFFE003, lr  }
0x1b: {  	s9 =	sadd.s32 $0xFFFFFEF7, lr;
	s5 =	simm.s32 $0xFFFFFFFF;
	p2 =	slt.u32 s8, $0xFFFFF086  }
0x1c: {  	p1 =	slt.u32 s9, $0xF7A;
	s5 =	simm.s32 @!p2 $0x0  }
0x1d: {  	s5 =	simm.s32 @p1 $0x1;
	p0 =	seq.s32 s7, s2  }
0x1e: {  	s7 =	smul.u32 @!p0 $0xF7A, s2;
	p2 =	seq.s32 @!p0 s5, $0x0  }
0x1f: {  	s9 =	smul.u32 $0xF7A, s1;
	s8 =	simm.s32 @!p0 $0x1BF5;
	p2 =	por !p2, p0  }
0x20: {  	[sflag:s8] =	ssyncset.s32 @!p0 $0xFFFFF086;
	s6 =	sadd.s32 @!p0 s3, s7;
	s7 =	simm.s32 @!p0 $0x108  }
0x21: {  	s3 =	sadd.s32 s3, s9;
	s6 =	sadd.s32 @!p0 $0x88, s6;
	s7 =	simm.s32 @p2 $0x1082  }
0x22: {  	[simem:s7], [sflag:s8] =	dma.local @!p0 [hbm:s6], $0xF7A  }
0x23: {  	s9 =	sor.u32 $0xD0000000, s2;
	s6 =	simm.s32 $0x108;
	_ =	swait.ge @!p0 [sflag:s8], $0x0  }
0x24: {  	s3 =	sadd.s32 $0x88, s3;
	s6 =	simm.s32 @!p1 $0x1082;
	[sflag:s4] =	ssyncset.s32 $0xFFFFF086  }
0x25: {  	[simem:s6], [sflag:s4] =	dma.local [hbm:s3], $0xF7A  }
0x26: {  	[smem:$0x3FA0] =	sst s1;
	(tag) =	ssettag s2;
	_ =	strace s9  }
0x27: {  	s1 =	sld [smem:$0x3FB0]  }
0x28: {  	s2 =	sld [smem:$0x3FB1]  }
0x29: {  	s4 =	sld [smem:$0x3FB3]  }
0x2a: {  	p0 =	seq.s32 s5, $0x0;
	s5 =	sld [smem:$0x3FB4]  }
0x2b: {  	s6 =	sld [smem:$0x3FB5]  }
0x2c: {  	s7 =	sld [smem:$0x3FB6]  }
0x2d: {  	s3 =	simm.s32 $0x108;
	s8 =	sld [smem:$0x3FB7]  }
0x2e: {  	s3 =	simm.s32 @!p0 $0x1082;
	s9 =	sld [smem:$0x3FB8]  }
0x2f: {  	lr =	sadd.s32 s0, s3;
	s0 =	sld [smem:$0x3FAF]  }
0x30: {  	s3 =	sld [smem:$0x3FB2]  }
0x31: {  	[smem:$0x3FBB] =	sst s10  }
0x32: {  	s10 =	sld [smem:$0x3FB9];
	_ =	sdelay $0x3  }
0x33: {  	p0 =	seq.s32 s10, $0x1;
	s10 =	sld [smem:$0x3FBB];
	_ =	sdelay $0x3  }
0x34: {  	[smem:$0x3FBB] =	sst s10  }
0x35: {  	s10 =	sld [smem:$0x3FBA];
	_ =	sdelay $0x3  }
0x36: {  	p1 =	seq.s32 s10, $0x1;
	s10 =	sld [smem:$0x3FBB];
	_ =	sdelay $0x3  }
0x37: {  	[smem:$0x3FBB] =	sst s10  }
0x38: {  	s10 =	sld [smem:$0x3FBC]  }
0x39: {  	_ = 	snop;
	(pc) =	sbr.ind lr, $3  }
0x3a: {  	_ = 	snop  }
0x3b: {  	_ = 	snop  }
0x3c: {  	p2 =	seq.s32 s10, $0x1;
	s10 =	sld [smem:$0x3FBB]  }
0x3d: {  	_ =	shalt  }
0x3e: {  	_ =	shalt  }
0x3f: {  	_ =	shalt  }
0x40: {  	_ =	shalt  }
0x41: {  	_ =	shalt  }
0x42: {  	_ =	shalt  }
0x43: {  	_ =	shalt  }
0x44: {  	_ =	shalt  }
0x45: {  	_ =	shalt  }
0x46: {  	_ =	shalt  }
0x47: {  	_ =	shalt  }
0x48: {  	_ =	shalt  }
0x49: {  	_ =	shalt  }
0x4a: {  	_ =	shalt  }
0x4b: {  	_ =	shalt  }
0x4c: {  	_ =	shalt  }
0x4d: {  	_ =	shalt  }
0x4e: {  	_ =	shalt  }
0x4f: {  	_ =	shalt  }
0x50: {  	_ =	shalt  }
0x51: {  	_ =	shalt  }
0x52: {  	_ =	shalt  }
0x53: {  	_ =	shalt  }
0x54: {  	_ =	shalt  }
0x55: {  	_ =	shalt  }
0x56: {  	_ =	shalt  }
0x57: {  	_ =	shalt  }
0x58: {  	_ =	shalt  }
0x59: {  	_ =	shalt  }
0x5a: {  	_ =	shalt  }
0x5b: {  	_ =	shalt  }
0x5c: {  	_ =	shalt  }
0x5d: {  	_ =	shalt  }
0x5e: {  	_ =	shalt  }
0x5f: {  	_ =	shalt  }
0x60: {  	_ =	shalt  }
0x61: {  	_ =	shalt  }
0x62: {  	_ =	shalt  }
0x63: {  	_ =	shalt  }
0x64: {  	_ =	shalt  }
0x65: {  	_ =	shalt  }
0x66: {  	_ =	shalt  }
0x67: {  	_ =	shalt  }
0x68: {  	_ =	shalt  }
0x69: {  	_ =	shalt  }
0x6a: {  	_ =	shalt  }
0x6b: {  	_ =	shalt  }
0x6c: {  	_ =	shalt  }
0x6d: {  	_ =	shalt  }
0x6e: {  	_ =	shalt  }
0x6f: {  	_ =	shalt  }
0x70: {  	_ =	shalt  }
0x71: {  	_ =	shalt  }
0x72: {  	_ =	shalt  }
0x73: {  	_ =	shalt  }
0x74: {  	_ =	shalt  }
0x75: {  	_ =	shalt  }
0x76: {  	_ =	shalt  }
0x77: {  	_ =	shalt  }
0x78: {  	_ =	shalt  }
0x79: {  	_ =	shalt  }
0x7a: {  	_ =	shalt  }
0x7b: {  	_ =	shalt  }
0x7c: {  	_ =	shalt  }
0x7d: {  	_ =	shalt  }
0x7e: {  	_ =	shalt  }
0x7f: {  	_ =	shalt  }
0x80: {  	_ =	shalt  }
0x81: {  	_ =	shalt  }
0x82: {  	_ =	shalt  }
0x83: {  	_ =	shalt  }
0x84: {  	_ =	shalt  }
0x85: {  	_ =	shalt  }
0x86: {  	_ =	shalt  }
0x87: {  	_ =	shalt  }
.Lfunc_end0:
.L_simem_size_0:
called_computation_lowered:
.L_overlay_start_0:
0x88: {  	s0 =	sld [smem:$0x3FD9]  }
0x89: {  	s1 =	sld [smem:$0x3FFE];
	_ =	sdelay $0x3  }
0x8a: {  	s0 =	sadd.s32 s1, s0  }
0x8b: {  	[smem:$0x3FC7] =	sst s0  }
0x8c: {  	_ = 	snop  }
0x8d: {  	s0 =	sld [smem:$0x3FC9]  }
0x8e: {  	s17 =	sld [smem:$0x3FD0];
	(tm) =	ssettm $0x1  }
0x8f: {  	s2 =	sld [smem:$0x3FFB];
	_ =	sdelay $0x3  }
0x90: {  	_ =	strace s2  }
0x91: {  	s2 =	sld [smem:$0x3FFC];
	_ =	sdelay $0x3  }
0x92: {  	_ =	strace s2  }
0x93: {  	s2 =	sld [smem:$0x3FFD];
	_ =	sdelay $0x3  }
0x94: {  	_ =	strace s2  }
0x95: {  	_ =	strace $0x8FFFFFFF  }
0x96: {  	s18 =	sld [smem:$0x3FDB];
	_ =	sdelay $0x1  }
0x97: {  	s3 =	simm.s32 $_scs_section_size  }
0x98: {  	s4 =	simm.s32 $_size__tile_overlayer_lowered;
	s5 =	simm.s32 $_tile_overlayer_lowered  }
0x99: {  	s21 =	simm.s32 $0x1BFF;
	s20 =	sshll.u32 s5, $0x1;
	s2 =	sadd.s32 s3, s18  }
0x9a: {  	s6 =	simm.s32 $0x0;
	s19 =	sshll.u32 s4, $0x1;
	s4 =	sadd.s32 s20, s2  }
0x9b: {  	[timem:s6], [sflag:s21] =	dma.local [hbm:s4], s19  }
0x9c: {  	_ =	swait.ge [sflag:s21], s19  }
0x9d: {  	s3 =	ssub.s32 $0x0, s19;
	[sflag:s21] =	ssyncset.done $0x0  }
0x9e: {  	[sflag:s21] =	ssyncadd.s32 s3;
	_ =	sdelay $0x1  }
0x9f: {  	s22 =	simm.s32 $0x1B8B  }
0xa0: {  	_ =	swait.ge [sflag:s22], $0x1  }
0xa1: {  	[sflag:s22] =	ssyncset.done $0x0  }
0xa2: {  	s23 =	simm.s32 $0x1B8E;
	[sflag:s22] =	ssyncadd.s32 $0xFFFFFFFF  }
0xa3: {  	s24 =	simm.s32 $execute0_lowered;
	[smem:$0x3FD2] =	sst s23  }
0xa4: {  	s3 =	sshll.u32 s24, $0x1;
	_ =	strace $0x80000046;
	[dreg:$0x1] =	wrdreg $0xFFFFFFFF  }
0xa5: {  	s25 =	simm.s32 $_size_execute0_lowered;
	s2 =	sadd.s32 s2, s3;
	[dreg:$0x0] =	wrdreg $0x0  }
0xa6: {  	s3 =	sshll.u32 s25, $0x1;
	[dreg:$0x2] =	wrdreg s2  }
0xa7: {  	[dreg:$0x3] =	wrdreg s3  }
0xa8: {  	[dreg:$0x4] =	wrdreg $0xC0  }
0xa9: {  	_ =	task [dreg:s6], $0x5FFFF  }
0xaa: {  	[dreg:$0x1] =	wrdreg $0xFFFFFFFF  }
0xab: {  	[dreg:$0x0] =	wrdreg $0x60  }
0xac: {  	[dreg:$0x2] =	wrdreg s0  }
0xad: {  	[dreg:$0x3] =	wrdreg s17  }
0xae: {  	[dreg:$0x4] =	wrdreg $0x113000  }
0xaf: {  	[dreg:$0x5] =	wrdreg $0x117400  }
0xb0: {  	[dreg:$0x6] =	wrdreg $0x9  }
0xb1: {  	_ =	task.clear_ibuf [dreg:s6], $0x7FFFF;
	_ =	strace $0x90000046  }
0xb2: {  	s26 =	simm.s32 $0x9;
	_ =	strace $0x80000048  }
0xb3: {  	_ =	swait.ge [sflag:s26], $0x1  }
0xb4: {  	[sflag:s26] =	ssyncadd.s32 $0xFFFFFFFF  }
0xb5: {  	_ =	strace $0x90000048  }
0xb6: {  	_ =	sfence  }
0xb7: {  	s28 =	sld [smem:$0x0];
	_ =	sdelay $0x1  }
0xb8: {  	s29 =	srdreg.scid  }
0xb9: {  	s30 =	sshll.u32 s29, $0xD;
	s31 =	sshrl.u32 s29, $0x2  }
0xba: {  	s1 =	sand.u32 $0x1, s29;
	s2 =	sand.u32 $0x4000, s30;
	s0 =	sadd.s32 s31, s28  }
0xbb: {  	s1 =	sor.u32 s2, s1;
	s0 =	sshll.u32 s0, $0x11  }
0xbc: {  	s0 =	sor.u32 s0, s1  }
0xbd: {  	s0 =	sadd.s32 $0x8F2B, s0  }
0xbe: {  	[sflag:s0] =	ssyncadd.remote.s32 $0x1  }
0xbf: {  	_ =	sfence.sel $0xFFFF  }
0xc0: {  	[dreg:$0x0] =	wrdreg $0xFFFFFFFF;
	(pc) =	sbr.abs _section_cstart, $3  }
0xc1: {  	[dreg:$0x1] =	wrdreg $0xFFFFFFFF  }
0xc2: {  	_ =	task.clear_ibuf [dreg:s6], $0x2FFFF;
	_ =	strace $0x9FFFFFFF  }
0xc3: {  	(tm) =	ssettm $0x7FFFFFFF  }
tec
execute0_lowered:
.L_overlay_start_1:
0x0: {  	(tag) =	ssettag $0x1  }
0x1: {  	s1 =	rddreg [dreg:$0x0];
	s0 =	simm.s32 $0x0  }
0x2: {  	v0 =	vimm.s32 $0x0;
	[smem:$0x7FF] =	sst s0;
	s0 =	simm.s32 $0x10040  }
0x3: {  	s30 =	rddreg [dreg:$0x2];
	_ =	strace $0x80000047;
	[tilespmem:s0+$0xFFFFFFC0] =	vst v0  }
0x4: {  	s10 =	stileid.u32;
	[tilespmem:s0+$0x30] =	vst v0  }
0x5: {  	s2 =	sshll.u32 s10, $0xD;
	[tilespmem:s0+$0x20] =	vst v0  }
0x6: {  	s7 =	sadd.s32 s1, s2;
	[tilespmem:s0+$0x10] =	vst v0  }
0x7: {  	s9 =	simm.s32 $0x0;
	[tilespmem:s0+$0x0] =	vst v0;
	s8 =	sadd.s32 $0x400, s7  }
0x8: {  	[tilespmem:s0+$0xFFFFFFF0] =	vst v0;
	s5 =	sadd.s32 $0x800, s7;
	s6 =	sadd.s32 $0xC00, s7;
	s4 =	sadd.s32 $0x1000, s7  }
0x9: {  	[tilespmem:s0+$0xFFFFFFE0] =	vst v0;
	s2 =	sadd.s32 $0x1400, s7;
	s3 =	sadd.s32 $0x1800, s7;
	s1 =	sadd.s32 $0x1C00, s7  }
.LBB2_1:
0xa: {  	s9 =	sadd.s32 $0x8, s9;
	[tilespmem:s0+$0xFFFFFFD0] =	vst v0;
	s0 =	sadd.s32 $0x80, s0  }
0xb: {  	[tilespmem:s0+$0xFFFFFFC0] =	vst v0;
	p0 =	slt.u32 s9, $0xF8  }
0xc: {  	[tilespmem:s0+$0x30] =	vst v0  }
.Ltmp0:
0xd: {  	[tilespmem:s0+$0x20] =	vst v0;
	(pc) =	sbr.rel @p0 .LBB2_1-.Ltmp0, $4  }
0xe: {  	[tilespmem:s0+$0x10] =	vst v0  }
0xf: {  	[tilespmem:s0+$0x0] =	vst v0  }
0x10: {  	[tilespmem:s0+$0xFFFFFFF0] =	vst v0  }
0x11: {  	[tilespmem:s0+$0xFFFFFFE0] =	vst v0  }
0x12: {  	[tilespmem:s0+$0xFFFFFFD0] =	vst v0;
	s20 =	simm.s32 $0x0  }
0x13: {  	[tilespmem:s20], [sflag:$0x1] =	stream.linear.gather [hbm4b:s7+s20], $0x2000, $0x38;
	[tilespmem:$0x11750] =	vst v63  }
0x14: {  	s21 =	simm.s32 $0x2000  }
0x15: {  	[tilespmem:s21], [sflag:$0x2] =	stream.linear.gather [hbm4b:s8+s20], $0x2000, $0x38;
	[tilespmem:$0x11750] =	vst v63  }
0x16: {  	s22 =	simm.s32 $0x4000  }
0x17: {  	[tilespmem:s22], [sflag:$0x3] =	stream.linear.gather [hbm4b:s5+s20], $0x2000, $0x38;
	[tilespmem:$0x11750] =	vst v63  }
0x18: {  	s23 =	simm.s32 $0x6000  }
0x19: {  	[tilespmem:s23], [sflag:$0x4] =	stream.linear.gather [hbm4b:s6+s20], $0x2000, $0x38;
	[tilespmem:$0x11750] =	vst v63  }
0x1a: {  	s24 =	simm.s32 $0x8000  }
0x1b: {  	[tilespmem:s24], [sflag:$0x5] =	stream.linear.gather [hbm4b:s4+s20], $0x2000, $0x38;
	[tilespmem:$0x11750] =	vst v63  }
0x1c: {  	s25 =	simm.s32 $0xA000  }
0x1d: {  	[tilespmem:s25], [sflag:$0x6] =	stream.linear.gather [hbm4b:s2+s20], $0x2000, $0x38;
	[tilespmem:$0x11750] =	vst v63  }
0x1e: {  	s26 =	simm.s32 $0xC000  }
0x1f: {  	[tilespmem:s26], [sflag:$0x7] =	stream.linear.gather [hbm4b:s3+s20], $0x2000, $0x38;
	[tilespmem:$0x11750] =	vst v63  }
0x20: {  	s28 =	simm.s32 $0xE000;
	s29 =	simm.s32 $0x1  }
0x21: {  	[tilespmem:s28], [sflag:$0x8] =	stream.linear.gather [hbm4b:s1+s20], $0x2000, $0x38;
	[tilespmem:$0x11750] =	vst v63  }
0x22: {  	_ =	swait.ge [sflag:s29], $0x2000  }
0x23: {  	[sflag:s29] =	ssyncset.done $0x0  }
0x24: {  	s31 =	simm.s32 $0x40;
	[sflag:s29] =	ssyncadd.s32 $0xFFFFE000  }
0x25: {  	v2 =	vld [tilespmem:s31+$0x30]  }
0x26: {  	v3 =	vld [tilespmem:s31+$0xFFFFFFD0]  }
0x27: {  	v4 =	vld [tilespmem:s31+$0xFFFFFFE0]  }
0x28: {  	v6 =	vld [tilespmem:s31+$0x0]  }
0x29: {  	v7 =	vld [tilespmem:s31+$0x10]  }
0x2a: {  	v10 =	vld [tilespmem:s31+$0x20];
	_ =	sdelay $0x1  }
0x2b: {  	v0 =	vlaneseq.u32;
	v5 =	vld [tilespmem:s31+$0xFFFFFFF0]  }
0x2c: {  	v1 =	vmul.u32 $0x100, v0;
	v0 =	vimm.s32 $0x1  }
0x2d: {  	v8 =	vshra.s32 v2, $0x1F;
	v9 =	vshra.s32 v3, $0x1F;
	v12 =	vshra.s32 v4, $0x1F  }
0x2e: {  	v13 =	vshra.s32 v6, $0x1F;
	v15 =	vshra.s32 v7, $0x1F;
	v16 =	vshra.s32 v10, $0x1F  }
0x2f: {  	v11 =	vld [tilespmem:s31+$0xFFFFFFC0];
	v8 =	vor.u32 $0x80000000, v8;
	v9 =	vor.u32 $0x80000000, v9;
	v13 =	vor.u32 $0x80000000, v13  }
0x30: {  	v2 =	vxor.u32 v2, v8;
	v8 =	vor.u32 $0x80000000, v12;
	v12 =	vshra.s32 v5, $0x1F  }
0x31: {  	v3 =	vxor.u32 v3, v9;
	v9 =	vxor.u32 v6, v13;
	v2 =	vshrl.u32 v2, $0x18  }
0x32: {  	v12 =	vor.u32 $0x80000000, v12;
	v4 =	vxor.u32 v4, v8;
	v14 =	vand.u32 $0x80, v2  }
0x33: {  	v8 =	vshrl.u32 v3, $0x18;
	v2 =	vand.u32 $0x7F, v2;
	v14 =	vor.u32 v1, v14  }
0x34: {  	v5 =	vxor.u32 v5, v12;
	v17 =	vor.u32 v2, v14;
	v2 =	vshra.s32 v11, $0x1F  }
0x35: {  	v5 =	vshrl.u32 v5, $0x18;
	v14 =	vor.u32 $0x80000000, v15;
	v2 =	vor.u32 $0x80000000, v2  }
0x36: {  	v15 =	vor.u32 $0x80000000, v16;
	v16 =	vand.u32 $0x80, v5;
	v2 =	vxor.u32 v11, v2  }
0x37: {  	v10 =	vxor.u32 v10, v15;
	v6 =	vshrl.u32 v2, $0x18;
	v2 =	vxor.u32 v7, v14  }
0x38: {  	v7 =	vshrl.u32 v4, $0x18;
	v4 =	vshrl.u32 v9, $0x18;
	v3 =	vshrl.u32 v2, $0x18  }
0x39: {  	v2 =	vshrl.u32 v10, $0x18;
	v9 =	vand.u32 $0x80, v6;
	v10 =	vand.u32 $0x80, v8  }
0x3a: {  	s0 =	simm.s32 $0x10000;
	v11 =	vand.u32 $0x80, v7;
	v18 =	vand.u32 $0x80, v4;
	v14 =	vand.u32 $0x80, v3  }
0x3b: {  	[tilespmem:v17+s0+$0x0] =	vst.idx.add.s32.msk $0xffff, v0;
	v12 =	vor.u32 v1, v9;
	v10 =	vor.u32 v1, v10;
	v15 =	vand.u32 $0x80, v2  }
0x3c: {  	s2 =	simm.s32 $0xC0;
	s1 =	simm.s32 $0x0;
	v13 =	vor.u32 v1, v11;
	v11 =	vor.u32 v1, v16;
	v9 =	vor.u32 v1, v18  }
.LBB2_3:
0x3d: {  	v16 =	vld [tilespmem:s2+$0x30];
	s1 =	sadd.s32 $0x8, s1;
	v6 =	vand.u32 $0x7F, v6;
	v14 =	vor.u32 v1, v14;
	v15 =	vor.u32 v1, v15  }
0x3e: {  	v8 =	vand.u32 $0x7F, v8;
	v7 =	vand.u32 $0x7F, v7;
	v5 =	vand.u32 $0x7F, v5;
	v17 =	vld [tilespmem:s2+$0xFFFFFFD0];
	p0 =	slt.u32 s1, $0x1F8  }
0x3f: {  	v4 =	vand.u32 $0x7F, v4;
	v3 =	vand.u32 $0x7F, v3;
	v2 =	vand.u32 $0x7F, v2;
	v18 =	vld [tilespmem:s2+$0xFFFFFFE0]  }
0x40: {  	v6 =	vor.u32 v6, v12;
	v8 =	vor.u32 v8, v10;
	v7 =	vor.u32 v7, v13;
	v19 =	vld [tilespmem:s2+$0xFFFFFFF0]  }
0x41: {  	v5 =	vor.u32 v5, v11;
	v4 =	vor.u32 v4, v9;
	v3 =	vor.u32 v3, v14;
	v10 =	vld [tilespmem:s2+$0x0]  }
0x42: {  	v2 =	vor.u32 v2, v15;
	v9 =	vld [tilespmem:s2+$0x10];
	v11 =	vshra.s32 v16, $0x1F  }
0x43: {  	v12 =	vshra.s32 v17, $0x1F;
	v13 =	vld [tilespmem:s2+$0x20];
	v11 =	vor.u32 $0x80000000, v11  }
0x44: {  	v14 =	vld [tilespmem:s2+$0xFFFFFFC0];
	v12 =	vor.u32 $0x80000000, v12;
	v15 =	vshra.s32 v18, $0x1F;
	v11 =	vxor.u32 v16, v11  }
0x45: {  	v15 =	vor.u32 $0x80000000, v15;
	v16 =	vshra.s32 v19, $0x1F;
	v11 =	vshrl.u32 v11, $0x18;
	[tilespmem:v6+s0+$0x0] =	vst.idx.add.s32.msk $0xffff, v0  }
0x46: {  	v6 =	vor.u32 $0x80000000, v16;
	v16 =	vshra.s32 v10, $0x1F;
	v20 =	vand.u32 $0x80, v11;
	[tilespmem:v8+s0+$0x0] =	vst.idx.add.s32.msk $0xffff, v0  }
0x47: {  	v11 =	vand.u32 $0x7F, v11;
	v8 =	vshra.s32 v9, $0x1F;
	v20 =	vor.u32 v1, v20;
	[tilespmem:v7+s0+$0x0] =	vst.idx.add.s32.msk $0xffff, v0  }
0x48: {  	v7 =	vor.u32 $0x80000000, v16;
	v16 =	vshra.s32 v13, $0x1F;
	v11 =	vor.u32 v11, v20;
	[tilespmem:v5+s0+$0x0] =	vst.idx.add.s32.msk $0xffff, v0  }
0x49: {  	v8 =	vor.u32 $0x80000000, v8;
	v5 =	vshra.s32 v14, $0x1F;
	v16 =	vor.u32 $0x80000000, v16;
	[tilespmem:v4+s0+$0x0] =	vst.idx.add.s32.msk $0xffff, v0  }
0x4a: {  	v4 =	vor.u32 $0x80000000, v5;
	v5 =	vxor.u32 v17, v12;
	v12 =	vxor.u32 v18, v15;
	[tilespmem:v3+s0+$0x0] =	vst.idx.add.s32.msk $0xffff, v0  }
0x4b: {  	v10 =	vxor.u32 v10, v7;
	v3 =	vxor.u32 v14, v4;
	v4 =	vxor.u32 v19, v6  }
0x4c: {  	v6 =	vshrl.u32 v3, $0x18;
	v3 =	vxor.u32 v9, v8;
	v9 =	vxor.u32 v13, v16;
	[tilespmem:v2+s0+$0x0] =	vst.idx.add.s32.msk $0xffff, v0  }
0x4d: {  	v7 =	vshrl.u32 v12, $0x18;
	v8 =	vshrl.u32 v5, $0x18;
	v5 =	vshrl.u32 v4, $0x18;
	[tilespmem:v11+s0+$0x0] =	vst.idx.add.s32.msk $0xffff, v0  }
.Ltmp1:
0x4e: {  	v4 =	vshrl.u32 v10, $0x18;
	v3 =	vshrl.u32 v3, $0x18;
	v2 =	vshrl.u32 v9, $0x18;
	(pc) =	sbr.rel @p0 .LBB2_3-.Ltmp1, $4  }
0x4f: {  	v9 =	vand.u32 $0x80, v6;
	v10 =	vand.u32 $0x80, v8;
	v11 =	vand.u32 $0x80, v7  }
0x50: {  	v16 =	vand.u32 $0x80, v5;
	v17 =	vand.u32 $0x80, v4;
	v14 =	vand.u32 $0x80, v3  }
0x51: {  	v12 =	vor.u32 v1, v9;
	v10 =	vor.u32 v1, v10;
	v15 =	vand.u32 $0x80, v2  }
0x52: {  	s2 =	sadd.s32 $0x80, s2;
	v13 =	vor.u32 v1, v11;
	v11 =	vor.u32 v1, v16;
	v9 =	vor.u32 v1, v17  }
0x53: {  	v6 =	vand.u32 $0x7F, v6  }
0x54: {  	v8 =	vand.u32 $0x7F, v8;
	v6 =	vor.u32 v6, v12  }
0x55: {  	v7 =	vand.u32 $0x7F, v7;
	v8 =	vor.u32 v8, v10  }
0x56: {  	v5 =	vand.u32 $0x7F, v5;
	v7 =	vor.u32 v7, v13  }
0x57: {  	v4 =	vand.u32 $0x7F, v4;
	v5 =	vor.u32 v5, v11  }
0x58: {  	v3 =	vand.u32 $0x7F, v3;
	v10 =	vor.u32 v1, v14;
	v4 =	vor.u32 v4, v9  }
0x59: {  	v2 =	vand.u32 $0x7F, v2;
	v1 =	vor.u32 v1, v15;
	v3 =	vor.u32 v3, v10;
	[tilespmem:v6+s0+$0x0] =	vst.idx.add.s32.msk $0xffff, v0  }
0x5a: {  	v1 =	vor.u32 v2, v1;
	[tilespmem:v8+s0+$0x0] =	vst.idx.add.s32.msk $0xffff, v0  }
0x5b: {  	[tilespmem:v7+s0+$0x0] =	vst.idx.add.s32.msk $0xffff, v0  }
0x5c: {  	[tilespmem:v5+s0+$0x0] =	vst.idx.add.s32.msk $0xffff, v0  }
0x5d: {  	[tilespmem:v4+s0+$0x0] =	vst.idx.add.s32.msk $0xffff, v0  }
0x5e: {  	[tilespmem:v3+s0+$0x0] =	vst.idx.add.s32.msk $0xffff, v0  }
0x5f: {  	s29 =	simm.s32 $0x2;
	[tilespmem:v1+s0+$0x0] =	vst.idx.add.s32.msk $0xffff, v0  }
0x60: {  	_ =	swait.ge [sflag:s29], $0x2000  }
0x61: {  	[sflag:s29] =	ssyncset.done $0x0  }
0x62: {  	s31 =	simm.s32 $0x2070;
	[sflag:s29] =	ssyncadd.s32 $0xFFFFE000  }
0x63: {  	v2 =	vld [tilespmem:s31+$0x0]  }
0x64: {  	v3 =	vld [tilespmem:s31+$0xFFFFFFA0]  }
0x65: {  	v4 =	vld [tilespmem:s31+$0xFFFFFFB0]  }
0x66: {  	v6 =	vld [tilespmem:s31+$0xFFFFFFD0]  }
0x67: {  	v7 =	vld [tilespmem:s31+$0xFFFFFFE0]  }
0x68: {  	v10 =	vld [tilespmem:s31+$0xFFFFFFF0];
	_ =	sdelay $0x1  }
0x69: {  	v0 =	vlaneseq.u32;
	v5 =	vld [tilespmem:s31+$0xFFFFFFC0]  }
0x6a: {  	v1 =	vmul.u32 $0x100, v0;
	v0 =	vimm.s32 $0x1  }
0x6b: {  	v8 =	vshra.s32 v2, $0x1F;
	v9 =	vshra.s32 v3, $0x1F;
	v12 =	vshra.s32 v4, $0x1F  }
0x6c: {  	v13 =	vshra.s32 v6, $0x1F;
	v15 =	vshra.s32 v7, $0x1F;
	v16 =	vshra.s32 v10, $0x1F  }
0x6d: {  	v11 =	vld [tilespmem:s31+$0xFFFFFF90];
	v8 =	vor.u32 $0x80000000, v8;
	v9 =	vor.u32 $0x80000000, v9;
	v13 =	vor.u32 $0x80000000, v13  }
0x6e: {  	v2 =	vxor.u32 v2, v8;
	v8 =	vor.u32 $0x80000000, v12;
	v12 =	vshra.s32 v5, $0x1F  }
0x6f: {  	v3 =	vxor.u32 v3, v9;
	v9 =	vxor.u32 v6, v13;
	v2 =	vshrl.u32 v2, $0x18  }
0x70: {  	v12 =	vor.u32 $0x80000000, v12;
	v4 =	vxor.u32 v4, v8;
	v14 =	vand.u32 $0x80, v2  }
0x71: {  	v8 =	vshrl.u32 v3, $0x18;
	v2 =	vand.u32 $0x7F, v2;
	v14 =	vor.u32 v1, v14  }
0x72: {  	v5 =	vxor.u32 v5, v12;
	v17 =	vor.u32 v2, v14;
	v2 =	vshra.s32 v11, $0x1F  }
0x73: {  	v5 =	vshrl.u32 v5, $0x18;
	v14 =	vor.u32 $0x80000000, v15;
	v2 =	vor.u32 $0x80000000, v2  }
0x74: {  	v15 =	vor.u32 $0x80000000, v16;
	v16 =	vand.u32 $0x80, v5;
	v2 =	vxor.u32 v11, v2  }
0x75: {  	v10 =	vxor.u32 v10, v15;
	v6 =	vshrl.u32 v2, $0x18;
	v2 =	vxor.u32 v7, v14  }
0x76: {  	v7 =	vshrl.u32 v4, $0x18;
	v4 =	vshrl.u32 v9, $0x18;
	v3 =	vshrl.u32 v2, $0x18  }
0x77: {  	v2 =	vshrl.u32 v10, $0x18;
	v9 =	vand.u32 $0x80, v6;
	v10 =	vand.u32 $0x80, v8  }
0x78: {  	s0 =	simm.s32 $0x10000;
	v11 =	vand.u32 $0x80, v7;
	v18 =	vand.u32 $0x80, v4;
	v14 =	vand.u32 $0x80, v3  }
0x79: {  	[tilespmem:v17+s0+$0x0] =	vst.idx.add.s32.msk $0xffff, v0;
	v12 =	vor.u32 v1, v9;
	v10 =	vor.u32 v1, v10;
	v15 =	vand.u32 $0x80, v2  }
0x7a: {  	s1 =	simm.s32 $0x0;
	s2 =	simm.s32 $0x20F0;
	v13 =	vor.u32 v1, v11;
	v11 =	vor.u32 v1, v16;
	v9 =	vor.u32 v1, v18  }
.LBB2_5:
0x7b: {  	v16 =	vld [tilespmem:s2+$0x0];
	s1 =	sadd.s32 $0x8, s1;
	v6 =	vand.u32 $0x7F, v6;
	v14 =	vor.u32 v1, v14;
	v15 =	vor.u32 v1, v15  }
0x7c: {  	v8 =	vand.u32 $0x7F, v8;
	v7 =	vand.u32 $0x7F, v7;
	v5 =	vand.u32 $0x7F, v5;
	v17 =	vld [tilespmem:s2+$0xFFFFFFA0];
	p0 =	slt.u32 s1, $0x1F8  }
0x7d: {  	v4 =	vand.u32 $0x7F, v4;
	v3 =	vand.u32 $0x7F, v3;
	v2 =	vand.u32 $0x7F, v2;
	v18 =	vld [tilespmem:s2+$0xFFFFFFB0]  }
0x7e: {  	v6 =	vor.u32 v6, v12;
	v8 =	vor.u32 v8, v10;
	v7 =	vor.u32 v7, v13;
	v19 =	vld [tilespmem:s2+$0xFFFFFFC0]  }
0x7f: {  	v5 =	vor.u32 v5, v11;
	v4 =	vor.u32 v4, v9;
	v3 =	vor.u32 v3, v14;
	v10 =	vld [tilespmem:s2+$0xFFFFFFD0]  }
0x80: {  	v2 =	vor.u32 v2, v15;
	v9 =	vld [tilespmem:s2+$0xFFFFFFE0];
	v11 =	vshra.s32 v16, $0x1F  }
0x81: {  	v12 =	vshra.s32 v17, $0x1F;
	v13 =	vld [tilespmem:s2+$0xFFFFFFF0];
	v11 =	vor.u32 $0x80000000, v11  }
0x82: {  	v14 =	vld [tilespmem:s2+$0xFFFFFF90];
	v12 =	vor.u32 $0x80000000, v12;
	v15 =	vshra.s32 v18, $0x1F;
	v11 =	vxor.u32 v16, v11  }
0x83: {  	v15 =	vor.u32 $0x80000000, v15;
	v16 =	vshra.s32 v19, $0x1F;
	v11 =	vshrl.u32 v11, $0x18;
	[tilespmem:v6+s0+$0x0] =	vst.idx.add.s32.msk $0xffff, v0  }
0x84: {  	v6 =	vor.u32 $0x80000000, v16;
	v16 =	vshra.s32 v10, $0x1F;
	v20 =	vand.u32 $0x80, v11;
	[tilespmem:v8+s0+$0x0] =	vst.idx.add.s32.msk $0xffff, v0  }
0x85: {  	v11 =	vand.u32 $0x7F, v11;
	v8 =	vshra.s32 v9, $0x1F;
	v20 =	vor.u32 v1, v20;
	[tilespmem:v7+s0+$0x0] =	vst.idx.add.s32.msk $0xffff, v0  }
0x86: {  	v7 =	vor.u32 $0x80000000, v16;
	v16 =	vshra.s32 v13, $0x1F;
	v11 =	vor.u32 v11, v20;
	[tilespmem:v5+s0+$0x0] =	vst.idx.add.s32.msk $0xffff, v0  }
0x87: {  	v8 =	vor.u32 $0x80000000, v8;
	v5 =	vshra.s32 v14, $0x1F;
	v16 =	vor.u32 $0x80000000, v16;
	[tilespmem:v4+s0+$0x0] =	vst.idx.add.s32.msk $0xffff, v0  }
0x88: {  	v4 =	vor.u32 $0x80000000, v5;
	v5 =	vxor.u32 v17, v12;
	v12 =	vxor.u32 v18, v15;
	[tilespmem:v3+s0+$0x0] =	vst.idx.add.s32.msk $0xffff, v0  }
0x89: {  	v10 =	vxor.u32 v10, v7;
	v3 =	vxor.u32 v14, v4;
	v4 =	vxor.u32 v19, v6  }
0x8a: {  	v6 =	vshrl.u32 v3, $0x18;
	v3 =	vxor.u32 v9, v8;
	v9 =	vxor.u32 v13, v16;
	[tilespmem:v2+s0+$0x0] =	vst.idx.add.s32.msk $0xffff, v0  }
0x8b: {  	v7 =	vshrl.u32 v12, $0x18;
	v8 =	vshrl.u32 v5, $0x18;
	v5 =	vshrl.u32 v4, $0x18;
	[tilespmem:v11+s0+$0x0] =	vst.idx.add.s32.msk $0xffff, v0  }
.Ltmp2:
0x8c: {  	v4 =	vshrl.u32 v10, $0x18;
	v3 =	vshrl.u32 v3, $0x18;
	v2 =	vshrl.u32 v9, $0x18;
	(pc) =	sbr.rel @p0 .LBB2_5-.Ltmp2, $4  }
0x8d: {  	v9 =	vand.u32 $0x80, v6;
	v10 =	vand.u32 $0x80, v8;
	v11 =	vand.u32 $0x80, v7  }
0x8e: {  	v16 =	vand.u32 $0x80, v5;
	v17 =	vand.u32 $0x80, v4;
	v14 =	vand.u32 $0x80, v3  }
0x8f: {  	v12 =	vor.u32 v1, v9;
	v10 =	vor.u32 v1, v10;
	v15 =	vand.u32 $0x80, v2  }
0x90: {  	s2 =	sadd.s32 $0x80, s2;
	v13 =	vor.u32 v1, v11;
	v11 =	vor.u32 v1, v16;
	v9 =	vor.u32 v1, v17  }
0x91: {  	v6 =	vand.u32 $0x7F, v6  }
0x92: {  	v8 =	vand.u32 $0x7F, v8;
	v6 =	vor.u32 v6, v12  }
0x93: {  	v7 =	vand.u32 $0x7F, v7;
	v8 =	vor.u32 v8, v10  }
0x94: {  	v5 =	vand.u32 $0x7F, v5;
	v7 =	vor.u32 v7, v13  }
0x95: {  	v4 =	vand.u32 $0x7F, v4;
	v5 =	vor.u32 v5, v11  }
0x96: {  	v3 =	vand.u32 $0x7F, v3;
	v10 =	vor.u32 v1, v14;
	v4 =	vor.u32 v4, v9  }
0x97: {  	v2 =	vand.u32 $0x7F, v2;
	v1 =	vor.u32 v1, v15;
	v3 =	vor.u32 v3, v10;
	[tilespmem:v6+s0+$0x0] =	vst.idx.add.s32.msk $0xffff, v0  }
0x98: {  	v1 =	vor.u32 v2, v1;
	[tilespmem:v8+s0+$0x0] =	vst.idx.add.s32.msk $0xffff, v0  }
0x99: {  	[tilespmem:v7+s0+$0x0] =	vst.idx.add.s32.msk $0xffff, v0  }
0x9a: {  	[tilespmem:v5+s0+$0x0] =	vst.idx.add.s32.msk $0xffff, v0  }
0x9b: {  	[tilespmem:v4+s0+$0x0] =	vst.idx.add.s32.msk $0xffff, v0  }
0x9c: {  	[tilespmem:v3+s0+$0x0] =	vst.idx.add.s32.msk $0xffff, v0  }
0x9d: {  	s29 =	simm.s32 $0x3;
	[tilespmem:v1+s0+$0x0] =	vst.idx.add.s32.msk $0xffff, v0  }
0x9e: {  	_ =	swait.ge [sflag:s29], $0x2000  }
0x9f: {  	[sflag:s29] =	ssyncset.done $0x0  }
0xa0: {  	s31 =	simm.s32 $0x4070;
	[sflag:s29] =	ssyncadd.s32 $0xFFFFE000  }
0xa1: {  	v2 =	vld [tilespmem:s31+$0x0]  }
0xa2: {  	v3 =	vld [tilespmem:s31+$0xFFFFFFA0]  }
0xa3: {  	v4 =	vld [tilespmem:s31+$0xFFFFFFB0]  }
0xa4: {  	v6 =	vld [tilespmem:s31+$0xFFFFFFD0]  }
0xa5: {  	v7 =	vld [tilespmem:s31+$0xFFFFFFE0]  }
0xa6: {  	v10 =	vld [tilespmem:s31+$0xFFFFFFF0];
	_ =	sdelay $0x1  }
0xa7: {  	v0 =	vlaneseq.u32;
	v5 =	vld [tilespmem:s31+$0xFFFFFFC0]  }
0xa8: {  	v1 =	vmul.u32 $0x100, v0;
	v0 =	vimm.s32 $0x1  }
0xa9: {  	v8 =	vshra.s32 v2, $0x1F;
	v9 =	vshra.s32 v3, $0x1F;
	v12 =	vshra.s32 v4, $0x1F  }
0xaa: {  	v13 =	vshra.s32 v6, $0x1F;
	v15 =	vshra.s32 v7, $0x1F;
	v16 =	vshra.s32 v10, $0x1F  }
0xab: {  	v11 =	vld [tilespmem:s31+$0xFFFFFF90];
	v8 =	vor.u32 $0x80000000, v8;
	v9 =	vor.u32 $0x80000000, v9;
	v13 =	vor.u32 $0x80000000, v13  }
0xac: {  	v2 =	vxor.u32 v2, v8;
	v8 =	vor.u32 $0x80000000, v12;
	v12 =	vshra.s32 v5, $0x1F  }
0xad: {  	v3 =	vxor.u32 v3, v9;
	v9 =	vxor.u32 v6, v13;
	v2 =	vshrl.u32 v2, $0x18  }
0xae: {  	v12 =	vor.u32 $0x80000000, v12;
	v4 =	vxor.u32 v4, v8;
	v14 =	vand.u32 $0x80, v2  }
0xaf: {  	v8 =	vshrl.u32 v3, $0x18;
	v2 =	vand.u32 $0x7F, v2;
	v14 =	vor.u32 v1, v14  }
0xb0: {  	v5 =	vxor.u32 v5, v12;
	v17 =	vor.u32 v2, v14;
	v2 =	vshra.s32 v11, $0x1F  }
0xb1: {  	v5 =	vshrl.u32 v5, $0x18;
	v14 =	vor.u32 $0x80000000, v15;
	v2 =	vor.u32 $0x80000000, v2  }
0xb2: {  	v15 =	vor.u32 $0x80000000, v16;
	v16 =	vand.u32 $0x80, v5;
	v2 =	vxor.u32 v11, v2  }
0xb3: {  	v10 =	vxor.u32 v10, v15;
	v6 =	vshrl.u32 v2, $0x18;
	v2 =	vxor.u32 v7, v14  }
0xb4: {  	v7 =	vshrl.u32 v4, $0x18;
	v4 =	vshrl.u32 v9, $0x18;
	v3 =	vshrl.u32 v2, $0x18  }
0xb5: {  	v2 =	vshrl.u32 v10, $0x18;
	v9 =	vand.u32 $0x80, v6;
	v10 =	vand.u32 $0x80, v8  }
0xb6: {  	s0 =	simm.s32 $0x10000;
	v11 =	vand.u32 $0x80, v7;
	v18 =	vand.u32 $0x80, v4;
	v14 =	vand.u32 $0x80, v3  }
0xb7: {  	[tilespmem:v17+s0+$0x0] =	vst.idx.add.s32.msk $0xffff, v0;
	v12 =	vor.u32 v1, v9;
	v10 =	vor.u32 v1, v10;
	v15 =	vand.u32 $0x80, v2  }
0xb8: {  	s1 =	simm.s32 $0x0;
	s2 =	simm.s32 $0x40F0;
	v13 =	vor.u32 v1, v11;
	v11 =	vor.u32 v1, v16;
	v9 =	vor.u32 v1, v18  }
.LBB2_7:
0xb9: {  	v16 =	vld [tilespmem:s2+$0x0];
	s1 =	sadd.s32 $0x8, s1;
	v6 =	vand.u32 $0x7F, v6;
	v14 =	vor.u32 v1, v14;
	v15 =	vor.u32 v1, v15  }
0xba: {  	v8 =	vand.u32 $0x7F, v8;
	v7 =	vand.u32 $0x7F, v7;
	v5 =	vand.u32 $0x7F, v5;
	v17 =	vld [tilespmem:s2+$0xFFFFFFA0];
	p0 =	slt.u32 s1, $0x1F8  }
0xbb: {  	v4 =	vand.u32 $0x7F, v4;
	v3 =	vand.u32 $0x7F, v3;
	v2 =	vand.u32 $0x7F, v2;
	v18 =	vld [tilespmem:s2+$0xFFFFFFB0]  }
0xbc: {  	v6 =	vor.u32 v6, v12;
	v8 =	vor.u32 v8, v10;
	v7 =	vor.u32 v7, v13;
	v19 =	vld [tilespmem:s2+$0xFFFFFFC0]  }
0xbd: {  	v5 =	vor.u32 v5, v11;
	v4 =	vor.u32 v4, v9;
	v3 =	vor.u32 v3, v14;
	v10 =	vld [tilespmem:s2+$0xFFFFFFD0]  }
0xbe: {  	v2 =	vor.u32 v2, v15;
	v9 =	vld [tilespmem:s2+$0xFFFFFFE0];
	v11 =	vshra.s32 v16, $0x1F  }
0xbf: {  	v12 =	vshra.s32 v17, $0x1F;
	v13 =	vld [tilespmem:s2+$0xFFFFFFF0];
	v11 =	vor.u32 $0x80000000, v11  }
0xc0: {  	v14 =	vld [tilespmem:s2+$0xFFFFFF90];
	v12 =	vor.u32 $0x80000000, v12;
	v15 =	vshra.s32 v18, $0x1F;
	v11 =	vxor.u32 v16, v11  }
0xc1: {  	v15 =	vor.u32 $0x80000000, v15;
	v16 =	vshra.s32 v19, $0x1F;
	v11 =	vshrl.u32 v11, $0x18;
	[tilespmem:v6+s0+$0x0] =	vst.idx.add.s32.msk $0xffff, v0  }
0xc2: {  	v6 =	vor.u32 $0x80000000, v16;
	v16 =	vshra.s32 v10, $0x1F;
	v20 =	vand.u32 $0x80, v11;
	[tilespmem:v8+s0+$0x0] =	vst.idx.add.s32.msk $0xffff, v0  }
0xc3: {  	v11 =	vand.u32 $0x7F, v11;
	v8 =	vshra.s32 v9, $0x1F;
	v20 =	vor.u32 v1, v20;
	[tilespmem:v7+s0+$0x0] =	vst.idx.add.s32.msk $0xffff, v0  }
0xc4: {  	v7 =	vor.u32 $0x80000000, v16;
	v16 =	vshra.s32 v13, $0x1F;
	v11 =	vor.u32 v11, v20;
	[tilespmem:v5+s0+$0x0] =	vst.idx.add.s32.msk $0xffff, v0  }
0xc5: {  	v8 =	vor.u32 $0x80000000, v8;
	v5 =	vshra.s32 v14, $0x1F;
	v16 =	vor.u32 $0x80000000, v16;
	[tilespmem:v4+s0+$0x0] =	vst.idx.add.s32.msk $0xffff, v0  }
0xc6: {  	v4 =	vor.u32 $0x80000000, v5;
	v5 =	vxor.u32 v17, v12;
	v12 =	vxor.u32 v18, v15;
	[tilespmem:v3+s0+$0x0] =	vst.idx.add.s32.msk $0xffff, v0  }
0xc7: {  	v10 =	vxor.u32 v10, v7;
	v3 =	vxor.u32 v14, v4;
	v4 =	vxor.u32 v19, v6  }
0xc8: {  	v6 =	vshrl.u32 v3, $0x18;
	v3 =	vxor.u32 v9, v8;
	v9 =	vxor.u32 v13, v16;
	[tilespmem:v2+s0+$0x0] =	vst.idx.add.s32.msk $0xffff, v0  }
0xc9: {  	v7 =	vshrl.u32 v12, $0x18;
	v8 =	vshrl.u32 v5, $0x18;
	v5 =	vshrl.u32 v4, $0x18;
	[tilespmem:v11+s0+$0x0] =	vst.idx.add.s32.msk $0xffff, v0  }
.Ltmp3:
0xca: {  	v4 =	vshrl.u32 v10, $0x18;
	v3 =	vshrl.u32 v3, $0x18;
	v2 =	vshrl.u32 v9, $0x18;
	(pc) =	sbr.rel @p0 .LBB2_7-.Ltmp3, $4  }
0xcb: {  	v9 =	vand.u32 $0x80, v6;
	v10 =	vand.u32 $0x80, v8;
	v11 =	vand.u32 $0x80, v7  }
0xcc: {  	v16 =	vand.u32 $0x80, v5;
	v17 =	vand.u32 $0x80, v4;
	v14 =	vand.u32 $0x80, v3  }
0xcd: {  	v12 =	vor.u32 v1, v9;
	v10 =	vor.u32 v1, v10;
	v15 =	vand.u32 $0x80, v2  }
0xce: {  	s2 =	sadd.s32 $0x80, s2;
	v13 =	vor.u32 v1, v11;
	v11 =	vor.u32 v1, v16;
	v9 =	vor.u32 v1, v17  }
0xcf: {  	v6 =	vand.u32 $0x7F, v6  }
0xd0: {  	v8 =	vand.u32 $0x7F, v8;
	v6 =	vor.u32 v6, v12  }
0xd1: {  	v7 =	vand.u32 $0x7F, v7;
	v8 =	vor.u32 v8, v10  }
0xd2: {  	v5 =	vand.u32 $0x7F, v5;
	v7 =	vor.u32 v7, v13  }
0xd3: {  	v4 =	vand.u32 $0x7F, v4;
	v5 =	vor.u32 v5, v11  }
0xd4: {  	v3 =	vand.u32 $0x7F, v3;
	v10 =	vor.u32 v1, v14;
	v4 =	vor.u32 v4, v9  }
0xd5: {  	v2 =	vand.u32 $0x7F, v2;
	v1 =	vor.u32 v1, v15;
	v3 =	vor.u32 v3, v10;
	[tilespmem:v6+s0+$0x0] =	vst.idx.add.s32.msk $0xffff, v0  }
0xd6: {  	v1 =	vor.u32 v2, v1;
	[tilespmem:v8+s0+$0x0] =	vst.idx.add.s32.msk $0xffff, v0  }
0xd7: {  	[tilespmem:v7+s0+$0x0] =	vst.idx.add.s32.msk $0xffff, v0  }
0xd8: {  	[tilespmem:v5+s0+$0x0] =	vst.idx.add.s32.msk $0xffff, v0  }
0xd9: {  	[tilespmem:v4+s0+$0x0] =	vst.idx.add.s32.msk $0xffff, v0  }
0xda: {  	[tilespmem:v3+s0+$0x0] =	vst.idx.add.s32.msk $0xffff, v0  }
0xdb: {  	s29 =	simm.s32 $0x4;
	[tilespmem:v1+s0+$0x0] =	vst.idx.add.s32.msk $0xffff, v0  }
0xdc: {  	_ =	swait.ge [sflag:s29], $0x2000  }
0xdd: {  	[sflag:s29] =	ssyncset.done $0x0  }
0xde: {  	s31 =	simm.s32 $0x6070;
	[sflag:s29] =	ssyncadd.s32 $0xFFFFE000  }
0xdf: {  	v2 =	vld [tilespmem:s31+$0x0]  }
0xe0: {  	v3 =	vld [tilespmem:s31+$0xFFFFFFA0]  }
0xe1: {  	v4 =	vld [tilespmem:s31+$0xFFFFFFB0]  }
0xe2: {  	v6 =	vld [tilespmem:s31+$0xFFFFFFD0]  }
0xe3: {  	v7 =	vld [tilespmem:s31+$0xFFFFFFE0]  }
0xe4: {  	v10 =	vld [tilespmem:s31+$0xFFFFFFF0];
	_ =	sdelay $0x1  }
0xe5: {  	v0 =	vlaneseq.u32;
	v5 =	vld [tilespmem:s31+$0xFFFFFFC0]  }
0xe6: {  	v1 =	vmul.u32 $0x100, v0;
	v0 =	vimm.s32 $0x1  }
0xe7: {  	v8 =	vshra.s32 v2, $0x1F;
	v9 =	vshra.s32 v3, $0x1F;
	v12 =	vshra.s32 v4, $0x1F  }
0xe8: {  	v13 =	vshra.s32 v6, $0x1F;
	v15 =	vshra.s32 v7, $0x1F;
	v16 =	vshra.s32 v10, $0x1F  }
0xe9: {  	v11 =	vld [tilespmem:s31+$0xFFFFFF90];
	v8 =	vor.u32 $0x80000000, v8;
	v9 =	vor.u32 $0x80000000, v9;
	v13 =	vor.u32 $0x80000000, v13  }
0xea: {  	v2 =	vxor.u32 v2, v8;
	v8 =	vor.u32 $0x80000000, v12;
	v12 =	vshra.s32 v5, $0x1F  }
0xeb: {  	v3 =	vxor.u32 v3, v9;
	v9 =	vxor.u32 v6, v13;
	v2 =	vshrl.u32 v2, $0x18  }
0xec: {  	v12 =	vor.u32 $0x80000000, v12;
	v4 =	vxor.u32 v4, v8;
	v14 =	vand.u32 $0x80, v2  }
0xed: {  	v8 =	vshrl.u32 v3, $0x18;
	v2 =	vand.u32 $0x7F, v2;
	v14 =	vor.u32 v1, v14  }
0xee: {  	v5 =	vxor.u32 v5, v12;
	v17 =	vor.u32 v2, v14;
	v2 =	vshra.s32 v11, $0x1F  }
0xef: {  	v5 =	vshrl.u32 v5, $0x18;
	v14 =	vor.u32 $0x80000000, v15;
	v2 =	vor.u32 $0x80000000, v2  }
0xf0: {  	v15 =	vor.u32 $0x80000000, v16;
	v16 =	vand.u32 $0x80, v5;
	v2 =	vxor.u32 v11, v2  }
0xf1: {  	v10 =	vxor.u32 v10, v15;
	v6 =	vshrl.u32 v2, $0x18;
	v2 =	vxor.u32 v7, v14  }
0xf2: {  	v7 =	vshrl.u32 v4, $0x18;
	v4 =	vshrl.u32 v9, $0x18;
	v3 =	vshrl.u32 v2, $0x18  }
0xf3: {  	v2 =	vshrl.u32 v10, $0x18;
	v9 =	vand.u32 $0x80, v6;
	v10 =	vand.u32 $0x80, v8  }
0xf4: {  	s0 =	simm.s32 $0x10000;
	v11 =	vand.u32 $0x80, v7;
	v18 =	vand.u32 $0x80, v4;
	v14 =	vand.u32 $0x80, v3  }
0xf5: {  	[tilespmem:v17+s0+$0x0] =	vst.idx.add.s32.msk $0xffff, v0;
	v12 =	vor.u32 v1, v9;
	v10 =	vor.u32 v1, v10;
	v15 =	vand.u32 $0x80, v2  }
0xf6: {  	s1 =	simm.s32 $0x0;
	s2 =	simm.s32 $0x60F0;
	v13 =	vor.u32 v1, v11;
	v11 =	vor.u32 v1, v16;
	v9 =	vor.u32 v1, v18  }
.LBB2_9:
0xf7: {  	v16 =	vld [tilespmem:s2+$0x0];
	s1 =	sadd.s32 $0x8, s1;
	v6 =	vand.u32 $0x7F, v6;
	v14 =	vor.u32 v1, v14;
	v15 =	vor.u32 v1, v15  }
0xf8: {  	v8 =	vand.u32 $0x7F, v8;
	v7 =	vand.u32 $0x7F, v7;
	v5 =	vand.u32 $0x7F, v5;
	v17 =	vld [tilespmem:s2+$0xFFFFFFA0];
	p0 =	slt.u32 s1, $0x1F8  }
0xf9: {  	v4 =	vand.u32 $0x7F, v4;
	v3 =	vand.u32 $0x7F, v3;
	v2 =	vand.u32 $0x7F, v2;
	v18 =	vld [tilespmem:s2+$0xFFFFFFB0]  }
0xfa: {  	v6 =	vor.u32 v6, v12;
	v8 =	vor.u32 v8, v10;
	v7 =	vor.u32 v7, v13;
	v19 =	vld [tilespmem:s2+$0xFFFFFFC0]  }
0xfb: {  	v5 =	vor.u32 v5, v11;
	v4 =	vor.u32 v4, v9;
	v3 =	vor.u32 v3, v14;
	v10 =	vld [tilespmem:s2+$0xFFFFFFD0]  }
0xfc: {  	v2 =	vor.u32 v2, v15;
	v9 =	vld [tilespmem:s2+$0xFFFFFFE0];
	v11 =	vshra.s32 v16, $0x1F  }
0xfd: {  	v12 =	vshra.s32 v17, $0x1F;
	v13 =	vld [tilespmem:s2+$0xFFFFFFF0];
	v11 =	vor.u32 $0x80000000, v11  }
0xfe: {  	v14 =	vld [tilespmem:s2+$0xFFFFFF90];
	v12 =	vor.u32 $0x80000000, v12;
	v15 =	vshra.s32 v18, $0x1F;
	v11 =	vxor.u32 v16, v11  }
0xff: {  	v15 =	vor.u32 $0x80000000, v15;
	v16 =	vshra.s32 v19, $0x1F;
	v11 =	vshrl.u32 v11, $0x18;
	[tilespmem:v6+s0+$0x0] =	vst.idx.add.s32.msk $0xffff, v0  }
0x100: {  	v6 =	vor.u32 $0x80000000, v16;
	v16 =	vshra.s32 v10, $0x1F;
	v20 =	vand.u32 $0x80, v11;
	[tilespmem:v8+s0+$0x0] =	vst.idx.add.s32.msk $0xffff, v0  }
0x101: {  	v11 =	vand.u32 $0x7F, v11;
	v8 =	vshra.s32 v9, $0x1F;
	v20 =	vor.u32 v1, v20;
	[tilespmem:v7+s0+$0x0] =	vst.idx.add.s32.msk $0xffff, v0  }
0x102: {  	v7 =	vor.u32 $0x80000000, v16;
	v16 =	vshra.s32 v13, $0x1F;
	v11 =	vor.u32 v11, v20;
	[tilespmem:v5+s0+$0x0] =	vst.idx.add.s32.msk $0xffff, v0  }
0x103: {  	v8 =	vor.u32 $0x80000000, v8;
	v5 =	vshra.s32 v14, $0x1F;
	v16 =	vor.u32 $0x80000000, v16;
	[tilespmem:v4+s0+$0x0] =	vst.idx.add.s32.msk $0xffff, v0  }
0x104: {  	v4 =	vor.u32 $0x80000000, v5;
	v5 =	vxor.u32 v17, v12;
	v12 =	vxor.u32 v18, v15;
	[tilespmem:v3+s0+$0x0] =	vst.idx.add.s32.msk $0xffff, v0  }
0x105: {  	v10 =	vxor.u32 v10, v7;
	v3 =	vxor.u32 v14, v4;
	v4 =	vxor.u32 v19, v6  }
0x106: {  	v6 =	vshrl.u32 v3, $0x18;
	v3 =	vxor.u32 v9, v8;
	v9 =	vxor.u32 v13, v16;
	[tilespmem:v2+s0+$0x0] =	vst.idx.add.s32.msk $0xffff, v0  }
0x107: {  	v7 =	vshrl.u32 v12, $0x18;
	v8 =	vshrl.u32 v5, $0x18;
	v5 =	vshrl.u32 v4, $0x18;
	[tilespmem:v11+s0+$0x0] =	vst.idx.add.s32.msk $0xffff, v0  }
.Ltmp4:
0x108: {  	v4 =	vshrl.u32 v10, $0x18;
	v3 =	vshrl.u32 v3, $0x18;
	v2 =	vshrl.u32 v9, $0x18;
	(pc) =	sbr.rel @p0 .LBB2_9-.Ltmp4, $4  }
0x109: {  	v9 =	vand.u32 $0x80, v6;
	v10 =	vand.u32 $0x80, v8;
	v11 =	vand.u32 $0x80, v7  }
0x10a: {  	v16 =	vand.u32 $0x80, v5;
	v17 =	vand.u32 $0x80, v4;
	v14 =	vand.u32 $0x80, v3  }
0x10b: {  	v12 =	vor.u32 v1, v9;
	v10 =	vor.u32 v1, v10;
	v15 =	vand.u32 $0x80, v2  }
0x10c: {  	s2 =	sadd.s32 $0x80, s2;
	v13 =	vor.u32 v1, v11;
	v11 =	vor.u32 v1, v16;
	v9 =	vor.u32 v1, v17  }
0x10d: {  	v6 =	vand.u32 $0x7F, v6  }
0x10e: {  	v8 =	vand.u32 $0x7F, v8;
	v6 =	vor.u32 v6, v12  }
0x10f: {  	v7 =	vand.u32 $0x7F, v7;
	v8 =	vor.u32 v8, v10  }
0x110: {  	v5 =	vand.u32 $0x7F, v5;
	v7 =	vor.u32 v7, v13  }
0x111: {  	v4 =	vand.u32 $0x7F, v4;
	v5 =	vor.u32 v5, v11  }
0x112: {  	v3 =	vand.u32 $0x7F, v3;
	v10 =	vor.u32 v1, v14;
	v4 =	vor.u32 v4, v9  }
0x113: {  	v2 =	vand.u32 $0x7F, v2;
	v1 =	vor.u32 v1, v15;
	v3 =	vor.u32 v3, v10;
	[tilespmem:v6+s0+$0x0] =	vst.idx.add.s32.msk $0xffff, v0  }
0x114: {  	v1 =	vor.u32 v2, v1;
	[tilespmem:v8+s0+$0x0] =	vst.idx.add.s32.msk $0xffff, v0  }
0x115: {  	[tilespmem:v7+s0+$0x0] =	vst.idx.add.s32.msk $0xffff, v0  }
0x116: {  	[tilespmem:v5+s0+$0x0] =	vst.idx.add.s32.msk $0xffff, v0  }
0x117: {  	[tilespmem:v4+s0+$0x0] =	vst.idx.add.s32.msk $0xffff, v0  }
0x118: {  	[tilespmem:v3+s0+$0x0] =	vst.idx.add.s32.msk $0xffff, v0  }
0x119: {  	s29 =	simm.s32 $0x5;
	[tilespmem:v1+s0+$0x0] =	vst.idx.add.s32.msk $0xffff, v0  }
0x11a: {  	_ =	swait.ge [sflag:s29], $0x2000  }
0x11b: {  	[sflag:s29] =	ssyncset.done $0x0  }
0x11c: {  	s31 =	simm.s32 $0x8070;
	[sflag:s29] =	ssyncadd.s32 $0xFFFFE000  }
0x11d: {  	v2 =	vld [tilespmem:s31+$0x0]  }
0x11e: {  	v3 =	vld [tilespmem:s31+$0xFFFFFFA0]  }
0x11f: {  	v4 =	vld [tilespmem:s31+$0xFFFFFFB0]  }
0x120: {  	v6 =	vld [tilespmem:s31+$0xFFFFFFD0]  }
0x121: {  	v7 =	vld [tilespmem:s31+$0xFFFFFFE0]  }
0x122: {  	v10 =	vld [tilespmem:s31+$0xFFFFFFF0];
	_ =	sdelay $0x1  }
0x123: {  	v0 =	vlaneseq.u32;
	v5 =	vld [tilespmem:s31+$0xFFFFFFC0]  }
0x124: {  	v1 =	vmul.u32 $0x100, v0;
	v0 =	vimm.s32 $0x1  }
0x125: {  	v8 =	vshra.s32 v2, $0x1F;
	v9 =	vshra.s32 v3, $0x1F;
	v12 =	vshra.s32 v4, $0x1F  }
0x126: {  	v13 =	vshra.s32 v6, $0x1F;
	v15 =	vshra.s32 v7, $0x1F;
	v16 =	vshra.s32 v10, $0x1F  }
0x127: {  	v11 =	vld [tilespmem:s31+$0xFFFFFF90];
	v8 =	vor.u32 $0x80000000, v8;
	v9 =	vor.u32 $0x80000000, v9;
	v13 =	vor.u32 $0x80000000, v13  }
0x128: {  	v2 =	vxor.u32 v2, v8;
	v8 =	vor.u32 $0x80000000, v12;
	v12 =	vshra.s32 v5, $0x1F  }
0x129: {  	v3 =	vxor.u32 v3, v9;
	v9 =	vxor.u32 v6, v13;
	v2 =	vshrl.u32 v2, $0x18  }
0x12a: {  	v12 =	vor.u32 $0x80000000, v12;
	v4 =	vxor.u32 v4, v8;
	v14 =	vand.u32 $0x80, v2  }
0x12b: {  	v8 =	vshrl.u32 v3, $0x18;
	v2 =	vand.u32 $0x7F, v2;
	v14 =	vor.u32 v1, v14  }
0x12c: {  	v5 =	vxor.u32 v5, v12;
	v17 =	vor.u32 v2, v14;
	v2 =	vshra.s32 v11, $0x1F  }
0x12d: {  	v5 =	vshrl.u32 v5, $0x18;
	v14 =	vor.u32 $0x80000000, v15;
	v2 =	vor.u32 $0x80000000, v2  }
0x12e: {  	v15 =	vor.u32 $0x80000000, v16;
	v16 =	vand.u32 $0x80, v5;
	v2 =	vxor.u32 v11, v2  }
0x12f: {  	v10 =	vxor.u32 v10, v15;
	v6 =	vshrl.u32 v2, $0x18;
	v2 =	vxor.u32 v7, v14  }
0x130: {  	v7 =	vshrl.u32 v4, $0x18;
	v4 =	vshrl.u32 v9, $0x18;
	v3 =	vshrl.u32 v2, $0x18  }
0x131: {  	v2 =	vshrl.u32 v10, $0x18;
	v9 =	vand.u32 $0x80, v6;
	v10 =	vand.u32 $0x80, v8  }
0x132: {  	s0 =	simm.s32 $0x10000;
	v11 =	vand.u32 $0x80, v7;
	v18 =	vand.u32 $0x80, v4;
	v14 =	vand.u32 $0x80, v3  }
0x133: {  	[tilespmem:v17+s0+$0x0] =	vst.idx.add.s32.msk $0xffff, v0;
	v12 =	vor.u32 v1, v9;
	v10 =	vor.u32 v1, v10;
	v15 =	vand.u32 $0x80, v2  }
0x134: {  	s1 =	simm.s32 $0x0;
	s2 =	simm.s32 $0x80F0;
	v13 =	vor.u32 v1, v11;
	v11 =	vor.u32 v1, v16;
	v9 =	vor.u32 v1, v18  }
.LBB2_11:
0x135: {  	v16 =	vld [tilespmem:s2+$0x0];
	s1 =	sadd.s32 $0x8, s1;
	v6 =	vand.u32 $0x7F, v6;
	v14 =	vor.u32 v1, v14;
	v15 =	vor.u32 v1, v15  }
0x136: {  	v8 =	vand.u32 $0x7F, v8;
	v7 =	vand.u32 $0x7F, v7;
	v5 =	vand.u32 $0x7F, v5;
	v17 =	vld [tilespmem:s2+$0xFFFFFFA0];
	p0 =	slt.u32 s1, $0x1F8  }
0x137: {  	v4 =	vand.u32 $0x7F, v4;
	v3 =	vand.u32 $0x7F, v3;
	v2 =	vand.u32 $0x7F, v2;
	v18 =	vld [tilespmem:s2+$0xFFFFFFB0]  }
0x138: {  	v6 =	vor.u32 v6, v12;
	v8 =	vor.u32 v8, v10;
	v7 =	vor.u32 v7, v13;
	v19 =	vld [tilespmem:s2+$0xFFFFFFC0]  }
0x139: {  	v5 =	vor.u32 v5, v11;
	v4 =	vor.u32 v4, v9;
	v3 =	vor.u32 v3, v14;
	v10 =	vld [tilespmem:s2+$0xFFFFFFD0]  }
0x13a: {  	v2 =	vor.u32 v2, v15;
	v9 =	vld [tilespmem:s2+$0xFFFFFFE0];
	v11 =	vshra.s32 v16, $0x1F  }
0x13b: {  	v12 =	vshra.s32 v17, $0x1F;
	v13 =	vld [tilespmem:s2+$0xFFFFFFF0];
	v11 =	vor.u32 $0x80000000, v11  }
0x13c: {  	v14 =	vld [tilespmem:s2+$0xFFFFFF90];
	v12 =	vor.u32 $0x80000000, v12;
	v15 =	vshra.s32 v18, $0x1F;
	v11 =	vxor.u32 v16, v11  }
0x13d: {  	v15 =	vor.u32 $0x80000000, v15;
	v16 =	vshra.s32 v19, $0x1F;
	v11 =	vshrl.u32 v11, $0x18;
	[tilespmem:v6+s0+$0x0] =	vst.idx.add.s32.msk $0xffff, v0  }
0x13e: {  	v6 =	vor.u32 $0x80000000, v16;
	v16 =	vshra.s32 v10, $0x1F;
	v20 =	vand.u32 $0x80, v11;
	[tilespmem:v8+s0+$0x0] =	vst.idx.add.s32.msk $0xffff, v0  }
0x13f: {  	v11 =	vand.u32 $0x7F, v11;
	v8 =	vshra.s32 v9, $0x1F;
	v20 =	vor.u32 v1, v20;
	[tilespmem:v7+s0+$0x0] =	vst.idx.add.s32.msk $0xffff, v0  }
0x140: {  	v7 =	vor.u32 $0x80000000, v16;
	v16 =	vshra.s32 v13, $0x1F;
	v11 =	vor.u32 v11, v20;
	[tilespmem:v5+s0+$0x0] =	vst.idx.add.s32.msk $0xffff, v0  }
0x141: {  	v8 =	vor.u32 $0x80000000, v8;
	v5 =	vshra.s32 v14, $0x1F;
	v16 =	vor.u32 $0x80000000, v16;
	[tilespmem:v4+s0+$0x0] =	vst.idx.add.s32.msk $0xffff, v0  }
0x142: {  	v4 =	vor.u32 $0x80000000, v5;
	v5 =	vxor.u32 v17, v12;
	v12 =	vxor.u32 v18, v15;
	[tilespmem:v3+s0+$0x0] =	vst.idx.add.s32.msk $0xffff, v0  }
0x143: {  	v10 =	vxor.u32 v10, v7;
	v3 =	vxor.u32 v14, v4;
	v4 =	vxor.u32 v19, v6  }
0x144: {  	v6 =	vshrl.u32 v3, $0x18;
	v3 =	vxor.u32 v9, v8;
	v9 =	vxor.u32 v13, v16;
	[tilespmem:v2+s0+$0x0] =	vst.idx.add.s32.msk $0xffff, v0  }
0x145: {  	v7 =	vshrl.u32 v12, $0x18;
	v8 =	vshrl.u32 v5, $0x18;
	v5 =	vshrl.u32 v4, $0x18;
	[tilespmem:v11+s0+$0x0] =	vst.idx.add.s32.msk $0xffff, v0  }
.Ltmp5:
0x146: {  	v4 =	vshrl.u32 v10, $0x18;
	v3 =	vshrl.u32 v3, $0x18;
	v2 =	vshrl.u32 v9, $0x18;
	(pc) =	sbr.rel @p0 .LBB2_11-.Ltmp5, $4  }
0x147: {  	v9 =	vand.u32 $0x80, v6;
	v10 =	vand.u32 $0x80, v8;
	v11 =	vand.u32 $0x80, v7  }
0x148: {  	v16 =	vand.u32 $0x80, v5;
	v17 =	vand.u32 $0x80, v4;
	v14 =	vand.u32 $0x80, v3  }
0x149: {  	v12 =	vor.u32 v1, v9;
	v10 =	vor.u32 v1, v10;
	v15 =	vand.u32 $0x80, v2  }
0x14a: {  	s2 =	sadd.s32 $0x80, s2;
	v13 =	vor.u32 v1, v11;
	v11 =	vor.u32 v1, v16;
	v9 =	vor.u32 v1, v17  }
0x14b: {  	v6 =	vand.u32 $0x7F, v6  }
0x14c: {  	v8 =	vand.u32 $0x7F, v8;
	v6 =	vor.u32 v6, v12  }
0x14d: {  	v7 =	vand.u32 $0x7F, v7;
	v8 =	vor.u32 v8, v10  }
0x14e: {  	v5 =	vand.u32 $0x7F, v5;
	v7 =	vor.u32 v7, v13  }
0x14f: {  	v4 =	vand.u32 $0x7F, v4;
	v5 =	vor.u32 v5, v11  }
0x150: {  	v3 =	vand.u32 $0x7F, v3;
	v10 =	vor.u32 v1, v14;
	v4 =	vor.u32 v4, v9  }
0x151: {  	v2 =	vand.u32 $0x7F, v2;
	v1 =	vor.u32 v1, v15;
	v3 =	vor.u32 v3, v10;
	[tilespmem:v6+s0+$0x0] =	vst.idx.add.s32.msk $0xffff, v0  }
0x152: {  	v1 =	vor.u32 v2, v1;
	[tilespmem:v8+s0+$0x0] =	vst.idx.add.s32.msk $0xffff, v0  }
0x153: {  	[tilespmem:v7+s0+$0x0] =	vst.idx.add.s32.msk $0xffff, v0  }
0x154: {  	[tilespmem:v5+s0+$0x0] =	vst.idx.add.s32.msk $0xffff, v0  }
0x155: {  	[tilespmem:v4+s0+$0x0] =	vst.idx.add.s32.msk $0xffff, v0  }
0x156: {  	[tilespmem:v3+s0+$0x0] =	vst.idx.add.s32.msk $0xffff, v0  }
0x157: {  	s29 =	simm.s32 $0x6;
	[tilespmem:v1+s0+$0x0] =	vst.idx.add.s32.msk $0xffff, v0  }
0x158: {  	_ =	swait.ge [sflag:s29], $0x2000  }
0x159: {  	[sflag:s29] =	ssyncset.done $0x0  }
0x15a: {  	s31 =	simm.s32 $0xA070;
	[sflag:s29] =	ssyncadd.s32 $0xFFFFE000  }
0x15b: {  	v2 =	vld [tilespmem:s31+$0x0]  }
0x15c: {  	v3 =	vld [tilespmem:s31+$0xFFFFFFA0]  }
0x15d: {  	v4 =	vld [tilespmem:s31+$0xFFFFFFB0]  }
0x15e: {  	v6 =	vld [tilespmem:s31+$0xFFFFFFD0]  }
0x15f: {  	v7 =	vld [tilespmem:s31+$0xFFFFFFE0]  }
0x160: {  	v10 =	vld [tilespmem:s31+$0xFFFFFFF0];
	_ =	sdelay $0x1  }
0x161: {  	v0 =	vlaneseq.u32;
	v5 =	vld [tilespmem:s31+$0xFFFFFFC0]  }
0x162: {  	v1 =	vmul.u32 $0x100, v0;
	v0 =	vimm.s32 $0x1  }
0x163: {  	v8 =	vshra.s32 v2, $0x1F;
	v9 =	vshra.s32 v3, $0x1F;
	v12 =	vshra.s32 v4, $0x1F  }
0x164: {  	v13 =	vshra.s32 v6, $0x1F;
	v15 =	vshra.s32 v7, $0x1F;
	v16 =	vshra.s32 v10, $0x1F  }
0x165: {  	v11 =	vld [tilespmem:s31+$0xFFFFFF90];
	v8 =	vor.u32 $0x80000000, v8;
	v9 =	vor.u32 $0x80000000, v9;
	v13 =	vor.u32 $0x80000000, v13  }
0x166: {  	v2 =	vxor.u32 v2, v8;
	v8 =	vor.u32 $0x80000000, v12;
	v12 =	vshra.s32 v5, $0x1F  }
0x167: {  	v3 =	vxor.u32 v3, v9;
	v9 =	vxor.u32 v6, v13;
	v2 =	vshrl.u32 v2, $0x18  }
0x168: {  	v12 =	vor.u32 $0x80000000, v12;
	v4 =	vxor.u32 v4, v8;
	v14 =	vand.u32 $0x80, v2  }
0x169: {  	v8 =	vshrl.u32 v3, $0x18;
	v2 =	vand.u32 $0x7F, v2;
	v14 =	vor.u32 v1, v14  }
0x16a: {  	v5 =	vxor.u32 v5, v12;
	v17 =	vor.u32 v2, v14;
	v2 =	vshra.s32 v11, $0x1F  }
0x16b: {  	v5 =	vshrl.u32 v5, $0x18;
	v14 =	vor.u32 $0x80000000, v15;
	v2 =	vor.u32 $0x80000000, v2  }
0x16c: {  	v15 =	vor.u32 $0x80000000, v16;
	v16 =	vand.u32 $0x80, v5;
	v2 =	vxor.u32 v11, v2  }
0x16d: {  	v10 =	vxor.u32 v10, v15;
	v6 =	vshrl.u32 v2, $0x18;
	v2 =	vxor.u32 v7, v14  }
0x16e: {  	v7 =	vshrl.u32 v4, $0x18;
	v4 =	vshrl.u32 v9, $0x18;
	v3 =	vshrl.u32 v2, $0x18  }
0x16f: {  	v2 =	vshrl.u32 v10, $0x18;
	v9 =	vand.u32 $0x80, v6;
	v10 =	vand.u32 $0x80, v8  }
0x170: {  	s0 =	simm.s32 $0x10000;
	v11 =	vand.u32 $0x80, v7;
	v18 =	vand.u32 $0x80, v4;
	v14 =	vand.u32 $0x80, v3  }
0x171: {  	[tilespmem:v17+s0+$0x0] =	vst.idx.add.s32.msk $0xffff, v0;
	v12 =	vor.u32 v1, v9;
	v10 =	vor.u32 v1, v10;
	v15 =	vand.u32 $0x80, v2  }
0x172: {  	s1 =	simm.s32 $0x0;
	s2 =	simm.s32 $0xA0F0;
	v13 =	vor.u32 v1, v11;
	v11 =	vor.u32 v1, v16;
	v9 =	vor.u32 v1, v18  }
.LBB2_13:
0x173: {  	v16 =	vld [tilespmem:s2+$0x0];
	s1 =	sadd.s32 $0x8, s1;
	v6 =	vand.u32 $0x7F, v6;
	v14 =	vor.u32 v1, v14;
	v15 =	vor.u32 v1, v15  }
0x174: {  	v8 =	vand.u32 $0x7F, v8;
	v7 =	vand.u32 $0x7F, v7;
	v5 =	vand.u32 $0x7F, v5;
	v17 =	vld [tilespmem:s2+$0xFFFFFFA0];
	p0 =	slt.u32 s1, $0x1F8  }
0x175: {  	v4 =	vand.u32 $0x7F, v4;
	v3 =	vand.u32 $0x7F, v3;
	v2 =	vand.u32 $0x7F, v2;
	v18 =	vld [tilespmem:s2+$0xFFFFFFB0]  }
0x176: {  	v6 =	vor.u32 v6, v12;
	v8 =	vor.u32 v8, v10;
	v7 =	vor.u32 v7, v13;
	v19 =	vld [tilespmem:s2+$0xFFFFFFC0]  }
0x177: {  	v5 =	vor.u32 v5, v11;
	v4 =	vor.u32 v4, v9;
	v3 =	vor.u32 v3, v14;
	v10 =	vld [tilespmem:s2+$0xFFFFFFD0]  }
0x178: {  	v2 =	vor.u32 v2, v15;
	v9 =	vld [tilespmem:s2+$0xFFFFFFE0];
	v11 =	vshra.s32 v16, $0x1F  }
0x179: {  	v12 =	vshra.s32 v17, $0x1F;
	v13 =	vld [tilespmem:s2+$0xFFFFFFF0];
	v11 =	vor.u32 $0x80000000, v11  }
0x17a: {  	v14 =	vld [tilespmem:s2+$0xFFFFFF90];
	v12 =	vor.u32 $0x80000000, v12;
	v15 =	vshra.s32 v18, $0x1F;
	v11 =	vxor.u32 v16, v11  }
0x17b: {  	v15 =	vor.u32 $0x80000000, v15;
	v16 =	vshra.s32 v19, $0x1F;
	v11 =	vshrl.u32 v11, $0x18;
	[tilespmem:v6+s0+$0x0] =	vst.idx.add.s32.msk $0xffff, v0  }
0x17c: {  	v6 =	vor.u32 $0x80000000, v16;
	v16 =	vshra.s32 v10, $0x1F;
	v20 =	vand.u32 $0x80, v11;
	[tilespmem:v8+s0+$0x0] =	vst.idx.add.s32.msk $0xffff, v0  }
0x17d: {  	v11 =	vand.u32 $0x7F, v11;
	v8 =	vshra.s32 v9, $0x1F;
	v20 =	vor.u32 v1, v20;
	[tilespmem:v7+s0+$0x0] =	vst.idx.add.s32.msk $0xffff, v0  }
0x17e: {  	v7 =	vor.u32 $0x80000000, v16;
	v16 =	vshra.s32 v13, $0x1F;
	v11 =	vor.u32 v11, v20;
	[tilespmem:v5+s0+$0x0] =	vst.idx.add.s32.msk $0xffff, v0  }
0x17f: {  	v8 =	vor.u32 $0x80000000, v8;
	v5 =	vshra.s32 v14, $0x1F;
	v16 =	vor.u32 $0x80000000, v16;
	[tilespmem:v4+s0+$0x0] =	vst.idx.add.s32.msk $0xffff, v0  }
0x180: {  	v4 =	vor.u32 $0x80000000, v5;
	v5 =	vxor.u32 v17, v12;
	v12 =	vxor.u32 v18, v15;
	[tilespmem:v3+s0+$0x0] =	vst.idx.add.s32.msk $0xffff, v0  }
0x181: {  	v10 =	vxor.u32 v10, v7;
	v3 =	vxor.u32 v14, v4;
	v4 =	vxor.u32 v19, v6  }
0x182: {  	v6 =	vshrl.u32 v3, $0x18;
	v3 =	vxor.u32 v9, v8;
	v9 =	vxor.u32 v13, v16;
	[tilespmem:v2+s0+$0x0] =	vst.idx.add.s32.msk $0xffff, v0  }
0x183: {  	v7 =	vshrl.u32 v12, $0x18;
	v8 =	vshrl.u32 v5, $0x18;
	v5 =	vshrl.u32 v4, $0x18;
	[tilespmem:v11+s0+$0x0] =	vst.idx.add.s32.msk $0xffff, v0  }
.Ltmp6:
0x184: {  	v4 =	vshrl.u32 v10, $0x18;
	v3 =	vshrl.u32 v3, $0x18;
	v2 =	vshrl.u32 v9, $0x18;
	(pc) =	sbr.rel @p0 .LBB2_13-.Ltmp6, $4  }
0x185: {  	v9 =	vand.u32 $0x80, v6;
	v10 =	vand.u32 $0x80, v8;
	v11 =	vand.u32 $0x80, v7  }
0x186: {  	v16 =	vand.u32 $0x80, v5;
	v17 =	vand.u32 $0x80, v4;
	v14 =	vand.u32 $0x80, v3  }
0x187: {  	v12 =	vor.u32 v1, v9;
	v10 =	vor.u32 v1, v10;
	v15 =	vand.u32 $0x80, v2  }
0x188: {  	s2 =	sadd.s32 $0x80, s2;
	v13 =	vor.u32 v1, v11;
	v11 =	vor.u32 v1, v16;
	v9 =	vor.u32 v1, v17  }
0x189: {  	v6 =	vand.u32 $0x7F, v6  }
0x18a: {  	v8 =	vand.u32 $0x7F, v8;
	v6 =	vor.u32 v6, v12  }
0x18b: {  	v7 =	vand.u32 $0x7F, v7;
	v8 =	vor.u32 v8, v10  }
0x18c: {  	v5 =	vand.u32 $0x7F, v5;
	v7 =	vor.u32 v7, v13  }
0x18d: {  	v4 =	vand.u32 $0x7F, v4;
	v5 =	vor.u32 v5, v11  }
0x18e: {  	v3 =	vand.u32 $0x7F, v3;
	v10 =	vor.u32 v1, v14;
	v4 =	vor.u32 v4, v9  }
0x18f: {  	v2 =	vand.u32 $0x7F, v2;
	v1 =	vor.u32 v1, v15;
	v3 =	vor.u32 v3, v10;
	[tilespmem:v6+s0+$0x0] =	vst.idx.add.s32.msk $0xffff, v0  }
0x190: {  	v1 =	vor.u32 v2, v1;
	[tilespmem:v8+s0+$0x0] =	vst.idx.add.s32.msk $0xffff, v0  }
0x191: {  	[tilespmem:v7+s0+$0x0] =	vst.idx.add.s32.msk $0xffff, v0  }
0x192: {  	[tilespmem:v5+s0+$0x0] =	vst.idx.add.s32.msk $0xffff, v0  }
0x193: {  	[tilespmem:v4+s0+$0x0] =	vst.idx.add.s32.msk $0xffff, v0  }
0x194: {  	[tilespmem:v3+s0+$0x0] =	vst.idx.add.s32.msk $0xffff, v0  }
0x195: {  	s29 =	simm.s32 $0x7;
	[tilespmem:v1+s0+$0x0] =	vst.idx.add.s32.msk $0xffff, v0  }
0x196: {  	_ =	swait.ge [sflag:s29], $0x2000  }
0x197: {  	[sflag:s29] =	ssyncset.done $0x0  }
0x198: {  	s31 =	simm.s32 $0xC070;
	[sflag:s29] =	ssyncadd.s32 $0xFFFFE000  }
0x199: {  	v2 =	vld [tilespmem:s31+$0x0]  }
0x19a: {  	v3 =	vld [tilespmem:s31+$0xFFFFFFA0]  }
0x19b: {  	v4 =	vld [tilespmem:s31+$0xFFFFFFB0]  }
0x19c: {  	v6 =	vld [tilespmem:s31+$0xFFFFFFD0]  }
0x19d: {  	v7 =	vld [tilespmem:s31+$0xFFFFFFE0]  }
0x19e: {  	v10 =	vld [tilespmem:s31+$0xFFFFFFF0];
	_ =	sdelay $0x1  }
0x19f: {  	v0 =	vlaneseq.u32;
	v5 =	vld [tilespmem:s31+$0xFFFFFFC0]  }
0x1a0: {  	v1 =	vmul.u32 $0x100, v0;
	v0 =	vimm.s32 $0x1  }
0x1a1: {  	v8 =	vshra.s32 v2, $0x1F;
	v9 =	vshra.s32 v3, $0x1F;
	v12 =	vshra.s32 v4, $0x1F  }
0x1a2: {  	v13 =	vshra.s32 v6, $0x1F;
	v15 =	vshra.s32 v7, $0x1F;
	v16 =	vshra.s32 v10, $0x1F  }
0x1a3: {  	v11 =	vld [tilespmem:s31+$0xFFFFFF90];
	v8 =	vor.u32 $0x80000000, v8;
	v9 =	vor.u32 $0x80000000, v9;
	v13 =	vor.u32 $0x80000000, v13  }
0x1a4: {  	v2 =	vxor.u32 v2, v8;
	v8 =	vor.u32 $0x80000000, v12;
	v12 =	vshra.s32 v5, $0x1F  }
0x1a5: {  	v3 =	vxor.u32 v3, v9;
	v9 =	vxor.u32 v6, v13;
	v2 =	vshrl.u32 v2, $0x18  }
0x1a6: {  	v12 =	vor.u32 $0x80000000, v12;
	v4 =	vxor.u32 v4, v8;
	v14 =	vand.u32 $0x80, v2  }
0x1a7: {  	v8 =	vshrl.u32 v3, $0x18;
	v2 =	vand.u32 $0x7F, v2;
	v14 =	vor.u32 v1, v14  }
0x1a8: {  	v5 =	vxor.u32 v5, v12;
	v17 =	vor.u32 v2, v14;
	v2 =	vshra.s32 v11, $0x1F  }
0x1a9: {  	v5 =	vshrl.u32 v5, $0x18;
	v14 =	vor.u32 $0x80000000, v15;
	v2 =	vor.u32 $0x80000000, v2  }
0x1aa: {  	v15 =	vor.u32 $0x80000000, v16;
	v16 =	vand.u32 $0x80, v5;
	v2 =	vxor.u32 v11, v2  }
0x1ab: {  	v10 =	vxor.u32 v10, v15;
	v6 =	vshrl.u32 v2, $0x18;
	v2 =	vxor.u32 v7, v14  }
0x1ac: {  	v7 =	vshrl.u32 v4, $0x18;
	v4 =	vshrl.u32 v9, $0x18;
	v3 =	vshrl.u32 v2, $0x18  }
0x1ad: {  	v2 =	vshrl.u32 v10, $0x18;
	v9 =	vand.u32 $0x80, v6;
	v10 =	vand.u32 $0x80, v8  }
0x1ae: {  	s0 =	simm.s32 $0x10000;
	v11 =	vand.u32 $0x80, v7;
	v18 =	vand.u32 $0x80, v4;
	v14 =	vand.u32 $0x80, v3  }
0x1af: {  	[tilespmem:v17+s0+$0x0] =	vst.idx.add.s32.msk $0xffff, v0;
	v12 =	vor.u32 v1, v9;
	v10 =	vor.u32 v1, v10;
	v15 =	vand.u32 $0x80, v2  }
0x1b0: {  	s1 =	simm.s32 $0x0;
	s2 =	simm.s32 $0xC0F0;
	v13 =	vor.u32 v1, v11;
	v11 =	vor.u32 v1, v16;
	v9 =	vor.u32 v1, v18  }
.LBB2_15:
0x1b1: {  	v16 =	vld [tilespmem:s2+$0x0];
	s1 =	sadd.s32 $0x8, s1;
	v6 =	vand.u32 $0x7F, v6;
	v14 =	vor.u32 v1, v14;
	v15 =	vor.u32 v1, v15  }
0x1b2: {  	v8 =	vand.u32 $0x7F, v8;
	v7 =	vand.u32 $0x7F, v7;
	v5 =	vand.u32 $0x7F, v5;
	v17 =	vld [tilespmem:s2+$0xFFFFFFA0];
	p0 =	slt.u32 s1, $0x1F8  }
0x1b3: {  	v4 =	vand.u32 $0x7F, v4;
	v3 =	vand.u32 $0x7F, v3;
	v2 =	vand.u32 $0x7F, v2;
	v18 =	vld [tilespmem:s2+$0xFFFFFFB0]  }
0x1b4: {  	v6 =	vor.u32 v6, v12;
	v8 =	vor.u32 v8, v10;
	v7 =	vor.u32 v7, v13;
	v19 =	vld [tilespmem:s2+$0xFFFFFFC0]  }
0x1b5: {  	v5 =	vor.u32 v5, v11;
	v4 =	vor.u32 v4, v9;
	v3 =	vor.u32 v3, v14;
	v10 =	vld [tilespmem:s2+$0xFFFFFFD0]  }
0x1b6: {  	v2 =	vor.u32 v2, v15;
	v9 =	vld [tilespmem:s2+$0xFFFFFFE0];
	v11 =	vshra.s32 v16, $0x1F  }
0x1b7: {  	v12 =	vshra.s32 v17, $0x1F;
	v13 =	vld [tilespmem:s2+$0xFFFFFFF0];
	v11 =	vor.u32 $0x80000000, v11  }
0x1b8: {  	v14 =	vld [tilespmem:s2+$0xFFFFFF90];
	v12 =	vor.u32 $0x80000000, v12;
	v15 =	vshra.s32 v18, $0x1F;
	v11 =	vxor.u32 v16, v11  }
0x1b9: {  	v15 =	vor.u32 $0x80000000, v15;
	v16 =	vshra.s32 v19, $0x1F;
	v11 =	vshrl.u32 v11, $0x18;
	[tilespmem:v6+s0+$0x0] =	vst.idx.add.s32.msk $0xffff, v0  }
0x1ba: {  	v6 =	vor.u32 $0x80000000, v16;
	v16 =	vshra.s32 v10, $0x1F;
	v20 =	vand.u32 $0x80, v11;
	[tilespmem:v8+s0+$0x0] =	vst.idx.add.s32.msk $0xffff, v0  }
0x1bb: {  	v11 =	vand.u32 $0x7F, v11;
	v8 =	vshra.s32 v9, $0x1F;
	v20 =	vor.u32 v1, v20;
	[tilespmem:v7+s0+$0x0] =	vst.idx.add.s32.msk $0xffff, v0  }
0x1bc: {  	v7 =	vor.u32 $0x80000000, v16;
	v16 =	vshra.s32 v13, $0x1F;
	v11 =	vor.u32 v11, v20;
	[tilespmem:v5+s0+$0x0] =	vst.idx.add.s32.msk $0xffff, v0  }
0x1bd: {  	v8 =	vor.u32 $0x80000000, v8;
	v5 =	vshra.s32 v14, $0x1F;
	v16 =	vor.u32 $0x80000000, v16;
	[tilespmem:v4+s0+$0x0] =	vst.idx.add.s32.msk $0xffff, v0  }
0x1be: {  	v4 =	vor.u32 $0x80000000, v5;
	v5 =	vxor.u32 v17, v12;
	v12 =	vxor.u32 v18, v15;
	[tilespmem:v3+s0+$0x0] =	vst.idx.add.s32.msk $0xffff, v0  }
0x1bf: {  	v10 =	vxor.u32 v10, v7;
	v3 =	vxor.u32 v14, v4;
	v4 =	vxor.u32 v19, v6  }
0x1c0: {  	v6 =	vshrl.u32 v3, $0x18;
	v3 =	vxor.u32 v9, v8;
	v9 =	vxor.u32 v13, v16;
	[tilespmem:v2+s0+$0x0] =	vst.idx.add.s32.msk $0xffff, v0  }
0x1c1: {  	v7 =	vshrl.u32 v12, $0x18;
	v8 =	vshrl.u32 v5, $0x18;
	v5 =	vshrl.u32 v4, $0x18;
	[tilespmem:v11+s0+$0x0] =	vst.idx.add.s32.msk $0xffff, v0  }
.Ltmp7:
0x1c2: {  	v4 =	vshrl.u32 v10, $0x18;
	v3 =	vshrl.u32 v3, $0x18;
	v2 =	vshrl.u32 v9, $0x18;
	(pc) =	sbr.rel @p0 .LBB2_15-.Ltmp7, $4  }
0x1c3: {  	v9 =	vand.u32 $0x80, v6;
	v10 =	vand.u32 $0x80, v8;
	v11 =	vand.u32 $0x80, v7  }
0x1c4: {  	v16 =	vand.u32 $0x80, v5;
	v17 =	vand.u32 $0x80, v4;
	v14 =	vand.u32 $0x80, v3  }
0x1c5: {  	v12 =	vor.u32 v1, v9;
	v10 =	vor.u32 v1, v10;
	v15 =	vand.u32 $0x80, v2  }
0x1c6: {  	s2 =	sadd.s32 $0x80, s2;
	v13 =	vor.u32 v1, v11;
	v11 =	vor.u32 v1, v16;
	v9 =	vor.u32 v1, v17  }
0x1c7: {  	v6 =	vand.u32 $0x7F, v6  }
0x1c8: {  	v8 =	vand.u32 $0x7F, v8;
	v6 =	vor.u32 v6, v12  }
0x1c9: {  	v7 =	vand.u32 $0x7F, v7;
	v8 =	vor.u32 v8, v10  }
0x1ca: {  	v5 =	vand.u32 $0x7F, v5;
	v7 =	vor.u32 v7, v13  }
0x1cb: {  	v4 =	vand.u32 $0x7F, v4;
	v5 =	vor.u32 v5, v11  }
0x1cc: {  	v3 =	vand.u32 $0x7F, v3;
	v10 =	vor.u32 v1, v14;
	v4 =	vor.u32 v4, v9  }
0x1cd: {  	v2 =	vand.u32 $0x7F, v2;
	v1 =	vor.u32 v1, v15;
	v3 =	vor.u32 v3, v10;
	[tilespmem:v6+s0+$0x0] =	vst.idx.add.s32.msk $0xffff, v0  }
0x1ce: {  	v1 =	vor.u32 v2, v1;
	[tilespmem:v8+s0+$0x0] =	vst.idx.add.s32.msk $0xffff, v0  }
0x1cf: {  	[tilespmem:v7+s0+$0x0] =	vst.idx.add.s32.msk $0xffff, v0  }
0x1d0: {  	[tilespmem:v5+s0+$0x0] =	vst.idx.add.s32.msk $0xffff, v0  }
0x1d1: {  	[tilespmem:v4+s0+$0x0] =	vst.idx.add.s32.msk $0xffff, v0  }
0x1d2: {  	[tilespmem:v3+s0+$0x0] =	vst.idx.add.s32.msk $0xffff, v0  }
0x1d3: {  	s29 =	simm.s32 $0x8;
	[tilespmem:v1+s0+$0x0] =	vst.idx.add.s32.msk $0xffff, v0  }
0x1d4: {  	_ =	swait.ge [sflag:s29], $0x2000  }
0x1d5: {  	[sflag:s29] =	ssyncset.done $0x0  }
0x1d6: {  	s31 =	simm.s32 $0xE070;
	[sflag:s29] =	ssyncadd.s32 $0xFFFFE000  }
0x1d7: {  	v2 =	vld [tilespmem:s31+$0x0]  }
0x1d8: {  	v3 =	vld [tilespmem:s31+$0xFFFFFFA0]  }
0x1d9: {  	v4 =	vld [tilespmem:s31+$0xFFFFFFB0]  }
0x1da: {  	v6 =	vld [tilespmem:s31+$0xFFFFFFD0]  }
0x1db: {  	v7 =	vld [tilespmem:s31+$0xFFFFFFE0]  }
0x1dc: {  	v10 =	vld [tilespmem:s31+$0xFFFFFFF0];
	_ =	sdelay $0x1  }
0x1dd: {  	v0 =	vlaneseq.u32;
	v5 =	vld [tilespmem:s31+$0xFFFFFFC0]  }
0x1de: {  	v1 =	vmul.u32 $0x100, v0;
	v0 =	vimm.s32 $0x1  }
0x1df: {  	v8 =	vshra.s32 v2, $0x1F;
	v9 =	vshra.s32 v3, $0x1F;
	v12 =	vshra.s32 v4, $0x1F  }
0x1e0: {  	v13 =	vshra.s32 v6, $0x1F;
	v15 =	vshra.s32 v7, $0x1F;
	v16 =	vshra.s32 v10, $0x1F  }
0x1e1: {  	v11 =	vld [tilespmem:s31+$0xFFFFFF90];
	v8 =	vor.u32 $0x80000000, v8;
	v9 =	vor.u32 $0x80000000, v9;
	v13 =	vor.u32 $0x80000000, v13  }
0x1e2: {  	v2 =	vxor.u32 v2, v8;
	v8 =	vor.u32 $0x80000000, v12;
	v12 =	vshra.s32 v5, $0x1F  }
0x1e3: {  	v3 =	vxor.u32 v3, v9;
	v9 =	vxor.u32 v6, v13;
	v2 =	vshrl.u32 v2, $0x18  }
0x1e4: {  	v12 =	vor.u32 $0x80000000, v12;
	v4 =	vxor.u32 v4, v8;
	v14 =	vand.u32 $0x80, v2  }
0x1e5: {  	v8 =	vshrl.u32 v3, $0x18;
	v2 =	vand.u32 $0x7F, v2;
	v14 =	vor.u32 v1, v14  }
0x1e6: {  	v5 =	vxor.u32 v5, v12;
	v17 =	vor.u32 v2, v14;
	v2 =	vshra.s32 v11, $0x1F  }
0x1e7: {  	v5 =	vshrl.u32 v5, $0x18;
	v14 =	vor.u32 $0x80000000, v15;
	v2 =	vor.u32 $0x80000000, v2  }
0x1e8: {  	v15 =	vor.u32 $0x80000000, v16;
	v16 =	vand.u32 $0x80, v5;
	v2 =	vxor.u32 v11, v2  }
0x1e9: {  	v10 =	vxor.u32 v10, v15;
	v6 =	vshrl.u32 v2, $0x18;
	v2 =	vxor.u32 v7, v14  }
0x1ea: {  	v7 =	vshrl.u32 v4, $0x18;
	v4 =	vshrl.u32 v9, $0x18;
	v3 =	vshrl.u32 v2, $0x18  }
0x1eb: {  	v2 =	vshrl.u32 v10, $0x18;
	v9 =	vand.u32 $0x80, v6;
	v10 =	vand.u32 $0x80, v8  }
0x1ec: {  	s0 =	simm.s32 $0x10000;
	v11 =	vand.u32 $0x80, v7;
	v18 =	vand.u32 $0x80, v4;
	v14 =	vand.u32 $0x80, v3  }
0x1ed: {  	[tilespmem:v17+s0+$0x0] =	vst.idx.add.s32.msk $0xffff, v0;
	v12 =	vor.u32 v1, v9;
	v10 =	vor.u32 v1, v10;
	v15 =	vand.u32 $0x80, v2  }
0x1ee: {  	s1 =	simm.s32 $0x0;
	s2 =	simm.s32 $0xE0F0;
	v13 =	vor.u32 v1, v11;
	v11 =	vor.u32 v1, v16;
	v9 =	vor.u32 v1, v18  }
.LBB2_17:
0x1ef: {  	v16 =	vld [tilespmem:s2+$0x0];
	s1 =	sadd.s32 $0x8, s1;
	v6 =	vand.u32 $0x7F, v6;
	v14 =	vor.u32 v1, v14;
	v15 =	vor.u32 v1, v15  }
0x1f0: {  	v8 =	vand.u32 $0x7F, v8;
	v7 =	vand.u32 $0x7F, v7;
	v5 =	vand.u32 $0x7F, v5;
	v17 =	vld [tilespmem:s2+$0xFFFFFFA0];
	p0 =	slt.u32 s1, $0x1F8  }
0x1f1: {  	v4 =	vand.u32 $0x7F, v4;
	v3 =	vand.u32 $0x7F, v3;
	v2 =	vand.u32 $0x7F, v2;
	v18 =	vld [tilespmem:s2+$0xFFFFFFB0]  }
0x1f2: {  	v6 =	vor.u32 v6, v12;
	v8 =	vor.u32 v8, v10;
	v7 =	vor.u32 v7, v13;
	v19 =	vld [tilespmem:s2+$0xFFFFFFC0]  }
0x1f3: {  	v5 =	vor.u32 v5, v11;
	v4 =	vor.u32 v4, v9;
	v3 =	vor.u32 v3, v14;
	v10 =	vld [tilespmem:s2+$0xFFFFFFD0]  }
0x1f4: {  	v2 =	vor.u32 v2, v15;
	v9 =	vld [tilespmem:s2+$0xFFFFFFE0];
	v11 =	vshra.s32 v16, $0x1F  }
0x1f5: {  	v12 =	vshra.s32 v17, $0x1F;
	v13 =	vld [tilespmem:s2+$0xFFFFFFF0];
	v11 =	vor.u32 $0x80000000, v11  }
0x1f6: {  	v14 =	vld [tilespmem:s2+$0xFFFFFF90];
	v12 =	vor.u32 $0x80000000, v12;
	v15 =	vshra.s32 v18, $0x1F;
	v11 =	vxor.u32 v16, v11  }
0x1f7: {  	v15 =	vor.u32 $0x80000000, v15;
	v16 =	vshra.s32 v19, $0x1F;
	v11 =	vshrl.u32 v11, $0x18;
	[tilespmem:v6+s0+$0x0] =	vst.idx.add.s32.msk $0xffff, v0  }
0x1f8: {  	v6 =	vor.u32 $0x80000000, v16;
	v16 =	vshra.s32 v10, $0x1F;
	v20 =	vand.u32 $0x80, v11;
	[tilespmem:v8+s0+$0x0] =	vst.idx.add.s32.msk $0xffff, v0  }
0x1f9: {  	v11 =	vand.u32 $0x7F, v11;
	v8 =	vshra.s32 v9, $0x1F;
	v20 =	vor.u32 v1, v20;
	[tilespmem:v7+s0+$0x0] =	vst.idx.add.s32.msk $0xffff, v0  }
0x1fa: {  	v7 =	vor.u32 $0x80000000, v16;
	v16 =	vshra.s32 v13, $0x1F;
	v11 =	vor.u32 v11, v20;
	[tilespmem:v5+s0+$0x0] =	vst.idx.add.s32.msk $0xffff, v0  }
0x1fb: {  	v8 =	vor.u32 $0x80000000, v8;
	v5 =	vshra.s32 v14, $0x1F;
	v16 =	vor.u32 $0x80000000, v16;
	[tilespmem:v4+s0+$0x0] =	vst.idx.add.s32.msk $0xffff, v0  }
0x1fc: {  	v4 =	vor.u32 $0x80000000, v5;
	v5 =	vxor.u32 v17, v12;
	v12 =	vxor.u32 v18, v15;
	[tilespmem:v3+s0+$0x0] =	vst.idx.add.s32.msk $0xffff, v0  }
0x1fd: {  	v10 =	vxor.u32 v10, v7;
	v3 =	vxor.u32 v14, v4;
	v4 =	vxor.u32 v19, v6  }
0x1fe: {  	v6 =	vshrl.u32 v3, $0x18;
	v3 =	vxor.u32 v9, v8;
	v9 =	vxor.u32 v13, v16;
	[tilespmem:v2+s0+$0x0] =	vst.idx.add.s32.msk $0xffff, v0  }
0x1ff: {  	v7 =	vshrl.u32 v12, $0x18;
	v8 =	vshrl.u32 v5, $0x18;
	v5 =	vshrl.u32 v4, $0x18;
	[tilespmem:v11+s0+$0x0] =	vst.idx.add.s32.msk $0xffff, v0  }
.Ltmp8:
0x200: {  	v4 =	vshrl.u32 v10, $0x18;
	v3 =	vshrl.u32 v3, $0x18;
	v2 =	vshrl.u32 v9, $0x18;
	(pc) =	sbr.rel @p0 .LBB2_17-.Ltmp8, $4  }
0x201: {  	v9 =	vand.u32 $0x80, v6;
	v10 =	vand.u32 $0x80, v8;
	v11 =	vand.u32 $0x80, v7  }
0x202: {  	v16 =	vand.u32 $0x80, v5;
	v17 =	vand.u32 $0x80, v4;
	v14 =	vand.u32 $0x80, v3  }
0x203: {  	v12 =	vor.u32 v1, v9;
	v10 =	vor.u32 v1, v10;
	v15 =	vand.u32 $0x80, v2  }
0x204: {  	s2 =	sadd.s32 $0x80, s2;
	v13 =	vor.u32 v1, v11;
	v11 =	vor.u32 v1, v16;
	v9 =	vor.u32 v1, v17  }
0x205: {  	v6 =	vand.u32 $0x7F, v6  }
0x206: {  	v8 =	vand.u32 $0x7F, v8;
	v6 =	vor.u32 v6, v12  }
0x207: {  	v7 =	vand.u32 $0x7F, v7;
	v8 =	vor.u32 v8, v10  }
0x208: {  	v5 =	vand.u32 $0x7F, v5;
	v7 =	vor.u32 v7, v13  }
0x209: {  	v4 =	vand.u32 $0x7F, v4;
	v5 =	vor.u32 v5, v11  }
0x20a: {  	v59 =	vor.u32 v1, v14;
	v3 =	vand.u32 $0x7F, v3;
	v4 =	vor.u32 v4, v9  }
0x20b: {  	v1 =	vor.u32 v1, v15;
	v2 =	vand.u32 $0x7F, v2;
	v3 =	vor.u32 v3, v59;
	[tilespmem:v6+s0+$0x0] =	vst.idx.add.s32.msk $0xffff, v0  }
0x20c: {  	v1 =	vor.u32 v2, v1;
	[tilespmem:v8+s0+$0x0] =	vst.idx.add.s32.msk $0xffff, v0  }
0x20d: {  	[tilespmem:v7+s0+$0x0] =	vst.idx.add.s32.msk $0xffff, v0  }
0x20e: {  	[tilespmem:v5+s0+$0x0] =	vst.idx.add.s32.msk $0xffff, v0  }
0x20f: {  	[tilespmem:v4+s0+$0x0] =	vst.idx.add.s32.msk $0xffff, v0  }
0x210: {  	s1 =	simm.s32 $0x0;
	[tilespmem:v3+s0+$0x0] =	vst.idx.add.s32.msk $0xffff, v0  }
0x211: {  	s29 =	sand.u32 $0xF0, s1;
	[tilespmem:v1+s0+$0x0] =	vst.idx.add.s32.msk $0xffff, v0  }
0x212: {  	v0 =	vld [tilespmem:s29+$0x10100]  }
0x213: {  	v1 =	vld [tilespmem:s29+$0x10000]  }
0x214: {  	v2 =	vld [tilespmem:s29+$0x10200]  }
0x215: {  	v3 =	vld [tilespmem:s29+$0x10300]  }
0x216: {  	v4 =	vld [tilespmem:s29+$0x10400]  }
0x217: {  	v5 =	vld [tilespmem:s29+$0x10500]  }
0x218: {  	v0 =	vadd.s32 v1, v0;
	v1 =	vld [tilespmem:s29+$0x10600]  }
0x219: {  	v0 =	vadd.s32 v0, v2;
	v2 =	vld [tilespmem:s29+$0x10700]  }
0x21a: {  	v0 =	vadd.s32 v0, v3;
	v3 =	vld [tilespmem:s29+$0x10800]  }
0x21b: {  	v60 =	vld [tilespmem:s29+$0x10900];
	v0 =	vadd.s32 v0, v4  }
0x21c: {  	v61 =	vld [tilespmem:s29+$0x10A00];
	v0 =	vadd.s32 v0, v5  }
0x21d: {  	v0 =	vadd.s32 v0, v1;
	v1 =	vld [tilespmem:s29+$0x10B00]  }
0x21e: {  	v0 =	vadd.s32 v0, v2;
	v2 =	vld [tilespmem:s29+$0x10C00]  }
0x21f: {  	v0 =	vadd.s32 v0, v3;
	v3 =	vld [tilespmem:s29+$0x10D00]  }
0x220: {  	v62 =	vld [tilespmem:s29+$0x10E00];
	v0 =	vadd.s32 v0, v60  }
0x221: {  	v63 =	vld [tilespmem:s29+$0x10F00];
	v0 =	vadd.s32 v0, v61  }
0x222: {  	v0 =	vadd.s32 v0, v1  }
0x223: {  	v0 =	vadd.s32 v0, v2  }
0x224: {  	v0 =	vadd.s32 v0, v3  }
0x225: {  	v0 =	vadd.s32 v0, v62  }
0x226: {  	s31 =	simm.s32 $0x10;
	s0 =	simm.s32 $0x11000;
	v0 =	vadd.s32 v0, v63  }
0x227: {  	s1 =	sand.u32 $0xF0, s31;
	[tilespmem:s0+$0x0] =	vst v0  }
0x228: {  	s2 =	simm.s32 $0x20;
	v0 =	vld [tilespmem:s1+$0x10100]  }
.LBB2_19:
0x229: {  	p0 =	sne.s32 s2, $0xF0;
	v1 =	vld [tilespmem:s1+$0x10000]  }
0x22a: {  	v2 =	vld [tilespmem:s1+$0x10200]  }
0x22b: {  	v3 =	vld [tilespmem:s1+$0x10300]  }
0x22c: {  	v4 =	vld [tilespmem:s1+$0x10400]  }
0x22d: {  	v5 =	vld [tilespmem:s1+$0x10500]  }
0x22e: {  	v0 =	vadd.s32 v1, v0;
	v1 =	vld [tilespmem:s1+$0x10600]  }
0x22f: {  	v0 =	vadd.s32 v0, v2;
	v2 =	vld [tilespmem:s1+$0x10700]  }
0x230: {  	v0 =	vadd.s32 v0, v3;
	v3 =	vld [tilespmem:s1+$0x10800]  }
0x231: {  	v0 =	vadd.s32 v0, v4;
	v4 =	vld [tilespmem:s1+$0x10900]  }
0x232: {  	v0 =	vadd.s32 v0, v5;
	v5 =	vld [tilespmem:s1+$0x10A00]  }
0x233: {  	v0 =	vadd.s32 v0, v1;
	v1 =	vld [tilespmem:s1+$0x10B00]  }
0x234: {  	v0 =	vadd.s32 v0, v2;
	v2 =	vld [tilespmem:s1+$0x10C00]  }
0x235: {  	v0 =	vadd.s32 v0, v3;
	v3 =	vld [tilespmem:s1+$0x10D00]  }
0x236: {  	v0 =	vadd.s32 v0, v4;
	v4 =	vld [tilespmem:s1+$0x10E00]  }
0x237: {  	v0 =	vadd.s32 v0, v5;
	v5 =	vld [tilespmem:s1+$0x10F00]  }
0x238: {  	v0 =	vadd.s32 v0, v1  }
0x239: {  	v0 =	vadd.s32 v0, v2  }
.Ltmp9:
0x23a: {  	v0 =	vadd.s32 v0, v3;
	(pc) =	sbr.rel @p0 .LBB2_19-.Ltmp9, $4  }
0x23b: {  	v0 =	vadd.s32 v0, v4  }
0x23c: {  	s0 =	sadd.s32 $0x10, s0;
	v0 =	vadd.s32 v0, v5  }
0x23d: {  	s1 =	sand.u32 $0xF0, s2;
	[tilespmem:s0+$0x0] =	vst v0  }
0x23e: {  	s2 =	sadd.s32 $0x10, s2;
	v0 =	vld [tilespmem:s1+$0x10100]  }
0x23f: {  	v1 =	vld [tilespmem:s1+$0x10000]  }
0x240: {  	v2 =	vld [tilespmem:s1+$0x10200]  }
0x241: {  	v3 =	vld [tilespmem:s1+$0x10300]  }
0x242: {  	v4 =	vld [tilespmem:s1+$0x10400]  }
0x243: {  	v5 =	vld [tilespmem:s1+$0x10500]  }
0x244: {  	v0 =	vadd.s32 v1, v0;
	v1 =	vld [tilespmem:s1+$0x10600]  }
0x245: {  	v0 =	vadd.s32 v0, v2;
	v2 =	vld [tilespmem:s1+$0x10700]  }
0x246: {  	v0 =	vadd.s32 v0, v3;
	v3 =	vld [tilespmem:s1+$0x10800]  }
0x247: {  	v0 =	vadd.s32 v0, v4;
	v4 =	vld [tilespmem:s1+$0x10900]  }
0x248: {  	v0 =	vadd.s32 v0, v5;
	v5 =	vld [tilespmem:s1+$0x10A00]  }
0x249: {  	v0 =	vadd.s32 v0, v1;
	v1 =	vld [tilespmem:s1+$0x10B00]  }
0x24a: {  	v0 =	vadd.s32 v0, v2;
	v2 =	vld [tilespmem:s1+$0x10C00]  }
0x24b: {  	v0 =	vadd.s32 v0, v3;
	v3 =	vld [tilespmem:s1+$0x10D00]  }
0x24c: {  	v0 =	vadd.s32 v0, v4;
	v4 =	vld [tilespmem:s1+$0x10E00]  }
0x24d: {  	v0 =	vadd.s32 v0, v5;
	v5 =	vld [tilespmem:s1+$0x10F00]  }
0x24e: {  	v0 =	vadd.s32 v0, v1  }
0x24f: {  	v0 =	vadd.s32 v0, v2  }
0x250: {  	v0 =	vadd.s32 v0, v3  }
0x251: {  	v0 =	vadd.s32 v0, v4  }
0x252: {  	s0 =	sadd.s32 $0x10, s0;
	s19 =	sshll.u32 s10, $0x4;
	v0 =	vadd.s32 v0, v5  }
0x253: {  	s6 =	sadd.s32 s19, s30;
	[tilespmem:s0+$0x0] =	vst v0;
	s0 =	simm.s32 $0x11000  }
0x254: {  	[spmem:s6] =	stream.linear.scatter [tilespmem:s0], [sflag:$0x1], $0x10, $0x38;
	[tilespmem:$0x11750] =	vst v63  }
0x255: {  	s2 =	simm.s32 $0x11010;
	s1 =	sadd.s32 $0x100, s6  }
0x256: {  	[spmem:s1] =	stream.linear.scatter [tilespmem:s2], [sflag:$0x2], $0x10, $0x38;
	[tilespmem:$0x11750] =	vst v63  }
0x257: {  	s21 =	simm.s32 $0x11020;
	s20 =	sadd.s32 $0x200, s6  }
0x258: {  	[spmem:s20] =	stream.linear.scatter [tilespmem:s21], [sflag:$0x3], $0x10, $0x38;
	[tilespmem:$0x11750] =	vst v63  }
0x259: {  	s23 =	simm.s32 $0x11030;
	s22 =	sadd.s32 $0x300, s6  }
0x25a: {  	[spmem:s22] =	stream.linear.scatter [tilespmem:s23], [sflag:$0x4], $0x10, $0x38;
	[tilespmem:$0x11750] =	vst v63  }
0x25b: {  	s25 =	simm.s32 $0x11040;
	s24 =	sadd.s32 $0x400, s6  }
0x25c: {  	[spmem:s24] =	stream.linear.scatter [tilespmem:s25], [sflag:$0x5], $0x10, $0x38;
	[tilespmem:$0x11750] =	vst v63  }
0x25d: {  	s28 =	simm.s32 $0x11050;
	s26 =	sadd.s32 $0x500, s6  }
0x25e: {  	[spmem:s26] =	stream.linear.scatter [tilespmem:s28], [sflag:$0x6], $0x10, $0x38;
	[tilespmem:$0x11750] =	vst v63  }
0x25f: {  	s31 =	simm.s32 $0x11060;
	s29 =	sadd.s32 $0x600, s6  }
0x260: {  	[spmem:s29] =	stream.linear.scatter [tilespmem:s31], [sflag:$0x7], $0x10, $0x38;
	[tilespmem:$0x11750] =	vst v63  }
0x261: {  	s4 =	simm.s32 $0x11070;
	s3 =	sadd.s32 $0x700, s6  }
0x262: {  	[spmem:s3] =	stream.linear.scatter [tilespmem:s4], [sflag:$0x8], $0x10, $0x38;
	[tilespmem:$0x11750] =	vst v63  }
0x263: {  	s7 =	simm.s32 $0x11080;
	s5 =	sadd.s32 $0x800, s6  }
0x264: {  	[spmem:s5] =	stream.linear.scatter [tilespmem:s7], [sflag:$0x9], $0x10, $0x38;
	[tilespmem:$0x11750] =	vst v63  }
0x265: {  	s9 =	simm.s32 $0x11090;
	s8 =	sadd.s32 $0x900, s6  }
0x266: {  	[spmem:s8] =	stream.linear.scatter [tilespmem:s9], [sflag:$0xA], $0x10, $0x38;
	[tilespmem:$0x11750] =	vst v63  }
0x267: {  	s12 =	simm.s32 $0x110A0;
	s11 =	sadd.s32 $0xA00, s6  }
0x268: {  	[spmem:s11] =	stream.linear.scatter [tilespmem:s12], [sflag:$0xB], $0x10, $0x38;
	[tilespmem:$0x11750] =	vst v63  }
0x269: {  	s14 =	simm.s32 $0x110B0;
	s13 =	sadd.s32 $0xB00, s6  }
0x26a: {  	[spmem:s13] =	stream.linear.scatter [tilespmem:s14], [sflag:$0xC], $0x10, $0x38;
	[tilespmem:$0x11750] =	vst v63  }
0x26b: {  	s16 =	simm.s32 $0x110C0;
	s15 =	sadd.s32 $0xC00, s6  }
0x26c: {  	[spmem:s15] =	stream.linear.scatter [tilespmem:s16], [sflag:$0xD], $0x10, $0x38;
	[tilespmem:$0x11750] =	vst v63  }
0x26d: {  	s18 =	simm.s32 $0x110D0;
	s17 =	sadd.s32 $0xD00, s6  }
0x26e: {  	[spmem:s17] =	stream.linear.scatter [tilespmem:s18], [sflag:$0xE], $0x10, $0x38;
	[tilespmem:$0x11750] =	vst v63  }
0x26f: {  	[dreg:$0x5] =	wrdreg s19;
	s19 =	sadd.s32 $0xE00, s6;
	s20 =	simm.s32 $0x110E0  }
0x270: {  	[spmem:s19] =	stream.linear.scatter [tilespmem:s20], [sflag:$0xF], $0x10, $0x38;
	[tilespmem:$0x11750] =	vst v63  }
0x271: {  	s21 =	sadd.s32 $0xF00, s6;
	s22 =	simm.s32 $0x110F0;
	s23 =	simm.s32 $0x1  }
0x272: {  	[spmem:s21] =	stream.linear.scatter [tilespmem:s22], [sflag:$0x10], $0x10, $0x38;
	[tilespmem:$0x11750] =	vst v63  }
0x273: {  	_ =	swait.ge [sflag:s23], $0x10  }
0x274: {  	[sflag:s23] =	ssyncset.done $0x0  }
0x275: {  	s24 =	simm.s32 $0x2;
	[sflag:s23] =	ssyncadd.s32 $0xFFFFFFF0  }
0x276: {  	_ =	swait.ge [sflag:s24], $0x10  }
0x277: {  	[sflag:s24] =	ssyncset.done $0x0  }
0x278: {  	s25 =	simm.s32 $0x3;
	[sflag:s24] =	ssyncadd.s32 $0xFFFFFFF0  }
0x279: {  	_ =	swait.ge [sflag:s25], $0x10  }
0x27a: {  	[sflag:s25] =	ssyncset.done $0x0  }
0x27b: {  	s26 =	simm.s32 $0x4;
	[sflag:s25] =	ssyncadd.s32 $0xFFFFFFF0  }
0x27c: {  	_ =	swait.ge [sflag:s26], $0x10  }
0x27d: {  	[sflag:s26] =	ssyncset.done $0x0  }
0x27e: {  	s28 =	simm.s32 $0x5;
	[sflag:s26] =	ssyncadd.s32 $0xFFFFFFF0  }
0x27f: {  	_ =	swait.ge [sflag:s28], $0x10  }
0x280: {  	[sflag:s28] =	ssyncset.done $0x0  }
0x281: {  	s29 =	simm.s32 $0x6;
	[sflag:s28] =	ssyncadd.s32 $0xFFFFFFF0  }
0x282: {  	_ =	swait.ge [sflag:s29], $0x10  }
0x283: {  	[sflag:s29] =	ssyncset.done $0x0  }
0x284: {  	s31 =	simm.s32 $0x7;
	[sflag:s29] =	ssyncadd.s32 $0xFFFFFFF0  }
0x285: {  	_ =	swait.ge [sflag:s31], $0x10  }
0x286: {  	[sflag:s31] =	ssyncset.done $0x0  }
0x287: {  	s2 =	simm.s32 $0x8;
	[sflag:s31] =	ssyncadd.s32 $0xFFFFFFF0  }
0x288: {  	_ =	swait.ge [sflag:s2], $0x10  }
0x289: {  	[sflag:s2] =	ssyncset.done $0x0  }
0x28a: {  	s3 =	simm.s32 $0x9;
	[sflag:s2] =	ssyncadd.s32 $0xFFFFFFF0  }
0x28b: {  	_ =	swait.ge [sflag:s3], $0x10  }
0x28c: {  	[sflag:s3] =	ssyncset.done $0x0  }
0x28d: {  	s4 =	simm.s32 $0xA;
	[sflag:s3] =	ssyncadd.s32 $0xFFFFFFF0  }
0x28e: {  	_ =	swait.ge [sflag:s4], $0x10  }
0x28f: {  	[sflag:s4] =	ssyncset.done $0x0  }
0x290: {  	s5 =	simm.s32 $0xB;
	[sflag:s4] =	ssyncadd.s32 $0xFFFFFFF0  }
0x291: {  	_ =	swait.ge [sflag:s5], $0x10  }
0x292: {  	[sflag:s5] =	ssyncset.done $0x0  }
0x293: {  	s7 =	simm.s32 $0xC;
	[sflag:s5] =	ssyncadd.s32 $0xFFFFFFF0  }
0x294: {  	_ =	swait.ge [sflag:s7], $0x10  }
0x295: {  	[sflag:s7] =	ssyncset.done $0x0  }
0x296: {  	s8 =	simm.s32 $0xD;
	[sflag:s7] =	ssyncadd.s32 $0xFFFFFFF0  }
0x297: {  	_ =	swait.ge [sflag:s8], $0x10  }
0x298: {  	[sflag:s8] =	ssyncset.done $0x0  }
0x299: {  	s9 =	simm.s32 $0xE;
	[sflag:s8] =	ssyncadd.s32 $0xFFFFFFF0  }
0x29a: {  	_ =	swait.ge [sflag:s9], $0x10  }
0x29b: {  	[sflag:s9] =	ssyncset.done $0x0  }
0x29c: {  	s11 =	simm.s32 $0xF;
	[sflag:s9] =	ssyncadd.s32 $0xFFFFFFF0  }
0x29d: {  	_ =	swait.ge [sflag:s11], $0x10  }
0x29e: {  	[sflag:s11] =	ssyncset.done $0x0  }
0x29f: {  	s12 =	simm.s32 $0x10;
	[sflag:s11] =	ssyncadd.s32 $0xFFFFFFF0  }
0x2a0: {  	_ =	swait.ge [sflag:s12], $0x10  }
0x2a1: {  	[sflag:s12] =	ssyncset.done $0x0  }
0x2a2: {  	s13 =	sshll.u32 s10, $0x8;
	[sflag:s12] =	ssyncadd.s32 $0xFFFFFFF0  }
0x2a3: {  	s14 =	simm.s32 $0x11;
	s7 =	sadd.s32 s13, s30;
	[bflag:$0x0] =	sbarrier.arrive $0xFFFF  }
0x2a4: {  	[tilespmem:s0], [sflag:$0x11] =	stream.linear.gather [spmem:s7], $0x100, $0x38;
	[tilespmem:$0x11750] =	vst v63  }
0x2a5: {  	_ =	swait.ge [sflag:s14], $0x100  }
0x2a6: {  	[sflag:s14] =	ssyncset.done $0x0  }
0x2a7: {  	[sflag:s14] =	ssyncadd.s32 $0xFFFFFF00  }
0x2a8: {  	v0 =	vld [tilespmem:$0x11000]  }
0x2a9: {  	v1 =	vld [tilespmem:$0x11010]  }
0x2aa: {  	v2 =	vld [tilespmem:$0x11020]  }
0x2ab: {  	v3 =	vld [tilespmem:$0x11030]  }
0x2ac: {  	v4 =	vld [tilespmem:$0x11040]  }
0x2ad: {  	v5 =	vld [tilespmem:$0x11050]  }
0x2ae: {  	v0 =	vadd.s32 v0, v1;
	v1 =	vld [tilespmem:$0x11060]  }
0x2af: {  	v0 =	vadd.s32 v0, v2;
	v2 =	vld [tilespmem:$0x11070]  }
0x2b0: {  	v0 =	vadd.s32 v0, v3;
	v3 =	vld [tilespmem:$0x11080]  }
0x2b1: {  	v0 =	vadd.s32 v0, v4;
	v4 =	vld [tilespmem:$0x11090]  }
0x2b2: {  	v0 =	vadd.s32 v0, v5;
	v5 =	vld [tilespmem:$0x110A0]  }
0x2b3: {  	v0 =	vadd.s32 v0, v1;
	v1 =	vld [tilespmem:$0x110B0]  }
0x2b4: {  	v0 =	vadd.s32 v0, v2;
	v2 =	vld [tilespmem:$0x110C0]  }
0x2b5: {  	v0 =	vadd.s32 v0, v3;
	v3 =	vld [tilespmem:$0x110D0]  }
0x2b6: {  	v0 =	vadd.s32 v0, v4;
	v4 =	vld [tilespmem:$0x110E0]  }
0x2b7: {  	v0 =	vadd.s32 v0, v5;
	v5 =	vld [tilespmem:$0x110F0]  }
0x2b8: {  	v0 =	vadd.s32 v0, v1  }
0x2b9: {  	v0 =	vadd.s32 v0, v2  }
0x2ba: {  	v0 =	vadd.s32 v0, v3  }
0x2bb: {  	v0 =	vadd.s32 v0, v4  }
0x2bc: {  	v0 =	vadd.s32 v0, v5  }
0x2bd: {  	s15 =	sadd.s32 $0x4000, s6;
	s3 =	simm.s32 $0x11100;
	[tilespmem:$0x11100] =	vst v0  }
0x2be: {  	[spmem:s15] =	stream.linear.scatter [tilespmem:s3], [sflag:$0x11], $0x10, $0x38;
	[tilespmem:$0x11750] =	vst v63  }
0x2bf: {  	_ =	swait.ge [sflag:s14], $0x10  }
0x2c0: {  	[sflag:s14] =	ssyncset.done $0x0  }
0x2c1: {  	[sflag:s14] =	ssyncadd.s32 $0xFFFFFFF0  }
0x2c2: {  	s16 =	sadd.s32 $0x4000, s30;
	[bflag:$0x0] =	sbarrier.arrive $0xFFFF  }
0x2c3: {  	[tilespmem:s0], [sflag:$0x11] =	stream.linear.gather [spmem:s16], $0x100, $0x38;
	[tilespmem:$0x11750] =	vst v63  }
0x2c4: {  	_ =	swait.ge [sflag:s14], $0x100  }
0x2c5: {  	[sflag:s14] =	ssyncset.done $0x0  }
0x2c6: {  	s17 =	simm.s32 $0x0;
	[sflag:s14] =	ssyncadd.s32 $0xFFFFFF00  }
0x2c7: {  	v1 =	vld [tilespmem:s17+$0x11000]  }
0x2c8: {  	s18 =	simm.s32 $0x10  }
0x2c9: {  	v4 =	vld [tilespmem:s18+$0x11000];
	_ =	sdelay $0x2  }
0x2ca: {  	(xrf0) =	vadd.scan.msk.s32 $0xffff, v1;
	_ =	sdelay $0x1  }
0x2cb: {  	(xrf0) =	vadd.scan.msk.s32 $0xffff, v4  }
0x2cc: {  	s19 =	simm.s32 $0x20  }
0x2cd: {  	v5 =	vld [tilespmem:s19+$0x11000];
	_ =	sdelay $0x1  }
0x2ce: {  	v0, _, _ =	vpop (xrf0)  }
0x2cf: {  	(v2sf) =	vpush v0, $0xF  }
0x2d0: {  	v2, _, _ =	vpop (xrf0)  }
0x2d1: {  	(xrf0) =	vadd.scan.msk.s32 $0xffff, v5;
	(v2sf) =	vpush v2, $0xF;
	_ =	sdelay $0x1  }
0x2d2: {  	s20 =	simm.s32 $0x30  }
0x2d3: {  	v7 =	vld [tilespmem:s20+$0x11000];
	_ =	sdelay $0x2  }
0x2d4: {  	v6, _, _ =	vpop (xrf0)  }
0x2d5: {  	(v2sf) =	vpush v6, $0xF  }
0x2d6: {  	s0 =	simm.s32 $0x0;
	(xrf0) =	vadd.scan.msk.s32 $0xffff, v7  }
0x2d7: {  	v3 =	vadd.s32 s0, v0  }
0x2d8: {  	v0 =	vimm.s32 $0x0;
	vm0 =	vlt.s32 v3, $0xCCCC  }
0x2d9: {  	s21 =	simm.s32 $0x40;
	v3 =	vsel vm0, $0x1, v0  }
0x2da: {  	(xrf0) =	vadd.scan.msk.s32 $0xffff, v3;
	v3 =	vld [tilespmem:s21+$0x11000]  }
0x2db: {  	s22 =	spop (v2sf)  }
0x2dc: {  	s23 =	simm.s32 $0x50;
	v8, _, _ =	vpop (xrf0);
	s1 =	sadd.s32 $0x0, s22  }
0x2dd: {  	v1 =	vnsel vm0, $0x0, v1;
	(v2sf) =	vpush v8, $0xF;
	s24 =	spop (v2sf);
	v10 =	vadd.s32 s1, v2;
	v2 =	vld [tilespmem:s23+$0x11000]  }
0x2de: {  	(xrf0) =	vadd.scan.msk.s32 $0xffff, v1;
	s1 =	sadd.s32 s1, s24;
	vm0 =	vlt.s32 v10, $0xCCCC  }
0x2df: {  	(xrf0) =	vadd.scan.msk.s32 $0xffff, v3;
	v6 =	vadd.s32 s1, v6;
	v1 =	vsel vm0, $0x1, v0  }
0x2e0: {  	s25 =	simm.s32 $0x60;
	v4 =	vnsel vm0, $0x0, v4;
	vm0 =	vlt.s32 v6, $0xCCCC;
	(xrf0) =	vadd.scan.msk.s32 $0xffff, v1  }
0x2e1: {  	v1 =	vld [tilespmem:s25+$0x11000];
	(xrf0) =	vadd.scan.msk.s32 $0xffff, v4;
	v4 =	vsel vm0, $0x1, v0  }
0x2e2: {  	(xrf0) =	vadd.scan.msk.s32 $0xffff, v2  }
0x2e3: {  	v9, _, _ =	vpop (xrf0);
	v5 =	vnsel vm0, $0x0, v5;
	(xrf0) =	vadd.scan.msk.s32 $0xffff, v4  }
0x2e4: {  	(v2sf) =	vpush v9, $0xF;
	s26 =	spop (v2sf);
	v4, _, _ =	vpop (xrf0)  }
0x2e5: {  	s1 =	sadd.s32 s1, s26;
	(xrf0) =	vadd.scan.msk.s32 $0xffff, v5;
	(v2sf) =	vpush v4, $0xF;
	v4, _, _ =	vpop (xrf0)  }
0x2e6: {  	v8 =	vadd.s32 s1, v8;
	(xrf0) =	vadd.scan.msk.s32 $0xffff, v1;
	v5, _, _ =	vpop (xrf0);
	(v2sf) =	vpush v4, $0xF  }
0x2e7: {  	vm0 =	vlt.s32 v8, $0xCCCC;
	v6, _, _ =	vpop (xrf0);
	(v2sf) =	vpush v5, $0xF  }
0x2e8: {  	v8 =	vsel vm0, $0x1, v0;
	(v2sf) =	vpush v6, $0xF;
	v6, _, _ =	vpop (xrf0)  }
0x2e9: {  	v7 =	vnsel vm0, $0x0, v7;
	(v2sf) =	vpush v6, $0xF;
	v63, _, _ =	vpop (xrf0)  }
0x2ea: {  	(v2sf) =	vpush v63, $0xF  }
0x2eb: {  	(xrf0) =	vadd.scan.msk.s32 $0xffff, v8;
	v8, _, _ =	vpop (xrf0)  }
0x2ec: {  	s29 =	spop (v2sf);
	(xrf0) =	vadd.scan.msk.s32 $0xffff, v7;
	(v2sf) =	vpush v8, $0xF;
	v7, _, _ =	vpop (xrf0)  }
0x2ed: {  	(v2sf) =	vpush v7, $0xF;
	_ =	sdelay $0x1  }
0x2ee: {  	s28 =	simm.s32 $0x70  }
0x2ef: {  	v5 =	vld [tilespmem:s28+$0x11000];
	_ =	sdelay $0x2  }
0x2f0: {  	s3 =	sadd.s32 s1, s29  }
0x2f1: {  	s31 =	simm.s32 $0x80;
	v8 =	vadd.s32 s3, v4  }
0x2f2: {  	s4 =	simm.s32 $0x240;
	s1 =	simm.s32 $0x0;
	s2 =	spop (v2sf);
	v4 =	vld [tilespmem:s31+$0x11000];
	(xrf0) =	vadd.scan.msk.s32 $0xffff, v5;
	vm0 =	vlt.s32 v8, $0xCCCC  }
.LBB2_21:
0x2f3: {  	s0 =	sadd.s32 s0, s2;
	s2 =	spop (v2sf)  }
0x2f4: {  	v8 =	vsel vm0, $0x1, v0;
	v9 =	vnsel vm0, $0x0, v3;
	v3 =	vmovc v2;
	v2 =	vmovc v1;
	v1 =	vmov v5;
	s5 =	smov.u32 s4;
	s8 =	sadd.s32 $0x40, s4;
	p0 =	sne.s32 s4, $0x3C0  }
.Ltmp10:
0x2f5: {  	(xrf0) =	vadd.scan.msk.s32 $0xffff, v8;
	v5, _, _ =	vpop (xrf0);
	s1 =	sadd.s32 s1, s2;
	(pc) =	sbr.rel @p0 .LBB2_21-.Ltmp10, $4  }
0x2f6: {  	(xrf0) =	vadd.scan.msk.s32 $0xffff, v9;
	s2 =	spop (v2sf);
	(v2sf) =	vpush v5, $0xF;
	v5, _, _ =	vpop (xrf0)  }
0x2f7: {  	s3 =	sadd.s32 s3, s2;
	(v2sf) =	vpush v5, $0xF  }
0x2f8: {  	s2 =	sshra.s32 s5, $0x2;
	(xrf0) =	vadd.scan.msk.s32 $0xffff, v4;
	v8 =	vadd.s32 s3, v6;
	v6 =	vmov v7;
	v7, _, _ =	vpop (xrf0);
	v5 =	vmov v4  }
0x2f9: {  	s4 =	smov.u32 s8;
	v4 =	vld [tilespmem:s2+$0x11000];
	(v2sf) =	vpush v7, $0xF;
	vm0 =	vlt.s32 v8, $0xCCCC;
	s2 =	spop (v2sf)  }
0x2fa: {  	_ =	sdelay $0x1  }
0x2fb: {  	v8, _, _ =	vpop (xrf0)  }
0x2fc: {  	(v2sf) =	vpush v8, $0xF;
	v58, _, _ =	vpop (xrf0)  }
0x2fd: {  	(v2sf) =	vpush v58, $0xF;
	v59, _, _ =	vpop (xrf0)  }
0x2fe: {  	(v2sf) =	vpush v59, $0xF;
	_ =	sdelay $0x4  }
0x2ff: {  	s4 =	spop (v2sf)  }
0x300: {  	s9 =	spop (v2sf)  }
0x301: {  	v9 =	vsel vm0, $0x1, v0;
	s5 =	spop (v2sf)  }
0x302: {  	v3 =	vnsel vm0, $0x0, v3;
	(xrf0) =	vadd.scan.msk.s32 $0xffff, v9;
	s11 =	sadd.s32 s3, s9;
	s8 =	spop (v2sf)  }
0x303: {  	(xrf0) =	vadd.scan.msk.s32 $0xffff, v3;
	v3 =	vadd.s32 s11, v6;
	s10 =	spop (v2sf)  }
0x304: {  	(xrf0) =	vadd.scan.msk.s32 $0xffff, v4;
	vm12 =	vlt.s32 v3, $0xCCCC;
	s15 =	spop (v2sf)  }
0x305: {  	v3 =	vsel vm12, $0x1, v0;
	s16 =	spop (v2sf)  }
0x306: {  	v2 =	vnsel vm12, $0x0, v2;
	s17 =	spop (v2sf)  }
0x307: {  	s10 =	sadd.s32 s11, s10;
	s12 =	spop (v2sf)  }
0x308: {  	v60 =	vadd.s32 s10, v7;
	(xrf0) =	vadd.scan.msk.s32 $0xffff, v3;
	v3, _, _ =	vpop (xrf0);
	s18 =	spop (v2sf)  }
0x309: {  	vm13 =	vlt.s32 v60, $0xCCCC;
	(xrf0) =	vadd.scan.msk.s32 $0xffff, v2;
	v2, _, _ =	vpop (xrf0);
	s10 =	sadd.s32 s10, s17;
	s13 =	spop (v2sf)  }
0x30a: {  	v6 =	vsel vm13, $0x1, v0;
	v62, _, _ =	vpop (xrf0);
	v61 =	vadd.s32 s10, v59;
	s10 =	sadd.s32 s10, s13  }
0x30b: {  	v1 =	vnsel vm13, $0x0, v1;
	(xrf0) =	vadd.scan.msk.s32 $0xffff, v6;
	vm14 =	vlt.s32 v61, $0xCCCC;
	v63 =	vadd.s32 s10, v62  }
0x30c: {  	(xrf0) =	vadd.scan.msk.s32 $0xffff, v1;
	v1 =	vsel vm14, $0x1, v0;
	vm15 =	vlt.s32 v63, $0xCCCC  }
0x30d: {  	(v2sf) =	vpush v3, $0xF;
	v3 =	vnsel vm14, $0x0, v5;
	(xrf0) =	vadd.scan.msk.s32 $0xffff, v1;
	v0 =	vsel vm15, $0x1, v0  }
0x30e: {  	(v2sf) =	vpush v2, $0xF;
	(xrf0) =	vadd.scan.msk.s32 $0xffff, v3  }
0x30f: {  	(v2sf) =	vpush v62, $0xF;
	v1, _, _ =	vpop (xrf0);
	v2 =	vnsel vm15, $0x0, v4;
	(xrf0) =	vadd.scan.msk.s32 $0xffff, v0  }
0x310: {  	(v2sf) =	vpush v1, $0xF;
	v0, _, _ =	vpop (xrf0);
	(xrf0) =	vadd.scan.msk.s32 $0xffff, v2  }
0x311: {  	v1, _, _ =	vpop (xrf0);
	(v2sf) =	vpush v0, $0xF  }
0x312: {  	v0, _, _ =	vpop (xrf0);
	(v2sf) =	vpush v1, $0xF  }
0x313: {  	(v2sf) =	vpush v0, $0xF;
	v0, _, _ =	vpop (xrf0)  }
0x314: {  	(v2sf) =	vpush v0, $0xF;
	v0, _, _ =	vpop (xrf0)  }
0x315: {  	(v2sf) =	vpush v0, $0xF;
	v0, _, _ =	vpop (xrf0)  }
0x316: {  	(v2sf) =	vpush v0, $0xF;
	v0, _, _ =	vpop (xrf0)  }
0x317: {  	(v2sf) =	vpush v0, $0xF;
	_ =	sdelay $0x4  }
0x318: {  	s19 =	spop (v2sf)  }
0x319: {  	s20 =	spop (v2sf)  }
0x31a: {  	s0 =	sadd.s32 s0, s2;
	s21 =	spop (v2sf)  }
0x31b: {  	s1 =	sadd.s32 s1, s4;
	s2 =	sadd.s32 s0, s5;
	s22 =	spop (v2sf)  }
0x31c: {  	s0 =	simm.s32 $0x10040;
	s1 =	sadd.s32 s1, s8;
	v0 =	vimm.s32 $0x0;
	s23 =	spop (v2sf)  }
0x31d: {  	s2 =	sadd.s32 s2, s15;
	s1 =	sadd.s32 s1, s16;
	[tilespmem:s0+$0xFFFFFFC0] =	vst v0;
	s24 =	spop (v2sf)  }
0x31e: {  	s2 =	sadd.s32 s2, s12;
	s1 =	sadd.s32 s1, s18;
	[tilespmem:s0+$0x30] =	vst v0;
	s25 =	spop (v2sf)  }
0x31f: {  	s2 =	sadd.s32 s2, s19;
	s1 =	sadd.s32 s1, s20;
	[tilespmem:s0+$0x20] =	vst v0;
	s26 =	spop (v2sf)  }
0x320: {  	[tilespmem:s0+$0x10] =	vst v0;
	s2 =	sadd.s32 s2, s22;
	s1 =	sadd.s32 s1, s23;
	s28 =	spop (v2sf)  }
0x321: {  	[tilespmem:s0+$0x0] =	vst v0;
	s2 =	sadd.s32 s2, s24;
	s1 =	sadd.s32 s1, s25;
	s29 =	spop (v2sf)  }
0x322: {  	[tilespmem:s0+$0xFFFFFFF0] =	vst v0;
	s2 =	sadd.s32 s2, s26;
	s1 =	sadd.s32 s1, s28;
	s31 =	spop (v2sf)  }
0x323: {  	[tilespmem:s0+$0xFFFFFFE0] =	vst v0;
	s8 =	sadd.s32 s2, s29;
	s9 =	sadd.s32 s1, s31;
	s1 =	simm.s32 $0x0  }
.LBB2_23:
0x324: {  	s1 =	sadd.s32 $0x8, s1;
	[tilespmem:s0+$0xFFFFFFD0] =	vst v0;
	s0 =	sadd.s32 $0x80, s0  }
0x325: {  	[tilespmem:s0+$0xFFFFFFC0] =	vst v0;
	p0 =	slt.u32 s1, $0xF8  }
0x326: {  	[tilespmem:s0+$0x30] =	vst v0  }
.Ltmp11:
0x327: {  	[tilespmem:s0+$0x20] =	vst v0;
	(pc) =	sbr.rel @p0 .LBB2_23-.Ltmp11, $4  }
0x328: {  	[tilespmem:s0+$0x10] =	vst v0  }
0x329: {  	[tilespmem:s0+$0x0] =	vst v0  }
0x32a: {  	[tilespmem:s0+$0xFFFFFFF0] =	vst v0  }
0x32b: {  	[tilespmem:s0+$0xFFFFFFE0] =	vst v0  }
0x32c: {  	[tilespmem:s0+$0xFFFFFFD0] =	vst v0;
	s28 =	simm.s32 $0x20  }
0x32d: {  	v6 =	vld [tilespmem:s28+$0x10]  }
0x32e: {  	v8 =	vld [tilespmem:s28+$0x0]  }
0x32f: {  	v14 =	vld [tilespmem:s28+$0xFFFFFFE0]  }
0x330: {  	v15 =	vld [tilespmem:s28+$0xFFFFFFF0];
	_ =	sdelay $0x1  }
0x331: {  	s29 =	sshll.u32 s8, $0x18;
	v10 =	vmov s8;
	v1 =	vlaneseq.u32;
	v17 =	vimm.f32 $0.0e+00  }
0x332: {  	v5 =	vimm.s32 $0x1;
	v0 =	vmov s29;
	v7 =	vmul.u32 $0x100, v1  }
0x333: {  	v1 =	vshra.s32 v8, $0x1F;
	v2 =	vshra.s32 v6, $0x1F;
	v3 =	vshra.s32 v14, $0x1F  }
0x334: {  	v4 =	vshra.s32 v15, $0x1F;
	v2 =	vor.u32 $0x80000000, v2;
	v3 =	vor.u32 $0x80000000, v3  }
0x335: {  	v4 =	vor.u32 $0x80000000, v4;
	v1 =	vor.u32 $0x80000000, v1;
	v16 =	vxor.u32 v14, v3  }
0x336: {  	v18 =	vxor.u32 v15, v4;
	v19 =	vxor.u32 v8, v1;
	v1 =	vshrl.u32 v16, $0x18  }
0x337: {  	v20 =	vxor.u32 v6, v2;
	v2 =	vshrl.u32 v18, $0x18;
	vm2 =	veq.s32 v1, v10  }
0x338: {  	v1 =	vshrl.u32 v19, $0x18;
	vm0 =	veq.s32 v2, v10;
	v3 =	vmpcnt.ones.xlane vm2  }
0x339: {  	v4 =	vshrl.u32 v20, $0x18;
	v9 =	vmpcnt.ones.xlane vm0;
	vm1 =	veq.s32 v1, v10  }
0x33a: {  	v12 =	vshrl.u32 v16, $0x10;
	v11 =	vmpcnt.ones.xlane vm1;
	(v2sf) =	vpush v3, $0x0  }
0x33b: {  	s31 =	simm.s32 $0x60;
	v13 =	vshrl.u32 v19, $0x10;
	vm4 =	veq.s32 v4, v10;
	(v2sf) =	vpush v9, $0x0  }
0x33c: {  	v21 =	vshrl.u32 v20, $0x10;
	v2 =	vld [tilespmem:s31+$0x10];
	v9 =	vmpcnt.ones.xlane vm4;
	(v2sf) =	vpush v11, $0x0  }
0x33d: {  	vm5 =	vlt.u32 v20, v0;
	v4 =	vld [tilespmem:s31+$0xFFFFFFE0];
	vm3 =	vmmov vm0;
	vm0 =	vmmov vm1  }
0x33e: {  	v1 =	vld [tilespmem:s31+$0x0];
	vm1 =	vmmov vm4;
	vm4 =	vlt.u32 v16, v0;
	(v2sf) =	vpush v9, $0x0  }
0x33f: {  	vm6 =	vlt.u32 v19, v0;
	v3 =	vld [tilespmem:s31+$0xFFFFFFF0];
	v11 =	vshrl.u32 v18, $0x10;
	v20 =	vnsel vm4, $0x0, v14  }
0x340: {  	vm4 =	vlt.u32 v18, v0;
	v9 =	vand.u32 $0xFF, v12;
	v11 =	vand.u32 $0xFF, v11  }
0x341: {  	v12 =	vand.u32 $0xFF, v13;
	v17 =	vadd.f32 v20, v17;
	v22 =	vor.u32 v7, v9  }
0x342: {  	v20 =	vnsel vm4, $0x0, v15;
	v9 =	vand.u32 $0xFF, v21;
	v62 =	vor.u32 v7, v11  }
0x343: {  	v23 =	vor.u32 v7, v12;
	v11 =	vshra.s32 v2, $0x1F;
	v12 =	vshra.s32 v4, $0x1F  }
0x344: {  	v24 =	vor.u32 v7, v9;
	v9 =	vshra.s32 v1, $0x1F;
	v13 =	vshra.s32 v3, $0x1F  }
0x345: {  	s1 =	simm.s32 $0x10000;
	v25 =	vor.u32 $0x80000000, v11;
	v26 =	vor.u32 $0x80000000, v12;
	v20 =	vadd.f32 v20, v17  }
0x346: {  	v11 =	vor.u32 $0x80000000, v13;
	v9 =	vor.u32 $0x80000000, v9;
	v13 =	vxor.u32 v4, v26;
	[tilespmem:v22+s1+$0x0] =	vst.idx.add.s32.msk vm2, v5  }
0x347: {  	v63 =	vnsel vm6, $0x0, v8;
	v11 =	vxor.u32 v3, v11;
	v12 =	vxor.u32 v1, v9;
	[tilespmem:v62+s1+$0x0] =	vst.idx.add.s32.msk vm3, v5  }
0x348: {  	s0 =	simm.s32 $0x0;
	v9 =	vxor.u32 v2, v25;
	v19 =	vshrl.u32 v12, $0x18;
	v18 =	vshrl.u32 v11, $0x18;
	[tilespmem:v23+s1+$0x0] =	vst.idx.add.s32.msk vm0, v5  }
0x349: {  	v16 =	vshrl.u32 v9, $0x18;
	vm4 =	veq.s32 v18, v10;
	[tilespmem:s0+$0x0] =	vst.msk vm2, v14;
	v14 =	vshrl.u32 v13, $0x18;
	s3 =	spop (v2sf)  }
0x34a: {  	s2 =	simm.s32 $0x4;
	vm6 =	veq.s32 v19, v10;
	[tilespmem:v24+s1+$0x0] =	vst.idx.add.s32.msk vm1, v5;
	v18 =	vmpcnt.ones.xlane vm4;
	vm2 =	veq.s32 v14, v10;
	s4 =	sadd.s32 $0x0, s3;
	s5 =	spop (v2sf)  }
0x34b: {  	v14 =	vnsel vm5, $0x0, v6;
	v17 =	vmpcnt.ones.xlane vm2;
	s3 =	simm.s32 $0xA0;
	[tilespmem:s4+$0x0] =	vst.msk vm3, v15;
	s4 =	sadd.s32 s4, s5;
	v15 =	vadd.f32 v63, v20;
	s5 =	spop (v2sf)  }
.LBB2_25:
0x34c: {  	v20 =	vmpcnt.ones.xlane vm6;
	vm5 =	veq.s32 v16, v10  }
0x34d: {  	v19 =	vld [tilespmem:s3+$0x10];
	(v2sf) =	vpush v17, $0x0;
	[tilespmem:s4+$0x0] =	vst.msk vm0, v8;
	s4 =	sadd.s32 s4, s5;
	s5 =	spop (v2sf);
	v8 =	vmovc v1;
	vm3 =	vmmov vm4;
	vm0 =	vmmov vm6  }
0x34e: {  	v1 =	vld [tilespmem:s3+$0x0];
	v16 =	vmpcnt.ones.xlane vm5;
	(v2sf) =	vpush v18, $0x0;
	v14 =	vadd.f32 v14, v15;
	[tilespmem:s4+$0x0] =	vst.msk vm1, v6;
	s4 =	sadd.s32 s4, s5;
	v6 =	vmovc v2  }
0x34f: {  	v2 =	vshrl.u32 v13, $0x10;
	v15 =	vshrl.u32 v11, $0x10;
	v21 =	vld [tilespmem:s3+$0xFFFFFFF0];
	(v2sf) =	vpush v20, $0x0  }
0x350: {  	v18 =	vshrl.u32 v12, $0x10;
	v20 =	vshrl.u32 v9, $0x10;
	v17 =	vld [tilespmem:s3+$0xFFFFFFE0];
	(v2sf) =	vpush v16, $0x0  }
0x351: {  	v22 =	vand.u32 $0xFF, v2;
	v15 =	vand.u32 $0xFF, v15;
	v16 =	vand.u32 $0xFF, v18  }
0x352: {  	v18 =	vor.u32 v7, v22;
	v15 =	vor.u32 v7, v15;
	v20 =	vand.u32 $0xFF, v20;
	v2 =	vmovc v19  }
0x353: {  	s2 =	sadd.s32 $0x4, s2;
	vm1 =	vmmov vm5;
	v20 =	vor.u32 v7, v20;
	v19 =	vor.u32 v7, v16  }
0x354: {  	p0 =	slt.u32 s2, $0xFFC;
	v16 =	vshra.s32 v1, $0x1F;
	v22 =	vshra.s32 v2, $0x1F  }
0x355: {  	v24 =	vshra.s32 v21, $0x1F;
	v22 =	vor.u32 $0x80000000, v22;
	v23 =	vshra.s32 v17, $0x1F  }
0x356: {  	v16 =	vor.u32 $0x80000000, v16;
	v24 =	vor.u32 $0x80000000, v24;
	v23 =	vor.u32 $0x80000000, v23  }
0x357: {  	v25 =	vxor.u32 v1, v16;
	v16 =	vxor.u32 v2, v22;
	v24 =	vxor.u32 v21, v24  }
0x358: {  	vm4 =	vlt.u32 v13, v0;
	vm5 =	vlt.u32 v9, v0;
	v9 =	vmovc v16;
	v13 =	vxor.u32 v17, v23  }
0x359: {  	vm6 =	vlt.u32 v12, v0;
	[tilespmem:v18+s1+$0x0] =	vst.idx.add.s32.msk vm2, v5;
	v18 =	vnsel vm4, $0x0, v4;
	vm4 =	vlt.u32 v11, v0  }
.Ltmp12:
0x35a: {  	v22 =	vshrl.u32 v25, $0x18;
	v16 =	vshrl.u32 v9, $0x18;
	v11 =	vmovc v24;
	v14 =	vadd.f32 v18, v14;
	[tilespmem:s4+$0x0] =	vst.msk vm2, v4;
	v4 =	vmovc v17;
	(pc) =	sbr.rel @p0 .LBB2_25-.Ltmp12, $4  }
0x35b: {  	v12 =	vmovc v25;
	v17 =	vshrl.u32 v13, $0x18;
	v18 =	vshrl.u32 v11, $0x18;
	[tilespmem:v15+s1+$0x0] =	vst.idx.add.s32.msk vm3, v5;
	v15 =	vnsel vm4, $0x0, v3  }
0x35c: {  	vm2 =	veq.s32 v17, v10;
	v15 =	vadd.f32 v15, v14;
	[tilespmem:v19+s1+$0x0] =	vst.idx.add.s32.msk vm0, v5;
	v14 =	vnsel vm5, $0x0, v6;
	s5 =	spop (v2sf)  }
0x35d: {  	vm4 =	veq.s32 v18, v10;
	v17 =	vmpcnt.ones.xlane vm2;
	v19 =	vnsel vm6, $0x0, v8;
	s4 =	sadd.s32 s4, s5;
	[tilespmem:v20+s1+$0x0] =	vst.idx.add.s32.msk vm1, v5;
	s5 =	spop (v2sf)  }
0x35e: {  	s3 =	sadd.s32 $0x40, s3;
	v18 =	vmpcnt.ones.xlane vm4;
	vm6 =	veq.s32 v22, v10;
	[tilespmem:s4+$0x0] =	vst.msk vm3, v3;
	s4 =	sadd.s32 s4, s5;
	v15 =	vadd.f32 v19, v15;
	s5 =	spop (v2sf);
	v3 =	vmovc v21  }
0x35f: {  	v19 =	vmpcnt.ones.xlane vm6;
	(v2sf) =	vpush v17, $0x0  }
0x360: {  	(v2sf) =	vpush v18, $0x0  }
0x361: {  	(v2sf) =	vpush v19, $0x0;
	_ =	sdelay $0x2  }
0x362: {  	v42 =	vshrl.u32 v13, $0x10;
	vm3 =	veq.s32 v16, v10  }
0x363: {  	vm4 =	vmmov vm4;
	v44 =	vshrl.u32 v11, $0x10;
	v43 =	vand.u32 $0xFF, v42  }
0x364: {  	v45 =	vshrl.u32 v12, $0x10;
	v16 =	vand.u32 $0xFF, v44;
	v10 =	vor.u32 v7, v43  }
0x365: {  	v46 =	vshrl.u32 v9, $0x10;
	v17 =	vand.u32 $0xFF, v45;
	v16 =	vor.u32 v7, v16  }
0x366: {  	v47 =	vand.u32 $0xFF, v46;
	v17 =	vor.u32 v7, v17  }
0x367: {  	[tilespmem:s4+$0x0] =	vst.msk vm0, v8;
	s2 =	sadd.s32 s4, s5;
	v48 =	vor.u32 v7, v47  }
0x368: {  	[tilespmem:s2+$0x0] =	vst.msk vm1, v6  }
0x369: {  	[tilespmem:v10+s1+$0x0] =	vst.idx.add.s32.msk vm2, v5  }
0x36a: {  	[tilespmem:v16+s1+$0x0] =	vst.idx.add.s32.msk vm4, v5  }
0x36b: {  	s3 =	spop (v2sf);
	[tilespmem:v17+s1+$0x0] =	vst.idx.add.s32.msk vm6, v5  }
0x36c: {  	s2 =	sadd.s32 s2, s3;
	[tilespmem:v48+s1+$0x0] =	vst.idx.add.s32.msk vm3, v5;
	s25 =	spop (v2sf)  }
0x36d: {  	[tilespmem:s2+$0x0] =	vst.msk vm2, v4;
	s2 =	sadd.s32 s2, s25;
	s26 =	spop (v2sf)  }
0x36e: {  	vm5 =	vmmov vm6;
	[tilespmem:s2+$0x0] =	vst.msk vm4, v3;
	s1 =	sadd.s32 s2, s26;
	s28 =	spop (v2sf)  }
0x36f: {  	vm11 =	vmmov vm3;
	[tilespmem:s1+$0x0] =	vst.msk vm5, v1;
	s2 =	sadd.s32 s1, s28  }
0x370: {  	s0 =	sand.u32 $0xF0, s0;
	[tilespmem:s2+$0x0] =	vst.msk vm11, v2  }
0x371: {  	v5 =	vld [tilespmem:s0+$0x10100]  }
0x372: {  	v6 =	vld [tilespmem:s0+$0x10000]  }
0x373: {  	v49 =	vld [tilespmem:s0+$0x10200]  }
0x374: {  	v50 =	vld [tilespmem:s0+$0x10300]  }
0x375: {  	v51 =	vmpcnt.ones.xlane vm3;
	v16 =	vld [tilespmem:s0+$0x10400]  }
0x376: {  	v17 =	vld [tilespmem:s0+$0x10500]  }
0x377: {  	(v2sf) =	vpush v51, $0x0;
	v52 =	vld [tilespmem:s0+$0x10600];
	v5 =	vadd.s32 v6, v5  }
0x378: {  	v53 =	vld [tilespmem:s0+$0x10700];
	v5 =	vadd.s32 v5, v49  }
0x379: {  	v54 =	vld [tilespmem:s0+$0x10800];
	v5 =	vadd.s32 v5, v50  }
0x37a: {  	v55 =	vld [tilespmem:s0+$0x10900];
	v5 =	vadd.s32 v5, v16  }
0x37b: {  	v56 =	vld [tilespmem:s0+$0x10A00];
	v5 =	vadd.s32 v5, v17  }
0x37c: {  	v57 =	vld [tilespmem:s0+$0x10B00];
	v5 =	vadd.s32 v5, v52  }
0x37d: {  	v58 =	vld [tilespmem:s0+$0x10C00];
	v5 =	vadd.s32 v5, v53  }
0x37e: {  	v59 =	vld [tilespmem:s0+$0x10D00];
	v5 =	vadd.s32 v5, v54  }
0x37f: {  	vm12 =	vlt.u32 v13, v0;
	v14 =	vadd.f32 v14, v15;
	v60 =	vld [tilespmem:s0+$0x10E00];
	v5 =	vadd.s32 v5, v55  }
0x380: {  	v61 =	vnsel vm12, $0x0, v4;
	v62 =	vld [tilespmem:s0+$0x10F00];
	v5 =	vadd.s32 v5, v56  }
0x381: {  	vm13 =	vlt.u32 v11, v0;
	v4 =	vadd.f32 v61, v14;
	v5 =	vadd.s32 v5, v57  }
0x382: {  	v3 =	vnsel vm13, $0x0, v3;
	v5 =	vadd.s32 v5, v58  }
0x383: {  	vm14 =	vlt.u32 v12, v0;
	v3 =	vadd.f32 v3, v4;
	v63 =	vadd.s32 v5, v59  }
0x384: {  	v1 =	vnsel vm14, $0x0, v1;
	v4 =	vadd.s32 v63, v60  }
0x385: {  	vm15 =	vlt.u32 v9, v0;
	s29 =	simm.s32 $0x10;
	v0 =	vadd.f32 v1, v3;
	s0 =	simm.s32 $0x11000;
	v1 =	vadd.s32 v4, v62  }
0x386: {  	s31 =	spop (v2sf);
	s1 =	sand.u32 $0xF0, s29;
	v2 =	vnsel vm15, $0x0, v2;
	[tilespmem:s0+$0x0] =	vst v1  }
0x387: {  	s10 =	sadd.s32 s2, s31;
	s2 =	simm.s32 $0x20;
	v0 =	vadd.f32 v2, v0;
	v1 =	vld [tilespmem:s1+$0x10100]  }
.LBB2_27:
0x388: {  	p0 =	sne.s32 s2, $0xF0;
	v2 =	vld [tilespmem:s1+$0x10000]  }
0x389: {  	v3 =	vld [tilespmem:s1+$0x10200]  }
0x38a: {  	v4 =	vld [tilespmem:s1+$0x10300]  }
0x38b: {  	v5 =	vld [tilespmem:s1+$0x10400]  }
0x38c: {  	v6 =	vld [tilespmem:s1+$0x10500]  }
0x38d: {  	v1 =	vadd.s32 v2, v1;
	v2 =	vld [tilespmem:s1+$0x10600]  }
0x38e: {  	v1 =	vadd.s32 v1, v3;
	v3 =	vld [tilespmem:s1+$0x10700]  }
0x38f: {  	v1 =	vadd.s32 v1, v4;
	v4 =	vld [tilespmem:s1+$0x10800]  }
0x390: {  	v1 =	vadd.s32 v1, v5;
	v5 =	vld [tilespmem:s1+$0x10900]  }
0x391: {  	v1 =	vadd.s32 v1, v6;
	v6 =	vld [tilespmem:s1+$0x10A00]  }
0x392: {  	v1 =	vadd.s32 v1, v2;
	v2 =	vld [tilespmem:s1+$0x10B00]  }
0x393: {  	v1 =	vadd.s32 v1, v3;
	v3 =	vld [tilespmem:s1+$0x10C00]  }
0x394: {  	v1 =	vadd.s32 v1, v4;
	v4 =	vld [tilespmem:s1+$0x10D00]  }
0x395: {  	v1 =	vadd.s32 v1, v5;
	v5 =	vld [tilespmem:s1+$0x10E00]  }
0x396: {  	v1 =	vadd.s32 v1, v6;
	v6 =	vld [tilespmem:s1+$0x10F00]  }
0x397: {  	v1 =	vadd.s32 v1, v2  }
0x398: {  	v1 =	vadd.s32 v1, v3  }
.Ltmp13:
0x399: {  	v1 =	vadd.s32 v1, v4;
	(pc) =	sbr.rel @p0 .LBB2_27-.Ltmp13, $4  }
0x39a: {  	v1 =	vadd.s32 v1, v5  }
0x39b: {  	s0 =	sadd.s32 $0x10, s0;
	v1 =	vadd.s32 v1, v6  }
0x39c: {  	s1 =	sand.u32 $0xF0, s2;
	[tilespmem:s0+$0x0] =	vst v1  }
0x39d: {  	s2 =	sadd.s32 $0x10, s2;
	v1 =	vld [tilespmem:s1+$0x10100]  }
0x39e: {  	v2 =	vld [tilespmem:s1+$0x10000]  }
0x39f: {  	v3 =	vld [tilespmem:s1+$0x10200]  }
0x3a0: {  	v4 =	vld [tilespmem:s1+$0x10300]  }
0x3a1: {  	v5 =	vld [tilespmem:s1+$0x10400]  }
0x3a2: {  	v6 =	vld [tilespmem:s1+$0x10500]  }
0x3a3: {  	v1 =	vadd.s32 v2, v1;
	v2 =	vld [tilespmem:s1+$0x10600]  }
0x3a4: {  	v1 =	vadd.s32 v1, v3;
	v3 =	vld [tilespmem:s1+$0x10700]  }
0x3a5: {  	v1 =	vadd.s32 v1, v4;
	v4 =	vld [tilespmem:s1+$0x10800]  }
0x3a6: {  	v1 =	vadd.s32 v1, v5;
	v5 =	vld [tilespmem:s1+$0x10900]  }
0x3a7: {  	v1 =	vadd.s32 v1, v6;
	v6 =	vld [tilespmem:s1+$0x10A00]  }
0x3a8: {  	v1 =	vadd.s32 v1, v2;
	v2 =	vld [tilespmem:s1+$0x10B00]  }
0x3a9: {  	v1 =	vadd.s32 v1, v3;
	v3 =	vld [tilespmem:s1+$0x10C00]  }
0x3aa: {  	v1 =	vadd.s32 v1, v4;
	v4 =	vld [tilespmem:s1+$0x10D00]  }
0x3ab: {  	v1 =	vadd.s32 v1, v5;
	v5 =	vld [tilespmem:s1+$0x10E00]  }
0x3ac: {  	v1 =	vadd.s32 v1, v6;
	v6 =	vld [tilespmem:s1+$0x10F00]  }
0x3ad: {  	v1 =	vadd.s32 v1, v2  }
0x3ae: {  	v1 =	vadd.s32 v1, v3  }
0x3af: {  	v1 =	vadd.s32 v1, v4  }
0x3b0: {  	v1 =	vadd.s32 v1, v5  }
0x3b1: {  	s0 =	sadd.s32 $0x10, s0;
	v1 =	vadd.s32 v1, v6  }
0x3b2: {  	s12 =	sadd.s32 $0x1000, s6;
	[tilespmem:s0+$0x0] =	vst v1;
	s0 =	simm.s32 $0x11000  }
0x3b3: {  	[spmem:s12] =	stream.linear.scatter [tilespmem:s0], [sflag:$0x1], $0x10, $0x38;
	[tilespmem:$0x11750] =	vst v63  }
0x3b4: {  	s13 =	sadd.s32 $0x1100, s6;
	s2 =	simm.s32 $0x11010  }
0x3b5: {  	[spmem:s13] =	stream.linear.scatter [tilespmem:s2], [sflag:$0x2], $0x10, $0x38;
	[tilespmem:$0x11750] =	vst v63  }
0x3b6: {  	s14 =	sadd.s32 $0x1200, s6;
	s15 =	simm.s32 $0x11020  }
0x3b7: {  	[spmem:s14] =	stream.linear.scatter [tilespmem:s15], [sflag:$0x3], $0x10, $0x38;
	[tilespmem:$0x11750] =	vst v63  }
0x3b8: {  	s16 =	sadd.s32 $0x1300, s6;
	s17 =	simm.s32 $0x11030  }
0x3b9: {  	[spmem:s16] =	stream.linear.scatter [tilespmem:s17], [sflag:$0x4], $0x10, $0x38;
	[tilespmem:$0x11750] =	vst v63  }
0x3ba: {  	s18 =	sadd.s32 $0x1400, s6;
	s19 =	simm.s32 $0x11040  }
0x3bb: {  	[spmem:s18] =	stream.linear.scatter [tilespmem:s19], [sflag:$0x5], $0x10, $0x38;
	[tilespmem:$0x11750] =	vst v63  }
0x3bc: {  	s20 =	sadd.s32 $0x1500, s6;
	s21 =	simm.s32 $0x11050  }
0x3bd: {  	[spmem:s20] =	stream.linear.scatter [tilespmem:s21], [sflag:$0x6], $0x10, $0x38;
	[tilespmem:$0x11750] =	vst v63  }
0x3be: {  	s22 =	sadd.s32 $0x1600, s6;
	s23 =	simm.s32 $0x11060  }
0x3bf: {  	[spmem:s22] =	stream.linear.scatter [tilespmem:s23], [sflag:$0x7], $0x10, $0x38;
	[tilespmem:$0x11750] =	vst v63  }
0x3c0: {  	s24 =	sadd.s32 $0x1700, s6;
	s25 =	simm.s32 $0x11070  }
0x3c1: {  	[spmem:s24] =	stream.linear.scatter [tilespmem:s25], [sflag:$0x8], $0x10, $0x38;
	[tilespmem:$0x11750] =	vst v63  }
0x3c2: {  	s26 =	sadd.s32 $0x1800, s6;
	s28 =	simm.s32 $0x11080  }
0x3c3: {  	[spmem:s26] =	stream.linear.scatter [tilespmem:s28], [sflag:$0x9], $0x10, $0x38;
	[tilespmem:$0x11750] =	vst v63  }
0x3c4: {  	s29 =	sadd.s32 $0x1900, s6;
	s31 =	simm.s32 $0x11090  }
0x3c5: {  	[spmem:s29] =	stream.linear.scatter [tilespmem:s31], [sflag:$0xA], $0x10, $0x38;
	[tilespmem:$0x11750] =	vst v63  }
0x3c6: {  	s3 =	sadd.s32 $0x1A00, s6;
	s4 =	simm.s32 $0x110A0  }
0x3c7: {  	[spmem:s3] =	stream.linear.scatter [tilespmem:s4], [sflag:$0xB], $0x10, $0x38;
	[tilespmem:$0x11750] =	vst v63  }
0x3c8: {  	s5 =	sadd.s32 $0x1B00, s6;
	s11 =	simm.s32 $0x110B0  }
0x3c9: {  	[spmem:s5] =	stream.linear.scatter [tilespmem:s11], [sflag:$0xC], $0x10, $0x38;
	[tilespmem:$0x11750] =	vst v63  }
0x3ca: {  	s12 =	sadd.s32 $0x1C00, s6;
	s13 =	simm.s32 $0x110C0  }
0x3cb: {  	[spmem:s12] =	stream.linear.scatter [tilespmem:s13], [sflag:$0xD], $0x10, $0x38;
	[tilespmem:$0x11750] =	vst v63  }
0x3cc: {  	s14 =	sadd.s32 $0x1D00, s6;
	s15 =	simm.s32 $0x110D0  }
0x3cd: {  	[spmem:s14] =	stream.linear.scatter [tilespmem:s15], [sflag:$0xE], $0x10, $0x38;
	[tilespmem:$0x11750] =	vst v63  }
0x3ce: {  	s16 =	sadd.s32 $0x1E00, s6;
	s17 =	simm.s32 $0x110E0  }
0x3cf: {  	[spmem:s16] =	stream.linear.scatter [tilespmem:s17], [sflag:$0xF], $0x10, $0x38;
	[tilespmem:$0x11750] =	vst v63  }
0x3d0: {  	s18 =	sadd.s32 $0x1F00, s6;
	s19 =	simm.s32 $0x110F0;
	s20 =	simm.s32 $0x1  }
0x3d1: {  	[spmem:s18] =	stream.linear.scatter [tilespmem:s19], [sflag:$0x10], $0x10, $0x38;
	[tilespmem:$0x11750] =	vst v63  }
0x3d2: {  	_ =	swait.ge [sflag:s20], $0x10  }
0x3d3: {  	[sflag:s20] =	ssyncset.done $0x0  }
0x3d4: {  	s21 =	simm.s32 $0x2;
	[sflag:s20] =	ssyncadd.s32 $0xFFFFFFF0  }
0x3d5: {  	_ =	swait.ge [sflag:s21], $0x10  }
0x3d6: {  	[sflag:s21] =	ssyncset.done $0x0  }
0x3d7: {  	s22 =	simm.s32 $0x3;
	[sflag:s21] =	ssyncadd.s32 $0xFFFFFFF0  }
0x3d8: {  	_ =	swait.ge [sflag:s22], $0x10  }
0x3d9: {  	[sflag:s22] =	ssyncset.done $0x0  }
0x3da: {  	s23 =	simm.s32 $0x4;
	[sflag:s22] =	ssyncadd.s32 $0xFFFFFFF0  }
0x3db: {  	_ =	swait.ge [sflag:s23], $0x10  }
0x3dc: {  	[sflag:s23] =	ssyncset.done $0x0  }
0x3dd: {  	s24 =	simm.s32 $0x5;
	[sflag:s23] =	ssyncadd.s32 $0xFFFFFFF0  }
0x3de: {  	_ =	swait.ge [sflag:s24], $0x10  }
0x3df: {  	[sflag:s24] =	ssyncset.done $0x0  }
0x3e0: {  	s25 =	simm.s32 $0x6;
	[sflag:s24] =	ssyncadd.s32 $0xFFFFFFF0  }
0x3e1: {  	_ =	swait.ge [sflag:s25], $0x10  }
0x3e2: {  	[sflag:s25] =	ssyncset.done $0x0  }
0x3e3: {  	s26 =	simm.s32 $0x7;
	[sflag:s25] =	ssyncadd.s32 $0xFFFFFFF0  }
0x3e4: {  	_ =	swait.ge [sflag:s26], $0x10  }
0x3e5: {  	[sflag:s26] =	ssyncset.done $0x0  }
0x3e6: {  	s28 =	simm.s32 $0x8;
	[sflag:s26] =	ssyncadd.s32 $0xFFFFFFF0  }
0x3e7: {  	_ =	swait.ge [sflag:s28], $0x10  }
0x3e8: {  	[sflag:s28] =	ssyncset.done $0x0  }
0x3e9: {  	s29 =	simm.s32 $0x9;
	[sflag:s28] =	ssyncadd.s32 $0xFFFFFFF0  }
0x3ea: {  	_ =	swait.ge [sflag:s29], $0x10  }
0x3eb: {  	[sflag:s29] =	ssyncset.done $0x0  }
0x3ec: {  	s31 =	simm.s32 $0xA;
	[sflag:s29] =	ssyncadd.s32 $0xFFFFFFF0  }
0x3ed: {  	_ =	swait.ge [sflag:s31], $0x10  }
0x3ee: {  	[sflag:s31] =	ssyncset.done $0x0  }
0x3ef: {  	s2 =	simm.s32 $0xB;
	[sflag:s31] =	ssyncadd.s32 $0xFFFFFFF0  }
0x3f0: {  	_ =	swait.ge [sflag:s2], $0x10  }
0x3f1: {  	[sflag:s2] =	ssyncset.done $0x0  }
0x3f2: {  	s3 =	simm.s32 $0xC;
	[sflag:s2] =	ssyncadd.s32 $0xFFFFFFF0  }
0x3f3: {  	_ =	swait.ge [sflag:s3], $0x10  }
0x3f4: {  	[sflag:s3] =	ssyncset.done $0x0  }
0x3f5: {  	s4 =	simm.s32 $0xD;
	[sflag:s3] =	ssyncadd.s32 $0xFFFFFFF0  }
0x3f6: {  	_ =	swait.ge [sflag:s4], $0x10  }
0x3f7: {  	[sflag:s4] =	ssyncset.done $0x0  }
0x3f8: {  	s5 =	simm.s32 $0xE;
	[sflag:s4] =	ssyncadd.s32 $0xFFFFFFF0  }
0x3f9: {  	_ =	swait.ge [sflag:s5], $0x10  }
0x3fa: {  	[sflag:s5] =	ssyncset.done $0x0  }
0x3fb: {  	s11 =	simm.s32 $0xF;
	[sflag:s5] =	ssyncadd.s32 $0xFFFFFFF0  }
0x3fc: {  	_ =	swait.ge [sflag:s11], $0x10  }
0x3fd: {  	[sflag:s11] =	ssyncset.done $0x0  }
0x3fe: {  	s12 =	simm.s32 $0x10;
	[sflag:s11] =	ssyncadd.s32 $0xFFFFFFF0  }
0x3ff: {  	_ =	swait.ge [sflag:s12], $0x10  }
0x400: {  	[sflag:s12] =	ssyncset.done $0x0  }
0x401: {  	[sflag:s12] =	ssyncadd.s32 $0xFFFFFFF0  }
0x402: {  	s13 =	sadd.s32 $0x1000, s7;
	s14 =	simm.s32 $0x11;
	[bflag:$0x0] =	sbarrier.arrive $0xFFFF  }
0x403: {  	[tilespmem:s0], [sflag:$0x11] =	stream.linear.gather [spmem:s13], $0x100, $0x38;
	[tilespmem:$0x11750] =	vst v63  }
0x404: {  	_ =	swait.ge [sflag:s14], $0x100  }
0x405: {  	[sflag:s14] =	ssyncset.done $0x0  }
0x406: {  	[sflag:s14] =	ssyncadd.s32 $0xFFFFFF00  }
0x407: {  	v1 =	vld [tilespmem:$0x11000]  }
0x408: {  	v2 =	vld [tilespmem:$0x11010]  }
0x409: {  	v3 =	vld [tilespmem:$0x11020]  }
0x40a: {  	v4 =	vld [tilespmem:$0x11030]  }
0x40b: {  	v5 =	vld [tilespmem:$0x11040]  }
0x40c: {  	v6 =	vld [tilespmem:$0x11050]  }
0x40d: {  	v1 =	vadd.s32 v1, v2;
	v2 =	vld [tilespmem:$0x11060]  }
0x40e: {  	v1 =	vadd.s32 v1, v3;
	v3 =	vld [tilespmem:$0x11070]  }
0x40f: {  	v1 =	vadd.s32 v1, v4;
	v4 =	vld [tilespmem:$0x11080]  }
0x410: {  	v1 =	vadd.s32 v1, v5;
	v5 =	vld [tilespmem:$0x11090]  }
0x411: {  	v1 =	vadd.s32 v1, v6;
	v6 =	vld [tilespmem:$0x110A0]  }
0x412: {  	v1 =	vadd.s32 v1, v2;
	v2 =	vld [tilespmem:$0x110B0]  }
0x413: {  	v1 =	vadd.s32 v1, v3;
	v3 =	vld [tilespmem:$0x110C0]  }
0x414: {  	v1 =	vadd.s32 v1, v4;
	v4 =	vld [tilespmem:$0x110D0]  }
0x415: {  	v1 =	vadd.s32 v1, v5;
	v5 =	vld [tilespmem:$0x110E0]  }
0x416: {  	v1 =	vadd.s32 v1, v6;
	v6 =	vld [tilespmem:$0x110F0]  }
0x417: {  	v1 =	vadd.s32 v1, v2  }
0x418: {  	v1 =	vadd.s32 v1, v3  }
0x419: {  	v1 =	vadd.s32 v1, v4  }
0x41a: {  	v1 =	vadd.s32 v1, v5  }
0x41b: {  	v1 =	vadd.s32 v1, v6  }
0x41c: {  	s15 =	sadd.s32 $0x4100, s6;
	s3 =	simm.s32 $0x11100;
	[tilespmem:$0x11100] =	vst v1  }
0x41d: {  	[spmem:s15] =	stream.linear.scatter [tilespmem:s3], [sflag:$0x11], $0x10, $0x38;
	[tilespmem:$0x11750] =	vst v63  }
0x41e: {  	_ =	swait.ge [sflag:s14], $0x10  }
0x41f: {  	[sflag:s14] =	ssyncset.done $0x0  }
0x420: {  	[sflag:s14] =	ssyncadd.s32 $0xFFFFFFF0  }
0x421: {  	s16 =	sadd.s32 $0x4100, s30;
	[bflag:$0x0] =	sbarrier.arrive $0xFFFF  }
0x422: {  	[tilespmem:s0], [sflag:$0x11] =	stream.linear.gather [spmem:s16], $0x100, $0x38;
	[tilespmem:$0x11750] =	vst v63  }
0x423: {  	_ =	swait.ge [sflag:s14], $0x100  }
0x424: {  	[sflag:s14] =	ssyncset.done $0x0  }
0x425: {  	s17 =	simm.s32 $0x0;
	[sflag:s14] =	ssyncadd.s32 $0xFFFFFF00  }
0x426: {  	v3 =	vld [tilespmem:s17+$0x11000]  }
0x427: {  	s18 =	simm.s32 $0x10  }
0x428: {  	v6 =	vld [tilespmem:s18+$0x11000];
	_ =	sdelay $0x2  }
0x429: {  	(xrf0) =	vadd.scan.msk.s32 $0xffff, v3;
	_ =	sdelay $0x1  }
0x42a: {  	(xrf0) =	vadd.scan.msk.s32 $0xffff, v6  }
0x42b: {  	s19 =	simm.s32 $0x20  }
0x42c: {  	v7 =	vld [tilespmem:s19+$0x11000];
	_ =	sdelay $0x1  }
0x42d: {  	v2, _, _ =	vpop (xrf0)  }
0x42e: {  	(v2sf) =	vpush v2, $0xF  }
0x42f: {  	v4, _, _ =	vpop (xrf0)  }
0x430: {  	(xrf0) =	vadd.scan.msk.s32 $0xffff, v7;
	(v2sf) =	vpush v4, $0xF;
	_ =	sdelay $0x1  }
0x431: {  	s20 =	simm.s32 $0x30  }
0x432: {  	v9 =	vld [tilespmem:s20+$0x11000];
	_ =	sdelay $0x2  }
0x433: {  	v8, _, _ =	vpop (xrf0)  }
0x434: {  	(v2sf) =	vpush v8, $0xF  }
0x435: {  	s9 =	ssub.s32 $0xCCCC, s9;
	s0 =	simm.s32 $0x0;
	(xrf0) =	vadd.scan.msk.s32 $0xffff, v9  }
0x436: {  	v1 =	vmov s9;
	v5 =	vadd.s32 s0, v2  }
0x437: {  	v2 =	vimm.s32 $0x0;
	vm0 =	vlt.s32 v5, v1  }
0x438: {  	s21 =	simm.s32 $0x40;
	v5 =	vsel vm0, $0x1, v2  }
0x439: {  	(xrf0) =	vadd.scan.msk.s32 $0xffff, v5;
	v5 =	vld [tilespmem:s21+$0x11000]  }
0x43a: {  	s22 =	spop (v2sf)  }
0x43b: {  	s23 =	simm.s32 $0x50;
	v10, _, _ =	vpop (xrf0);
	s1 =	sadd.s32 $0x0, s22  }
0x43c: {  	v3 =	vnsel vm0, $0x0, v3;
	(v2sf) =	vpush v10, $0xF;
	s24 =	spop (v2sf);
	v12 =	vadd.s32 s1, v4;
	v4 =	vld [tilespmem:s23+$0x11000]  }
0x43d: {  	(xrf0) =	vadd.scan.msk.s32 $0xffff, v3;
	s1 =	sadd.s32 s1, s24;
	vm0 =	vlt.s32 v12, v1  }
0x43e: {  	(xrf0) =	vadd.scan.msk.s32 $0xffff, v5;
	v8 =	vadd.s32 s1, v8;
	v3 =	vsel vm0, $0x1, v2  }
0x43f: {  	s25 =	simm.s32 $0x60;
	v6 =	vnsel vm0, $0x0, v6;
	vm0 =	vlt.s32 v8, v1;
	(xrf0) =	vadd.scan.msk.s32 $0xffff, v3  }
0x440: {  	v3 =	vld [tilespmem:s25+$0x11000];
	(xrf0) =	vadd.scan.msk.s32 $0xffff, v6;
	v6 =	vsel vm0, $0x1, v2  }
0x441: {  	(xrf0) =	vadd.scan.msk.s32 $0xffff, v4  }
0x442: {  	v11, _, _ =	vpop (xrf0);
	v7 =	vnsel vm0, $0x0, v7;
	(xrf0) =	vadd.scan.msk.s32 $0xffff, v6  }
0x443: {  	(v2sf) =	vpush v11, $0xF;
	s26 =	spop (v2sf);
	v6, _, _ =	vpop (xrf0)  }
0x444: {  	s1 =	sadd.s32 s1, s26;
	(xrf0) =	vadd.scan.msk.s32 $0xffff, v7;
	(v2sf) =	vpush v6, $0xF;
	v6, _, _ =	vpop (xrf0)  }
0x445: {  	v10 =	vadd.s32 s1, v10;
	(xrf0) =	vadd.scan.msk.s32 $0xffff, v3;
	v7, _, _ =	vpop (xrf0);
	(v2sf) =	vpush v6, $0xF  }
0x446: {  	vm0 =	vlt.s32 v10, v1;
	v8, _, _ =	vpop (xrf0);
	(v2sf) =	vpush v7, $0xF  }
0x447: {  	v10 =	vsel vm0, $0x1, v2;
	(v2sf) =	vpush v8, $0xF;
	v8, _, _ =	vpop (xrf0)  }
0x448: {  	v9 =	vnsel vm0, $0x0, v9;
	(v2sf) =	vpush v8, $0xF;
	v11, _, _ =	vpop (xrf0)  }
0x449: {  	(v2sf) =	vpush v11, $0xF  }
0x44a: {  	(xrf0) =	vadd.scan.msk.s32 $0xffff, v10;
	v10, _, _ =	vpop (xrf0)  }
0x44b: {  	s29 =	spop (v2sf);
	(xrf0) =	vadd.scan.msk.s32 $0xffff, v9;
	(v2sf) =	vpush v10, $0xF;
	v9, _, _ =	vpop (xrf0)  }
0x44c: {  	(v2sf) =	vpush v9, $0xF;
	_ =	sdelay $0x1  }
0x44d: {  	s28 =	simm.s32 $0x70  }
0x44e: {  	v7 =	vld [tilespmem:s28+$0x11000];
	_ =	sdelay $0x2  }
0x44f: {  	s3 =	sadd.s32 s1, s29  }
0x450: {  	s31 =	simm.s32 $0x80;
	v10 =	vadd.s32 s3, v6  }
0x451: {  	s4 =	simm.s32 $0x240;
	s1 =	simm.s32 $0x0;
	s2 =	spop (v2sf);
	v6 =	vld [tilespmem:s31+$0x11000];
	(xrf0) =	vadd.scan.msk.s32 $0xffff, v7;
	vm0 =	vlt.s32 v10, v1  }
.LBB2_29:
0x452: {  	s0 =	sadd.s32 s0, s2;
	s2 =	spop (v2sf)  }
0x453: {  	v10 =	vsel vm0, $0x1, v2;
	v11 =	vnsel vm0, $0x0, v5;
	v5 =	vmovc v4;
	v4 =	vmovc v3;
	v3 =	vmov v7;
	s5 =	smov.u32 s4;
	s11 =	sadd.s32 $0x40, s4;
	p0 =	sne.s32 s4, $0x3C0  }
.Ltmp14:
0x454: {  	(xrf0) =	vadd.scan.msk.s32 $0xffff, v10;
	v7, _, _ =	vpop (xrf0);
	s1 =	sadd.s32 s1, s2;
	(pc) =	sbr.rel @p0 .LBB2_29-.Ltmp14, $4  }
0x455: {  	(xrf0) =	vadd.scan.msk.s32 $0xffff, v11;
	s2 =	spop (v2sf);
	(v2sf) =	vpush v7, $0xF;
	v7, _, _ =	vpop (xrf0)  }
0x456: {  	s3 =	sadd.s32 s3, s2;
	(v2sf) =	vpush v7, $0xF  }
0x457: {  	s2 =	sshra.s32 s5, $0x2;
	(xrf0) =	vadd.scan.msk.s32 $0xffff, v6;
	v10 =	vadd.s32 s3, v8;
	v8 =	vmov v9;
	v9, _, _ =	vpop (xrf0);
	v7 =	vmov v6  }
0x458: {  	s4 =	smov.u32 s11;
	v6 =	vld [tilespmem:s2+$0x11000];
	(v2sf) =	vpush v9, $0xF;
	vm0 =	vlt.s32 v10, v1;
	s2 =	spop (v2sf)  }
0x459: {  	_ =	sdelay $0x1  }
0x45a: {  	v10, _, _ =	vpop (xrf0)  }
0x45b: {  	(v2sf) =	vpush v10, $0xF;
	v54, _, _ =	vpop (xrf0)  }
0x45c: {  	(v2sf) =	vpush v54, $0xF;
	v55, _, _ =	vpop (xrf0)  }
0x45d: {  	(v2sf) =	vpush v55, $0xF;
	_ =	sdelay $0x4  }
0x45e: {  	s4 =	spop (v2sf)  }
0x45f: {  	s12 =	spop (v2sf)  }
0x460: {  	v11 =	vsel vm0, $0x1, v2;
	s5 =	spop (v2sf)  }
0x461: {  	v5 =	vnsel vm0, $0x0, v5;
	(xrf0) =	vadd.scan.msk.s32 $0xffff, v11;
	s11 =	spop (v2sf)  }
0x462: {  	(xrf0) =	vadd.scan.msk.s32 $0xffff, v5;
	s13 =	spop (v2sf)  }
0x463: {  	(xrf0) =	vadd.scan.msk.s32 $0xffff, v6;
	s29 =	spop (v2sf)  }
0x464: {  	s14 =	sadd.s32 s3, s12;
	s31 =	spop (v2sf)  }
0x465: {  	v56 =	vadd.s32 s14, v8;
	s17 =	spop (v2sf)  }
0x466: {  	vm12 =	vlt.s32 v56, v1;
	s13 =	sadd.s32 s14, s13;
	s15 =	spop (v2sf)  }
0x467: {  	v5 =	vsel vm12, $0x1, v2;
	v57 =	vadd.s32 s13, v9;
	v58, _, _ =	vpop (xrf0);
	s18 =	spop (v2sf)  }
0x468: {  	v4 =	vnsel vm12, $0x0, v4;
	(xrf0) =	vadd.scan.msk.s32 $0xffff, v5;
	vm13 =	vlt.s32 v57, v1;
	v59, _, _ =	vpop (xrf0);
	s13 =	sadd.s32 s13, s17;
	s16 =	spop (v2sf)  }
0x469: {  	(xrf0) =	vadd.scan.msk.s32 $0xffff, v4;
	v8 =	vsel vm13, $0x1, v2;
	v61, _, _ =	vpop (xrf0);
	v60 =	vadd.s32 s13, v55;
	s13 =	sadd.s32 s13, s16  }
0x46a: {  	v3 =	vnsel vm13, $0x0, v3;
	(xrf0) =	vadd.scan.msk.s32 $0xffff, v8;
	vm14 =	vlt.s32 v60, v1;
	v62 =	vadd.s32 s13, v61  }
0x46b: {  	(xrf0) =	vadd.scan.msk.s32 $0xffff, v3;
	v3 =	vsel vm14, $0x1, v2;
	vm15 =	vlt.s32 v62, v1  }
0x46c: {  	(v2sf) =	vpush v58, $0xF;
	v63 =	vnsel vm14, $0x0, v7;
	(xrf0) =	vadd.scan.msk.s32 $0xffff, v3;
	v1 =	vsel vm15, $0x1, v2  }
0x46d: {  	(v2sf) =	vpush v59, $0xF;
	(xrf0) =	vadd.scan.msk.s32 $0xffff, v63  }
0x46e: {  	(v2sf) =	vpush v61, $0xF;
	v2, _, _ =	vpop (xrf0);
	v3 =	vnsel vm15, $0x0, v6;
	(xrf0) =	vadd.scan.msk.s32 $0xffff, v1  }
0x46f: {  	(v2sf) =	vpush v2, $0xF;
	v1, _, _ =	vpop (xrf0);
	(xrf0) =	vadd.scan.msk.s32 $0xffff, v3  }
0x470: {  	v2, _, _ =	vpop (xrf0);
	(v2sf) =	vpush v1, $0xF  }
0x471: {  	v1, _, _ =	vpop (xrf0);
	(v2sf) =	vpush v2, $0xF  }
0x472: {  	(v2sf) =	vpush v1, $0xF;
	v1, _, _ =	vpop (xrf0)  }
0x473: {  	(v2sf) =	vpush v1, $0xF;
	v1, _, _ =	vpop (xrf0)  }
0x474: {  	(v2sf) =	vpush v1, $0xF;
	v1, _, _ =	vpop (xrf0)  }
0x475: {  	(v2sf) =	vpush v1, $0xF;
	v1, _, _ =	vpop (xrf0)  }
0x476: {  	(v2sf) =	vpush v1, $0xF;
	_ =	sdelay $0x4  }
0x477: {  	s19 =	spop (v2sf)  }
0x478: {  	s20 =	spop (v2sf)  }
0x479: {  	s0 =	sadd.s32 s0, s2;
	s21 =	spop (v2sf)  }
0x47a: {  	s1 =	sadd.s32 s1, s4;
	s2 =	sadd.s32 s0, s5;
	s22 =	spop (v2sf)  }
0x47b: {  	s0 =	simm.s32 $0x10040;
	s1 =	sadd.s32 s1, s11;
	v1 =	vimm.s32 $0x0;
	s23 =	spop (v2sf)  }
0x47c: {  	s2 =	sadd.s32 s2, s29;
	s1 =	sadd.s32 s1, s31;
	[tilespmem:s0+$0xFFFFFFC0] =	vst v1;
	s24 =	spop (v2sf)  }
0x47d: {  	s2 =	sadd.s32 s2, s15;
	s1 =	sadd.s32 s1, s18;
	[tilespmem:s0+$0x30] =	vst v1;
	s25 =	spop (v2sf)  }
0x47e: {  	s2 =	sadd.s32 s2, s19;
	s1 =	sadd.s32 s1, s20;
	[tilespmem:s0+$0x20] =	vst v1;
	s26 =	spop (v2sf)  }
0x47f: {  	[tilespmem:s0+$0x10] =	vst v1;
	s2 =	sadd.s32 s2, s22;
	s1 =	sadd.s32 s1, s23;
	s28 =	spop (v2sf)  }
0x480: {  	[tilespmem:s0+$0x0] =	vst v1;
	s2 =	sadd.s32 s2, s24;
	s1 =	sadd.s32 s1, s25;
	s29 =	spop (v2sf)  }
0x481: {  	[tilespmem:s0+$0xFFFFFFF0] =	vst v1;
	s2 =	sadd.s32 s2, s26;
	s4 =	sadd.s32 s1, s28;
	s31 =	spop (v2sf)  }
0x482: {  	[tilespmem:s0+$0xFFFFFFE0] =	vst v1;
	s1 =	sadd.s32 s2, s29;
	s2 =	simm.s32 $0x0;
	s11 =	sadd.s32 s4, s31  }
.LBB2_31:
0x483: {  	s2 =	sadd.s32 $0x8, s2;
	[tilespmem:s0+$0xFFFFFFD0] =	vst v1;
	s0 =	sadd.s32 $0x80, s0  }
0x484: {  	[tilespmem:s0+$0xFFFFFFC0] =	vst v1;
	p0 =	slt.u32 s2, $0xF8  }
0x485: {  	[tilespmem:s0+$0x30] =	vst v1  }
.Ltmp15:
0x486: {  	[tilespmem:s0+$0x20] =	vst v1;
	(pc) =	sbr.rel @p0 .LBB2_31-.Ltmp15, $4  }
0x487: {  	[tilespmem:s0+$0x10] =	vst v1  }
0x488: {  	[tilespmem:s0+$0x0] =	vst v1  }
0x489: {  	[tilespmem:s0+$0xFFFFFFF0] =	vst v1  }
0x48a: {  	[tilespmem:s0+$0xFFFFFFE0] =	vst v1  }
0x48b: {  	v2 =	vimm.f32 $5.242800000e+04;
	s2 =	sadd.s32 $0xF, s10  }
0x48c: {  	(erf) = vrcp.f32 v2;
	s12 =	sshra.s32 s2, $0x4  }
0x48d: {  	s2 =	sshrl.u32 s12, $0x1E  }
0x48e: {  	s2 =	sadd.s32 s2, s12  }
0x48f: {  	s3 =	sshll.u32 s8, $0x8;
	s8 =	sand.u32 $0xFFFFFFFC, s2  }
0x490: {  	p0 =	slt.s32 s8, $0x1  }
.Ltmp16:
0x491: {  	_ = 	snop;
	(pc) =	sbr.rel @p0 .LBB2_33-.Ltmp16, $4  }
0x492: {  	_ = 	snop  }
0x493: {  	s25 =	sadd.s32 s3, s1  }
0x494: {  	s1 =	sshll.u32 s25, $0x10  }
0x495: {  	[tilespmem:s0+$0xFFFFFFD0] =	vst v1;
	v2 =	vmov s10;
	v3 =	vmov s25;
	v4 =	vmov s1;
	s13 =	ssub.s32 s12, s8;
	v1 =	vpop (erf)  }
0x496: {  	s1 =	simm.s32 $0x20  }
0x497: {  	v5 =	vld [tilespmem:s1+$0x10]  }
0x498: {  	v6 =	vld [tilespmem:s1+$0x0]  }
0x499: {  	v8 =	vld [tilespmem:s1+$0xFFFFFFF0]  }
0x49a: {  	v12 =	vlaneseq.u32;
	v9 =	vld [tilespmem:s1+$0xFFFFFFE0]  }
0x49b: {  	s10 =	simm.s32 $0x0;
	v7 =	vimm.s32 $0x1;
	s2 =	simm.s32 $0x30;
	s3 =	simm.s32 $0x10;
	v10 =	vmul.u32 $0x100, v12  }
0x49c: {  	s31 =	simm.s32 $0x20;
	v11 =	vor.u32 s10, v12;
	v13 =	vor.u32 s2, v12;
	v14 =	vor.u32 s3, v12  }
0x49d: {  	vm5 =	vlt.s32 v11, v2;
	v11 =	vor.u32 s31, v12;
	vm2 =	vlt.s32 v13, v2  }
0x49e: {  	vm0 =	vlt.s32 v14, v2;
	vm4 =	vlt.s32 v11, v2;
	v11 =	vshra.s32 v6, $0x1F  }
0x49f: {  	v13 =	vshra.s32 v5, $0x1F;
	v14 =	vshra.s32 v9, $0x1F;
	v15 =	vshra.s32 v8, $0x1F  }
0x4a0: {  	v16 =	vor.u32 $0x80000000, v11;
	v11 =	vor.u32 $0x80000000, v13;
	v13 =	vor.u32 $0x80000000, v14  }
0x4a1: {  	v14 =	vor.u32 $0x80000000, v15;
	v11 =	vxor.u32 v5, v11;
	v15 =	vxor.u32 v9, v13  }
0x4a2: {  	v13 =	vxor.u32 v6, v16;
	v14 =	vxor.u32 v8, v14;
	v16 =	vshrl.u32 v15, $0x10  }
0x4a3: {  	p0 =	sgt.s32 s8, $0x4;
	v17 =	vshrl.u32 v11, $0x10;
	vm1 =	veq.s32 v16, v3;
	v16 =	vshrl.u32 v14, $0x10  }
.Ltmp17:
0x4a4: {  	vm7 =	vmand vm5, vm1;
	vm1 =	veq.s32 v16, v3;
	v16 =	vshrl.u32 v13, $0x10;
	(pc) =	sbr.rel @!p0 .LBB2_56-.Ltmp17, $4  }
0x4a5: {  	v18 =	vmpcnt.ones.xlane vm7;
	vm6 =	vmand vm0, vm1;
	vm1 =	veq.s32 v16, v3  }
0x4a6: {  	v19 =	vmpcnt.ones.xlane vm6;
	vm3 =	vmand vm4, vm1;
	vm1 =	veq.s32 v17, v3  }
0x4a7: {  	s0 =	simm.s32 $0x10000;
	v17 =	vmpcnt.ones.xlane vm3;
	vm1 =	vmand vm2, vm1;
	(v2sf) =	vpush v18, $0x0  }
0x4a8: {  	s1 =	simm.s32 $0x4;
	s2 =	simm.s32 $0x60;
	s3 =	simm.s32 $0x0;
	v16 =	vshrl.u32 v15, $0x8;
	v18 =	vmpcnt.ones.xlane vm1;
	(v2sf) =	vpush v19, $0x0  }
.LBB2_55:
0x4a9: {  	v20 =	vshrl.u32 v14, $0x8;
	v21 =	vshrl.u32 v13, $0x8;
	(v2sf) =	vpush v17, $0x0  }
0x4aa: {  	v19 =	vld [tilespmem:s2+$0x10];
	vm10 =	vmmov vm5;
	vm9 =	vmmov vm4;
	vm8 =	vmmov vm2  }
0x4ab: {  	v16 =	vand.u32 $0xFF, v16;
	v22 =	vshrl.u32 v11, $0x8;
	v17 =	vld [tilespmem:s2+$0x0];
	(v2sf) =	vpush v18, $0x0  }
0x4ac: {  	v20 =	vand.u32 $0xFF, v20;
	v21 =	vand.u32 $0xFF, v21;
	v22 =	vand.u32 $0xFF, v22;
	v18 =	vld [tilespmem:s2+$0xFFFFFFF0]  }
0x4ad: {  	s3 =	sadd.s32 $0x40, s3;
	v16 =	vor.u32 v10, v16;
	v20 =	vor.u32 v10, v20;
	v21 =	vor.u32 v10, v21;
	v23 =	vld [tilespmem:s2+$0xFFFFFFE0]  }
0x4ae: {  	vm11 =	vmmov vm0;
	v24 =	vor.u32 s3, v12;
	s4 =	sadd.s32 $0x20, s3;
	s5 =	sadd.s32 $0x30, s3;
	v22 =	vor.u32 v10, v22  }
0x4af: {  	s14 =	sadd.s32 $0x10, s3;
	vm5 =	vlt.s32 v24, v2;
	v24 =	vor.u32 s4, v12;
	v25 =	vor.u32 s5, v12  }
0x4b0: {  	v26 =	vor.u32 s14, v12;
	vm4 =	vlt.s32 v24, v2;
	vm2 =	vlt.s32 v25, v2  }
0x4b1: {  	vm0 =	vlt.s32 v26, v2;
	v25 =	vshra.s32 v19, $0x1F;
	v24 =	vshra.s32 v17, $0x1F  }
0x4b2: {  	s1 =	sadd.s32 $0x4, s1;
	vm12 =	vlt.u32 v15, v4;
	v27 =	vshra.s32 v18, $0x1F;
	v26 =	vshra.s32 v23, $0x1F;
	[tilespmem:v16+s0+$0x0] =	vst.idx.add.s32.msk vm7, v7  }
0x4b3: {  	p0 =	slt.s32 s1, s8;
	vm10 =	vmand vm10, vm12;
	v15 =	vor.u32 $0x80000000, v24;
	v16 =	vor.u32 $0x80000000, v25;
	[tilespmem:s10+$0x0] =	vst.msk vm7, v9  }
0x4b4: {  	v24 =	vor.u32 $0x80000000, v27;
	v25 =	vnsel vm10, $0x0, v9;
	vm7 =	vlt.u32 v14, v4;
	v9 =	vmovc v23;
	[tilespmem:v20+s0+$0x0] =	vst.idx.add.s32.msk vm6, v7  }
0x4b5: {  	v0 =	vadd.f32 v25, v0;
	v20 =	vor.u32 $0x80000000, v26;
	vm7 =	vmand vm11, vm7;
	[tilespmem:v21+s0+$0x0] =	vst.idx.add.s32.msk vm3, v7  }
0x4b6: {  	v16 =	vxor.u32 v19, v16;
	v14 =	vnsel vm7, $0x0, v8;
	vm7 =	vlt.u32 v13, v4;
	[tilespmem:v22+s0+$0x0] =	vst.idx.add.s32.msk vm1, v7  }
0x4b7: {  	v13 =	vxor.u32 v17, v15;
	v0 =	vadd.f32 v14, v0;
	vm7 =	vmand vm9, vm7;
	s4 =	spop (v2sf)  }
0x4b8: {  	v14 =	vxor.u32 v18, v24;
	v21 =	vnsel vm7, $0x0, v6;
	vm7 =	vlt.u32 v11, v4;
	v11 =	vmovc v16;
	s4 =	sadd.s32 s10, s4;
	s5 =	spop (v2sf)  }
0x4b9: {  	v15 =	vxor.u32 v9, v20;
	v0 =	vadd.f32 v21, v0;
	[tilespmem:s4+$0x0] =	vst.msk vm6, v8;
	s4 =	sadd.s32 s4, s5;
	vm6 =	vmand vm8, vm7;
	s5 =	spop (v2sf);
	v8 =	vmovc v18  }
0x4ba: {  	v16 =	vshrl.u32 v15, $0x10;
	v18 =	vshrl.u32 v11, $0x10;
	[tilespmem:s4+$0x0] =	vst.msk vm3, v6;
	s4 =	sadd.s32 s4, s5;
	v20 =	vnsel vm6, $0x0, v5;
	s5 =	spop (v2sf);
	v6 =	vmovc v17  }
0x4bb: {  	vm3 =	veq.s32 v16, v3;
	v16 =	vshrl.u32 v14, $0x10;
	v0 =	vadd.f32 v20, v0;
	[tilespmem:s4+$0x0] =	vst.msk vm1, v5;
	s10 =	sadd.s32 s4, s5;
	v5 =	vmovc v19  }
.Ltmp18:
0x4bc: {  	vm7 =	vmand vm5, vm3;
	vm1 =	veq.s32 v16, v3;
	v16 =	vshrl.u32 v13, $0x10;
	(pc) =	sbr.rel @p0 .LBB2_55-.Ltmp18, $4  }
0x4bd: {  	v19 =	vmpcnt.ones.xlane vm7;
	vm6 =	vmand vm0, vm1;
	vm1 =	veq.s32 v16, v3  }
0x4be: {  	v20 =	vmpcnt.ones.xlane vm6;
	vm3 =	vmand vm4, vm1;
	vm1 =	veq.s32 v18, v3  }
0x4bf: {  	v17 =	vmpcnt.ones.xlane vm3;
	vm1 =	vmand vm2, vm1;
	(v2sf) =	vpush v19, $0x0  }
0x4c0: {  	s2 =	sadd.s32 $0x40, s2;
	v16 =	vshrl.u32 v15, $0x8;
	v18 =	vmpcnt.ones.xlane vm1;
	(v2sf) =	vpush v20, $0x0  }
.LBB2_56:
0x4c1: {  	(v2sf) =	vpush v17, $0x0  }
0x4c2: {  	(v2sf) =	vpush v18, $0x0;
	_ =	sdelay $0x2  }
0x4c3: {  	v12 =	vshrl.u32 v14, $0x8;
	v16 =	vand.u32 $0xFF, v16  }
0x4c4: {  	v59 =	vshrl.u32 v13, $0x8;
	v12 =	vand.u32 $0xFF, v12;
	v16 =	vor.u32 v10, v16  }
0x4c5: {  	v60 =	vshrl.u32 v11, $0x8;
	v17 =	vand.u32 $0xFF, v59;
	v12 =	vor.u32 v10, v12  }
0x4c6: {  	v18 =	vand.u32 $0xFF, v60;
	v17 =	vor.u32 v10, v17  }
0x4c7: {  	vm5 =	vmmov vm5;
	vm8 =	vlt.u32 v15, v4;
	v61 =	vor.u32 v10, v18  }
0x4c8: {  	vm5 =	vmand vm5, vm8  }
0x4c9: {  	vm0 =	vmmov vm0;
	vm13 =	vlt.u32 v14, v4;
	v62 =	vnsel vm5, $0x0, v9;
	[tilespmem:v16+s0+$0x0] =	vst.idx.add.s32.msk vm7, v7  }
0x4ca: {  	vm0 =	vmand vm0, vm13;
	v0 =	vadd.f32 v62, v0;
	[tilespmem:v12+s0+$0x0] =	vst.idx.add.s32.msk vm6, v7  }
0x4cb: {  	vm4 =	vmmov vm4;
	vm14 =	vlt.u32 v13, v4;
	v63 =	vnsel vm0, $0x0, v8;
	[tilespmem:v17+s0+$0x0] =	vst.idx.add.s32.msk vm3, v7  }
.Ltmp19:
0x4cc: {  	vm0 =	vmand vm4, vm14;
	v0 =	vadd.f32 v63, v0;
	[tilespmem:v61+s0+$0x0] =	vst.idx.add.s32.msk vm1, v7;
	s26 =	spop (v2sf);
	(pc) =	sbr.rel .LBB2_34-.Ltmp19, $4  }
0x4cd: {  	vm2 =	vmmov vm2;
	vm15 =	vlt.u32 v11, v4;
	[tilespmem:s10+$0x0] =	vst.msk vm7, v9;
	v7 =	vnsel vm0, $0x0, v6;
	s0 =	sadd.s32 s10, s26;
	s1 =	spop (v2sf)  }
0x4ce: {  	vm0 =	vmand vm2, vm15;
	v0 =	vadd.f32 v7, v0;
	[tilespmem:s0+$0x0] =	vst.msk vm6, v8;
	s0 =	sadd.s32 s0, s1;
	s29 =	spop (v2sf)  }
0x4cf: {  	[tilespmem:s0+$0x0] =	vst.msk vm3, v6;
	s0 =	sadd.s32 s0, s29;
	v6 =	vnsel vm0, $0x0, v5;
	s31 =	spop (v2sf)  }
0x4d0: {  	v0 =	vadd.f32 v6, v0;
	[tilespmem:s0+$0x0] =	vst.msk vm1, v5;
	s28 =	sadd.s32 s0, s31  }
.LBB2_33:
0x4d1: {  	s28 =	simm.s32 $0x0  }
.LBB2_34:
0x4d2: {  	p0 =	slt.s32 s13, $0x1  }
.Ltmp20:
0x4d3: {  	_ = 	snop;
	(pc) =	sbr.rel @p0 .LBB2_37-.Ltmp20, $1  }
0x4d4: {  	_ =	sdelay $0x3  }
0x4d5: {  	s0 =	sshll.u32 s12, $0x6;
	s1 =	sshll.u32 s13, $0x6  }
0x4d6: {  	s31 =	sshll.u32 s12, $0x4;
	s2 =	sshll.u32 s13, $0x4;
	v5 =	vlaneseq.u32;
	s0 =	ssub.s32 s0, s1  }
0x4d7: {  	v7 =	vimm.s32 $0x1;
	s1 =	ssub.s32 s31, s2;
	v6 =	vmul.u32 $0x100, v5;
	s2 =	simm.s32 $0x10000;
	s0 =	sshra.s32 s0, $0x2  }
.LBB2_36:
0x4d8: {  	v8 =	vld [tilespmem:s0+$0x0];
	_ =	sdelay $0x4  }
0x4d9: {  	v9 =	vshra.s32 v8, $0x1F  }
0x4da: {  	v9 =	vor.u32 $0x80000000, v9  }
0x4db: {  	v9 =	vxor.u32 v8, v9  }
0x4dc: {  	v10 =	vor.u32 s1, v5;
	v11 =	vshrl.u32 v9, $0x10  }
0x4dd: {  	vm0 =	vlt.s32 v10, v2;
	vm1 =	veq.s32 v11, v3  }
0x4de: {  	vm1 =	vmand vm0, vm1  }
0x4df: {  	v61 =	vmpcnt.ones.xlane vm1;
	_ =	sdelay $0x1  }
0x4e0: {  	(v2sf) =	vpush v61, $0x0;
	_ =	sdelay $0x7  }
0x4e1: {  	v62 =	vshrl.u32 v9, $0x8  }
0x4e2: {  	v10 =	vand.u32 $0xFF, v62  }
0x4e3: {  	s8 =	sadd.s32 $0x1, s8;
	v10 =	vor.u32 v6, v10  }
0x4e4: {  	p0 =	slt.s32 s8, s12  }
.Ltmp21:
0x4e5: {  	_ = 	snop;
	(pc) =	sbr.rel @p0 .LBB2_36-.Ltmp21, $4  }
0x4e6: {  	vm2 =	vlt.u32 v9, v4  }
0x4e7: {  	vm0 =	vmand vm0, vm2  }
0x4e8: {  	v63 =	vnsel vm0, $0x0, v8;
	[tilespmem:v10+s2+$0x0] =	vst.idx.add.s32.msk vm1, v7;
	s3 =	spop (v2sf)  }
0x4e9: {  	s0 =	sadd.s32 $0x10, s0;
	s1 =	sadd.s32 $0x10, s1;
	v0 =	vadd.f32 v63, v0;
	[tilespmem:s28+$0x0] =	vst.msk vm1, v8;
	s28 =	sadd.s32 s28, s3  }
.LBB2_37:
0x4ea: {  	s19 =	sadd.s32 $0x2000, s6;
	s18 =	sadd.s32 $0x2100, s6  }
0x4eb: {  	s17 =	sadd.s32 $0x2200, s6;
	s16 =	sadd.s32 $0x2300, s6;
	s15 =	sadd.s32 $0x2400, s6  }
0x4ec: {  	s14 =	sadd.s32 $0x2500, s6;
	s13 =	sadd.s32 $0x2600, s6;
	s12 =	sadd.s32 $0x2700, s6  }
0x4ed: {  	s10 =	sadd.s32 $0x2800, s6;
	s26 =	ssub.s32 s9, s11;
	s9 =	sadd.s32 $0x3000, s7  }
0x4ee: {  	s5 =	sadd.s32 $0x2900, s6;
	s11 =	sadd.s32 $0x3600, s6;
	[dreg:$0x9] =	wrdreg s9  }
0x4ef: {  	s8 =	sadd.s32 $0x2A00, s6;
	[dreg:$0x13] =	wrdreg s11;
	s11 =	sadd.s32 $0x3700, s6  }
0x4f0: {  	s4 =	sadd.s32 $0x2B00, s6;
	s9 =	sadd.s32 $0x4300, s6;
	[dreg:$0x12] =	wrdreg s11  }
0x4f1: {  	s3 =	sadd.s32 $0x2C00, s6;
	s2 =	sadd.s32 $0x2D00, s6;
	[dreg:$0x8] =	wrdreg s9  }
0x4f2: {  	s1 =	sadd.s32 $0x2E00, s6;
	s11 =	sadd.s32 $0x3800, s6;
	s9 =	rddreg [dreg:$0x3]  }
0x4f3: {  	s0 =	sadd.s32 $0x2F00, s6;
	[dreg:$0x11] =	wrdreg s11;
	s11 =	sadd.s32 $0x3900, s6  }
0x4f4: {  	s31 =	sadd.s32 $0x2000, s7;
	[dreg:$0x10] =	wrdreg s11;
	s11 =	sadd.s32 $0x3A00, s6  }
0x4f5: {  	s29 =	sadd.s32 $0x4200, s6;
	[dreg:$0xf] =	wrdreg s11;
	s11 =	sadd.s32 $0x3B00, s6  }
0x4f6: {  	s24 =	sadd.s32 $0x3000, s6;
	[dreg:$0xe] =	wrdreg s11;
	s11 =	sadd.s32 $0x3C00, s6  }
0x4f7: {  	s21 =	sadd.s32 $0x3100, s6;
	[dreg:$0xd] =	wrdreg s11;
	s11 =	sadd.s32 $0x3D00, s6  }
0x4f8: {  	s22 =	sadd.s32 $0x3200, s6;
	[dreg:$0xc] =	wrdreg s11;
	s11 =	sadd.s32 $0x3E00, s6  }
0x4f9: {  	s23 =	sadd.s32 $0x3300, s6;
	[dreg:$0xb] =	wrdreg s11;
	s11 =	sadd.s32 $0x3F00, s6  }
0x4fa: {  	s20 =	sadd.s32 $0x3400, s6;
	[dreg:$0xa] =	wrdreg s11;
	s11 =	smov.u32 s30  }
0x4fb: {  	s7 =	sadd.s32 $0x3500, s6;
	s6 =	sadd.s32 $0x4300, s11;
	s11 =	rddreg [dreg:$0x5]  }
0x4fc: {  	[dreg:$0x7] =	wrdreg s6;
	s6 =	sadd.s32 s11, s9;
	s11 =	simm.s32 $0x0  }
0x4fd: {  	s9 =	sand.u32 $0xF0, s11  }
0x4fe: {  	v2 =	vld [tilespmem:s9+$0x10100]  }
0x4ff: {  	v3 =	vld [tilespmem:s9+$0x10000]  }
0x500: {  	v4 =	vld [tilespmem:s9+$0x10200]  }
0x501: {  	v5 =	vld [tilespmem:s9+$0x10300]  }
0x502: {  	v6 =	vld [tilespmem:s9+$0x10400]  }
0x503: {  	v7 =	vld [tilespmem:s9+$0x10500]  }
0x504: {  	v2 =	vadd.s32 v3, v2;
	v3 =	vld [tilespmem:s9+$0x10600]  }
0x505: {  	v56 =	vld [tilespmem:s9+$0x10700];
	v2 =	vadd.s32 v2, v4  }
0x506: {  	v57 =	vld [tilespmem:s9+$0x10800];
	v2 =	vadd.s32 v2, v5  }
0x507: {  	v58 =	vld [tilespmem:s9+$0x10900];
	v2 =	vadd.s32 v2, v6  }
0x508: {  	v59 =	vld [tilespmem:s9+$0x10A00];
	v2 =	vadd.s32 v2, v7  }
0x509: {  	v2 =	vadd.s32 v2, v3;
	v3 =	vld [tilespmem:s9+$0x10B00]  }
0x50a: {  	v60 =	vld [tilespmem:s9+$0x10C00];
	v2 =	vadd.s32 v2, v56  }
0x50b: {  	v61 =	vld [tilespmem:s9+$0x10D00];
	v2 =	vadd.s32 v2, v57  }
0x50c: {  	v62 =	vld [tilespmem:s9+$0x10E00];
	v2 =	vadd.s32 v2, v58  }
0x50d: {  	v63 =	vld [tilespmem:s9+$0x10F00];
	v2 =	vadd.s32 v2, v59  }
0x50e: {  	v2 =	vadd.s32 v2, v3  }
0x50f: {  	v2 =	vadd.s32 v2, v60  }
0x510: {  	v2 =	vadd.s32 v2, v61  }
0x511: {  	v2 =	vadd.s32 v2, v62  }
0x512: {  	[dreg:$0x6] =	wrdreg s6;
	s6 =	simm.s32 $0x11000;
	s11 =	simm.s32 $0x10;
	v2 =	vadd.s32 v2, v63  }
0x513: {  	s11 =	sand.u32 $0xF0, s11;
	[tilespmem:s6+$0x0] =	vst v2  }
0x514: {  	s30 =	sadd.s32 $0x4200, s30;
	s9 =	simm.s32 $0x20;
	v2 =	vld [tilespmem:s11+$0x10100]  }
.LBB2_38:
0x515: {  	p0 =	sne.s32 s9, $0xF0;
	v3 =	vld [tilespmem:s11+$0x10000]  }
0x516: {  	v4 =	vld [tilespmem:s11+$0x10200]  }
0x517: {  	v5 =	vld [tilespmem:s11+$0x10300]  }
0x518: {  	v6 =	vld [tilespmem:s11+$0x10400]  }
0x519: {  	v7 =	vld [tilespmem:s11+$0x10500]  }
0x51a: {  	v2 =	vadd.s32 v3, v2;
	v3 =	vld [tilespmem:s11+$0x10600]  }
0x51b: {  	v2 =	vadd.s32 v2, v4;
	v4 =	vld [tilespmem:s11+$0x10700]  }
0x51c: {  	v2 =	vadd.s32 v2, v5;
	v5 =	vld [tilespmem:s11+$0x10800]  }
0x51d: {  	v2 =	vadd.s32 v2, v6;
	v6 =	vld [tilespmem:s11+$0x10900]  }
0x51e: {  	v2 =	vadd.s32 v2, v7;
	v7 =	vld [tilespmem:s11+$0x10A00]  }
0x51f: {  	v2 =	vadd.s32 v2, v3;
	v3 =	vld [tilespmem:s11+$0x10B00]  }
0x520: {  	v2 =	vadd.s32 v2, v4;
	v4 =	vld [tilespmem:s11+$0x10C00]  }
0x521: {  	v2 =	vadd.s32 v2, v5;
	v5 =	vld [tilespmem:s11+$0x10D00]  }
0x522: {  	v2 =	vadd.s32 v2, v6;
	v6 =	vld [tilespmem:s11+$0x10E00]  }
0x523: {  	v2 =	vadd.s32 v2, v7;
	v7 =	vld [tilespmem:s11+$0x10F00]  }
0x524: {  	v2 =	vadd.s32 v2, v3  }
0x525: {  	v2 =	vadd.s32 v2, v4  }
.Ltmp22:
0x526: {  	v2 =	vadd.s32 v2, v5;
	(pc) =	sbr.rel @p0 .LBB2_38-.Ltmp22, $4  }
0x527: {  	v2 =	vadd.s32 v2, v6  }
0x528: {  	s6 =	sadd.s32 $0x10, s6;
	v2 =	vadd.s32 v2, v7  }
0x529: {  	s11 =	sand.u32 $0xF0, s9;
	[tilespmem:s6+$0x0] =	vst v2  }
0x52a: {  	s9 =	sadd.s32 $0x10, s9;
	v2 =	vld [tilespmem:s11+$0x10100]  }
0x52b: {  	v3 =	vld [tilespmem:s11+$0x10000]  }
0x52c: {  	v4 =	vld [tilespmem:s11+$0x10200]  }
0x52d: {  	v5 =	vld [tilespmem:s11+$0x10300]  }
0x52e: {  	v6 =	vld [tilespmem:s11+$0x10400]  }
0x52f: {  	v7 =	vld [tilespmem:s11+$0x10500]  }
0x530: {  	v2 =	vadd.s32 v3, v2;
	v3 =	vld [tilespmem:s11+$0x10600]  }
0x531: {  	v2 =	vadd.s32 v2, v4;
	v4 =	vld [tilespmem:s11+$0x10700]  }
0x532: {  	v2 =	vadd.s32 v2, v5;
	v5 =	vld [tilespmem:s11+$0x10800]  }
0x533: {  	v2 =	vadd.s32 v2, v6;
	v6 =	vld [tilespmem:s11+$0x10900]  }
0x534: {  	v2 =	vadd.s32 v2, v7;
	v7 =	vld [tilespmem:s11+$0x10A00]  }
0x535: {  	v2 =	vadd.s32 v2, v3;
	v3 =	vld [tilespmem:s11+$0x10B00]  }
0x536: {  	v2 =	vadd.s32 v2, v4;
	v4 =	vld [tilespmem:s11+$0x10C00]  }
0x537: {  	v2 =	vadd.s32 v2, v5;
	v5 =	vld [tilespmem:s11+$0x10D00]  }
0x538: {  	v2 =	vadd.s32 v2, v6;
	v6 =	vld [tilespmem:s11+$0x10E00]  }
0x539: {  	v2 =	vadd.s32 v2, v7;
	v7 =	vld [tilespmem:s11+$0x10F00]  }
0x53a: {  	v2 =	vadd.s32 v2, v3  }
0x53b: {  	v2 =	vadd.s32 v2, v4  }
0x53c: {  	v2 =	vadd.s32 v2, v5  }
0x53d: {  	v2 =	vadd.s32 v2, v6  }
0x53e: {  	s6 =	sadd.s32 $0x10, s6;
	v2 =	vadd.s32 v2, v7  }
0x53f: {  	[tilespmem:s6+$0x0] =	vst v2;
	s6 =	simm.s32 $0x11000  }
0x540: {  	[spmem:s19] =	stream.linear.scatter [tilespmem:s6], [sflag:$0x1], $0x10, $0x38;
	[tilespmem:$0x11750] =	vst v63  }
0x541: {  	s9 =	simm.s32 $0x11010  }
0x542: {  	[spmem:s18] =	stream.linear.scatter [tilespmem:s9], [sflag:$0x2], $0x10, $0x38;
	[tilespmem:$0x11750] =	vst v63  }
0x543: {  	s11 =	simm.s32 $0x11020  }
0x544: {  	[spmem:s17] =	stream.linear.scatter [tilespmem:s11], [sflag:$0x3], $0x10, $0x38;
	[tilespmem:$0x11750] =	vst v63  }
0x545: {  	s17 =	simm.s32 $0x11030  }
0x546: {  	[spmem:s16] =	stream.linear.scatter [tilespmem:s17], [sflag:$0x4], $0x10, $0x38;
	[tilespmem:$0x11750] =	vst v63  }
0x547: {  	s18 =	simm.s32 $0x11040  }
0x548: {  	[spmem:s15] =	stream.linear.scatter [tilespmem:s18], [sflag:$0x5], $0x10, $0x38;
	[tilespmem:$0x11750] =	vst v63  }
0x549: {  	s19 =	simm.s32 $0x11050  }
0x54a: {  	[spmem:s14] =	stream.linear.scatter [tilespmem:s19], [sflag:$0x6], $0x10, $0x38;
	[tilespmem:$0x11750] =	vst v63  }
0x54b: {  	s11 =	simm.s32 $0x11060  }
0x54c: {  	[spmem:s13] =	stream.linear.scatter [tilespmem:s11], [sflag:$0x7], $0x10, $0x38;
	[tilespmem:$0x11750] =	vst v63  }
0x54d: {  	s14 =	simm.s32 $0x11070  }
0x54e: {  	[spmem:s12] =	stream.linear.scatter [tilespmem:s14], [sflag:$0x8], $0x10, $0x38;
	[tilespmem:$0x11750] =	vst v63  }
0x54f: {  	s15 =	simm.s32 $0x11080  }
0x550: {  	[spmem:s10] =	stream.linear.scatter [tilespmem:s15], [sflag:$0x9], $0x10, $0x38;
	[tilespmem:$0x11750] =	vst v63  }
0x551: {  	s16 =	simm.s32 $0x11090  }
0x552: {  	[spmem:s5] =	stream.linear.scatter [tilespmem:s16], [sflag:$0xA], $0x10, $0x38;
	[tilespmem:$0x11750] =	vst v63  }
0x553: {  	s17 =	simm.s32 $0x110A0  }
0x554: {  	[spmem:s8] =	stream.linear.scatter [tilespmem:s17], [sflag:$0xB], $0x10, $0x38;
	[tilespmem:$0x11750] =	vst v63  }
0x555: {  	s18 =	simm.s32 $0x110B0  }
0x556: {  	[spmem:s4] =	stream.linear.scatter [tilespmem:s18], [sflag:$0xC], $0x10, $0x38;
	[tilespmem:$0x11750] =	vst v63  }
0x557: {  	s19 =	simm.s32 $0x110C0  }
0x558: {  	[spmem:s3] =	stream.linear.scatter [tilespmem:s19], [sflag:$0xD], $0x10, $0x38;
	[tilespmem:$0x11750] =	vst v63  }
0x559: {  	s4 =	simm.s32 $0x110D0  }
0x55a: {  	[spmem:s2] =	stream.linear.scatter [tilespmem:s4], [sflag:$0xE], $0x10, $0x38;
	[tilespmem:$0x11750] =	vst v63  }
0x55b: {  	s5 =	simm.s32 $0x110E0  }
0x55c: {  	[spmem:s1] =	stream.linear.scatter [tilespmem:s5], [sflag:$0xF], $0x10, $0x38;
	[tilespmem:$0x11750] =	vst v63  }
0x55d: {  	s9 =	simm.s32 $0x1;
	s8 =	simm.s32 $0x110F0  }
0x55e: {  	[spmem:s0] =	stream.linear.scatter [tilespmem:s8], [sflag:$0x10], $0x10, $0x38;
	[tilespmem:$0x11750] =	vst v63  }
0x55f: {  	_ =	swait.ge [sflag:s9], $0x10  }
0x560: {  	[sflag:s9] =	ssyncset.done $0x0  }
0x561: {  	s10 =	simm.s32 $0x2;
	[sflag:s9] =	ssyncadd.s32 $0xFFFFFFF0  }
0x562: {  	_ =	swait.ge [sflag:s10], $0x10  }
0x563: {  	[sflag:s10] =	ssyncset.done $0x0  }
0x564: {  	s11 =	simm.s32 $0x3;
	[sflag:s10] =	ssyncadd.s32 $0xFFFFFFF0  }
0x565: {  	_ =	swait.ge [sflag:s11], $0x10  }
0x566: {  	[sflag:s11] =	ssyncset.done $0x0  }
0x567: {  	s12 =	simm.s32 $0x4;
	[sflag:s11] =	ssyncadd.s32 $0xFFFFFFF0  }
0x568: {  	_ =	swait.ge [sflag:s12], $0x10  }
0x569: {  	[sflag:s12] =	ssyncset.done $0x0  }
0x56a: {  	s13 =	simm.s32 $0x5;
	[sflag:s12] =	ssyncadd.s32 $0xFFFFFFF0  }
0x56b: {  	_ =	swait.ge [sflag:s13], $0x10  }
0x56c: {  	[sflag:s13] =	ssyncset.done $0x0  }
0x56d: {  	s14 =	simm.s32 $0x6;
	[sflag:s13] =	ssyncadd.s32 $0xFFFFFFF0  }
0x56e: {  	_ =	swait.ge [sflag:s14], $0x10  }
0x56f: {  	[sflag:s14] =	ssyncset.done $0x0  }
0x570: {  	s15 =	simm.s32 $0x7;
	[sflag:s14] =	ssyncadd.s32 $0xFFFFFFF0  }
0x571: {  	_ =	swait.ge [sflag:s15], $0x10  }
0x572: {  	[sflag:s15] =	ssyncset.done $0x0  }
0x573: {  	s16 =	simm.s32 $0x8;
	[sflag:s15] =	ssyncadd.s32 $0xFFFFFFF0  }
0x574: {  	_ =	swait.ge [sflag:s16], $0x10  }
0x575: {  	[sflag:s16] =	ssyncset.done $0x0  }
0x576: {  	s17 =	simm.s32 $0x9;
	[sflag:s16] =	ssyncadd.s32 $0xFFFFFFF0  }
0x577: {  	_ =	swait.ge [sflag:s17], $0x10  }
0x578: {  	[sflag:s17] =	ssyncset.done $0x0  }
0x579: {  	s18 =	simm.s32 $0xA;
	[sflag:s17] =	ssyncadd.s32 $0xFFFFFFF0  }
0x57a: {  	_ =	swait.ge [sflag:s18], $0x10  }
0x57b: {  	[sflag:s18] =	ssyncset.done $0x0  }
0x57c: {  	s19 =	simm.s32 $0xB;
	[sflag:s18] =	ssyncadd.s32 $0xFFFFFFF0  }
0x57d: {  	_ =	swait.ge [sflag:s19], $0x10  }
0x57e: {  	[sflag:s19] =	ssyncset.done $0x0  }
0x57f: {  	s1 =	simm.s32 $0xC;
	[sflag:s19] =	ssyncadd.s32 $0xFFFFFFF0  }
0x580: {  	_ =	swait.ge [sflag:s1], $0x10  }
0x581: {  	[sflag:s1] =	ssyncset.done $0x0  }
0x582: {  	s2 =	simm.s32 $0xD;
	[sflag:s1] =	ssyncadd.s32 $0xFFFFFFF0  }
0x583: {  	_ =	swait.ge [sflag:s2], $0x10  }
0x584: {  	[sflag:s2] =	ssyncset.done $0x0  }
0x585: {  	s3 =	simm.s32 $0xE;
	[sflag:s2] =	ssyncadd.s32 $0xFFFFFFF0  }
0x586: {  	_ =	swait.ge [sflag:s3], $0x10  }
0x587: {  	[sflag:s3] =	ssyncset.done $0x0  }
0x588: {  	s4 =	simm.s32 $0xF;
	[sflag:s3] =	ssyncadd.s32 $0xFFFFFFF0  }
0x589: {  	_ =	swait.ge [sflag:s4], $0x10  }
0x58a: {  	[sflag:s4] =	ssyncset.done $0x0  }
0x58b: {  	s5 =	simm.s32 $0x10;
	[sflag:s4] =	ssyncadd.s32 $0xFFFFFFF0  }
0x58c: {  	_ =	swait.ge [sflag:s5], $0x10  }
0x58d: {  	[sflag:s5] =	ssyncset.done $0x0  }
0x58e: {  	[sflag:s5] =	ssyncadd.s32 $0xFFFFFFF0  }
0x58f: {  	s8 =	simm.s32 $0x11;
	[bflag:$0x0] =	sbarrier.arrive $0xFFFF  }
0x590: {  	[tilespmem:s6], [sflag:$0x11] =	stream.linear.gather [spmem:s31], $0x100, $0x38;
	[tilespmem:$0x11750] =	vst v63  }
0x591: {  	_ =	swait.ge [sflag:s8], $0x100  }
0x592: {  	[sflag:s8] =	ssyncset.done $0x0  }
0x593: {  	[sflag:s8] =	ssyncadd.s32 $0xFFFFFF00  }
0x594: {  	v2 =	vld [tilespmem:$0x11000]  }
0x595: {  	v3 =	vld [tilespmem:$0x11010]  }
0x596: {  	v4 =	vld [tilespmem:$0x11020]  }
0x597: {  	v5 =	vld [tilespmem:$0x11030]  }
0x598: {  	v6 =	vld [tilespmem:$0x11040]  }
0x599: {  	v7 =	vld [tilespmem:$0x11050]  }
0x59a: {  	v2 =	vadd.s32 v2, v3;
	v3 =	vld [tilespmem:$0x11060]  }
0x59b: {  	v2 =	vadd.s32 v2, v4;
	v4 =	vld [tilespmem:$0x11070]  }
0x59c: {  	v2 =	vadd.s32 v2, v5;
	v5 =	vld [tilespmem:$0x11080]  }
0x59d: {  	v2 =	vadd.s32 v2, v6;
	v6 =	vld [tilespmem:$0x11090]  }
0x59e: {  	v2 =	vadd.s32 v2, v7;
	v7 =	vld [tilespmem:$0x110A0]  }
0x59f: {  	v2 =	vadd.s32 v2, v3;
	v3 =	vld [tilespmem:$0x110B0]  }
0x5a0: {  	v2 =	vadd.s32 v2, v4;
	v4 =	vld [tilespmem:$0x110C0]  }
0x5a1: {  	v2 =	vadd.s32 v2, v5;
	v5 =	vld [tilespmem:$0x110D0]  }
0x5a2: {  	v2 =	vadd.s32 v2, v6;
	v6 =	vld [tilespmem:$0x110E0]  }
0x5a3: {  	v2 =	vadd.s32 v2, v7;
	v7 =	vld [tilespmem:$0x110F0]  }
0x5a4: {  	v2 =	vadd.s32 v2, v3  }
0x5a5: {  	v2 =	vadd.s32 v2, v4  }
0x5a6: {  	v2 =	vadd.s32 v2, v5  }
0x5a7: {  	v2 =	vadd.s32 v2, v6  }
0x5a8: {  	v2 =	vadd.s32 v2, v7  }
0x5a9: {  	s9 =	simm.s32 $0x11100;
	[tilespmem:$0x11100] =	vst v2  }
0x5aa: {  	[spmem:s29] =	stream.linear.scatter [tilespmem:s9], [sflag:$0x11], $0x10, $0x38;
	[tilespmem:$0x11750] =	vst v63  }
0x5ab: {  	_ =	swait.ge [sflag:s8], $0x10  }
0x5ac: {  	[sflag:s8] =	ssyncset.done $0x0  }
0x5ad: {  	[sflag:s8] =	ssyncadd.s32 $0xFFFFFFF0  }
0x5ae: {  	[bflag:$0x0] =	sbarrier.arrive $0xFFFF  }
0x5af: {  	[tilespmem:s6], [sflag:$0x11] =	stream.linear.gather [spmem:s30], $0x100, $0x38;
	[tilespmem:$0x11750] =	vst v63  }
0x5b0: {  	_ =	swait.ge [sflag:s8], $0x100  }
0x5b1: {  	[sflag:s8] =	ssyncset.done $0x0  }
0x5b2: {  	s10 =	simm.s32 $0x0;
	[sflag:s8] =	ssyncadd.s32 $0xFFFFFF00  }
0x5b3: {  	v4 =	vld [tilespmem:s10+$0x11000]  }
0x5b4: {  	s11 =	simm.s32 $0x10  }
0x5b5: {  	v7 =	vld [tilespmem:s11+$0x11000];
	_ =	sdelay $0x2  }
0x5b6: {  	(xrf0) =	vadd.scan.msk.s32 $0xffff, v4;
	_ =	sdelay $0x1  }
0x5b7: {  	(xrf0) =	vadd.scan.msk.s32 $0xffff, v7  }
0x5b8: {  	s12 =	simm.s32 $0x20  }
0x5b9: {  	v8 =	vld [tilespmem:s12+$0x11000];
	_ =	sdelay $0x1  }
0x5ba: {  	v3, _, _ =	vpop (xrf0)  }
0x5bb: {  	(v2sf) =	vpush v3, $0xF  }
0x5bc: {  	v5, _, _ =	vpop (xrf0)  }
0x5bd: {  	(xrf0) =	vadd.scan.msk.s32 $0xffff, v8;
	(v2sf) =	vpush v5, $0xF;
	_ =	sdelay $0x1  }
0x5be: {  	s13 =	simm.s32 $0x30  }
0x5bf: {  	v10 =	vld [tilespmem:s13+$0x11000];
	_ =	sdelay $0x2  }
0x5c0: {  	v9, _, _ =	vpop (xrf0)  }
0x5c1: {  	(v2sf) =	vpush v9, $0xF  }
0x5c2: {  	s0 =	simm.s32 $0x0;
	(xrf0) =	vadd.scan.msk.s32 $0xffff, v10  }
0x5c3: {  	v2 =	vmov s26;
	v6 =	vadd.s32 s0, v3  }
0x5c4: {  	v3 =	vimm.s32 $0x0;
	vm0 =	vlt.s32 v6, v2  }
0x5c5: {  	s14 =	simm.s32 $0x40;
	v6 =	vsel vm0, $0x1, v3  }
0x5c6: {  	(xrf0) =	vadd.scan.msk.s32 $0xffff, v6;
	v6 =	vld [tilespmem:s14+$0x11000]  }
0x5c7: {  	s15 =	spop (v2sf)  }
0x5c8: {  	s16 =	simm.s32 $0x50;
	v11, _, _ =	vpop (xrf0);
	s1 =	sadd.s32 $0x0, s15  }
0x5c9: {  	v4 =	vnsel vm0, $0x0, v4;
	(v2sf) =	vpush v11, $0xF;
	s17 =	spop (v2sf);
	v13 =	vadd.s32 s1, v5;
	v5 =	vld [tilespmem:s16+$0x11000]  }
0x5ca: {  	(xrf0) =	vadd.scan.msk.s32 $0xffff, v4;
	s1 =	sadd.s32 s1, s17;
	vm0 =	vlt.s32 v13, v2  }
0x5cb: {  	(xrf0) =	vadd.scan.msk.s32 $0xffff, v6;
	v9 =	vadd.s32 s1, v9;
	v4 =	vsel vm0, $0x1, v3  }
0x5cc: {  	s18 =	simm.s32 $0x60;
	v7 =	vnsel vm0, $0x0, v7;
	vm0 =	vlt.s32 v9, v2;
	(xrf0) =	vadd.scan.msk.s32 $0xffff, v4  }
0x5cd: {  	v4 =	vld [tilespmem:s18+$0x11000];
	(xrf0) =	vadd.scan.msk.s32 $0xffff, v7;
	v7 =	vsel vm0, $0x1, v3  }
0x5ce: {  	(xrf0) =	vadd.scan.msk.s32 $0xffff, v5  }
0x5cf: {  	v12, _, _ =	vpop (xrf0);
	v8 =	vnsel vm0, $0x0, v8;
	(xrf0) =	vadd.scan.msk.s32 $0xffff, v7  }
0x5d0: {  	(v2sf) =	vpush v12, $0xF;
	s19 =	spop (v2sf);
	v7, _, _ =	vpop (xrf0)  }
0x5d1: {  	s1 =	sadd.s32 s1, s19;
	(xrf0) =	vadd.scan.msk.s32 $0xffff, v8;
	(v2sf) =	vpush v7, $0xF;
	v7, _, _ =	vpop (xrf0)  }
0x5d2: {  	v11 =	vadd.s32 s1, v11;
	(xrf0) =	vadd.scan.msk.s32 $0xffff, v4;
	v8, _, _ =	vpop (xrf0);
	(v2sf) =	vpush v7, $0xF  }
0x5d3: {  	vm0 =	vlt.s32 v11, v2;
	v9, _, _ =	vpop (xrf0);
	(v2sf) =	vpush v8, $0xF  }
0x5d4: {  	v11 =	vsel vm0, $0x1, v3;
	(v2sf) =	vpush v9, $0xF;
	v9, _, _ =	vpop (xrf0)  }
0x5d5: {  	v10 =	vnsel vm0, $0x0, v10;
	(v2sf) =	vpush v9, $0xF;
	v63, _, _ =	vpop (xrf0)  }
0x5d6: {  	(v2sf) =	vpush v63, $0xF  }
0x5d7: {  	(xrf0) =	vadd.scan.msk.s32 $0xffff, v11;
	v11, _, _ =	vpop (xrf0)  }
0x5d8: {  	s30 =	spop (v2sf);
	(xrf0) =	vadd.scan.msk.s32 $0xffff, v10;
	(v2sf) =	vpush v11, $0xF;
	v10, _, _ =	vpop (xrf0)  }
0x5d9: {  	(v2sf) =	vpush v10, $0xF;
	_ =	sdelay $0x1  }
0x5da: {  	s29 =	simm.s32 $0x70  }
0x5db: {  	v8 =	vld [tilespmem:s29+$0x11000];
	_ =	sdelay $0x2  }
0x5dc: {  	s3 =	sadd.s32 s1, s30  }
0x5dd: {  	s31 =	simm.s32 $0x80;
	v11 =	vadd.s32 s3, v7  }
0x5de: {  	s4 =	simm.s32 $0x240;
	s1 =	simm.s32 $0x0;
	s2 =	spop (v2sf);
	v7 =	vld [tilespmem:s31+$0x11000];
	(xrf0) =	vadd.scan.msk.s32 $0xffff, v8;
	vm0 =	vlt.s32 v11, v2  }
.LBB2_40:
0x5df: {  	s0 =	sadd.s32 s0, s2;
	s2 =	spop (v2sf)  }
0x5e0: {  	v11 =	vsel vm0, $0x1, v3;
	v12 =	vnsel vm0, $0x0, v6;
	v6 =	vmovc v5;
	v5 =	vmovc v4;
	v4 =	vmov v8;
	s5 =	smov.u32 s4;
	s6 =	sadd.s32 $0x40, s4;
	p0 =	sne.s32 s4, $0x3C0  }
.Ltmp23:
0x5e1: {  	(xrf0) =	vadd.scan.msk.s32 $0xffff, v11;
	v8, _, _ =	vpop (xrf0);
	s1 =	sadd.s32 s1, s2;
	(pc) =	sbr.rel @p0 .LBB2_40-.Ltmp23, $4  }
0x5e2: {  	(xrf0) =	vadd.scan.msk.s32 $0xffff, v12;
	s2 =	spop (v2sf);
	(v2sf) =	vpush v8, $0xF;
	v8, _, _ =	vpop (xrf0)  }
0x5e3: {  	s3 =	sadd.s32 s3, s2;
	(v2sf) =	vpush v8, $0xF  }
0x5e4: {  	s2 =	sshra.s32 s5, $0x2;
	(xrf0) =	vadd.scan.msk.s32 $0xffff, v7;
	v11 =	vadd.s32 s3, v9;
	v9 =	vmov v10;
	v10, _, _ =	vpop (xrf0);
	v8 =	vmov v7  }
0x5e5: {  	s4 =	smov.u32 s6;
	v7 =	vld [tilespmem:s2+$0x11000];
	(v2sf) =	vpush v10, $0xF;
	vm0 =	vlt.s32 v11, v2;
	s2 =	spop (v2sf)  }
0x5e6: {  	_ =	sdelay $0x1  }
0x5e7: {  	v11, _, _ =	vpop (xrf0)  }
0x5e8: {  	(v2sf) =	vpush v11, $0xF;
	v52, _, _ =	vpop (xrf0)  }
0x5e9: {  	(v2sf) =	vpush v52, $0xF;
	v53, _, _ =	vpop (xrf0)  }
0x5ea: {  	(v2sf) =	vpush v53, $0xF;
	_ =	sdelay $0x4  }
0x5eb: {  	s4 =	spop (v2sf)  }
0x5ec: {  	s8 =	spop (v2sf)  }
0x5ed: {  	v12 =	vsel vm0, $0x1, v3;
	s5 =	spop (v2sf)  }
0x5ee: {  	v6 =	vnsel vm0, $0x0, v6;
	(xrf0) =	vadd.scan.msk.s32 $0xffff, v12;
	s6 =	spop (v2sf)  }
0x5ef: {  	(xrf0) =	vadd.scan.msk.s32 $0xffff, v6;
	s9 =	spop (v2sf)  }
0x5f0: {  	(xrf0) =	vadd.scan.msk.s32 $0xffff, v7;
	s16 =	spop (v2sf)  }
0x5f1: {  	s10 =	sadd.s32 s3, s8;
	s17 =	spop (v2sf)  }
0x5f2: {  	v54 =	vadd.s32 s10, v9;
	s18 =	spop (v2sf)  }
0x5f3: {  	vm12 =	vlt.s32 v54, v2;
	s9 =	sadd.s32 s10, s9;
	s11 =	spop (v2sf)  }
0x5f4: {  	v6 =	vsel vm12, $0x1, v3;
	v55 =	vadd.s32 s9, v10;
	v56, _, _ =	vpop (xrf0);
	s19 =	spop (v2sf)  }
0x5f5: {  	v5 =	vnsel vm12, $0x0, v5;
	(xrf0) =	vadd.scan.msk.s32 $0xffff, v6;
	vm13 =	vlt.s32 v55, v2;
	v57, _, _ =	vpop (xrf0);
	s9 =	sadd.s32 s9, s18;
	s12 =	spop (v2sf)  }
0x5f6: {  	(xrf0) =	vadd.scan.msk.s32 $0xffff, v5;
	v9 =	vsel vm13, $0x1, v3;
	v59, _, _ =	vpop (xrf0);
	v58 =	vadd.s32 s9, v53;
	s9 =	sadd.s32 s9, s12  }
0x5f7: {  	v4 =	vnsel vm13, $0x0, v4;
	(xrf0) =	vadd.scan.msk.s32 $0xffff, v9;
	vm14 =	vlt.s32 v58, v2;
	v61 =	vadd.s32 s9, v59  }
0x5f8: {  	(xrf0) =	vadd.scan.msk.s32 $0xffff, v4;
	v60 =	vsel vm14, $0x1, v3;
	vm15 =	vlt.s32 v61, v2  }
0x5f9: {  	(v2sf) =	vpush v56, $0xF;
	v62 =	vnsel vm14, $0x0, v8;
	(xrf0) =	vadd.scan.msk.s32 $0xffff, v60;
	v2 =	vsel vm15, $0x1, v3  }
0x5fa: {  	(v2sf) =	vpush v57, $0xF;
	(xrf0) =	vadd.scan.msk.s32 $0xffff, v62  }
0x5fb: {  	(v2sf) =	vpush v59, $0xF;
	v3, _, _ =	vpop (xrf0);
	v63 =	vnsel vm15, $0x0, v7;
	(xrf0) =	vadd.scan.msk.s32 $0xffff, v2  }
0x5fc: {  	(v2sf) =	vpush v3, $0xF;
	v2, _, _ =	vpop (xrf0);
	(xrf0) =	vadd.scan.msk.s32 $0xffff, v63  }
0x5fd: {  	v3, _, _ =	vpop (xrf0);
	(v2sf) =	vpush v2, $0xF  }
0x5fe: {  	v2, _, _ =	vpop (xrf0);
	(v2sf) =	vpush v3, $0xF  }
0x5ff: {  	(v2sf) =	vpush v2, $0xF;
	v2, _, _ =	vpop (xrf0)  }
0x600: {  	(v2sf) =	vpush v2, $0xF;
	v2, _, _ =	vpop (xrf0)  }
0x601: {  	(v2sf) =	vpush v2, $0xF;
	v2, _, _ =	vpop (xrf0)  }
0x602: {  	(v2sf) =	vpush v2, $0xF;
	v2, _, _ =	vpop (xrf0)  }
0x603: {  	(v2sf) =	vpush v2, $0xF;
	_ =	sdelay $0x4  }
0x604: {  	s30 =	spop (v2sf)  }
0x605: {  	s31 =	spop (v2sf)  }
0x606: {  	s0 =	sadd.s32 s0, s2;
	s13 =	spop (v2sf)  }
0x607: {  	s1 =	sadd.s32 s1, s4;
	s2 =	sadd.s32 s0, s5;
	s14 =	spop (v2sf)  }
0x608: {  	s0 =	simm.s32 $0x10040;
	s1 =	sadd.s32 s1, s6;
	v2 =	vimm.s32 $0x0;
	s15 =	spop (v2sf)  }
0x609: {  	s2 =	sadd.s32 s2, s16;
	s1 =	sadd.s32 s1, s17;
	[tilespmem:s0+$0xFFFFFFC0] =	vst v2;
	s16 =	spop (v2sf)  }
0x60a: {  	s2 =	sadd.s32 s2, s11;
	s1 =	sadd.s32 s1, s19;
	[tilespmem:s0+$0x30] =	vst v2;
	s17 =	spop (v2sf)  }
0x60b: {  	s2 =	sadd.s32 s2, s30;
	s1 =	sadd.s32 s1, s31;
	[tilespmem:s0+$0x20] =	vst v2;
	s18 =	spop (v2sf)  }
0x60c: {  	[tilespmem:s0+$0x10] =	vst v2;
	s2 =	sadd.s32 s2, s14;
	s1 =	sadd.s32 s1, s15;
	s19 =	spop (v2sf)  }
0x60d: {  	[tilespmem:s0+$0x0] =	vst v2;
	s2 =	sadd.s32 s2, s16;
	s1 =	sadd.s32 s1, s17;
	s30 =	spop (v2sf)  }
0x60e: {  	[tilespmem:s0+$0xFFFFFFF0] =	vst v2;
	s2 =	sadd.s32 s2, s18;
	s4 =	sadd.s32 s1, s19;
	s31 =	spop (v2sf)  }
0x60f: {  	[tilespmem:s0+$0xFFFFFFE0] =	vst v2;
	s1 =	sadd.s32 s2, s30;
	s2 =	simm.s32 $0x0;
	s29 =	sadd.s32 s4, s31  }
.LBB2_42:
0x610: {  	s2 =	sadd.s32 $0x8, s2;
	[tilespmem:s0+$0xFFFFFFD0] =	vst v2;
	s0 =	sadd.s32 $0x80, s0  }
0x611: {  	[tilespmem:s0+$0xFFFFFFC0] =	vst v2;
	p0 =	slt.u32 s2, $0xF8  }
0x612: {  	[tilespmem:s0+$0x30] =	vst v2  }
.Ltmp24:
0x613: {  	[tilespmem:s0+$0x20] =	vst v2;
	(pc) =	sbr.rel @p0 .LBB2_42-.Ltmp24, $4  }
0x614: {  	[tilespmem:s0+$0x10] =	vst v2  }
0x615: {  	[tilespmem:s0+$0x0] =	vst v2  }
0x616: {  	[tilespmem:s0+$0xFFFFFFF0] =	vst v2  }
0x617: {  	[tilespmem:s0+$0xFFFFFFE0] =	vst v2  }
0x618: {  	s2 =	sadd.s32 $0xF, s28  }
0x619: {  	s30 =	sshra.s32 s2, $0x4  }
0x61a: {  	s2 =	sshrl.u32 s30, $0x1E  }
0x61b: {  	s2 =	sadd.s32 s2, s30  }
0x61c: {  	s31 =	sand.u32 $0xFFFFFFFC, s2  }
0x61d: {  	p0 =	slt.s32 s31, $0x1  }
.Ltmp25:
0x61e: {  	_ = 	snop;
	(pc) =	sbr.rel @p0 .LBB2_44-.Ltmp25, $4  }
0x61f: {  	s3 =	sshll.u32 s25, $0x8  }
0x620: {  	s1 =	sadd.s32 s3, s1  }
0x621: {  	s5 =	sshll.u32 s1, $0x8  }
0x622: {  	[tilespmem:s0+$0xFFFFFFD0] =	vst v2;
	v2 =	vmov s28;
	v3 =	vmov s1;
	v4 =	vmov s5;
	s0 =	ssub.s32 s30, s31  }
0x623: {  	s1 =	simm.s32 $0x20  }
0x624: {  	v5 =	vld [tilespmem:s1+$0x10]  }
0x625: {  	v6 =	vld [tilespmem:s1+$0x0]  }
0x626: {  	v8 =	vld [tilespmem:s1+$0xFFFFFFF0]  }
0x627: {  	v12 =	vlaneseq.u32;
	v9 =	vld [tilespmem:s1+$0xFFFFFFE0]  }
0x628: {  	s28 =	simm.s32 $0x0;
	v7 =	vimm.s32 $0x1;
	s2 =	simm.s32 $0x30;
	s3 =	simm.s32 $0x10;
	v10 =	vmul.u32 $0x100, v12  }
0x629: {  	s19 =	simm.s32 $0x20;
	v11 =	vor.u32 s28, v12;
	v13 =	vor.u32 s2, v12;
	v14 =	vor.u32 s3, v12  }
0x62a: {  	vm5 =	vlt.s32 v11, v2;
	v11 =	vor.u32 s19, v12;
	vm2 =	vlt.s32 v13, v2  }
0x62b: {  	vm1 =	vlt.s32 v14, v2;
	vm4 =	vlt.s32 v11, v2;
	v11 =	vshra.s32 v6, $0x1F  }
0x62c: {  	v13 =	vshra.s32 v5, $0x1F;
	v14 =	vshra.s32 v9, $0x1F;
	v15 =	vshra.s32 v8, $0x1F  }
0x62d: {  	v13 =	vor.u32 $0x80000000, v13;
	v16 =	vor.u32 $0x80000000, v15;
	v14 =	vor.u32 $0x80000000, v14  }
0x62e: {  	v17 =	vor.u32 $0x80000000, v11;
	v11 =	vxor.u32 v5, v13;
	v15 =	vxor.u32 v9, v14  }
0x62f: {  	p0 =	sgt.s32 s31, $0x4;
	v13 =	vxor.u32 v6, v17;
	v14 =	vxor.u32 v8, v16;
	v16 =	vshrl.u32 v15, $0x8  }
.Ltmp26:
0x630: {  	v17 =	vshrl.u32 v13, $0x8;
	vm0 =	veq.s32 v16, v3;
	v16 =	vshrl.u32 v14, $0x8;
	(pc) =	sbr.rel @!p0 .LBB2_59-.Ltmp26, $4  }
0x631: {  	v18 =	vshrl.u32 v11, $0x8;
	vm7 =	vmand vm5, vm0;
	vm0 =	veq.s32 v16, v3  }
0x632: {  	v19 =	vmpcnt.ones.xlane vm7;
	vm6 =	vmand vm1, vm0;
	vm0 =	veq.s32 v17, v3  }
0x633: {  	s25 =	simm.s32 $0x10000;
	v17 =	vmpcnt.ones.xlane vm6;
	vm3 =	vmand vm4, vm0;
	vm0 =	veq.s32 v18, v3  }
0x634: {  	s1 =	simm.s32 $0x4;
	s2 =	simm.s32 $0x60;
	s3 =	simm.s32 $0x0;
	v16 =	vmpcnt.ones.xlane vm3;
	vm0 =	vmand vm2, vm0;
	(v2sf) =	vpush v19, $0x0  }
.LBB2_58:
0x635: {  	v19 =	vand.u32 $0xFF, v15;
	v20 =	vmpcnt.ones.xlane vm0;
	(v2sf) =	vpush v17, $0x0  }
0x636: {  	v18 =	vld [tilespmem:s2+$0x10];
	vm10 =	vmmov vm5;
	vm9 =	vmmov vm4;
	vm8 =	vmmov vm2  }
0x637: {  	v21 =	vand.u32 $0xFF, v14;
	v22 =	vand.u32 $0xFF, v13;
	v17 =	vld [tilespmem:s2+$0x0];
	(v2sf) =	vpush v16, $0x0  }
0x638: {  	v23 =	vand.u32 $0xFF, v11;
	v19 =	vor.u32 v10, v19;
	v16 =	vld [tilespmem:s2+$0xFFFFFFF0];
	(v2sf) =	vpush v20, $0x0  }
0x639: {  	s3 =	sadd.s32 $0x40, s3;
	v21 =	vor.u32 v10, v21;
	v22 =	vor.u32 v10, v22;
	v23 =	vor.u32 v10, v23;
	v20 =	vld [tilespmem:s2+$0xFFFFFFE0]  }
0x63a: {  	vm11 =	vmmov vm1;
	v24 =	vor.u32 s3, v12;
	s4 =	sadd.s32 $0x20, s3;
	s6 =	sadd.s32 $0x30, s3  }
0x63b: {  	s8 =	sadd.s32 $0x10, s3;
	vm5 =	vlt.s32 v24, v2;
	v24 =	vor.u32 s4, v12;
	v25 =	vor.u32 s6, v12  }
0x63c: {  	v26 =	vor.u32 s8, v12;
	vm4 =	vlt.s32 v24, v2;
	vm2 =	vlt.s32 v25, v2  }
0x63d: {  	vm1 =	vlt.s32 v26, v2;
	v25 =	vshra.s32 v18, $0x1F;
	v24 =	vshra.s32 v17, $0x1F;
	[tilespmem:v19+s25+$0x0] =	vst.idx.add.s32.msk vm7, v7  }
0x63e: {  	s1 =	sadd.s32 $0x4, s1;
	v25 =	vor.u32 $0x80000000, v25;
	v26 =	vshra.s32 v16, $0x1F;
	v19 =	vshra.s32 v20, $0x1F;
	[tilespmem:s28+$0x0] =	vst.msk vm7, v9  }
0x63f: {  	p0 =	slt.s32 s1, s31;
	v24 =	vor.u32 $0x80000000, v24;
	v26 =	vor.u32 $0x80000000, v26;
	vm7 =	vlt.u32 v15, v4;
	[tilespmem:v21+s25+$0x0] =	vst.idx.add.s32.msk vm6, v7  }
0x640: {  	v15 =	vor.u32 $0x80000000, v19;
	v19 =	vxor.u32 v18, v25;
	vm7 =	vmand vm10, vm7;
	[tilespmem:v22+s25+$0x0] =	vst.idx.add.s32.msk vm3, v7  }
0x641: {  	v21 =	vxor.u32 v17, v24;
	v22 =	vnsel vm7, $0x0, v9;
	vm7 =	vlt.u32 v14, v4;
	[tilespmem:v23+s25+$0x0] =	vst.idx.add.s32.msk vm0, v7  }
0x642: {  	v14 =	vxor.u32 v16, v26;
	v9 =	vmovc v20;
	v0 =	vadd.f32 v22, v0;
	vm7 =	vmand vm11, vm7  }
0x643: {  	v15 =	vxor.u32 v9, v15;
	v20 =	vnsel vm7, $0x0, v8;
	vm7 =	vlt.u32 v13, v4;
	v13 =	vmovc v21  }
0x644: {  	v0 =	vadd.f32 v20, v0;
	vm7 =	vmand vm9, vm7;
	vm9 =	vlt.u32 v11, v4;
	v11 =	vmovc v19;
	s4 =	spop (v2sf)  }
0x645: {  	v19 =	vshrl.u32 v13, $0x8;
	v20 =	vshrl.u32 v11, $0x8;
	v21 =	vnsel vm7, $0x0, v6;
	s4 =	sadd.s32 s28, s4;
	s6 =	spop (v2sf)  }
0x646: {  	v22 =	vshrl.u32 v15, $0x8;
	v0 =	vadd.f32 v21, v0;
	[tilespmem:s4+$0x0] =	vst.msk vm6, v8;
	s4 =	sadd.s32 s4, s6;
	vm6 =	vmand vm8, vm9;
	s6 =	spop (v2sf);
	v8 =	vmovc v16  }
.Ltmp27:
0x647: {  	vm7 =	veq.s32 v22, v3;
	v16 =	vshrl.u32 v14, $0x8;
	[tilespmem:s4+$0x0] =	vst.msk vm3, v6;
	s4 =	sadd.s32 s4, s6;
	v21 =	vnsel vm6, $0x0, v5;
	s6 =	spop (v2sf);
	v6 =	vmovc v17;
	(pc) =	sbr.rel @p0 .LBB2_58-.Ltmp27, $4  }
0x648: {  	vm7 =	vmand vm5, vm7;
	vm3 =	veq.s32 v16, v3;
	v0 =	vadd.f32 v21, v0;
	[tilespmem:s4+$0x0] =	vst.msk vm0, v5;
	s28 =	sadd.s32 s4, s6;
	v5 =	vmovc v18  }
0x649: {  	v18 =	vmpcnt.ones.xlane vm7;
	vm6 =	vmand vm1, vm3;
	vm0 =	veq.s32 v19, v3  }
0x64a: {  	v17 =	vmpcnt.ones.xlane vm6;
	vm3 =	vmand vm4, vm0;
	vm0 =	veq.s32 v20, v3  }
0x64b: {  	s2 =	sadd.s32 $0x40, s2;
	v16 =	vmpcnt.ones.xlane vm3;
	vm0 =	vmand vm2, vm0;
	(v2sf) =	vpush v18, $0x0  }
.LBB2_59:
0x64c: {  	v12 =	vmpcnt.ones.xlane vm0;
	(v2sf) =	vpush v17, $0x0  }
0x64d: {  	(v2sf) =	vpush v16, $0x0  }
0x64e: {  	(v2sf) =	vpush v12, $0x0;
	_ =	sdelay $0x2  }
0x64f: {  	v59 =	vand.u32 $0xFF, v14  }
0x650: {  	v60 =	vand.u32 $0xFF, v13;
	v16 =	vor.u32 v10, v59  }
0x651: {  	v18 =	vand.u32 $0xFF, v11;
	v17 =	vor.u32 v10, v60  }
0x652: {  	v58 =	vand.u32 $0xFF, v15;
	v61 =	vor.u32 v10, v18  }
0x653: {  	vm5 =	vmmov vm5;
	vm8 =	vlt.u32 v15, v4;
	v12 =	vor.u32 v10, v58  }
0x654: {  	vm5 =	vmand vm5, vm8  }
0x655: {  	vm1 =	vmmov vm1;
	vm12 =	vlt.u32 v14, v4;
	v62 =	vnsel vm5, $0x0, v9;
	[tilespmem:v16+s25+$0x0] =	vst.idx.add.s32.msk vm6, v7  }
0x656: {  	vm1 =	vmand vm1, vm12;
	v0 =	vadd.f32 v62, v0;
	[tilespmem:v17+s25+$0x0] =	vst.idx.add.s32.msk vm3, v7  }
0x657: {  	vm4 =	vmmov vm4;
	vm13 =	vlt.u32 v13, v4;
	v63 =	vnsel vm1, $0x0, v8;
	[tilespmem:v61+s25+$0x0] =	vst.idx.add.s32.msk vm0, v7  }
.Ltmp28:
0x658: {  	vm1 =	vmand vm4, vm13;
	v0 =	vadd.f32 v63, v0;
	[tilespmem:v12+s25+$0x0] =	vst.idx.add.s32.msk vm7, v7;
	s1 =	spop (v2sf);
	(pc) =	sbr.rel .LBB2_45-.Ltmp28, $4  }
0x659: {  	vm2 =	vmmov vm2;
	vm14 =	vlt.u32 v11, v4;
	v7 =	vnsel vm1, $0x0, v6;
	[tilespmem:s28+$0x0] =	vst.msk vm7, v9;
	s1 =	sadd.s32 s28, s1;
	s2 =	spop (v2sf)  }
0x65a: {  	vm15 =	vmand vm2, vm14;
	v0 =	vadd.f32 v7, v0;
	[tilespmem:s1+$0x0] =	vst.msk vm6, v8;
	s1 =	sadd.s32 s1, s2;
	s25 =	spop (v2sf)  }
0x65b: {  	[tilespmem:s1+$0x0] =	vst.msk vm3, v6;
	s1 =	sadd.s32 s1, s25;
	v6 =	vnsel vm15, $0x0, v5;
	s28 =	spop (v2sf)  }
0x65c: {  	v0 =	vadd.f32 v6, v0;
	[tilespmem:s1+$0x0] =	vst.msk vm0, v5;
	s25 =	sadd.s32 s1, s28  }
.LBB2_44:
0x65d: {  	s25 =	simm.s32 $0x0  }
.LBB2_45:
0x65e: {  	p0 =	slt.s32 s0, $0x1  }
.Ltmp29:
0x65f: {  	_ = 	snop;
	(pc) =	sbr.rel @p0 .LBB2_48-.Ltmp29, $1  }
0x660: {  	_ =	sdelay $0x3  }
0x661: {  	s1 =	sshll.u32 s30, $0x6;
	s2 =	sshll.u32 s0, $0x6  }
0x662: {  	s28 =	sshll.u32 s30, $0x4;
	s3 =	sshll.u32 s0, $0x4;
	v5 =	vlaneseq.u32;
	s1 =	ssub.s32 s1, s2  }
0x663: {  	v7 =	vimm.s32 $0x1;
	v6 =	vmul.u32 $0x100, v5;
	s2 =	simm.s32 $0x10000;
	s0 =	sshra.s32 s1, $0x2;
	s1 =	ssub.s32 s28, s3  }
.LBB2_47:
0x664: {  	v8 =	vld [tilespmem:s0+$0x0];
	_ =	sdelay $0x4  }
0x665: {  	v9 =	vshra.s32 v8, $0x1F  }
0x666: {  	v9 =	vor.u32 $0x80000000, v9  }
0x667: {  	v9 =	vxor.u32 v8, v9  }
0x668: {  	v10 =	vor.u32 s1, v5;
	v11 =	vshrl.u32 v9, $0x8  }
0x669: {  	vm0 =	vlt.s32 v10, v2;
	vm1 =	veq.s32 v11, v3  }
0x66a: {  	vm1 =	vmand vm0, vm1  }
0x66b: {  	v61 =	vmpcnt.ones.xlane vm1;
	_ =	sdelay $0x1  }
0x66c: {  	(v2sf) =	vpush v61, $0x0;
	_ =	sdelay $0x8  }
0x66d: {  	v62 =	vand.u32 $0xFF, v9  }
0x66e: {  	s31 =	sadd.s32 $0x1, s31;
	v10 =	vor.u32 v6, v62  }
0x66f: {  	p0 =	slt.s32 s31, s30  }
.Ltmp30:
0x670: {  	_ = 	snop;
	(pc) =	sbr.rel @p0 .LBB2_47-.Ltmp30, $4  }
0x671: {  	vm2 =	vlt.u32 v9, v4  }
0x672: {  	vm0 =	vmand vm0, vm2  }
0x673: {  	v63 =	vnsel vm0, $0x0, v8;
	[tilespmem:v10+s2+$0x0] =	vst.idx.add.s32.msk vm1, v7;
	s3 =	spop (v2sf)  }
0x674: {  	s0 =	sadd.s32 $0x10, s0;
	s1 =	sadd.s32 $0x10, s1;
	v0 =	vadd.f32 v63, v0;
	[tilespmem:s25+$0x0] =	vst.msk vm1, v8;
	s25 =	sadd.s32 s25, s3  }
.LBB2_48:
0x675: {  	s1 =	simm.s32 $0x0  }
0x676: {  	s1 =	sand.u32 $0xF0, s1  }
0x677: {  	v2 =	vld [tilespmem:s1+$0x10100]  }
0x678: {  	v3 =	vld [tilespmem:s1+$0x10000]  }
0x679: {  	v4 =	vld [tilespmem:s1+$0x10200]  }
0x67a: {  	v5 =	vld [tilespmem:s1+$0x10300]  }
0x67b: {  	v6 =	vld [tilespmem:s1+$0x10400]  }
0x67c: {  	v7 =	vld [tilespmem:s1+$0x10500]  }
0x67d: {  	v2 =	vadd.s32 v3, v2;
	v3 =	vld [tilespmem:s1+$0x10600]  }
0x67e: {  	v56 =	vld [tilespmem:s1+$0x10700];
	v2 =	vadd.s32 v2, v4  }
0x67f: {  	v57 =	vld [tilespmem:s1+$0x10800];
	v2 =	vadd.s32 v2, v5  }
0x680: {  	v58 =	vld [tilespmem:s1+$0x10900];
	v2 =	vadd.s32 v2, v6  }
0x681: {  	v59 =	vld [tilespmem:s1+$0x10A00];
	v2 =	vadd.s32 v2, v7  }
0x682: {  	v2 =	vadd.s32 v2, v3;
	v3 =	vld [tilespmem:s1+$0x10B00]  }
0x683: {  	v60 =	vld [tilespmem:s1+$0x10C00];
	v2 =	vadd.s32 v2, v56  }
0x684: {  	v61 =	vld [tilespmem:s1+$0x10D00];
	v2 =	vadd.s32 v2, v57  }
0x685: {  	v62 =	vld [tilespmem:s1+$0x10E00];
	v2 =	vadd.s32 v2, v58  }
0x686: {  	v63 =	vld [tilespmem:s1+$0x10F00];
	v2 =	vadd.s32 v2, v59  }
0x687: {  	v2 =	vadd.s32 v2, v3  }
0x688: {  	v2 =	vadd.s32 v2, v60  }
0x689: {  	v2 =	vadd.s32 v2, v61  }
0x68a: {  	v2 =	vadd.s32 v2, v62  }
0x68b: {  	s0 =	simm.s32 $0x11000;
	s31 =	simm.s32 $0x10;
	v2 =	vadd.s32 v2, v63  }
0x68c: {  	s1 =	sand.u32 $0xF0, s31;
	[tilespmem:s0+$0x0] =	vst v2  }
0x68d: {  	s26 =	ssub.s32 s26, s29;
	s2 =	simm.s32 $0x20;
	v2 =	vld [tilespmem:s1+$0x10100]  }
.LBB2_49:
0x68e: {  	p0 =	sne.s32 s2, $0xF0;
	v3 =	vld [tilespmem:s1+$0x10000]  }
0x68f: {  	v4 =	vld [tilespmem:s1+$0x10200]  }
0x690: {  	v5 =	vld [tilespmem:s1+$0x10300]  }
0x691: {  	v6 =	vld [tilespmem:s1+$0x10400]  }
0x692: {  	v7 =	vld [tilespmem:s1+$0x10500]  }
0x693: {  	v2 =	vadd.s32 v3, v2;
	v3 =	vld [tilespmem:s1+$0x10600]  }
0x694: {  	v2 =	vadd.s32 v2, v4;
	v4 =	vld [tilespmem:s1+$0x10700]  }
0x695: {  	v2 =	vadd.s32 v2, v5;
	v5 =	vld [tilespmem:s1+$0x10800]  }
0x696: {  	v2 =	vadd.s32 v2, v6;
	v6 =	vld [tilespmem:s1+$0x10900]  }
0x697: {  	v2 =	vadd.s32 v2, v7;
	v7 =	vld [tilespmem:s1+$0x10A00]  }
0x698: {  	v2 =	vadd.s32 v2, v3;
	v3 =	vld [tilespmem:s1+$0x10B00]  }
0x699: {  	v2 =	vadd.s32 v2, v4;
	v4 =	vld [tilespmem:s1+$0x10C00]  }
0x69a: {  	v2 =	vadd.s32 v2, v5;
	v5 =	vld [tilespmem:s1+$0x10D00]  }
0x69b: {  	v2 =	vadd.s32 v2, v6;
	v6 =	vld [tilespmem:s1+$0x10E00]  }
0x69c: {  	v2 =	vadd.s32 v2, v7;
	v7 =	vld [tilespmem:s1+$0x10F00]  }
0x69d: {  	v2 =	vadd.s32 v2, v3  }
0x69e: {  	v2 =	vadd.s32 v2, v4  }
.Ltmp31:
0x69f: {  	v2 =	vadd.s32 v2, v5;
	(pc) =	sbr.rel @p0 .LBB2_49-.Ltmp31, $4  }
0x6a0: {  	v2 =	vadd.s32 v2, v6  }
0x6a1: {  	s0 =	sadd.s32 $0x10, s0;
	v2 =	vadd.s32 v2, v7  }
0x6a2: {  	s1 =	sand.u32 $0xF0, s2;
	[tilespmem:s0+$0x0] =	vst v2  }
0x6a3: {  	s2 =	sadd.s32 $0x10, s2;
	v2 =	vld [tilespmem:s1+$0x10100]  }
0x6a4: {  	v3 =	vld [tilespmem:s1+$0x10000]  }
0x6a5: {  	v4 =	vld [tilespmem:s1+$0x10200]  }
0x6a6: {  	v5 =	vld [tilespmem:s1+$0x10300]  }
0x6a7: {  	v6 =	vld [tilespmem:s1+$0x10400]  }
0x6a8: {  	v7 =	vld [tilespmem:s1+$0x10500]  }
0x6a9: {  	v2 =	vadd.s32 v3, v2;
	v3 =	vld [tilespmem:s1+$0x10600]  }
0x6aa: {  	v2 =	vadd.s32 v2, v4;
	v4 =	vld [tilespmem:s1+$0x10700]  }
0x6ab: {  	v2 =	vadd.s32 v2, v5;
	v5 =	vld [tilespmem:s1+$0x10800]  }
0x6ac: {  	v2 =	vadd.s32 v2, v6;
	v6 =	vld [tilespmem:s1+$0x10900]  }
0x6ad: {  	v2 =	vadd.s32 v2, v7;
	v7 =	vld [tilespmem:s1+$0x10A00]  }
0x6ae: {  	v2 =	vadd.s32 v2, v3;
	v3 =	vld [tilespmem:s1+$0x10B00]  }
0x6af: {  	v2 =	vadd.s32 v2, v4;
	v4 =	vld [tilespmem:s1+$0x10C00]  }
0x6b0: {  	v2 =	vadd.s32 v2, v5;
	v5 =	vld [tilespmem:s1+$0x10D00]  }
0x6b1: {  	v2 =	vadd.s32 v2, v6;
	v6 =	vld [tilespmem:s1+$0x10E00]  }
0x6b2: {  	v2 =	vadd.s32 v2, v7;
	v7 =	vld [tilespmem:s1+$0x10F00]  }
0x6b3: {  	v2 =	vadd.s32 v2, v3  }
0x6b4: {  	v2 =	vadd.s32 v2, v4  }
0x6b5: {  	v2 =	vadd.s32 v2, v5  }
0x6b6: {  	v2 =	vadd.s32 v2, v6  }
0x6b7: {  	s0 =	sadd.s32 $0x10, s0;
	v2 =	vadd.s32 v2, v7  }
0x6b8: {  	[tilespmem:s0+$0x0] =	vst v2;
	s0 =	simm.s32 $0x11000  }
0x6b9: {  	[spmem:s24] =	stream.linear.scatter [tilespmem:s0], [sflag:$0x1], $0x10, $0x38;
	[tilespmem:$0x11750] =	vst v63  }
0x6ba: {  	s19 =	simm.s32 $0x11010  }
0x6bb: {  	[spmem:s21] =	stream.linear.scatter [tilespmem:s19], [sflag:$0x2], $0x10, $0x38;
	[tilespmem:$0x11750] =	vst v63  }
0x6bc: {  	s24 =	simm.s32 $0x11020  }
0x6bd: {  	[spmem:s22] =	stream.linear.scatter [tilespmem:s24], [sflag:$0x3], $0x10, $0x38;
	[tilespmem:$0x11750] =	vst v63  }
0x6be: {  	s28 =	simm.s32 $0x11030  }
0x6bf: {  	[spmem:s23] =	stream.linear.scatter [tilespmem:s28], [sflag:$0x4], $0x10, $0x38;
	[tilespmem:$0x11750] =	vst v63  }
0x6c0: {  	s29 =	simm.s32 $0x11040  }
0x6c1: {  	[spmem:s20] =	stream.linear.scatter [tilespmem:s29], [sflag:$0x5], $0x10, $0x38;
	[tilespmem:$0x11750] =	vst v63  }
0x6c2: {  	s30 =	simm.s32 $0x11050  }
0x6c3: {  	[spmem:s7] =	stream.linear.scatter [tilespmem:s30], [sflag:$0x6], $0x10, $0x38;
	[tilespmem:$0x11750] =	vst v63  }
0x6c4: {  	s31 =	simm.s32 $0x11060;
	s2 =	rddreg [dreg:$0x13]  }
0x6c5: {  	[spmem:s2] =	stream.linear.scatter [tilespmem:s31], [sflag:$0x7], $0x10, $0x38;
	[tilespmem:$0x11750] =	vst v63  }
0x6c6: {  	s3 =	simm.s32 $0x11070;
	s4 =	rddreg [dreg:$0x12]  }
0x6c7: {  	[spmem:s4] =	stream.linear.scatter [tilespmem:s3], [sflag:$0x8], $0x10, $0x38;
	[tilespmem:$0x11750] =	vst v63  }
0x6c8: {  	s6 =	simm.s32 $0x11080;
	s7 =	rddreg [dreg:$0x11]  }
0x6c9: {  	[spmem:s7] =	stream.linear.scatter [tilespmem:s6], [sflag:$0x9], $0x10, $0x38;
	[tilespmem:$0x11750] =	vst v63  }
0x6ca: {  	s8 =	simm.s32 $0x11090;
	s9 =	rddreg [dreg:$0x10]  }
0x6cb: {  	[spmem:s9] =	stream.linear.scatter [tilespmem:s8], [sflag:$0xA], $0x10, $0x38;
	[tilespmem:$0x11750] =	vst v63  }
0x6cc: {  	s10 =	simm.s32 $0x110A0;
	s11 =	rddreg [dreg:$0xf]  }
0x6cd: {  	[spmem:s11] =	stream.linear.scatter [tilespmem:s10], [sflag:$0xB], $0x10, $0x38;
	[tilespmem:$0x11750] =	vst v63  }
0x6ce: {  	s12 =	simm.s32 $0x110B0;
	s13 =	rddreg [dreg:$0xe]  }
0x6cf: {  	[spmem:s13] =	stream.linear.scatter [tilespmem:s12], [sflag:$0xC], $0x10, $0x38;
	[tilespmem:$0x11750] =	vst v63  }
0x6d0: {  	s14 =	simm.s32 $0x110C0;
	s15 =	rddreg [dreg:$0xd]  }
0x6d1: {  	[spmem:s15] =	stream.linear.scatter [tilespmem:s14], [sflag:$0xD], $0x10, $0x38;
	[tilespmem:$0x11750] =	vst v63  }
0x6d2: {  	s16 =	simm.s32 $0x110D0;
	s17 =	rddreg [dreg:$0xc]  }
0x6d3: {  	[spmem:s17] =	stream.linear.scatter [tilespmem:s16], [sflag:$0xE], $0x10, $0x38;
	[tilespmem:$0x11750] =	vst v63  }
0x6d4: {  	s18 =	simm.s32 $0x110E0;
	s19 =	rddreg [dreg:$0xb]  }
0x6d5: {  	[spmem:s19] =	stream.linear.scatter [tilespmem:s18], [sflag:$0xF], $0x10, $0x38;
	[tilespmem:$0x11750] =	vst v63  }
0x6d6: {  	s21 =	rddreg [dreg:$0xa];
	s22 =	simm.s32 $0x1;
	s20 =	simm.s32 $0x110F0  }
0x6d7: {  	[spmem:s21] =	stream.linear.scatter [tilespmem:s20], [sflag:$0x10], $0x10, $0x38;
	[tilespmem:$0x11750] =	vst v63  }
0x6d8: {  	_ =	swait.ge [sflag:s22], $0x10  }
0x6d9: {  	[sflag:s22] =	ssyncset.done $0x0  }
0x6da: {  	s23 =	simm.s32 $0x2;
	[sflag:s22] =	ssyncadd.s32 $0xFFFFFFF0  }
0x6db: {  	_ =	swait.ge [sflag:s23], $0x10  }
0x6dc: {  	[sflag:s23] =	ssyncset.done $0x0  }
0x6dd: {  	s24 =	simm.s32 $0x3;
	[sflag:s23] =	ssyncadd.s32 $0xFFFFFFF0  }
0x6de: {  	_ =	swait.ge [sflag:s24], $0x10  }
0x6df: {  	[sflag:s24] =	ssyncset.done $0x0  }
0x6e0: {  	s28 =	simm.s32 $0x4;
	[sflag:s24] =	ssyncadd.s32 $0xFFFFFFF0  }
0x6e1: {  	_ =	swait.ge [sflag:s28], $0x10  }
0x6e2: {  	[sflag:s28] =	ssyncset.done $0x0  }
0x6e3: {  	s29 =	simm.s32 $0x5;
	[sflag:s28] =	ssyncadd.s32 $0xFFFFFFF0  }
0x6e4: {  	_ =	swait.ge [sflag:s29], $0x10  }
0x6e5: {  	[sflag:s29] =	ssyncset.done $0x0  }
0x6e6: {  	s30 =	simm.s32 $0x6;
	[sflag:s29] =	ssyncadd.s32 $0xFFFFFFF0  }
0x6e7: {  	_ =	swait.ge [sflag:s30], $0x10  }
0x6e8: {  	[sflag:s30] =	ssyncset.done $0x0  }
0x6e9: {  	s31 =	simm.s32 $0x7;
	[sflag:s30] =	ssyncadd.s32 $0xFFFFFFF0  }
0x6ea: {  	_ =	swait.ge [sflag:s31], $0x10  }
0x6eb: {  	[sflag:s31] =	ssyncset.done $0x0  }
0x6ec: {  	s2 =	simm.s32 $0x8;
	[sflag:s31] =	ssyncadd.s32 $0xFFFFFFF0  }
0x6ed: {  	_ =	swait.ge [sflag:s2], $0x10  }
0x6ee: {  	[sflag:s2] =	ssyncset.done $0x0  }
0x6ef: {  	s3 =	simm.s32 $0x9;
	[sflag:s2] =	ssyncadd.s32 $0xFFFFFFF0  }
0x6f0: {  	_ =	swait.ge [sflag:s3], $0x10  }
0x6f1: {  	[sflag:s3] =	ssyncset.done $0x0  }
0x6f2: {  	s4 =	simm.s32 $0xA;
	[sflag:s3] =	ssyncadd.s32 $0xFFFFFFF0  }
0x6f3: {  	_ =	swait.ge [sflag:s4], $0x10  }
0x6f4: {  	[sflag:s4] =	ssyncset.done $0x0  }
0x6f5: {  	s6 =	simm.s32 $0xB;
	[sflag:s4] =	ssyncadd.s32 $0xFFFFFFF0  }
0x6f6: {  	_ =	swait.ge [sflag:s6], $0x10  }
0x6f7: {  	[sflag:s6] =	ssyncset.done $0x0  }
0x6f8: {  	s7 =	simm.s32 $0xC;
	[sflag:s6] =	ssyncadd.s32 $0xFFFFFFF0  }
0x6f9: {  	_ =	swait.ge [sflag:s7], $0x10  }
0x6fa: {  	[sflag:s7] =	ssyncset.done $0x0  }
0x6fb: {  	s8 =	simm.s32 $0xD;
	[sflag:s7] =	ssyncadd.s32 $0xFFFFFFF0  }
0x6fc: {  	_ =	swait.ge [sflag:s8], $0x10  }
0x6fd: {  	[sflag:s8] =	ssyncset.done $0x0  }
0x6fe: {  	s9 =	simm.s32 $0xE;
	[sflag:s8] =	ssyncadd.s32 $0xFFFFFFF0  }
0x6ff: {  	_ =	swait.ge [sflag:s9], $0x10  }
0x700: {  	[sflag:s9] =	ssyncset.done $0x0  }
0x701: {  	s10 =	simm.s32 $0xF;
	[sflag:s9] =	ssyncadd.s32 $0xFFFFFFF0  }
0x702: {  	_ =	swait.ge [sflag:s10], $0x10  }
0x703: {  	[sflag:s10] =	ssyncset.done $0x0  }
0x704: {  	s11 =	simm.s32 $0x10;
	[sflag:s10] =	ssyncadd.s32 $0xFFFFFFF0  }
0x705: {  	_ =	swait.ge [sflag:s11], $0x10  }
0x706: {  	[sflag:s11] =	ssyncset.done $0x0  }
0x707: {  	[sflag:s11] =	ssyncadd.s32 $0xFFFFFFF0  }
0x708: {  	[bflag:$0x0] =	sbarrier.arrive $0xFFFF  }
0x709: {  	s13 =	simm.s32 $0x11;
	s12 =	rddreg [dreg:$0x9]  }
0x70a: {  	[tilespmem:s0], [sflag:$0x11] =	stream.linear.gather [spmem:s12], $0x100, $0x38;
	[tilespmem:$0x11750] =	vst v63  }
0x70b: {  	_ =	swait.ge [sflag:s13], $0x100  }
0x70c: {  	[sflag:s13] =	ssyncset.done $0x0  }
0x70d: {  	[sflag:s13] =	ssyncadd.s32 $0xFFFFFF00  }
0x70e: {  	v2 =	vld [tilespmem:$0x11000]  }
0x70f: {  	v3 =	vld [tilespmem:$0x11010]  }
0x710: {  	v4 =	vld [tilespmem:$0x11020]  }
0x711: {  	v5 =	vld [tilespmem:$0x11030]  }
0x712: {  	v6 =	vld [tilespmem:$0x11040]  }
0x713: {  	v7 =	vld [tilespmem:$0x11050]  }
0x714: {  	v2 =	vadd.s32 v2, v3;
	v3 =	vld [tilespmem:$0x11060]  }
0x715: {  	v2 =	vadd.s32 v2, v4;
	v4 =	vld [tilespmem:$0x11070]  }
0x716: {  	v2 =	vadd.s32 v2, v5;
	v5 =	vld [tilespmem:$0x11080]  }
0x717: {  	v2 =	vadd.s32 v2, v6;
	v6 =	vld [tilespmem:$0x11090]  }
0x718: {  	v2 =	vadd.s32 v2, v7;
	v7 =	vld [tilespmem:$0x110A0]  }
0x719: {  	v2 =	vadd.s32 v2, v3;
	v3 =	vld [tilespmem:$0x110B0]  }
0x71a: {  	v2 =	vadd.s32 v2, v4;
	v4 =	vld [tilespmem:$0x110C0]  }
0x71b: {  	v2 =	vadd.s32 v2, v5;
	v5 =	vld [tilespmem:$0x110D0]  }
0x71c: {  	v2 =	vadd.s32 v2, v6;
	v6 =	vld [tilespmem:$0x110E0]  }
0x71d: {  	v2 =	vadd.s32 v2, v7;
	v7 =	vld [tilespmem:$0x110F0]  }
0x71e: {  	v2 =	vadd.s32 v2, v3  }
0x71f: {  	v2 =	vadd.s32 v2, v4  }
0x720: {  	v2 =	vadd.s32 v2, v5  }
0x721: {  	v2 =	vadd.s32 v2, v6  }
0x722: {  	v2 =	vadd.s32 v2, v7  }
0x723: {  	s14 =	simm.s32 $0x11100;
	s3 =	rddreg [dreg:$0x8];
	[tilespmem:$0x11100] =	vst v2  }
0x724: {  	[spmem:s3] =	stream.linear.scatter [tilespmem:s14], [sflag:$0x11], $0x10, $0x38;
	[tilespmem:$0x11750] =	vst v63  }
0x725: {  	_ =	swait.ge [sflag:s13], $0x10  }
0x726: {  	[sflag:s13] =	ssyncset.done $0x0  }
0x727: {  	[sflag:s13] =	ssyncadd.s32 $0xFFFFFFF0  }
0x728: {  	[bflag:$0x0] =	sbarrier.arrive $0xFFFF  }
0x729: {  	s15 =	rddreg [dreg:$0x7]  }
0x72a: {  	[tilespmem:s0], [sflag:$0x11] =	stream.linear.gather [spmem:s15], $0x100, $0x38;
	[tilespmem:$0x11750] =	vst v63  }
0x72b: {  	_ =	swait.ge [sflag:s13], $0x100  }
0x72c: {  	[sflag:s13] =	ssyncset.done $0x0  }
0x72d: {  	s16 =	simm.s32 $0x0;
	[sflag:s13] =	ssyncadd.s32 $0xFFFFFF00  }
0x72e: {  	v4 =	vld [tilespmem:s16+$0x11000]  }
0x72f: {  	s17 =	simm.s32 $0x10  }
0x730: {  	v7 =	vld [tilespmem:s17+$0x11000];
	_ =	sdelay $0x2  }
0x731: {  	(xrf0) =	vadd.scan.msk.s32 $0xffff, v4;
	_ =	sdelay $0x1  }
0x732: {  	(xrf0) =	vadd.scan.msk.s32 $0xffff, v7  }
0x733: {  	s18 =	simm.s32 $0x20  }
0x734: {  	v8 =	vld [tilespmem:s18+$0x11000];
	_ =	sdelay $0x1  }
0x735: {  	v3, _, _ =	vpop (xrf0)  }
0x736: {  	(v2sf) =	vpush v3, $0xF  }
0x737: {  	v5, _, _ =	vpop (xrf0)  }
0x738: {  	(xrf0) =	vadd.scan.msk.s32 $0xffff, v8;
	(v2sf) =	vpush v5, $0xF;
	_ =	sdelay $0x1  }
0x739: {  	s19 =	simm.s32 $0x30  }
0x73a: {  	v10 =	vld [tilespmem:s19+$0x11000];
	_ =	sdelay $0x2  }
0x73b: {  	v9, _, _ =	vpop (xrf0)  }
0x73c: {  	(v2sf) =	vpush v9, $0xF  }
0x73d: {  	s0 =	simm.s32 $0x0;
	(xrf0) =	vadd.scan.msk.s32 $0xffff, v10  }
0x73e: {  	v2 =	vmov s26;
	v6 =	vadd.s32 s0, v3  }
0x73f: {  	v3 =	vimm.s32 $0x0;
	vm0 =	vlt.s32 v6, v2  }
0x740: {  	s20 =	simm.s32 $0x40;
	v6 =	vsel vm0, $0x1, v3  }
0x741: {  	(xrf0) =	vadd.scan.msk.s32 $0xffff, v6;
	v6 =	vld [tilespmem:s20+$0x11000]  }
0x742: {  	s21 =	spop (v2sf)  }
0x743: {  	s22 =	simm.s32 $0x50;
	v11, _, _ =	vpop (xrf0);
	s1 =	sadd.s32 $0x0, s21  }
0x744: {  	v4 =	vnsel vm0, $0x0, v4;
	(v2sf) =	vpush v11, $0xF;
	s23 =	spop (v2sf);
	v13 =	vadd.s32 s1, v5;
	v5 =	vld [tilespmem:s22+$0x11000]  }
0x745: {  	(xrf0) =	vadd.scan.msk.s32 $0xffff, v4;
	s1 =	sadd.s32 s1, s23;
	vm0 =	vlt.s32 v13, v2  }
0x746: {  	(xrf0) =	vadd.scan.msk.s32 $0xffff, v6;
	v9 =	vadd.s32 s1, v9;
	v4 =	vsel vm0, $0x1, v3  }
0x747: {  	s24 =	simm.s32 $0x60;
	v7 =	vnsel vm0, $0x0, v7;
	vm0 =	vlt.s32 v9, v2;
	(xrf0) =	vadd.scan.msk.s32 $0xffff, v4  }
0x748: {  	v4 =	vld [tilespmem:s24+$0x11000];
	(xrf0) =	vadd.scan.msk.s32 $0xffff, v7;
	v7 =	vsel vm0, $0x1, v3  }
0x749: {  	(xrf0) =	vadd.scan.msk.s32 $0xffff, v5  }
0x74a: {  	v12, _, _ =	vpop (xrf0);
	v8 =	vnsel vm0, $0x0, v8;
	(xrf0) =	vadd.scan.msk.s32 $0xffff, v7  }
0x74b: {  	(v2sf) =	vpush v12, $0xF;
	s28 =	spop (v2sf);
	v7, _, _ =	vpop (xrf0)  }
0x74c: {  	s1 =	sadd.s32 s1, s28;
	(xrf0) =	vadd.scan.msk.s32 $0xffff, v8;
	(v2sf) =	vpush v7, $0xF;
	v7, _, _ =	vpop (xrf0)  }
0x74d: {  	v11 =	vadd.s32 s1, v11;
	(xrf0) =	vadd.scan.msk.s32 $0xffff, v4;
	v8, _, _ =	vpop (xrf0);
	(v2sf) =	vpush v7, $0xF  }
0x74e: {  	vm0 =	vlt.s32 v11, v2;
	v9, _, _ =	vpop (xrf0);
	(v2sf) =	vpush v8, $0xF  }
0x74f: {  	v11 =	vsel vm0, $0x1, v3;
	(v2sf) =	vpush v9, $0xF;
	v9, _, _ =	vpop (xrf0)  }
0x750: {  	v10 =	vnsel vm0, $0x0, v10;
	(v2sf) =	vpush v9, $0xF;
	v63, _, _ =	vpop (xrf0)  }
0x751: {  	(v2sf) =	vpush v63, $0xF  }
0x752: {  	(xrf0) =	vadd.scan.msk.s32 $0xffff, v11;
	v11, _, _ =	vpop (xrf0)  }
0x753: {  	s30 =	spop (v2sf);
	(xrf0) =	vadd.scan.msk.s32 $0xffff, v10;
	(v2sf) =	vpush v11, $0xF;
	v10, _, _ =	vpop (xrf0)  }
0x754: {  	(v2sf) =	vpush v10, $0xF;
	_ =	sdelay $0x1  }
0x755: {  	s29 =	simm.s32 $0x70  }
0x756: {  	v8 =	vld [tilespmem:s29+$0x11000];
	_ =	sdelay $0x2  }
0x757: {  	s3 =	sadd.s32 s1, s30  }
0x758: {  	s31 =	simm.s32 $0x80;
	v11 =	vadd.s32 s3, v7  }
0x759: {  	s4 =	simm.s32 $0x240;
	s1 =	simm.s32 $0x0;
	s2 =	spop (v2sf);
	v7 =	vld [tilespmem:s31+$0x11000];
	(xrf0) =	vadd.scan.msk.s32 $0xffff, v8;
	vm0 =	vlt.s32 v11, v2  }
.LBB2_51:
0x75a: {  	s0 =	sadd.s32 s0, s2;
	s2 =	spop (v2sf)  }
0x75b: {  	v11 =	vsel vm0, $0x1, v3;
	v12 =	vnsel vm0, $0x0, v6;
	v6 =	vmovc v5;
	v5 =	vmovc v4;
	v4 =	vmov v8;
	s6 =	smov.u32 s4;
	s7 =	sadd.s32 $0x40, s4;
	p0 =	sne.s32 s4, $0x3C0  }
.Ltmp32:
0x75c: {  	(xrf0) =	vadd.scan.msk.s32 $0xffff, v11;
	v8, _, _ =	vpop (xrf0);
	s1 =	sadd.s32 s1, s2;
	(pc) =	sbr.rel @p0 .LBB2_51-.Ltmp32, $4  }
0x75d: {  	(xrf0) =	vadd.scan.msk.s32 $0xffff, v12;
	s2 =	spop (v2sf);
	(v2sf) =	vpush v8, $0xF;
	v8, _, _ =	vpop (xrf0)  }
0x75e: {  	s3 =	sadd.s32 s3, s2;
	(v2sf) =	vpush v8, $0xF  }
0x75f: {  	s2 =	sshra.s32 s6, $0x2;
	(xrf0) =	vadd.scan.msk.s32 $0xffff, v7;
	v11 =	vadd.s32 s3, v9;
	v9 =	vmov v10;
	v10, _, _ =	vpop (xrf0);
	v8 =	vmov v7  }
0x760: {  	s4 =	smov.u32 s7;
	v7 =	vld [tilespmem:s2+$0x11000];
	(v2sf) =	vpush v10, $0xF;
	vm0 =	vlt.s32 v11, v2;
	s2 =	spop (v2sf)  }
0x761: {  	_ =	sdelay $0x1  }
0x762: {  	v11, _, _ =	vpop (xrf0)  }
0x763: {  	(v2sf) =	vpush v11, $0xF;
	v52, _, _ =	vpop (xrf0)  }
0x764: {  	(v2sf) =	vpush v52, $0xF;
	v53, _, _ =	vpop (xrf0)  }
0x765: {  	(v2sf) =	vpush v53, $0xF;
	_ =	sdelay $0x4  }
0x766: {  	s4 =	spop (v2sf)  }
0x767: {  	s8 =	spop (v2sf)  }
0x768: {  	v12 =	vsel vm0, $0x1, v3;
	s6 =	spop (v2sf)  }
0x769: {  	v6 =	vnsel vm0, $0x0, v6;
	(xrf0) =	vadd.scan.msk.s32 $0xffff, v12;
	s7 =	spop (v2sf)  }
0x76a: {  	(xrf0) =	vadd.scan.msk.s32 $0xffff, v6;
	s9 =	spop (v2sf)  }
0x76b: {  	(xrf0) =	vadd.scan.msk.s32 $0xffff, v7;
	s14 =	spop (v2sf)  }
0x76c: {  	s8 =	sadd.s32 s3, s8;
	s10 =	spop (v2sf)  }
0x76d: {  	v54 =	vadd.s32 s8, v9;
	s15 =	spop (v2sf)  }
0x76e: {  	vm12 =	vlt.s32 v54, v2;
	s8 =	sadd.s32 s8, s9;
	s11 =	spop (v2sf)  }
0x76f: {  	v6 =	vsel vm12, $0x1, v3;
	v55 =	vadd.s32 s8, v10;
	v56, _, _ =	vpop (xrf0);
	s16 =	spop (v2sf)  }
0x770: {  	v5 =	vnsel vm12, $0x0, v5;
	(xrf0) =	vadd.scan.msk.s32 $0xffff, v6;
	vm13 =	vlt.s32 v55, v2;
	v57, _, _ =	vpop (xrf0);
	s8 =	sadd.s32 s8, s15;
	s12 =	spop (v2sf)  }
0x771: {  	(xrf0) =	vadd.scan.msk.s32 $0xffff, v5;
	v9 =	vsel vm13, $0x1, v3;
	v59, _, _ =	vpop (xrf0);
	v58 =	vadd.s32 s8, v53;
	s8 =	sadd.s32 s8, s12  }
0x772: {  	v4 =	vnsel vm13, $0x0, v4;
	(xrf0) =	vadd.scan.msk.s32 $0xffff, v9;
	vm14 =	vlt.s32 v58, v2;
	v61 =	vadd.s32 s8, v59  }
0x773: {  	(xrf0) =	vadd.scan.msk.s32 $0xffff, v4;
	v60 =	vsel vm14, $0x1, v3;
	vm15 =	vlt.s32 v61, v2  }
0x774: {  	(v2sf) =	vpush v56, $0xF;
	v62 =	vnsel vm14, $0x0, v8;
	(xrf0) =	vadd.scan.msk.s32 $0xffff, v60;
	v2 =	vsel vm15, $0x1, v3  }
0x775: {  	(v2sf) =	vpush v57, $0xF;
	(xrf0) =	vadd.scan.msk.s32 $0xffff, v62  }
0x776: {  	(v2sf) =	vpush v59, $0xF;
	v3, _, _ =	vpop (xrf0);
	v63 =	vnsel vm15, $0x0, v7;
	(xrf0) =	vadd.scan.msk.s32 $0xffff, v2  }
0x777: {  	(v2sf) =	vpush v3, $0xF;
	v2, _, _ =	vpop (xrf0);
	(xrf0) =	vadd.scan.msk.s32 $0xffff, v63  }
0x778: {  	v3, _, _ =	vpop (xrf0);
	(v2sf) =	vpush v2, $0xF  }
0x779: {  	v2, _, _ =	vpop (xrf0);
	(v2sf) =	vpush v3, $0xF  }
0x77a: {  	(v2sf) =	vpush v2, $0xF;
	v2, _, _ =	vpop (xrf0)  }
0x77b: {  	(v2sf) =	vpush v2, $0xF;
	v2, _, _ =	vpop (xrf0)  }
0x77c: {  	(v2sf) =	vpush v2, $0xF;
	v2, _, _ =	vpop (xrf0)  }
0x77d: {  	(v2sf) =	vpush v2, $0xF;
	v2, _, _ =	vpop (xrf0)  }
0x77e: {  	(v2sf) =	vpush v2, $0xF;
	_ =	sdelay $0x4  }
0x77f: {  	s17 =	spop (v2sf)  }
0x780: {  	s0 =	sadd.s32 s0, s2;
	s29 =	sadd.s32 $0xF, s25;
	s18 =	spop (v2sf)  }
0x781: {  	s1 =	sadd.s32 s1, s4;
	s3 =	sshra.s32 s29, $0x4;
	s19 =	spop (v2sf)  }
0x782: {  	s0 =	sadd.s32 s0, s6;
	p0 =	slt.s32 s3, $0x1;
	s2 =	spop (v2sf)  }
0x783: {  	s1 =	sadd.s32 s1, s7;
	s0 =	sadd.s32 s0, s14;
	s20 =	spop (v2sf)  }
0x784: {  	s1 =	sadd.s32 s1, s10;
	s0 =	sadd.s32 s0, s11;
	s21 =	spop (v2sf)  }
0x785: {  	s1 =	sadd.s32 s1, s16;
	s0 =	sadd.s32 s0, s17;
	s22 =	spop (v2sf)  }
0x786: {  	s1 =	sadd.s32 s1, s18;
	s0 =	sadd.s32 s0, s2;
	s23 =	spop (v2sf)  }
.Ltmp33:
0x787: {  	s1 =	sadd.s32 s1, s20;
	s24 =	spop (v2sf);
	(pc) =	sbr.rel @p0 .LBB2_53-.Ltmp33, $4  }
0x788: {  	s0 =	sadd.s32 s0, s21;
	s1 =	sadd.s32 s1, s22;
	s28 =	spop (v2sf)  }
0x789: {  	s0 =	sadd.s32 s0, s23;
	s1 =	sadd.s32 s1, s24;
	s30 =	spop (v2sf)  }
0x78a: {  	s2 =	sadd.s32 s0, s28;
	s31 =	sadd.s32 s1, s30  }
0x78b: {  	s1 =	sadd.s32 s5, s2;
	s0 =	ssub.s32 s26, s31  }
0x78c: {  	s2 =	simm.s32 $0x0  }
0x78d: {  	p1 =	sne.s32 s3, $0x1;
	v6 =	vld [tilespmem:s2+$0x0]  }
.Ltmp34:
0x78e: {  	_ = 	snop;
	(pc) =	sbr.rel @!p1 .LBB2_61-.Ltmp34, $3  }
0x78f: {  	_ =	sdelay $0x1  }
0x790: {  	v2 =	vmov s25  }
0x791: {  	v3 =	vmov s1;
	v4 =	vlaneseq.u32;
	s3 =	sadd.s32 $0xFFFFFFFF, s3;
	s4 =	simm.s32 $0x10;
	p0 =	por $0x0, $0x0;
	v7 =	vshra.s32 v6, $0x1F  }
0x792: {  	v5 =	vld [tilespmem:s4+$0x0];
	v7 =	vor.u32 $0x80000000, v7;
	p1 =	sne.s32 s3, $0x1  }
.Ltmp35:
0x793: {  	v8 =	vor.u32 s2, v4;
	v7 =	vxor.u32 v6, v7;
	(pc) =	sbr.rel @!p1 .LBB2_63-.Ltmp35, $4  }
0x794: {  	vm0 =	vlt.s32 v8, v2;
	vm1 =	vlt.u32 v7, v3  }
0x795: {  	vm0 =	vmand vm0, vm1  }
0x796: {  	s4 =	sadd.s32 $0xFFFFFFFF, s3;
	v6 =	vnsel vm0, $0x0, v6  }
0x797: {  	s5 =	simm.s32 $0x20;
	p0 =	por $0x1, $0x1;
	s3 =	simm.s32 $0x0;
	v7 =	vshra.s32 v5, $0x1F;
	v0 =	vadd.f32 v6, v0  }
.LBB2_64:
0x798: {  	v6 =	vld [tilespmem:s5+$0x0];
	p1 =	sne.s32 s4, $0x1;
	s4 =	sadd.s32 $0xFFFFFFFF, s4;
	v7 =	vor.u32 $0x80000000, v7;
	s3 =	sadd.s32 $0x10, s3  }
.Ltmp36:
0x799: {  	v7 =	vxor.u32 v5, v7;
	v8 =	vor.u32 s3, v4;
	(pc) =	sbr.rel @p1 .LBB2_64-.Ltmp36, $4  }
0x79a: {  	vm0 =	vlt.s32 v8, v2;
	vm1 =	vlt.u32 v7, v3  }
0x79b: {  	vm0 =	vmand vm0, vm1  }
0x79c: {  	v8 =	vnsel vm0, $0x0, v5  }
0x79d: {  	s5 =	sadd.s32 $0x10, s5;
	v7 =	vshra.s32 v6, $0x1F;
	v0 =	vadd.f32 v8, v0;
	v5 =	vmov v6  }
0x79e: {  	s4 =	rddreg [dreg:$0x4]  }
0x79f: {  	s5 =	rddreg [dreg:$0x1]  }
0x7a0: {  	v6 =	vmov v5;
	s6 =	stileid.u32;
	s7 =	rddreg [dreg:$0x6]  }
.LBB2_66:
0x7a1: {  	s3 =	sadd.s32 @p0 $0x10, s3  }
0x7a2: {  	v5 =	vor.u32 $0x80000000, v7;
	s2 =	smov.u32 @p0 s3  }
.Ltmp37:
0x7a3: {  	v5 =	vxor.u32 v6, v5;
	v4 =	vor.u32 s2, v4;
	(pc) =	sbr.rel .LBB2_67-.Ltmp37, $4  }
0x7a4: {  	vm1 =	vlt.u32 v5, v3;
	vm0 =	vlt.s32 v4, v2  }
0x7a5: {  	vm0 =	vmand vm0, vm1  }
0x7a6: {  	v2 =	vnsel vm0, $0x0, v6  }
0x7a7: {  	v0 =	vadd.f32 v2, v0  }
.LBB2_53:
0x7a8: {  	s4 =	rddreg [dreg:$0x4]  }
0x7a9: {  	s5 =	rddreg [dreg:$0x1]  }
0x7aa: {  	s6 =	stileid.u32;
	s7 =	rddreg [dreg:$0x6]  }
.LBB2_67:
0x7ab: {  	_ = 	snop  }
0x7ac: {  	s2 =	simm.s32 $0x11180;
	s31 =	simm.s32 $0x11;
	[tilespmem:$0x11180] =	vst v0  }
0x7ad: {  	[spmem:s7] =	stream.linear.scatter [tilespmem:s2], [sflag:$0x11], $0x10, $0x38;
	[tilespmem:$0x11750] =	vst v63  }
0x7ae: {  	_ =	swait.ge [sflag:s31], $0x10  }
0x7af: {  	[sflag:s31] =	ssyncset.done $0x0  }
0x7b0: {  	[sflag:s31] =	ssyncadd.s32 $0xFFFFFFF0  }
0x7b1: {  	p0 =	sne.s32 s6, $0x0;
	[bflag:$0x0] =	sbarrier.arrive $0xFFFF  }
0x7b2: {  	_ =	sfence.sel @p0 $0x180000  }
0x7b3: {  	[bflag:$0x0] =	sbarrier.arrive @p0 $0xFFFF  }
0x7b4: {  	_ =	strace @p0 $0x90000047  }
0x7b5: {  	[bflag:$0x2] =	sbarrier.arrive @p0 $0xFFFF  }
0x7b6: {  	s2 =	simm.s32 @!p0 $0x11200;
	s3 =	rddreg [dreg:$0x3]  }
0x7b7: {  	[tilespmem:s2], [sflag:$0x11] =	stream.linear.gather @!p0 [spmem:s3], $0x100, $0x38;
	[tilespmem:$0x11750] =	vst v63  }
0x7b8: {  	s2 =	simm.s32 @!p0 $0x11  }
0x7b9: {  	_ =	swait.ge @!p0 [sflag:s2], $0x100  }
0x7ba: {  	[sflag:s2] =	ssyncset.done @!p0 $0x0  }
0x7bb: {  	[sflag:s2] =	ssyncadd.s32 @!p0 $0xFFFFFF00  }
0x7bc: {  	v0 =	vld @!p0 [tilespmem:$0x11200];
	_ =	sdelay $0x1  }
0x7bd: {  	v2 =	vld @!p0 [tilespmem:$0x11210];
	_ =	sdelay $0x1  }
0x7be: {  	v3 =	vld @!p0 [tilespmem:$0x11220]  }
0x7bf: {  	v0 =	vadd.f32 @!p0 $0.0e+00, v0  }
0x7c0: {  	v4 =	vld @!p0 [tilespmem:$0x11230]  }
0x7c1: {  	v0 =	vadd.f32 @!p0 v2, v0  }
0x7c2: {  	v2 =	vld @!p0 [tilespmem:$0x11240]  }
0x7c3: {  	v0 =	vadd.f32 @!p0 v3, v0  }
0x7c4: {  	v3 =	vld @!p0 [tilespmem:$0x11250]  }
0x7c5: {  	v0 =	vadd.f32 @!p0 v4, v0  }
0x7c6: {  	v4 =	vld @!p0 [tilespmem:$0x11260]  }
0x7c7: {  	v0 =	vadd.f32 @!p0 v2, v0  }
0x7c8: {  	v2 =	vld @!p0 [tilespmem:$0x11270]  }
0x7c9: {  	v0 =	vadd.f32 @!p0 v3, v0  }
0x7ca: {  	v3 =	vld @!p0 [tilespmem:$0x11280]  }
0x7cb: {  	v0 =	vadd.f32 @!p0 v4, v0  }
0x7cc: {  	v4 =	vld @!p0 [tilespmem:$0x11290]  }
0x7cd: {  	v0 =	vadd.f32 @!p0 v2, v0  }
0x7ce: {  	v2 =	vld @!p0 [tilespmem:$0x112A0]  }
0x7cf: {  	v0 =	vadd.f32 @!p0 v3, v0  }
0x7d0: {  	v3 =	vld @!p0 [tilespmem:$0x112B0]  }
0x7d1: {  	v0 =	vadd.f32 @!p0 v4, v0  }
0x7d2: {  	v4 =	vld @!p0 [tilespmem:$0x112C0]  }
0x7d3: {  	v0 =	vadd.f32 @!p0 v2, v0  }
0x7d4: {  	v2 =	vld @!p0 [tilespmem:$0x112D0]  }
0x7d5: {  	v0 =	vadd.f32 @!p0 v3, v0  }
0x7d6: {  	v3 =	vld @!p0 [tilespmem:$0x112E0]  }
0x7d7: {  	v0 =	vadd.f32 @!p0 v4, v0  }
0x7d8: {  	v4 =	vld @!p0 [tilespmem:$0x112F0]  }
0x7d9: {  	v0 =	vadd.f32 @!p0 v2, v0;
	_ =	sdelay $0x1  }
0x7da: {  	v0 =	vadd.f32 @!p0 v3, v0;
	_ =	sdelay $0x1  }
0x7db: {  	v0 =	vadd.f32 @!p0 v4, v0;
	_ =	sdelay $0x1  }
0x7dc: {  	(xrf2) =	vadd.scan.msk.f32 @!p0 $0xffff, v0;
	_ =	sdelay $0x6  }
0x7dd: {  	v0 =	vmov @!p0 s1  }
0x7de: {  	vm0 =	vgt.s32 @!p0 v0, $0xFFFFFFFF;
	v0 =	vimm.s32 @!p0 $0x80000000  }
0x7df: {  	s0 =	scvt.s32.f32 @!p0 s0;
	v0 =	vsel @!p0 vm0, $0xFFFFFFFF, v0  }
0x7e0: {  	v0 =	vxor.u32 @!p0 s1, v0;
	v2, _, _ =	vpop @!p0 (xrf2)  }
0x7e1: {  	v0 =	vmul.f32 @!p0 s0, v0;
	v2 =	vbroadcast @!p0 v2, $0xF;
	_ =	sdelay $0x1  }
0x7e2: {  	v0 =	vadd.f32 @!p0 v2, v0;
	_ =	sdelay $0x1  }
0x7e3: {  	v0 =	vmul.f32 @!p0 v0, v1;
	_ =	sdelay $0x1  }
0x7e4: {  	s1 =	simm.s32 @!p0 $0x11180;
	s0 =	simm.s32 @!p0 $0x0;
	[tilespmem:$0x11180] =	vst @!p0 v0  }
0x7e5: {  	[hbm4b:s5+s0] =	stream.linear.scatter @!p0 [tilespmem:s1], [sflag:$0x11], $0x80, $0x38;
	[tilespmem:$0x11750] =	vst v63  }
0x7e6: {  	_ =	swait.ge @!p0 [sflag:s2], $0x80  }
0x7e7: {  	[sflag:s2] =	ssyncset.done @!p0 $0x0  }
0x7e8: {  	[sflag:s2] =	ssyncadd.s32 @!p0 $0xFFFFFF80  }
0x7e9: {  	_ =	sfence.sel @!p0 $0x180000  }
0x7ea: {  	[bflag:$0x0] =	sbarrier.arrive @!p0 $0xFFFF  }
0x7eb: {  	_ =	strace @!p0 $0x90000047  }
0x7ec: {  	s0 =	sadd.s32 @!p0 $0x100000, s4;
	[bflag:$0x2] =	sbarrier.arrive @!p0 $0xFFFF  }
0x7ed: {  	[sflag:s0] =	ssyncadd.tile.s32 @!p0 $0x1;
	_ =	shalt  }
.LBB2_61:
.Ltmp38:
0x7ee: {  	(pc) =	sbr.rel .LBB2_66-.Ltmp38, $4  }
0x7ef: {  	_ = 	snop  }
0x7f0: {  	s4 =	rddreg [dreg:$0x4]  }
0x7f1: {  	s5 =	rddreg [dreg:$0x1]  }
0x7f2: {  	s3 =	simm.s32 $0x0;
	s6 =	stileid.u32;
	s7 =	rddreg [dreg:$0x6]  }
.LBB2_63:
.Ltmp39:
0x7f3: {  	(pc) =	sbr.rel .LBB2_66-.Ltmp39, $4  }
0x7f4: {  	_ = 	snop  }
0x7f5: {  	s4 =	rddreg [dreg:$0x4]  }
0x7f6: {  	s5 =	rddreg [dreg:$0x1]  }
0x7f7: {  	s3 =	simm.s32 $0x0;
	v6 =	vmov v5;
	s6 =	stileid.u32;
	s7 =	rddreg [dreg:$0x6]  }
.Lfunc_end2:
_tile_overlayer_lowered:
.L_overlay_start_2:
0x7f8: {  	(tag) =	ssettag $0x2  }
0x7f9: {  	s0 =	rddreg [dreg:$0x0];
	s2 =	stileid.u32  }
0x7fa: {  	s1 =	rddreg [dreg:$0x1];
	p0 =	sne.s32 s2, $0x0  }
0x7fb: {  	s3 =	rddreg [dreg:$0x2];
	[bflag:$0x3] =	sbarrier.arrive $0xFFFF;
	s2 =	simm.s32 @!p0 $0x1C11  }
0x7fc: {  	[timem:s3], [sflag:s2] =	dma.local @!p0 [hbm:s0], s1  }
0x7fd: {  	s0 =	simm.s32 @!p0 $0x11  }
0x7fe: {  	_ =	swait.ge @!p0 [sflag:s0], s1  }
0x7ff: {  	s1 =	ssub.s32 @!p0 $0x0, s1;
	[sflag:s0] =	ssyncset.done @!p0 $0x0  }
0x800: {  	[sflag:s0] =	ssyncadd.s32 @!p0 s1  }
0x801: {  	[bflag:$0x3] =	sbarrier.arrive $0xFFFF  }
0x802: {  	_ =	shalt  }

</sc_bundles>
